<compile_context>
chip_gen: v7x
topology: tpu7x:2x2x1
jax: 0.10.2.dev20260603
libtpu: 0.0.44.dev20260713+nightly
codegen_flags: <defaults>
</compile_context>

<pallas_src>
import functools

import jax
import jax.numpy as jnp
from jax import lax
from jax.experimental import pallas as pl
from jax.experimental.pallas import tpu as pltpu
from jax.experimental.pallas import tpu_sc as plsc

_N = 100000
_B = 1024
_SMOOTHING = 0.1
_CONF = 1.0 - _SMOOTHING
_EPS = _SMOOTHING / (_N - 1)

_L = 16
_NW = 32
_BPW = _B // _NW
_D = 128


def _sc_gather_body(tgt_hbm, predt_hbm, out_hbm, tgt_v, blks_v, rows_v, sem):
    wid = lax.axis_index("s") * 2 + lax.axis_index("c")
    base = wid * _BPW
    c0 = pl.multiple_of(base & ~(_D - 1), _D)
    pltpu.sync_copy(tgt_hbm.at[pl.ds(base, _BPW)], tgt_v)
    copies = []
    t7 = []
    for j in range(_BPW // _L):
        t16 = tgt_v[pl.ds(j * _L, _L)]
        for k in range(_L):
            i = j * _L + k
            r0 = pl.multiple_of(t16[k] & ~7, 8)
            t7.append(t16[k] & 7)
            copies.append(
                pltpu.async_copy(
                    predt_hbm.at[pl.ds(r0, 8), pl.ds(c0, _D)], blks_v.at[i], sem
                )
            )
    for c in copies:
        c.wait()
    for i in range(_BPW):
        for m in range(_D // _L):
            rows_v[i, pl.ds(m * _L, _L)] = blks_v[i, t7[i], pl.ds(m * _L, _L)]
    pltpu.sync_copy(rows_v, out_hbm.at[pl.ds(base, _BPW)])


@functools.cache
def _sc_gather_fn():
    mesh = plsc.VectorSubcoreMesh(core_axis_name="c", subcore_axis_name="s")
    return pl.kernel(
        _sc_gather_body,
        mesh=mesh,
        out_type=jax.ShapeDtypeStruct((_B, _D), jnp.float32),
        scratch_types=[
            pltpu.VMEM((_BPW,), jnp.int32),
            pltpu.VMEM((_BPW, 8, _D), jnp.float32),
            pltpu.VMEM((_BPW, _D), jnp.float32),
            pltpu.SemaphoreType.DMA,
        ],
    )


_CB = 2000
_Q = _B // 4


def _tc_sum_body(x_ref, out_ref):
    @pl.when(pl.program_id(0) == 0)
    def _():
        out_ref[0, 0] = 0.0

    prod = (
        x_ref[:, pl.ds(0, _Q)]
        * x_ref[:, pl.ds(_Q, _Q)]
        * x_ref[:, pl.ds(2 * _Q, _Q)]
        * x_ref[:, pl.ds(3 * _Q, _Q)]
    )
    out_ref[0, 0] += jnp.sum(jnp.log(prod))


def _tc_sum(pred_t):
    return pl.pallas_call(
        _tc_sum_body,
        grid=(_N // _CB,),
        in_specs=[pl.BlockSpec((_CB, _B), lambda i: (i, 0))],
        out_specs=pl.BlockSpec(memory_space=pltpu.SMEM),
        out_shape=jax.ShapeDtypeStruct((1, 1), jnp.float32),
    )(pred_t)


def _combine_body(s_ref, rows_ref, out_ref):
    rowid = lax.broadcasted_iota(jnp.int32, (_B, _D), 0)
    col = lax.broadcasted_iota(jnp.int32, (_B, _D), 1)
    picked = jnp.where(col == (rowid & (_D - 1)), jnp.log(rows_ref[...]), 0.0)
    gsum = jnp.sum(picked)
    out_ref[0, 0] = -(_EPS * s_ref[0, 0] + (_CONF - _EPS) * gsum) / _B


def _combine(s, rows):
    return pl.pallas_call(
        _combine_body,
        in_specs=[
            pl.BlockSpec(memory_space=pltpu.SMEM),
            pl.BlockSpec((_B, _D), lambda: (0, 0)),
        ],
        out_specs=pl.BlockSpec(memory_space=pltpu.SMEM),
        out_shape=jax.ShapeDtypeStruct((1, 1), jnp.float32),
    )(s, rows)


def kernel(pred, target):
    pred_t = pred.T
    tgt = target.astype(jnp.int32)
    rows = _sc_gather_fn()(tgt, pred_t)
    total = _tc_sum(pred_t)
    loss = _combine(total, rows)
    return loss.reshape(())

# --- scband reference (transcript-rebuilt; emitter-appended) ---
"""Pipeline reference for scband-label-smoothings-loss-76613626626475 (READ-ONLY COPY).

The authoritative reference and input builder live on the scoring server;
editing this copy changes nothing except your own understanding.
"""

import jax, jax.numpy as jnp
import numpy as np

NUM_CLASSES = 100000
SMOOTHING = 0.1
CONFIDENCE = 1.0 - SMOOTHING
B = 1024


def setup_inputs(seed: int = 0) -> dict:
    key = jax.random.key(seed)
    k1, k2 = jax.random.split(key)
    # pred are probabilities (module takes log of them); keep strictly positive
    pred = jax.random.uniform(k1, (B, NUM_CLASSES), dtype=jnp.float32, minval=1e-6, maxval=1.0)
    target = jax.random.randint(k2, (B,), 0, NUM_CLASSES, dtype=jnp.int64 if jax.config.jax_enable_x64 else jnp.int32)
    return {"pred": pred, "target": target}


def reference(pred, target):
    # pred = torch.log(pred)
    logp = jnp.log(pred)
    # true_dist filled with smoothing/(num_classes-1)
    true_dist = jnp.full(logp.shape, SMOOTHING / (NUM_CLASSES - 1), dtype=logp.dtype)
    # scatter_(dim=-1, target.unsqueeze(-1), confidence)
    rows = jnp.arange(pred.shape[0])
    true_dist = true_dist.at[rows, target].set(CONFIDENCE)
    # mean over batch of sum(-true_dist * logp, dim=-1)
    return jnp.mean(jnp.sum(-true_dist * logp, axis=-1))

if __name__ == "__main__":
    import jax
    _d = setup_inputs()
    print(jax.jit(kernel)(*tuple(_d.values())))

</pallas_src>

<mosaic_0001>
#map = affine_map<(d0, d1) -> (0)>
#map1 = affine_map<(d0, d1) -> (0, 0)>
module attributes {stable_mosaic.version = 14 : i64} {
  func.func @_sc_gather_body(%arg0: i32, %arg1: i32, %arg2: memref<1024xi32, #tpu.memory_space<hbm>>, %arg3: memref<100000x1024xf32, #tpu.memory_space<hbm>>, %arg4: memref<1024x128xf32, #tpu.memory_space<hbm>>, %arg5: memref<32xi32, #tpu.memory_space<vmem>>, %arg6: memref<32x8x128xf32, #tpu.memory_space<vmem>>, %arg7: memref<32x128xf32, #tpu.memory_space<vmem>>, %arg8: memref<!tpu.dma_semaphore, #tpu.memory_space<semaphore_mem>>) attributes {dimension_semantics = [#tpu.dimension_semantics<core_parallel>, #tpu.dimension_semantics<subcore_parallel>], iteration_bounds = array<i64: 2, 16>, scalar_prefetch = 0 : i64, scratch_operands = 4 : i64, tpu.core_type = #tpu.core_type<sc_vector_subcore>, window_params = [{transform_indices = #map}, {transform_indices = #map1}, {transform_indices = #map1}]} {
    %mul3A = arith.constant 2 : i32
    %mul3A_0 = arith.muli %arg1, %mul3A : i32
    %add3A = arith.addi %mul3A_0, %arg0 : i32
    %mul3A_1 = arith.constant 32 : i32
    %mul3A_2 = arith.muli %add3A, %mul3A_1 : i32
    %and3A = arith.constant -128 : i32
    %and3A_3 = arith.andi %mul3A_2, %and3A : i32
    %multiple_of3A = tpu.assume_multiple %and3A_3, 128 : i32
    "tpu.region"() ({
      %run_scoped3A = tpu.sem_alloc : memref<!tpu.dma_semaphore, #tpu.memory_space<semaphore_mem>>
      %dma_start3A_4068 = tpu.memref_slice %arg2[%mul3A_2] : memref<1024xi32, #tpu.memory_space<hbm>> -> memref<32xi32, #tpu.memory_space<hbm>>
      %dma_start3A_4069 = tpu.memref_slice %arg2[%mul3A_2] : memref<1024xi32, #tpu.memory_space<hbm>> -> memref<32xi32, #tpu.memory_space<hbm>>
      tpu.enqueue_dma source(%dma_start3A_4069 : memref<32xi32, #tpu.memory_space<hbm>>) target(%arg5 : memref<32xi32, #tpu.memory_space<vmem>>) target_semaphore(%run_scoped3A : memref<!tpu.dma_semaphore, #tpu.memory_space<semaphore_mem>>)
      %dma_wait3A_4070 = tpu.memref_slice %arg2[%mul3A_2] : memref<1024xi32, #tpu.memory_space<hbm>> -> memref<32xi32, #tpu.memory_space<hbm>>
      %dma_wait3A_4071 = tpu.memref_slice %arg2[%mul3A_2] : memref<1024xi32, #tpu.memory_space<hbm>> -> memref<32xi32, #tpu.memory_space<hbm>>
      tpu.wait_dma2 semaphore(%run_scoped3A : memref<!tpu.dma_semaphore, #tpu.memory_space<semaphore_mem>>) src(%dma_wait3A_4071 : memref<32xi32, #tpu.memory_space<hbm>>) dst(%arg5 : memref<32xi32, #tpu.memory_space<vmem>>)
      tpu.yield
    }) : () -> ()
    %get3A = arith.constant 0 : index
    %get3A_4 = tpu.vector_load %arg5[%get3A] {strides = array<i32>} : memref<32xi32, #tpu.memory_space<vmem>>, vector<16xi32>,
    %get3A_5 = vector.shape_cast %get3A_4 : vector<16xi32> to vector<16xi32>
    %slice3A = vector.extract_strided_slice %get3A_5 {offsets = [0], sizes = [1], strides = [1]} : vector<16xi32> to vector<1xi32>
    %squeeze3A = vector.extract %slice3A[0] : i32 from vector<1xi32>
    %and3A_6 = arith.constant -8 : i32
    %and3A_7 = arith.andi %squeeze3A, %and3A_6 : i32
    %multiple_of3A_8 = tpu.assume_multiple %and3A_7, 8 : i32
    %slice3A_9 = vector.extract_strided_slice %get3A_5 {offsets = [0], sizes = [1], strides = [1]} : vector<16xi32> to vector<1xi32>
    %squeeze3A_10 = vector.extract %slice3A_9[0] : i32 from vector<1xi32>
    %and3A_11 = arith.constant 7 : i32
    %and3A_12 = arith.andi %squeeze3A_10, %and3A_11 : i32
    %dma_start3A = arith.constant 0 : i32
    %dma_start3A_13 = arith.constant 0 : i32
    %dma_start3A_14 = arith.constant 0 : i32
    %dma_start3A_15 = tpu.memref_slice %arg6[%dma_start3A, %dma_start3A_13, %dma_start3A_14] : memref<32x8x128xf32, #tpu.memory_space<vmem>> -> memref<1x8x128xf32, #tpu.memory_space<vmem>>
    %dma_start3A_16 = tpu.memref_squeeze %dma_start3A_15 : memref<1x8x128xf32, #tpu.memory_space<vmem>> -> memref<8x128xf32, #tpu.memory_space<vmem>>
    %dma_start3A_17 = tpu.memref_slice %arg3[%multiple_of3A_8, %multiple_of3A] : memref<100000x1024xf32, #tpu.memory_space<hbm>> -> memref<8x128xf32, #tpu.memory_space<hbm>>
    %dma_start3A_18 = arith.constant 0 : i32
    %dma_start3A_19 = arith.constant 0 : i32
    %dma_start3A_20 = tpu.memref_slice %arg6[%dma_start3A, %dma_start3A_18, %dma_start3A_19] : memref<32x8x128xf32, #tpu.memory_space<vmem>> -> memref<1x8x128xf32, #tpu.memory_space<vmem>>
    %dma_start3A_21 = tpu.memref_squeeze %dma_start3A_20 : memref<1x8x128xf32, #tpu.memory_space<vmem>> -> memref<8x128xf32, #tpu.memory_space<vmem>>
    %dma_start3A_22 = tpu.memref_slice %arg3[%multiple_of3A_8, %multiple_of3A] : memref<100000x1024xf32, #tpu.memory_space<hbm>> -> memref<8x128xf32, #tpu.memory_space<hbm>>
    tpu.enqueue_dma source(%dma_start3A_22 : memref<8x128xf32, #tpu.memory_space<hbm>>) target(%dma_start3A_21 : memref<8x128xf32, #tpu.memory_space<vmem>>) target_semaphore(%arg8 : memref<!tpu.dma_semaphore, #tpu.memory_space<semaphore_mem>>)
    %slice3A_23 = vector.extract_strided_slice %get3A_5 {offsets = [1], sizes = [1], strides = [1]} : vector<16xi32> to vector<1xi32>
    %squeeze3A_24 = vector.extract %slice3A_23[0] : i32 from vector<1xi32>
    %and3A_25 = arith.constant -8 : i32
    %and3A_26 = arith.andi %squeeze3A_24, %and3A_25 : i32
    %multiple_of3A_27 = tpu.assume_multiple %and3A_26, 8 : i32
    %slice3A_28 = vector.extract_strided_slice %get3A_5 {offsets = [1], sizes = [1], strides = [1]} : vector<16xi32> to vector<1xi32>
    %squeeze3A_29 = vector.extract %slice3A_28[0] : i32 from vector<1xi32>
    %and3A_30 = arith.constant 7 : i32
    %and3A_31 = arith.andi %squeeze3A_29, %and3A_30 : i32
    %dma_start3A_32 = arith.constant 1 : i32
    %dma_start3A_33 = arith.constant 0 : i32
    %dma_start3A_34 = arith.constant 0 : i32
    %dma_start3A_35 = tpu.memref_slice %arg6[%dma_start3A_32, %dma_start3A_33, %dma_start3A_34] : memref<32x8x128xf32, #tpu.memory_space<vmem>> -> memref<1x8x128xf32, #tpu.memory_space<vmem>>
    %dma_start3A_36 = tpu.memref_squeeze %dma_start3A_35 : memref<1x8x128xf32, #tpu.memory_space<vmem>> -> memref<8x128xf32, #tpu.memory_space<vmem>>
    %dma_start3A_37 = tpu.memref_slice %arg3[%multiple_of3A_27, %multiple_of3A] : memref<100000x1024xf32, #tpu.memory_space<hbm>> -> memref<8x128xf32, #tpu.memory_space<hbm>>
    %dma_start3A_38 = arith.constant 0 : i32
    %dma_start3A_39 = arith.constant 0 : i32
    %dma_start3A_40 = tpu.memref_slice %arg6[%dma_start3A_32, %dma_start3A_38, %dma_start3A_39] : memref<32x8x128xf32, #tpu.memory_space<vmem>> -> memref<1x8x128xf32, #tpu.memory_space<vmem>>
    %dma_start3A_41 = tpu.memref_squeeze %dma_start3A_40 : memref<1x8x128xf32, #tpu.memory_space<vmem>> -> memref<8x128xf32, #tpu.memory_space<vmem>>
    %dma_start3A_42 = tpu.memref_slice %arg3[%multiple_of3A_27, %multiple_of3A] : memref<100000x1024xf32, #tpu.memory_space<hbm>> -> memref<8x128xf32, #tpu.memory_space<hbm>>
    tpu.enqueue_dma source(%dma_start3A_42 : memref<8x128xf32, #tpu.memory_space<hbm>>) target(%dma_start3A_41 : memref<8x128xf32, #tpu.memory_space<vmem>>) target_semaphore(%arg8 : memref<!tpu.dma_semaphore, #tpu.memory_space<semaphore_mem>>)
    %slice3A_43 = vector.extract_strided_slice %get3A_5 {offsets = [2], sizes = [1], strides = [1]} : vector<16xi32> to vector<1xi32>
    %squeeze3A_44 = vector.extract %slice3A_43[0] : i32 from vector<1xi32>
    %and3A_45 = arith.constant -8 : i32
    %and3A_46 = arith.andi %squeeze3A_44, %and3A_45 : i32
    %multiple_of3A_47 = tpu.assume_multiple %and3A_46, 8 : i32
    %slice3A_48 = vector.extract_strided_slice %get3A_5 {offsets = [2], sizes = [1], strides = [1]} : vector<16xi32> to vector<1xi32>
    %squeeze3A_49 = vector.extract %slice3A_48[0] : i32 from vector<1xi32>
    %and3A_50 = arith.constant 7 : i32
    %and3A_51 = arith.andi %squeeze3A_49, %and3A_50 : i32
    %dma_start3A_52 = arith.constant 2 : i32
    %dma_start3A_53 = arith.constant 0 : i32
    %dma_start3A_54 = arith.constant 0 : i32
    %dma_start3A_55 = tpu.memref_slice %arg6[%dma_start3A_52, %dma_start3A_53, %dma_start3A_54] : memref<32x8x128xf32, #tpu.memory_space<vmem>> -> memref<1x8x128xf32, #tpu.memory_space<vmem>>
    %dma_start3A_56 = tpu.memref_squeeze %dma_start3A_55 : memref<1x8x128xf32, #tpu.memory_space<vmem>> -> memref<8x128xf32, #tpu.memory_space<vmem>>
    %dma_start3A_57 = tpu.memref_slice %arg3[%multiple_of3A_47, %multiple_of3A] : memref<100000x1024xf32, #tpu.memory_space<hbm>> -> memref<8x128xf32, #tpu.memory_space<hbm>>
    %dma_start3A_58 = arith.constant 0 : i32
    %dma_start3A_59 = arith.constant 0 : i32
    %dma_start3A_60 = tpu.memref_slice %arg6[%dma_start3A_52, %dma_start3A_58, %dma_start3A_59] : memref<32x8x128xf32, #tpu.memory_space<vmem>> -> memref<1x8x128xf32, #tpu.memory_space<vmem>>
    %dma_start3A_61 = tpu.memref_squeeze %dma_start3A_60 : memref<1x8x128xf32, #tpu.memory_space<vmem>> -> memref<8x128xf32, #tpu.memory_space<vmem>>
    %dma_start3A_62 = tpu.memref_slice %arg3[%multiple_of3A_47, %multiple_of3A] : memref<100000x1024xf32, #tpu.memory_space<hbm>> -> memref<8x128xf32, #tpu.memory_space<hbm>>
    tpu.enqueue_dma source(%dma_start3A_62 : memref<8x128xf32, #tpu.memory_space<hbm>>) target(%dma_start3A_61 : memref<8x128xf32, #tpu.memory_space<vmem>>) target_semaphore(%arg8 : memref<!tpu.dma_semaphore, #tpu.memory_space<semaphore_mem>>)
    %slice3A_63 = vector.extract_strided_slice %get3A_5 {offsets = [3], sizes = [1], strides = [1]} : vector<16xi32> to vector<1xi32>
    %squeeze3A_64 = vector.extract %slice3A_63[0] : i32 from vector<1xi32>
    %and3A_65 = arith.constant -8 : i32
    %and3A_66 = arith.andi %squeeze3A_64, %and3A_65 : i32
    %multiple_of3A_67 = tpu.assume_multiple %and3A_66, 8 : i32
    %slice3A_68 = vector.extract_strided_slice %get3A_5 {offsets = [3], sizes = [1], strides = [1]} : vector<16xi32> to vector<1xi32>
    %squeeze3A_69 = vector.extract %slice3A_68[0] : i32 from vector<1xi32>
    %and3A_70 = arith.constant 7 : i32
    %and3A_71 = arith.andi %squeeze3A_69, %and3A_70 : i32
    %dma_start3A_72 = arith.constant 3 : i32
    %dma_start3A_73 = arith.constant 0 : i32
    %dma_start3A_74 = arith.constant 0 : i32
    %dma_start3A_75 = tpu.memref_slice %arg6[%dma_start3A_72, %dma_start3A_73, %dma_start3A_74] : memref<32x8x128xf32, #tpu.memory_space<vmem>> -> memref<1x8x128xf32, #tpu.memory_space<vmem>>
    %dma_start3A_76 = tpu.memref_squeeze %dma_start3A_75 : memref<1x8x128xf32, #tpu.memory_space<vmem>> -> memref<8x128xf32, #tpu.memory_space<vmem>>
    %dma_start3A_77 = tpu.memref_slice %arg3[%multiple_of3A_67, %multiple_of3A] : memref<100000x1024xf32, #tpu.memory_space<hbm>> -> memref<8x128xf32, #tpu.memory_space<hbm>>
    %dma_start3A_78 = arith.constant 0 : i32
    %dma_start3A_79 = arith.constant 0 : i32
    %dma_start3A_80 = tpu.memref_slice %arg6[%dma_start3A_72, %dma_start3A_78, %dma_start3A_79] : memref<32x8x128xf32, #tpu.memory_space<vmem>> -> memref<1x8x128xf32, #tpu.memory_space<vmem>>
    %dma_start3A_81 = tpu.memref_squeeze %dma_start3A_80 : memref<1x8x128xf32, #tpu.memory_space<vmem>> -> memref<8x128xf32, #tpu.memory_space<vmem>>
    %dma_start3A_82 = tpu.memref_slice %arg3[%multiple_of3A_67, %multiple_of3A] : memref<100000x1024xf32, #tpu.memory_space<hbm>> -> memref<8x128xf32, #tpu.memory_space<hbm>>
    tpu.enqueue_dma source(%dma_start3A_82 : memref<8x128xf32, #tpu.memory_space<hbm>>) target(%dma_start3A_81 : memref<8x128xf32, #tpu.memory_space<vmem>>) target_semaphore(%arg8 : memref<!tpu.dma_semaphore, #tpu.memory_space<semaphore_mem>>)
    %slice3A_83 = vector.extract_strided_slice %get3A_5 {offsets = [4], sizes = [1], strides = [1]} : vector<16xi32> to vector<1xi32>
    %squeeze3A_84 = vector.extract %slice3A_83[0] : i32 from vector<1xi32>
    %and3A_85 = arith.constant -8 : i32
    %and3A_86 = arith.andi %squeeze3A_84, %and3A_85 : i32
    %multiple_of3A_87 = tpu.assume_multiple %and3A_86, 8 : i32
    %slice3A_88 = vector.extract_strided_slice %get3A_5 {offsets = [4], sizes = [1], strides = [1]} : vector<16xi32> to vector<1xi32>
    %squeeze3A_89 = vector.extract %slice3A_88[0] : i32 from vector<1xi32>
    %and3A_90 = arith.constant 7 : i32
    %and3A_91 = arith.andi %squeeze3A_89, %and3A_90 : i32
    %dma_start3A_92 = arith.constant 4 : i32
    %dma_start3A_93 = arith.constant 0 : i32
    %dma_start3A_94 = arith.constant 0 : i32
    %dma_start3A_95 = tpu.memref_slice %arg6[%dma_start3A_92, %dma_start3A_93, %dma_start3A_94] : memref<32x8x128xf32, #tpu.memory_space<vmem>> -> memref<1x8x128xf32, #tpu.memory_space<vmem>>
    %dma_start3A_96 = tpu.memref_squeeze %dma_start3A_95 : memref<1x8x128xf32, #tpu.memory_space<vmem>> -> memref<8x128xf32, #tpu.memory_space<vmem>>
    %dma_start3A_97 = tpu.memref_slice %arg3[%multiple_of3A_87, %multiple_of3A] : memref<100000x1024xf32, #tpu.memory_space<hbm>> -> memref<8x128xf32, #tpu.memory_space<hbm>>
    %dma_start3A_98 = arith.constant 0 : i32
    %dma_start3A_99 = arith.constant 0 : i32
    %dma_start3A_100 = tpu.memref_slice %arg6[%dma_start3A_92, %dma_start3A_98, %dma_start3A_99] : memref<32x8x128xf32, #tpu.memory_space<vmem>> -> memref<1x8x128xf32, #tpu.memory_space<vmem>>
    %dma_start3A_101 = tpu.memref_squeeze %dma_start3A_100 : memref<1x8x128xf32, #tpu.memory_space<vmem>> -> memref<8x128xf32, #tpu.memory_space<vmem>>
    %dma_start3A_102 = tpu.memref_slice %arg3[%multiple_of3A_87, %multiple_of3A] : memref<100000x1024xf32, #tpu.memory_space<hbm>> -> memref<8x128xf32, #tpu.memory_space<hbm>>
    tpu.enqueue_dma source(%dma_start3A_102 : memref<8x128xf32, #tpu.memory_space<hbm>>) target(%dma_start3A_101 : memref<8x128xf32, #tpu.memory_space<vmem>>) target_semaphore(%arg8 : memref<!tpu.dma_semaphore, #tpu.memory_space<semaphore_mem>>)
    %slice3A_103 = vector.extract_strided_slice %get3A_5 {offsets = [5], sizes = [1], strides = [1]} : vector<16xi32> to vector<1xi32>
    %squeeze3A_104 = vector.extract %slice3A_103[0] : i32 from vector<1xi32>
    %and3A_105 = arith.constant -8 : i32
    %and3A_106 = arith.andi %squeeze3A_104, %and3A_105 : i32
    %multiple_of3A_107 = tpu.assume_multiple %and3A_106, 8 : i32
    %slice3A_108 = vector.extract_strided_slice %get3A_5 {offsets = [5], sizes = [1], strides = [1]} : vector<16xi32> to vector<1xi32>
    %squeeze3A_109 = vector.extract %slice3A_108[0] : i32 from vector<1xi32>
    %and3A_110 = arith.constant 7 : i32
    %and3A_111 = arith.andi %squeeze3A_109, %and3A_110 : i32
    %dma_start3A_112 = arith.constant 5 : i32
    %dma_start3A_113 = arith.constant 0 : i32
    %dma_start3A_114 = arith.constant 0 : i32
    %dma_start3A_115 = tpu.memref_slice %arg6[%dma_start3A_112, %dma_start3A_113, %dma_start3A_114] : memref<32x8x128xf32, #tpu.memory_space<vmem>> -> memref<1x8x128xf32, #tpu.memory_space<vmem>>
    %dma_start3A_116 = tpu.memref_squeeze %dma_start3A_115 : memref<1x8x128xf32, #tpu.memory_space<vmem>> -> memref<8x128xf32, #tpu.memory_space<vmem>>
    %dma_start3A_117 = tpu.memref_slice %arg3[%multiple_of3A_107, %multiple_of3A] : memref<100000x1024xf32, #tpu.memory_space<hbm>> -> memref<8x128xf32, #tpu.memory_space<hbm>>
    %dma_start3A_118 = arith.constant 0 : i32
    %dma_start3A_119 = arith.constant 0 : i32
    %dma_start3A_120 = tpu.memref_slice %arg6[%dma_start3A_112, %dma_start3A_118, %dma_start3A_119] : memref<32x8x128xf32, #tpu.memory_space<vmem>> -> memref<1x8x128xf32, #tpu.memory_space<vmem>>
    %dma_start3A_121 = tpu.memref_squeeze %dma_start3A_120 : memref<1x8x128xf32, #tpu.memory_space<vmem>> -> memref<8x128xf32, #tpu.memory_space<vmem>>
    %dma_start3A_122 = tpu.memref_slice %arg3[%multiple_of3A_107, %multiple_of3A] : memref<100000x1024xf32, #tpu.memory_space<hbm>> -> memref<8x128xf32, #tpu.memory_space<hbm>>
    tpu.enqueue_dma source(%dma_start3A_122 : memref<8x128xf32, #tpu.memory_space<hbm>>) target(%dma_start3A_121 : memref<8x128xf32, #tpu.memory_space<vmem>>) target_semaphore(%arg8 : memref<!tpu.dma_semaphore, #tpu.memory_space<semaphore_mem>>)
    %slice3A_123 = vector.extract_strided_slice %get3A_5 {offsets = [6], sizes = [1], strides = [1]} : vector<16xi32> to vector<1xi32>
    %squeeze3A_124 = vector.extract %slice3A_123[0] : i32 from vector<1xi32>
    %and3A_125 = arith.constant -8 : i32
    %and3A_126 = arith.andi %squeeze3A_124, %and3A_125 : i32
    %multiple_of3A_127 = tpu.assume_multiple %and3A_126, 8 : i32
    %slice3A_128 = vector.extract_strided_slice %get3A_5 {offsets = [6], sizes = [1], strides = [1]} : vector<16xi32> to vector<1xi32>
    %squeeze3A_129 = vector.extract %slice3A_128[0] : i32 from vector<1xi32>
    %and3A_130 = arith.constant 7 : i32
    %and3A_131 = arith.andi %squeeze3A_129, %and3A_130 : i32
    %dma_start3A_132 = arith.constant 6 : i32
    %dma_start3A_133 = arith.constant 0 : i32
    %dma_start3A_134 = arith.constant 0 : i32
    %dma_start3A_135 = tpu.memref_slice %arg6[%dma_start3A_132, %dma_start3A_133, %dma_start3A_134] : memref<32x8x128xf32, #tpu.memory_space<vmem>> -> memref<1x8x128xf32, #tpu.memory_space<vmem>>
    %dma_start3A_136 = tpu.memref_squeeze %dma_start3A_135 : memref<1x8x128xf32, #tpu.memory_space<vmem>> -> memref<8x128xf32, #tpu.memory_space<vmem>>
    %dma_start3A_137 = tpu.memref_slice %arg3[%multiple_of3A_127, %multiple_of3A] : memref<100000x1024xf32, #tpu.memory_space<hbm>> -> memref<8x128xf32, #tpu.memory_space<hbm>>
    %dma_start3A_138 = arith.constant 0 : i32
    %dma_start3A_139 = arith.constant 0 : i32
    %dma_start3A_140 = tpu.memref_slice %arg6[%dma_start3A_132, %dma_start3A_138, %dma_start3A_139] : memref<32x8x128xf32, #tpu.memory_space<vmem>> -> memref<1x8x128xf32, #tpu.memory_space<vmem>>
    %dma_start3A_141 = tpu.memref_squeeze %dma_start3A_140 : memref<1x8x128xf32, #tpu.memory_space<vmem>> -> memref<8x128xf32, #tpu.memory_space<vmem>>
    %dma_start3A_142 = tpu.memref_slice %arg3[%multiple_of3A_127, %multiple_of3A] : memref<100000x1024xf32, #tpu.memory_space<hbm>> -> memref<8x128xf32, #tpu.memory_space<hbm>>
    tpu.enqueue_dma source(%dma_start3A_142 : memref<8x128xf32, #tpu.memory_space<hbm>>) target(%dma_start3A_141 : memref<8x128xf32, #tpu.memory_space<vmem>>) target_semaphore(%arg8 : memref<!tpu.dma_semaphore, #tpu.memory_space<semaphore_mem>>)
    %slice3A_143 = vector.extract_strided_slice %get3A_5 {offsets = [7], sizes = [1], strides = [1]} : vector<16xi32> to vector<1xi32>
    %squeeze3A_144 = vector.extract %slice3A_143[0] : i32 from vector<1xi32>
    %and3A_145 = arith.constant -8 : i32
    %and3A_146 = arith.andi %squeeze3A_144, %and3A_145 : i32
    %multiple_of3A_147 = tpu.assume_multiple %and3A_146, 8 : i32
    %slice3A_148 = vector.extract_strided_slice %get3A_5 {offsets = [7], sizes = [1], strides = [1]} : vector<16xi32> to vector<1xi32>
    %squeeze3A_149 = vector.extract %slice3A_148[0] : i32 from vector<1xi32>
    %and3A_150 = arith.constant 7 : i32
    %and3A_151 = arith.andi %squeeze3A_149, %and3A_150 : i32
    %dma_start3A_152 = arith.constant 7 : i32
    %dma_start3A_153 = arith.constant 0 : i32
    %dma_start3A_154 = arith.constant 0 : i32
    %dma_start3A_155 = tpu.memref_slice %arg6[%dma_start3A_152, %dma_start3A_153, %dma_start3A_154] : memref<32x8x128xf32, #tpu.memory_space<vmem>> -> memref<1x8x128xf32, #tpu.memory_space<vmem>>
    %dma_start3A_156 = tpu.memref_squeeze %dma_start3A_155 : memref<1x8x128xf32, #tpu.memory_space<vmem>> -> memref<8x128xf32, #tpu.memory_space<vmem>>
    %dma_start3A_157 = tpu.memref_slice %arg3[%multiple_of3A_147, %multiple_of3A] : memref<100000x1024xf32, #tpu.memory_space<hbm>> -> memref<8x128xf32, #tpu.memory_space<hbm>>
    %dma_start3A_158 = arith.constant 0 : i32
    %dma_start3A_159 = arith.constant 0 : i32
    %dma_start3A_160 = tpu.memref_slice %arg6[%dma_start3A_152, %dma_start3A_158, %dma_start3A_159] : memref<32x8x128xf32, #tpu.memory_space<vmem>> -> memref<1x8x128xf32, #tpu.memory_space<vmem>>
    %dma_start3A_161 = tpu.memref_squeeze %dma_start3A_160 : memref<1x8x128xf32, #tpu.memory_space<vmem>> -> memref<8x128xf32, #tpu.memory_space<vmem>>
    %dma_start3A_162 = tpu.memref_slice %arg3[%multiple_of3A_147, %multiple_of3A] : memref<100000x1024xf32, #tpu.memory_space<hbm>> -> memref<8x128xf32, #tpu.memory_space<hbm>>
    tpu.enqueue_dma source(%dma_start3A_162 : memref<8x128xf32, #tpu.memory_space<hbm>>) target(%dma_start3A_161 : memref<8x128xf32, #tpu.memory_space<vmem>>) target_semaphore(%arg8 : memref<!tpu.dma_semaphore, #tpu.memory_space<semaphore_mem>>)
    %slice3A_163 = vector.extract_strided_slice %get3A_5 {offsets = [8], sizes = [1], strides = [1]} : vector<16xi32> to vector<1xi32>
    %squeeze3A_164 = vector.extract %slice3A_163[0] : i32 from vector<1xi32>
    %and3A_165 = arith.constant -8 : i32
    %and3A_166 = arith.andi %squeeze3A_164, %and3A_165 : i32
    %multiple_of3A_167 = tpu.assume_multiple %and3A_166, 8 : i32
    %slice3A_168 = vector.extract_strided_slice %get3A_5 {offsets = [8], sizes = [1], strides = [1]} : vector<16xi32> to vector<1xi32>
    %squeeze3A_169 = vector.extract %slice3A_168[0] : i32 from vector<1xi32>
    %and3A_170 = arith.constant 7 : i32
    %and3A_171 = arith.andi %squeeze3A_169, %and3A_170 : i32
    %dma_start3A_172 = arith.constant 8 : i32
    %dma_start3A_173 = arith.constant 0 : i32
    %dma_start3A_174 = arith.constant 0 : i32
    %dma_start3A_175 = tpu.memref_slice %arg6[%dma_start3A_172, %dma_start3A_173, %dma_start3A_174] : memref<32x8x128xf32, #tpu.memory_space<vmem>> -> memref<1x8x128xf32, #tpu.memory_space<vmem>>
    %dma_start3A_176 = tpu.memref_squeeze %dma_start3A_175 : memref<1x8x128xf32, #tpu.memory_space<vmem>> -> memref<8x128xf32, #tpu.memory_space<vmem>>
    %dma_start3A_177 = tpu.memref_slice %arg3[%multiple_of3A_167, %multiple_of3A] : memref<100000x1024xf32, #tpu.memory_space<hbm>> -> memref<8x128xf32, #tpu.memory_space<hbm>>
    %dma_start3A_178 = arith.constant 0 : i32
    %dma_start3A_179 = arith.constant 0 : i32
    %dma_start3A_180 = tpu.memref_slice %arg6[%dma_start3A_172, %dma_start3A_178, %dma_start3A_179] : memref<32x8x128xf32, #tpu.memory_space<vmem>> -> memref<1x8x128xf32, #tpu.memory_space<vmem>>
    %dma_start3A_181 = tpu.memref_squeeze %dma_start3A_180 : memref<1x8x128xf32, #tpu.memory_space<vmem>> -> memref<8x128xf32, #tpu.memory_space<vmem>>
    %dma_start3A_182 = tpu.memref_slice %arg3[%multiple_of3A_167, %multiple_of3A] : memref<100000x1024xf32, #tpu.memory_space<hbm>> -> memref<8x128xf32, #tpu.memory_space<hbm>>
    tpu.enqueue_dma source(%dma_start3A_182 : memref<8x128xf32, #tpu.memory_space<hbm>>) target(%dma_start3A_181 : memref<8x128xf32, #tpu.memory_space<vmem>>) target_semaphore(%arg8 : memref<!tpu.dma_semaphore, #tpu.memory_space<semaphore_mem>>)
    %slice3A_183 = vector.extract_strided_slice %get3A_5 {offsets = [9], sizes = [1], strides = [1]} : vector<16xi32> to vector<1xi32>
    %squeeze3A_184 = vector.extract %slice3A_183[0] : i32 from vector<1xi32>
    %and3A_185 = arith.constant -8 : i32
    %and3A_186 = arith.andi %squeeze3A_184, %and3A_185 : i32
    %multiple_of3A_187 = tpu.assume_multiple %and3A_186, 8 : i32
    %slice3A_188 = vector.extract_strided_slice %get3A_5 {offsets = [9], sizes = [1], strides = [1]} : vector<16xi32> to vector<1xi32>
    %squeeze3A_189 = vector.extract %slice3A_188[0] : i32 from vector<1xi32>
    %and3A_190 = arith.constant 7 : i32
    %and3A_191 = arith.andi %squeeze3A_189, %and3A_190 : i32
    %dma_start3A_192 = arith.constant 9 : i32
    %dma_start3A_193 = arith.constant 0 : i32
    %dma_start3A_194 = arith.constant 0 : i32
    %dma_start3A_195 = tpu.memref_slice %arg6[%dma_start3A_192, %dma_start3A_193, %dma_start3A_194] : memref<32x8x128xf32, #tpu.memory_space<vmem>> -> memref<1x8x128xf32, #tpu.memory_space<vmem>>
    %dma_start3A_196 = tpu.memref_squeeze %dma_start3A_195 : memref<1x8x128xf32, #tpu.memory_space<vmem>> -> memref<8x128xf32, #tpu.memory_space<vmem>>
    %dma_start3A_197 = tpu.memref_slice %arg3[%multiple_of3A_187, %multiple_of3A] : memref<100000x1024xf32, #tpu.memory_space<hbm>> -> memref<8x128xf32, #tpu.memory_space<hbm>>
    %dma_start3A_198 = arith.constant 0 : i32
    %dma_start3A_199 = arith.constant 0 : i32
    %dma_start3A_200 = tpu.memref_slice %arg6[%dma_start3A_192, %dma_start3A_198, %dma_start3A_199] : memref<32x8x128xf32, #tpu.memory_space<vmem>> -> memref<1x8x128xf32, #tpu.memory_space<vmem>>
    %dma_start3A_201 = tpu.memref_squeeze %dma_start3A_200 : memref<1x8x128xf32, #tpu.memory_space<vmem>> -> memref<8x128xf32, #tpu.memory_space<vmem>>
    %dma_start3A_202 = tpu.memref_slice %arg3[%multiple_of3A_187, %multiple_of3A] : memref<100000x1024xf32, #tpu.memory_space<hbm>> -> memref<8x128xf32, #tpu.memory_space<hbm>>
    tpu.enqueue_dma source(%dma_start3A_202 : memref<8x128xf32, #tpu.memory_space<hbm>>) target(%dma_start3A_201 : memref<8x128xf32, #tpu.memory_space<vmem>>) target_semaphore(%arg8 : memref<!tpu.dma_semaphore, #tpu.memory_space<semaphore_mem>>)
    %slice3A_203 = vector.extract_strided_slice %get3A_5 {offsets = [10], sizes = [1], strides = [1]} : vector<16xi32> to vector<1xi32>
    %squeeze3A_204 = vector.extract %slice3A_203[0] : i32 from vector<1xi32>
    %and3A_205 = arith.constant -8 : i32
    %and3A_206 = arith.andi %squeeze3A_204, %and3A_205 : i32
    %multiple_of3A_207 = tpu.assume_multiple %and3A_206, 8 : i32
    %slice3A_208 = vector.extract_strided_slice %get3A_5 {offsets = [10], sizes = [1], strides = [1]} : vector<16xi32> to vector<1xi32>
    %squeeze3A_209 = vector.extract %slice3A_208[0] : i32 from vector<1xi32>
    %and3A_210 = arith.constant 7 : i32
    %and3A_211 = arith.andi %squeeze3A_209, %and3A_210 : i32
    %dma_start3A_212 = arith.constant 10 : i32
    %dma_start3A_213 = arith.constant 0 : i32
    %dma_start3A_214 = arith.constant 0 : i32
    %dma_start3A_215 = tpu.memref_slice %arg6[%dma_start3A_212, %dma_start3A_213, %dma_start3A_214] : memref<32x8x128xf32, #tpu.memory_space<vmem>> -> memref<1x8x128xf32, #tpu.memory_space<vmem>>
    %dma_start3A_216 = tpu.memref_squeeze %dma_start3A_215 : memref<1x8x128xf32, #tpu.memory_space<vmem>> -> memref<8x128xf32, #tpu.memory_space<vmem>>
    %dma_start3A_217 = tpu.memref_slice %arg3[%multiple_of3A_207, %multiple_of3A] : memref<100000x1024xf32, #tpu.memory_space<hbm>> -> memref<8x128xf32, #tpu.memory_space<hbm>>
    %dma_start3A_218 = arith.constant 0 : i32
    %dma_start3A_219 = arith.constant 0 : i32
    %dma_start3A_220 = tpu.memref_slice %arg6[%dma_start3A_212, %dma_start3A_218, %dma_start3A_219] : memref<32x8x128xf32, #tpu.memory_space<vmem>> -> memref<1x8x128xf32, #tpu.memory_space<vmem>>
    %dma_start3A_221 = tpu.memref_squeeze %dma_start3A_220 : memref<1x8x128xf32, #tpu.memory_space<vmem>> -> memref<8x128xf32, #tpu.memory_space<vmem>>
    %dma_start3A_222 = tpu.memref_slice %arg3[%multiple_of3A_207, %multiple_of3A] : memref<100000x1024xf32, #tpu.memory_space<hbm>> -> memref<8x128xf32, #tpu.memory_space<hbm>>
    tpu.enqueue_dma source(%dma_start3A_222 : memref<8x128xf32, #tpu.memory_space<hbm>>) target(%dma_start3A_221 : memref<8x128xf32, #tpu.memory_space<vmem>>) target_semaphore(%arg8 : memref<!tpu.dma_semaphore, #tpu.memory_space<semaphore_mem>>)
    %slice3A_223 = vector.extract_strided_slice %get3A_5 {offsets = [11], sizes = [1], strides = [1]} : vector<16xi32> to vector<1xi32>
    %squeeze3A_224 = vector.extract %slice3A_223[0] : i32 from vector<1xi32>
    %and3A_225 = arith.constant -8 : i32
    %and3A_226 = arith.andi %squeeze3A_224, %and3A_225 : i32
    %multiple_of3A_227 = tpu.assume_multiple %and3A_226, 8 : i32
    %slice3A_228 = vector.extract_strided_slice %get3A_5 {offsets = [11], sizes = [1], strides = [1]} : vector<16xi32> to vector<1xi32>
    %squeeze3A_229 = vector.extract %slice3A_228[0] : i32 from vector<1xi32>
    %and3A_230 = arith.constant 7 : i32
    %and3A_231 = arith.andi %squeeze3A_229, %and3A_230 : i32
    %dma_start3A_232 = arith.constant 11 : i32
    %dma_start3A_233 = arith.constant 0 : i32
    %dma_start3A_234 = arith.constant 0 : i32
    %dma_start3A_235 = tpu.memref_slice %arg6[%dma_start3A_232, %dma_start3A_233, %dma_start3A_234] : memref<32x8x128xf32, #tpu.memory_space<vmem>> -> memref<1x8x128xf32, #tpu.memory_space<vmem>>
    %dma_start3A_236 = tpu.memref_squeeze %dma_start3A_235 : memref<1x8x128xf32, #tpu.memory_space<vmem>> -> memref<8x128xf32, #tpu.memory_space<vmem>>
    %dma_start3A_237 = tpu.memref_slice %arg3[%multiple_of3A_227, %multiple_of3A] : memref<100000x1024xf32, #tpu.memory_space<hbm>> -> memref<8x128xf32, #tpu.memory_space<hbm>>
    %dma_start3A_238 = arith.constant 0 : i32
    %dma_start3A_239 = arith.constant 0 : i32
    %dma_start3A_240 = tpu.memref_slice %arg6[%dma_start3A_232, %dma_start3A_238, %dma_start3A_239] : memref<32x8x128xf32, #tpu.memory_space<vmem>> -> memref<1x8x128xf32, #tpu.memory_space<vmem>>
    %dma_start3A_241 = tpu.memref_squeeze %dma_start3A_240 : memref<1x8x128xf32, #tpu.memory_space<vmem>> -> memref<8x128xf32, #tpu.memory_space<vmem>>
    %dma_start3A_242 = tpu.memref_slice %arg3[%multiple_of3A_227, %multiple_of3A] : memref<100000x1024xf32, #tpu.memory_space<hbm>> -> memref<8x128xf32, #tpu.memory_space<hbm>>
    tpu.enqueue_dma source(%dma_start3A_242 : memref<8x128xf32, #tpu.memory_space<hbm>>) target(%dma_start3A_241 : memref<8x128xf32, #tpu.memory_space<vmem>>) target_semaphore(%arg8 : memref<!tpu.dma_semaphore, #tpu.memory_space<semaphore_mem>>)
    %slice3A_243 = vector.extract_strided_slice %get3A_5 {offsets = [12], sizes = [1], strides = [1]} : vector<16xi32> to vector<1xi32>
    %squeeze3A_244 = vector.extract %slice3A_243[0] : i32 from vector<1xi32>
    %and3A_245 = arith.constant -8 : i32
    %and3A_246 = arith.andi %squeeze3A_244, %and3A_245 : i32
    %multiple_of3A_247 = tpu.assume_multiple %and3A_246, 8 : i32
    %slice3A_248 = vector.extract_strided_slice %get3A_5 {offsets = [12], sizes = [1], strides = [1]} : vector<16xi32> to vector<1xi32>
    %squeeze3A_249 = vector.extract %slice3A_248[0] : i32 from vector<1xi32>
    %and3A_250 = arith.constant 7 : i32
    %and3A_251 = arith.andi %squeeze3A_249, %and3A_250 : i32
    %dma_start3A_252 = arith.constant 12 : i32
    %dma_start3A_253 = arith.constant 0 : i32
    %dma_start3A_254 = arith.constant 0 : i32
    %dma_start3A_255 = tpu.memref_slice %arg6[%dma_start3A_252, %dma_start3A_253, %dma_start3A_254] : memref<32x8x128xf32, #tpu.memory_space<vmem>> -> memref<1x8x128xf32, #tpu.memory_space<vmem>>
    %dma_start3A_256 = tpu.memref_squeeze %dma_start3A_255 : memref<1x8x128xf32, #tpu.memory_space<vmem>> -> memref<8x128xf32, #tpu.memory_space<vmem>>
    %dma_start3A_257 = tpu.memref_slice %arg3[%multiple_of3A_247, %multiple_of3A] : memref<100000x1024xf32, #tpu.memory_space<hbm>> -> memref<8x128xf32, #tpu.memory_space<hbm>>
    %dma_start3A_258 = arith.constant 0 : i32
    %dma_start3A_259 = arith.constant 0 : i32
    %dma_start3A_260 = tpu.memref_slice %arg6[%dma_start3A_252, %dma_start3A_258, %dma_start3A_259] : memref<32x8x128xf32, #tpu.memory_space<vmem>> -> memref<1x8x128xf32, #tpu.memory_space<vmem>>
    %dma_start3A_261 = tpu.memref_squeeze %dma_start3A_260 : memref<1x8x128xf32, #tpu.memory_space<vmem>> -> memref<8x128xf32, #tpu.memory_space<vmem>>
    %dma_start3A_262 = tpu.memref_slice %arg3[%multiple_of3A_247, %multiple_of3A] : memref<100000x1024xf32, #tpu.memory_space<hbm>> -> memref<8x128xf32, #tpu.memory_space<hbm>>
    tpu.enqueue_dma source(%dma_start3A_262 : memref<8x128xf32, #tpu.memory_space<hbm>>) target(%dma_start3A_261 : memref<8x128xf32, #tpu.memory_space<vmem>>) target_semaphore(%arg8 : memref<!tpu.dma_semaphore, #tpu.memory_space<semaphore_mem>>)
    %slice3A_263 = vector.extract_strided_slice %get3A_5 {offsets = [13], sizes = [1], strides = [1]} : vector<16xi32> to vector<1xi32>
    %squeeze3A_264 = vector.extract %slice3A_263[0] : i32 from vector<1xi32>
    %and3A_265 = arith.constant -8 : i32
    %and3A_266 = arith.andi %squeeze3A_264, %and3A_265 : i32
    %multiple_of3A_267 = tpu.assume_multiple %and3A_266, 8 : i32
    %slice3A_268 = vector.extract_strided_slice %get3A_5 {offsets = [13], sizes = [1], strides = [1]} : vector<16xi32> to vector<1xi32>
    %squeeze3A_269 = vector.extract %slice3A_268[0] : i32 from vector<1xi32>
    %and3A_270 = arith.constant 7 : i32
    %and3A_271 = arith.andi %squeeze3A_269, %and3A_270 : i32
    %dma_start3A_272 = arith.constant 13 : i32
    %dma_start3A_273 = arith.constant 0 : i32
    %dma_start3A_274 = arith.constant 0 : i32
    %dma_start3A_275 = tpu.memref_slice %arg6[%dma_start3A_272, %dma_start3A_273, %dma_start3A_274] : memref<32x8x128xf32, #tpu.memory_space<vmem>> -> memref<1x8x128xf32, #tpu.memory_space<vmem>>
    %dma_start3A_276 = tpu.memref_squeeze %dma_start3A_275 : memref<1x8x128xf32, #tpu.memory_space<vmem>> -> memref<8x128xf32, #tpu.memory_space<vmem>>
    %dma_start3A_277 = tpu.memref_slice %arg3[%multiple_of3A_267, %multiple_of3A] : memref<100000x1024xf32, #tpu.memory_space<hbm>> -> memref<8x128xf32, #tpu.memory_space<hbm>>
    %dma_start3A_278 = arith.constant 0 : i32
    %dma_start3A_279 = arith.constant 0 : i32
    %dma_start3A_280 = tpu.memref_slice %arg6[%dma_start3A_272, %dma_start3A_278, %dma_start3A_279] : memref<32x8x128xf32, #tpu.memory_space<vmem>> -> memref<1x8x128xf32, #tpu.memory_space<vmem>>
    %dma_start3A_281 = tpu.memref_squeeze %dma_start3A_280 : memref<1x8x128xf32, #tpu.memory_space<vmem>> -> memref<8x128xf32, #tpu.memory_space<vmem>>
    %dma_start3A_282 = tpu.memref_slice %arg3[%multiple_of3A_267, %multiple_of3A] : memref<100000x1024xf32, #tpu.memory_space<hbm>> -> memref<8x128xf32, #tpu.memory_space<hbm>>
    tpu.enqueue_dma source(%dma_start3A_282 : memref<8x128xf32, #tpu.memory_space<hbm>>) target(%dma_start3A_281 : memref<8x128xf32, #tpu.memory_space<vmem>>) target_semaphore(%arg8 : memref<!tpu.dma_semaphore, #tpu.memory_space<semaphore_mem>>)
    %slice3A_283 = vector.extract_strided_slice %get3A_5 {offsets = [14], sizes = [1], strides = [1]} : vector<16xi32> to vector<1xi32>
    %squeeze3A_284 = vector.extract %slice3A_283[0] : i32 from vector<1xi32>
    %and3A_285 = arith.constant -8 : i32
    %and3A_286 = arith.andi %squeeze3A_284, %and3A_285 : i32
    %multiple_of3A_287 = tpu.assume_multiple %and3A_286, 8 : i32
    %slice3A_288 = vector.extract_strided_slice %get3A_5 {offsets = [14], sizes = [1], strides = [1]} : vector<16xi32> to vector<1xi32>
    %squeeze3A_289 = vector.extract %slice3A_288[0] : i32 from vector<1xi32>
    %and3A_290 = arith.constant 7 : i32
    %and3A_291 = arith.andi %squeeze3A_289, %and3A_290 : i32
    %dma_start3A_292 = arith.constant 14 : i32
    %dma_start3A_293 = arith.constant 0 : i32
    %dma_start3A_294 = arith.constant 0 : i32
    %dma_start3A_295 = tpu.memref_slice %arg6[%dma_start3A_292, %dma_start3A_293, %dma_start3A_294] : memref<32x8x128xf32, #tpu.memory_space<vmem>> -> memref<1x8x128xf32, #tpu.memory_space<vmem>>
    %dma_start3A_296 = tpu.memref_squeeze %dma_start3A_295 : memref<1x8x128xf32, #tpu.memory_space<vmem>> -> memref<8x128xf32, #tpu.memory_space<vmem>>
    %dma_start3A_297 = tpu.memref_slice %arg3[%multiple_of3A_287, %multiple_of3A] : memref<100000x1024xf32, #tpu.memory_space<hbm>> -> memref<8x128xf32, #tpu.memory_space<hbm>>
    %dma_start3A_298 = arith.constant 0 : i32
    %dma_start3A_299 = arith.constant 0 : i32
    %dma_start3A_300 = tpu.memref_slice %arg6[%dma_start3A_292, %dma_start3A_298, %dma_start3A_299] : memref<32x8x128xf32, #tpu.memory_space<vmem>> -> memref<1x8x128xf32, #tpu.memory_space<vmem>>
    %dma_start3A_301 = tpu.memref_squeeze %dma_start3A_300 : memref<1x8x128xf32, #tpu.memory_space<vmem>> -> memref<8x128xf32, #tpu.memory_space<vmem>>
    %dma_start3A_302 = tpu.memref_slice %arg3[%multiple_of3A_287, %multiple_of3A] : memref<100000x1024xf32, #tpu.memory_space<hbm>> -> memref<8x128xf32, #tpu.memory_space<hbm>>
    tpu.enqueue_dma source(%dma_start3A_302 : memref<8x128xf32, #tpu.memory_space<hbm>>) target(%dma_start3A_301 : memref<8x128xf32, #tpu.memory_space<vmem>>) target_semaphore(%arg8 : memref<!tpu.dma_semaphore, #tpu.memory_space<semaphore_mem>>)
    %slice3A_303 = vector.extract_strided_slice %get3A_5 {offsets = [15], sizes = [1], strides = [1]} : vector<16xi32> to vector<1xi32>
    %squeeze3A_304 = vector.extract %slice3A_303[0] : i32 from vector<1xi32>
    %and3A_305 = arith.constant -8 : i32
    %and3A_306 = arith.andi %squeeze3A_304, %and3A_305 : i32
    %multiple_of3A_307 = tpu.assume_multiple %and3A_306, 8 : i32
    %slice3A_308 = vector.extract_strided_slice %get3A_5 {offsets = [15], sizes = [1], strides = [1]} : vector<16xi32> to vector<1xi32>
    %squeeze3A_309 = vector.extract %slice3A_308[0] : i32 from vector<1xi32>
    %and3A_310 = arith.constant 7 : i32
    %and3A_311 = arith.andi %squeeze3A_309, %and3A_310 : i32
    %dma_start3A_312 = arith.constant 15 : i32
    %dma_start3A_313 = arith.constant 0 : i32
    %dma_start3A_314 = arith.constant 0 : i32
    %dma_start3A_315 = tpu.memref_slice %arg6[%dma_start3A_312, %dma_start3A_313, %dma_start3A_314] : memref<32x8x128xf32, #tpu.memory_space<vmem>> -> memref<1x8x128xf32, #tpu.memory_space<vmem>>
    %dma_start3A_316 = tpu.memref_squeeze %dma_start3A_315 : memref<1x8x128xf32, #tpu.memory_space<vmem>> -> memref<8x128xf32, #tpu.memory_space<vmem>>
    %dma_start3A_317 = tpu.memref_slice %arg3[%multiple_of3A_307, %multiple_of3A] : memref<100000x1024xf32, #tpu.memory_space<hbm>> -> memref<8x128xf32, #tpu.memory_space<hbm>>
    %dma_start3A_318 = arith.constant 0 : i32
    %dma_start3A_319 = arith.constant 0 : i32
    %dma_start3A_320 = tpu.memref_slice %arg6[%dma_start3A_312, %dma_start3A_318, %dma_start3A_319] : memref<32x8x128xf32, #tpu.memory_space<vmem>> -> memref<1x8x128xf32, #tpu.memory_space<vmem>>
    %dma_start3A_321 = tpu.memref_squeeze %dma_start3A_320 : memref<1x8x128xf32, #tpu.memory_space<vmem>> -> memref<8x128xf32, #tpu.memory_space<vmem>>
    %dma_start3A_322 = tpu.memref_slice %arg3[%multiple_of3A_307, %multiple_of3A] : memref<100000x1024xf32, #tpu.memory_space<hbm>> -> memref<8x128xf32, #tpu.memory_space<hbm>>
    tpu.enqueue_dma source(%dma_start3A_322 : memref<8x128xf32, #tpu.memory_space<hbm>>) target(%dma_start3A_321 : memref<8x128xf32, #tpu.memory_space<vmem>>) target_semaphore(%arg8 : memref<!tpu.dma_semaphore, #tpu.memory_space<semaphore_mem>>)
    %get3A_323 = arith.constant 16 : index
    %get3A_324 = tpu.vector_load %arg5[%get3A_323] {strides = array<i32>} : memref<32xi32, #tpu.memory_space<vmem>>, vector<16xi32>,
    %get3A_325 = vector.shape_cast %get3A_324 : vector<16xi32> to vector<16xi32>
    %slice3A_326 = vector.extract_strided_slice %get3A_325 {offsets = [0], sizes = [1], strides = [1]} : vector<16xi32> to vector<1xi32>
    %squeeze3A_327 = vector.extract %slice3A_326[0] : i32 from vector<1xi32>
    %and3A_328 = arith.constant -8 : i32
    %and3A_329 = arith.andi %squeeze3A_327, %and3A_328 : i32
    %multiple_of3A_330 = tpu.assume_multiple %and3A_329, 8 : i32
    %slice3A_331 = vector.extract_strided_slice %get3A_325 {offsets = [0], sizes = [1], strides = [1]} : vector<16xi32> to vector<1xi32>
    %squeeze3A_332 = vector.extract %slice3A_331[0] : i32 from vector<1xi32>
    %and3A_333 = arith.constant 7 : i32
    %and3A_334 = arith.andi %squeeze3A_332, %and3A_333 : i32
    %dma_start3A_335 = arith.constant 16 : i32
    %dma_start3A_336 = arith.constant 0 : i32
    %dma_start3A_337 = arith.constant 0 : i32
    %dma_start3A_338 = tpu.memref_slice %arg6[%dma_start3A_335, %dma_start3A_336, %dma_start3A_337] : memref<32x8x128xf32, #tpu.memory_space<vmem>> -> memref<1x8x128xf32, #tpu.memory_space<vmem>>
    %dma_start3A_339 = tpu.memref_squeeze %dma_start3A_338 : memref<1x8x128xf32, #tpu.memory_space<vmem>> -> memref<8x128xf32, #tpu.memory_space<vmem>>
    %dma_start3A_340 = tpu.memref_slice %arg3[%multiple_of3A_330, %multiple_of3A] : memref<100000x1024xf32, #tpu.memory_space<hbm>> -> memref<8x128xf32, #tpu.memory_space<hbm>>
    %dma_start3A_341 = arith.constant 0 : i32
    %dma_start3A_342 = arith.constant 0 : i32
    %dma_start3A_343 = tpu.memref_slice %arg6[%dma_start3A_335, %dma_start3A_341, %dma_start3A_342] : memref<32x8x128xf32, #tpu.memory_space<vmem>> -> memref<1x8x128xf32, #tpu.memory_space<vmem>>
    %dma_start3A_344 = tpu.memref_squeeze %dma_start3A_343 : memref<1x8x128xf32, #tpu.memory_space<vmem>> -> memref<8x128xf32, #tpu.memory_space<vmem>>
    %dma_start3A_345 = tpu.memref_slice %arg3[%multiple_of3A_330, %multiple_of3A] : memref<100000x1024xf32, #tpu.memory_space<hbm>> -> memref<8x128xf32, #tpu.memory_space<hbm>>
    tpu.enqueue_dma source(%dma_start3A_345 : memref<8x128xf32, #tpu.memory_space<hbm>>) target(%dma_start3A_344 : memref<8x128xf32, #tpu.memory_space<vmem>>) target_semaphore(%arg8 : memref<!tpu.dma_semaphore, #tpu.memory_space<semaphore_mem>>)
    %slice3A_346 = vector.extract_strided_slice %get3A_325 {offsets = [1], sizes = [1], strides = [1]} : vector<16xi32> to vector<1xi32>
    %squeeze3A_347 = vector.extract %slice3A_346[0] : i32 from vector<1xi32>
    %and3A_348 = arith.constant -8 : i32
    %and3A_349 = arith.andi %squeeze3A_347, %and3A_348 : i32
    %multiple_of3A_350 = tpu.assume_multiple %and3A_349, 8 : i32
    %slice3A_351 = vector.extract_strided_slice %get3A_325 {offsets = [1], sizes = [1], strides = [1]} : vector<16xi32> to vector<1xi32>
    %squeeze3A_352 = vector.extract %slice3A_351[0] : i32 from vector<1xi32>
    %and3A_353 = arith.constant 7 : i32
    %and3A_354 = arith.andi %squeeze3A_352, %and3A_353 : i32
    %dma_start3A_355 = arith.constant 17 : i32
    %dma_start3A_356 = arith.constant 0 : i32
    %dma_start3A_357 = arith.constant 0 : i32
    %dma_start3A_358 = tpu.memref_slice %arg6[%dma_start3A_355, %dma_start3A_356, %dma_start3A_357] : memref<32x8x128xf32, #tpu.memory_space<vmem>> -> memref<1x8x128xf32, #tpu.memory_space<vmem>>
    %dma_start3A_359 = tpu.memref_squeeze %dma_start3A_358 : memref<1x8x128xf32, #tpu.memory_space<vmem>> -> memref<8x128xf32, #tpu.memory_space<vmem>>
    %dma_start3A_360 = tpu.memref_slice %arg3[%multiple_of3A_350, %multiple_of3A] : memref<100000x1024xf32, #tpu.memory_space<hbm>> -> memref<8x128xf32, #tpu.memory_space<hbm>>
    %dma_start3A_361 = arith.constant 0 : i32
    %dma_start3A_362 = arith.constant 0 : i32
    %dma_start3A_363 = tpu.memref_slice %arg6[%dma_start3A_355, %dma_start3A_361, %dma_start3A_362] : memref<32x8x128xf32, #tpu.memory_space<vmem>> -> memref<1x8x128xf32, #tpu.memory_space<vmem>>
    %dma_start3A_364 = tpu.memref_squeeze %dma_start3A_363 : memref<1x8x128xf32, #tpu.memory_space<vmem>> -> memref<8x128xf32, #tpu.memory_space<vmem>>
    %dma_start3A_365 = tpu.memref_slice %arg3[%multiple_of3A_350, %multiple_of3A] : memref<100000x1024xf32, #tpu.memory_space<hbm>> -> memref<8x128xf32, #tpu.memory_space<hbm>>
    tpu.enqueue_dma source(%dma_start3A_365 : memref<8x128xf32, #tpu.memory_space<hbm>>) target(%dma_start3A_364 : memref<8x128xf32, #tpu.memory_space<vmem>>) target_semaphore(%arg8 : memref<!tpu.dma_semaphore, #tpu.memory_space<semaphore_mem>>)
    %slice3A_366 = vector.extract_strided_slice %get3A_325 {offsets = [2], sizes = [1], strides = [1]} : vector<16xi32> to vector<1xi32>
    %squeeze3A_367 = vector.extract %slice3A_366[0] : i32 from vector<1xi32>
    %and3A_368 = arith.constant -8 : i32
    %and3A_369 = arith.andi %squeeze3A_367, %and3A_368 : i32
    %multiple_of3A_370 = tpu.assume_multiple %and3A_369, 8 : i32
    %slice3A_371 = vector.extract_strided_slice %get3A_325 {offsets = [2], sizes = [1], strides = [1]} : vector<16xi32> to vector<1xi32>
    %squeeze3A_372 = vector.extract %slice3A_371[0] : i32 from vector<1xi32>
    %and3A_373 = arith.constant 7 : i32
    %and3A_374 = arith.andi %squeeze3A_372, %and3A_373 : i32
    %dma_start3A_375 = arith.constant 18 : i32
    %dma_start3A_376 = arith.constant 0 : i32
    %dma_start3A_377 = arith.constant 0 : i32
    %dma_start3A_378 = tpu.memref_slice %arg6[%dma_start3A_375, %dma_start3A_376, %dma_start3A_377] : memref<32x8x128xf32, #tpu.memory_space<vmem>> -> memref<1x8x128xf32, #tpu.memory_space<vmem>>
    %dma_start3A_379 = tpu.memref_squeeze %dma_start3A_378 : memref<1x8x128xf32, #tpu.memory_space<vmem>> -> memref<8x128xf32, #tpu.memory_space<vmem>>
    %dma_start3A_380 = tpu.memref_slice %arg3[%multiple_of3A_370, %multiple_of3A] : memref<100000x1024xf32, #tpu.memory_space<hbm>> -> memref<8x128xf32, #tpu.memory_space<hbm>>
    %dma_start3A_381 = arith.constant 0 : i32
    %dma_start3A_382 = arith.constant 0 : i32
    %dma_start3A_383 = tpu.memref_slice %arg6[%dma_start3A_375, %dma_start3A_381, %dma_start3A_382] : memref<32x8x128xf32, #tpu.memory_space<vmem>> -> memref<1x8x128xf32, #tpu.memory_space<vmem>>
    %dma_start3A_384 = tpu.memref_squeeze %dma_start3A_383 : memref<1x8x128xf32, #tpu.memory_space<vmem>> -> memref<8x128xf32, #tpu.memory_space<vmem>>
    %dma_start3A_385 = tpu.memref_slice %arg3[%multiple_of3A_370, %multiple_of3A] : memref<100000x1024xf32, #tpu.memory_space<hbm>> -> memref<8x128xf32, #tpu.memory_space<hbm>>
    tpu.enqueue_dma source(%dma_start3A_385 : memref<8x128xf32, #tpu.memory_space<hbm>>) target(%dma_start3A_384 : memref<8x128xf32, #tpu.memory_space<vmem>>) target_semaphore(%arg8 : memref<!tpu.dma_semaphore, #tpu.memory_space<semaphore_mem>>)
    %slice3A_386 = vector.extract_strided_slice %get3A_325 {offsets = [3], sizes = [1], strides = [1]} : vector<16xi32> to vector<1xi32>
    %squeeze3A_387 = vector.extract %slice3A_386[0] : i32 from vector<1xi32>
    %and3A_388 = arith.constant -8 : i32
    %and3A_389 = arith.andi %squeeze3A_387, %and3A_388 : i32
    %multiple_of3A_390 = tpu.assume_multiple %and3A_389, 8 : i32
    %slice3A_391 = vector.extract_strided_slice %get3A_325 {offsets = [3], sizes = [1], strides = [1]} : vector<16xi32> to vector<1xi32>
    %squeeze3A_392 = vector.extract %slice3A_391[0] : i32 from vector<1xi32>
    %and3A_393 = arith.constant 7 : i32
    %and3A_394 = arith.andi %squeeze3A_392, %and3A_393 : i32
    %dma_start3A_395 = arith.constant 19 : i32
    %dma_start3A_396 = arith.constant 0 : i32
    %dma_start3A_397 = arith.constant 0 : i32
    %dma_start3A_398 = tpu.memref_slice %arg6[%dma_start3A_395, %dma_start3A_396, %dma_start3A_397] : memref<32x8x128xf32, #tpu.memory_space<vmem>> -> memref<1x8x128xf32, #tpu.memory_space<vmem>>
    %dma_start3A_399 = tpu.memref_squeeze %dma_start3A_398 : memref<1x8x128xf32, #tpu.memory_space<vmem>> -> memref<8x128xf32, #tpu.memory_space<vmem>>
    %dma_start3A_400 = tpu.memref_slice %arg3[%multiple_of3A_390, %multiple_of3A] : memref<100000x1024xf32, #tpu.memory_space<hbm>> -> memref<8x128xf32, #tpu.memory_space<hbm>>
    %dma_start3A_401 = arith.constant 0 : i32
    %dma_start3A_402 = arith.constant 0 : i32
    %dma_start3A_403 = tpu.memref_slice %arg6[%dma_start3A_395, %dma_start3A_401, %dma_start3A_402] : memref<32x8x128xf32, #tpu.memory_space<vmem>> -> memref<1x8x128xf32, #tpu.memory_space<vmem>>
    %dma_start3A_404 = tpu.memref_squeeze %dma_start3A_403 : memref<1x8x128xf32, #tpu.memory_space<vmem>> -> memref<8x128xf32, #tpu.memory_space<vmem>>
    %dma_start3A_405 = tpu.memref_slice %arg3[%multiple_of3A_390, %multiple_of3A] : memref<100000x1024xf32, #tpu.memory_space<hbm>> -> memref<8x128xf32, #tpu.memory_space<hbm>>
    tpu.enqueue_dma source(%dma_start3A_405 : memref<8x128xf32, #tpu.memory_space<hbm>>) target(%dma_start3A_404 : memref<8x128xf32, #tpu.memory_space<vmem>>) target_semaphore(%arg8 : memref<!tpu.dma_semaphore, #tpu.memory_space<semaphore_mem>>)
    %slice3A_406 = vector.extract_strided_slice %get3A_325 {offsets = [4], sizes = [1], strides = [1]} : vector<16xi32> to vector<1xi32>
    %squeeze3A_407 = vector.extract %slice3A_406[0] : i32 from vector<1xi32>
    %and3A_408 = arith.constant -8 : i32
    %and3A_409 = arith.andi %squeeze3A_407, %and3A_408 : i32
    %multiple_of3A_410 = tpu.assume_multiple %and3A_409, 8 : i32
    %slice3A_411 = vector.extract_strided_slice %get3A_325 {offsets = [4], sizes = [1], strides = [1]} : vector<16xi32> to vector<1xi32>
    %squeeze3A_412 = vector.extract %slice3A_411[0] : i32 from vector<1xi32>
    %and3A_413 = arith.constant 7 : i32
    %and3A_414 = arith.andi %squeeze3A_412, %and3A_413 : i32
    %dma_start3A_415 = arith.constant 20 : i32
    %dma_start3A_416 = arith.constant 0 : i32
    %dma_start3A_417 = arith.constant 0 : i32
    %dma_start3A_418 = tpu.memref_slice %arg6[%dma_start3A_415, %dma_start3A_416, %dma_start3A_417] : memref<32x8x128xf32, #tpu.memory_space<vmem>> -> memref<1x8x128xf32, #tpu.memory_space<vmem>>
    %dma_start3A_419 = tpu.memref_squeeze %dma_start3A_418 : memref<1x8x128xf32, #tpu.memory_space<vmem>> -> memref<8x128xf32, #tpu.memory_space<vmem>>
    %dma_start3A_420 = tpu.memref_slice %arg3[%multiple_of3A_410, %multiple_of3A] : memref<100000x1024xf32, #tpu.memory_space<hbm>> -> memref<8x128xf32, #tpu.memory_space<hbm>>
    %dma_start3A_421 = arith.constant 0 : i32
    %dma_start3A_422 = arith.constant 0 : i32
    %dma_start3A_423 = tpu.memref_slice %arg6[%dma_start3A_415, %dma_start3A_421, %dma_start3A_422] : memref<32x8x128xf32, #tpu.memory_space<vmem>> -> memref<1x8x128xf32, #tpu.memory_space<vmem>>
    %dma_start3A_424 = tpu.memref_squeeze %dma_start3A_423 : memref<1x8x128xf32, #tpu.memory_space<vmem>> -> memref<8x128xf32, #tpu.memory_space<vmem>>
    %dma_start3A_425 = tpu.memref_slice %arg3[%multiple_of3A_410, %multiple_of3A] : memref<100000x1024xf32, #tpu.memory_space<hbm>> -> memref<8x128xf32, #tpu.memory_space<hbm>>
    tpu.enqueue_dma source(%dma_start3A_425 : memref<8x128xf32, #tpu.memory_space<hbm>>) target(%dma_start3A_424 : memref<8x128xf32, #tpu.memory_space<vmem>>) target_semaphore(%arg8 : memref<!tpu.dma_semaphore, #tpu.memory_space<semaphore_mem>>)
    %slice3A_426 = vector.extract_strided_slice %get3A_325 {offsets = [5], sizes = [1], strides = [1]} : vector<16xi32> to vector<1xi32>
    %squeeze3A_427 = vector.extract %slice3A_426[0] : i32 from vector<1xi32>
    %and3A_428 = arith.constant -8 : i32
    %and3A_429 = arith.andi %squeeze3A_427, %and3A_428 : i32
    %multiple_of3A_430 = tpu.assume_multiple %and3A_429, 8 : i32
    %slice3A_431 = vector.extract_strided_slice %get3A_325 {offsets = [5], sizes = [1], strides = [1]} : vector<16xi32> to vector<1xi32>
    %squeeze3A_432 = vector.extract %slice3A_431[0] : i32 from vector<1xi32>
    %and3A_433 = arith.constant 7 : i32
    %and3A_434 = arith.andi %squeeze3A_432, %and3A_433 : i32
    %dma_start3A_435 = arith.constant 21 : i32
    %dma_start3A_436 = arith.constant 0 : i32
    %dma_start3A_437 = arith.constant 0 : i32
    %dma_start3A_438 = tpu.memref_slice %arg6[%dma_start3A_435, %dma_start3A_436, %dma_start3A_437] : memref<32x8x128xf32, #tpu.memory_space<vmem>> -> memref<1x8x128xf32, #tpu.memory_space<vmem>>
    %dma_start3A_439 = tpu.memref_squeeze %dma_start3A_438 : memref<1x8x128xf32, #tpu.memory_space<vmem>> -> memref<8x128xf32, #tpu.memory_space<vmem>>
    %dma_start3A_440 = tpu.memref_slice %arg3[%multiple_of3A_430, %multiple_of3A] : memref<100000x1024xf32, #tpu.memory_space<hbm>> -> memref<8x128xf32, #tpu.memory_space<hbm>>
    %dma_start3A_441 = arith.constant 0 : i32
    %dma_start3A_442 = arith.constant 0 : i32
    %dma_start3A_443 = tpu.memref_slice %arg6[%dma_start3A_435, %dma_start3A_441, %dma_start3A_442] : memref<32x8x128xf32, #tpu.memory_space<vmem>> -> memref<1x8x128xf32, #tpu.memory_space<vmem>>
    %dma_start3A_444 = tpu.memref_squeeze %dma_start3A_443 : memref<1x8x128xf32, #tpu.memory_space<vmem>> -> memref<8x128xf32, #tpu.memory_space<vmem>>
    %dma_start3A_445 = tpu.memref_slice %arg3[%multiple_of3A_430, %multiple_of3A] : memref<100000x1024xf32, #tpu.memory_space<hbm>> -> memref<8x128xf32, #tpu.memory_space<hbm>>
    tpu.enqueue_dma source(%dma_start3A_445 : memref<8x128xf32, #tpu.memory_space<hbm>>) target(%dma_start3A_444 : memref<8x128xf32, #tpu.memory_space<vmem>>) target_semaphore(%arg8 : memref<!tpu.dma_semaphore, #tpu.memory_space<semaphore_mem>>)
    %slice3A_446 = vector.extract_strided_slice %get3A_325 {offsets = [6], sizes = [1], strides = [1]} : vector<16xi32> to vector<1xi32>
    %squeeze3A_447 = vector.extract %slice3A_446[0] : i32 from vector<1xi32>
    %and3A_448 = arith.constant -8 : i32
    %and3A_449 = arith.andi %squeeze3A_447, %and3A_448 : i32
    %multiple_of3A_450 = tpu.assume_multiple %and3A_449, 8 : i32
    %slice3A_451 = vector.extract_strided_slice %get3A_325 {offsets = [6], sizes = [1], strides = [1]} : vector<16xi32> to vector<1xi32>
    %squeeze3A_452 = vector.extract %slice3A_451[0] : i32 from vector<1xi32>
    %and3A_453 = arith.constant 7 : i32
    %and3A_454 = arith.andi %squeeze3A_452, %and3A_453 : i32
    %dma_start3A_455 = arith.constant 22 : i32
    %dma_start3A_456 = arith.constant 0 : i32
    %dma_start3A_457 = arith.constant 0 : i32
    %dma_start3A_458 = tpu.memref_slice %arg6[%dma_start3A_455, %dma_start3A_456, %dma_start3A_457] : memref<32x8x128xf32, #tpu.memory_space<vmem>> -> memref<1x8x128xf32, #tpu.memory_space<vmem>>
    %dma_start3A_459 = tpu.memref_squeeze %dma_start3A_458 : memref<1x8x128xf32, #tpu.memory_space<vmem>> -> memref<8x128xf32, #tpu.memory_space<vmem>>
    %dma_start3A_460 = tpu.memref_slice %arg3[%multiple_of3A_450, %multiple_of3A] : memref<100000x1024xf32, #tpu.memory_space<hbm>> -> memref<8x128xf32, #tpu.memory_space<hbm>>
    %dma_start3A_461 = arith.constant 0 : i32
    %dma_start3A_462 = arith.constant 0 : i32
    %dma_start3A_463 = tpu.memref_slice %arg6[%dma_start3A_455, %dma_start3A_461, %dma_start3A_462] : memref<32x8x128xf32, #tpu.memory_space<vmem>> -> memref<1x8x128xf32, #tpu.memory_space<vmem>>
    %dma_start3A_464 = tpu.memref_squeeze %dma_start3A_463 : memref<1x8x128xf32, #tpu.memory_space<vmem>> -> memref<8x128xf32, #tpu.memory_space<vmem>>
    %dma_start3A_465 = tpu.memref_slice %arg3[%multiple_of3A_450, %multiple_of3A] : memref<100000x1024xf32, #tpu.memory_space<hbm>> -> memref<8x128xf32, #tpu.memory_space<hbm>>
    tpu.enqueue_dma source(%dma_start3A_465 : memref<8x128xf32, #tpu.memory_space<hbm>>) target(%dma_start3A_464 : memref<8x128xf32, #tpu.memory_space<vmem>>) target_semaphore(%arg8 : memref<!tpu.dma_semaphore, #tpu.memory_space<semaphore_mem>>)
    %slice3A_466 = vector.extract_strided_slice %get3A_325 {offsets = [7], sizes = [1], strides = [1]} : vector<16xi32> to vector<1xi32>
    %squeeze3A_467 = vector.extract %slice3A_466[0] : i32 from vector<1xi32>
    %and3A_468 = arith.constant -8 : i32
    %and3A_469 = arith.andi %squeeze3A_467, %and3A_468 : i32
    %multiple_of3A_470 = tpu.assume_multiple %and3A_469, 8 : i32
    %slice3A_471 = vector.extract_strided_slice %get3A_325 {offsets = [7], sizes = [1], strides = [1]} : vector<16xi32> to vector<1xi32>
    %squeeze3A_472 = vector.extract %slice3A_471[0] : i32 from vector<1xi32>
    %and3A_473 = arith.constant 7 : i32
    %and3A_474 = arith.andi %squeeze3A_472, %and3A_473 : i32
    %dma_start3A_475 = arith.constant 23 : i32
    %dma_start3A_476 = arith.constant 0 : i32
    %dma_start3A_477 = arith.constant 0 : i32
    %dma_start3A_478 = tpu.memref_slice %arg6[%dma_start3A_475, %dma_start3A_476, %dma_start3A_477] : memref<32x8x128xf32, #tpu.memory_space<vmem>> -> memref<1x8x128xf32, #tpu.memory_space<vmem>>
    %dma_start3A_479 = tpu.memref_squeeze %dma_start3A_478 : memref<1x8x128xf32, #tpu.memory_space<vmem>> -> memref<8x128xf32, #tpu.memory_space<vmem>>
    %dma_start3A_480 = tpu.memref_slice %arg3[%multiple_of3A_470, %multiple_of3A] : memref<100000x1024xf32, #tpu.memory_space<hbm>> -> memref<8x128xf32, #tpu.memory_space<hbm>>
    %dma_start3A_481 = arith.constant 0 : i32
    %dma_start3A_482 = arith.constant 0 : i32
    %dma_start3A_483 = tpu.memref_slice %arg6[%dma_start3A_475, %dma_start3A_481, %dma_start3A_482] : memref<32x8x128xf32, #tpu.memory_space<vmem>> -> memref<1x8x128xf32, #tpu.memory_space<vmem>>
    %dma_start3A_484 = tpu.memref_squeeze %dma_start3A_483 : memref<1x8x128xf32, #tpu.memory_space<vmem>> -> memref<8x128xf32, #tpu.memory_space<vmem>>
    %dma_start3A_485 = tpu.memref_slice %arg3[%multiple_of3A_470, %multiple_of3A] : memref<100000x1024xf32, #tpu.memory_space<hbm>> -> memref<8x128xf32, #tpu.memory_space<hbm>>
    tpu.enqueue_dma source(%dma_start3A_485 : memref<8x128xf32, #tpu.memory_space<hbm>>) target(%dma_start3A_484 : memref<8x128xf32, #tpu.memory_space<vmem>>) target_semaphore(%arg8 : memref<!tpu.dma_semaphore, #tpu.memory_space<semaphore_mem>>)
    %slice3A_486 = vector.extract_strided_slice %get3A_325 {offsets = [8], sizes = [1], strides = [1]} : vector<16xi32> to vector<1xi32>
    %squeeze3A_487 = vector.extract %slice3A_486[0] : i32 from vector<1xi32>
    %and3A_488 = arith.constant -8 : i32
    %and3A_489 = arith.andi %squeeze3A_487, %and3A_488 : i32
    %multiple_of3A_490 = tpu.assume_multiple %and3A_489, 8 : i32
    %slice3A_491 = vector.extract_strided_slice %get3A_325 {offsets = [8], sizes = [1], strides = [1]} : vector<16xi32> to vector<1xi32>
    %squeeze3A_492 = vector.extract %slice3A_491[0] : i32 from vector<1xi32>
    %and3A_493 = arith.constant 7 : i32
    %and3A_494 = arith.andi %squeeze3A_492, %and3A_493 : i32
    %dma_start3A_495 = arith.constant 24 : i32
    %dma_start3A_496 = arith.constant 0 : i32
    %dma_start3A_497 = arith.constant 0 : i32
    %dma_start3A_498 = tpu.memref_slice %arg6[%dma_start3A_495, %dma_start3A_496, %dma_start3A_497] : memref<32x8x128xf32, #tpu.memory_space<vmem>> -> memref<1x8x128xf32, #tpu.memory_space<vmem>>
    %dma_start3A_499 = tpu.memref_squeeze %dma_start3A_498 : memref<1x8x128xf32, #tpu.memory_space<vmem>> -> memref<8x128xf32, #tpu.memory_space<vmem>>
    %dma_start3A_500 = tpu.memref_slice %arg3[%multiple_of3A_490, %multiple_of3A] : memref<100000x1024xf32, #tpu.memory_space<hbm>> -> memref<8x128xf32, #tpu.memory_space<hbm>>
    %dma_start3A_501 = arith.constant 0 : i32
    %dma_start3A_502 = arith.constant 0 : i32
    %dma_start3A_503 = tpu.memref_slice %arg6[%dma_start3A_495, %dma_start3A_501, %dma_start3A_502] : memref<32x8x128xf32, #tpu.memory_space<vmem>> -> memref<1x8x128xf32, #tpu.memory_space<vmem>>
    %dma_start3A_504 = tpu.memref_squeeze %dma_start3A_503 : memref<1x8x128xf32, #tpu.memory_space<vmem>> -> memref<8x128xf32, #tpu.memory_space<vmem>>
    %dma_start3A_505 = tpu.memref_slice %arg3[%multiple_of3A_490, %multiple_of3A] : memref<100000x1024xf32, #tpu.memory_space<hbm>> -> memref<8x128xf32, #tpu.memory_space<hbm>>
    tpu.enqueue_dma source(%dma_start3A_505 : memref<8x128xf32, #tpu.memory_space<hbm>>) target(%dma_start3A_504 : memref<8x128xf32, #tpu.memory_space<vmem>>) target_semaphore(%arg8 : memref<!tpu.dma_semaphore, #tpu.memory_space<semaphore_mem>>)
    %slice3A_506 = vector.extract_strided_slice %get3A_325 {offsets = [9], sizes = [1], strides = [1]} : vector<16xi32> to vector<1xi32>
    %squeeze3A_507 = vector.extract %slice3A_506[0] : i32 from vector<1xi32>
    %and3A_508 = arith.constant -8 : i32
    %and3A_509 = arith.andi %squeeze3A_507, %and3A_508 : i32
    %multiple_of3A_510 = tpu.assume_multiple %and3A_509, 8 : i32
    %slice3A_511 = vector.extract_strided_slice %get3A_325 {offsets = [9], sizes = [1], strides = [1]} : vector<16xi32> to vector<1xi32>
    %squeeze3A_512 = vector.extract %slice3A_511[0] : i32 from vector<1xi32>
    %and3A_513 = arith.constant 7 : i32
    %and3A_514 = arith.andi %squeeze3A_512, %and3A_513 : i32
    %dma_start3A_515 = arith.constant 25 : i32
    %dma_start3A_516 = arith.constant 0 : i32
    %dma_start3A_517 = arith.constant 0 : i32
    %dma_start3A_518 = tpu.memref_slice %arg6[%dma_start3A_515, %dma_start3A_516, %dma_start3A_517] : memref<32x8x128xf32, #tpu.memory_space<vmem>> -> memref<1x8x128xf32, #tpu.memory_space<vmem>>
    %dma_start3A_519 = tpu.memref_squeeze %dma_start3A_518 : memref<1x8x128xf32, #tpu.memory_space<vmem>> -> memref<8x128xf32, #tpu.memory_space<vmem>>
    %dma_start3A_520 = tpu.memref_slice %arg3[%multiple_of3A_510, %multiple_of3A] : memref<100000x1024xf32, #tpu.memory_space<hbm>> -> memref<8x128xf32, #tpu.memory_space<hbm>>
    %dma_start3A_521 = arith.constant 0 : i32
    %dma_start3A_522 = arith.constant 0 : i32
    %dma_start3A_523 = tpu.memref_slice %arg6[%dma_start3A_515, %dma_start3A_521, %dma_start3A_522] : memref<32x8x128xf32, #tpu.memory_space<vmem>> -> memref<1x8x128xf32, #tpu.memory_space<vmem>>
    %dma_start3A_524 = tpu.memref_squeeze %dma_start3A_523 : memref<1x8x128xf32, #tpu.memory_space<vmem>> -> memref<8x128xf32, #tpu.memory_space<vmem>>
    %dma_start3A_525 = tpu.memref_slice %arg3[%multiple_of3A_510, %multiple_of3A] : memref<100000x1024xf32, #tpu.memory_space<hbm>> -> memref<8x128xf32, #tpu.memory_space<hbm>>
    tpu.enqueue_dma source(%dma_start3A_525 : memref<8x128xf32, #tpu.memory_space<hbm>>) target(%dma_start3A_524 : memref<8x128xf32, #tpu.memory_space<vmem>>) target_semaphore(%arg8 : memref<!tpu.dma_semaphore, #tpu.memory_space<semaphore_mem>>)
    %slice3A_526 = vector.extract_strided_slice %get3A_325 {offsets = [10], sizes = [1], strides = [1]} : vector<16xi32> to vector<1xi32>
    %squeeze3A_527 = vector.extract %slice3A_526[0] : i32 from vector<1xi32>
    %and3A_528 = arith.constant -8 : i32
    %and3A_529 = arith.andi %squeeze3A_527, %and3A_528 : i32
    %multiple_of3A_530 = tpu.assume_multiple %and3A_529, 8 : i32
    %slice3A_531 = vector.extract_strided_slice %get3A_325 {offsets = [10], sizes = [1], strides = [1]} : vector<16xi32> to vector<1xi32>
    %squeeze3A_532 = vector.extract %slice3A_531[0] : i32 from vector<1xi32>
    %and3A_533 = arith.constant 7 : i32
    %and3A_534 = arith.andi %squeeze3A_532, %and3A_533 : i32
    %dma_start3A_535 = arith.constant 26 : i32
    %dma_start3A_536 = arith.constant 0 : i32
    %dma_start3A_537 = arith.constant 0 : i32
    %dma_start3A_538 = tpu.memref_slice %arg6[%dma_start3A_535, %dma_start3A_536, %dma_start3A_537] : memref<32x8x128xf32, #tpu.memory_space<vmem>> -> memref<1x8x128xf32, #tpu.memory_space<vmem>>
    %dma_start3A_539 = tpu.memref_squeeze %dma_start3A_538 : memref<1x8x128xf32, #tpu.memory_space<vmem>> -> memref<8x128xf32, #tpu.memory_space<vmem>>
    %dma_start3A_540 = tpu.memref_slice %arg3[%multiple_of3A_530, %multiple_of3A] : memref<100000x1024xf32, #tpu.memory_space<hbm>> -> memref<8x128xf32, #tpu.memory_space<hbm>>
    %dma_start3A_541 = arith.constant 0 : i32
    %dma_start3A_542 = arith.constant 0 : i32
    %dma_start3A_543 = tpu.memref_slice %arg6[%dma_start3A_535, %dma_start3A_541, %dma_start3A_542] : memref<32x8x128xf32, #tpu.memory_space<vmem>> -> memref<1x8x128xf32, #tpu.memory_space<vmem>>
    %dma_start3A_544 = tpu.memref_squeeze %dma_start3A_543 : memref<1x8x128xf32, #tpu.memory_space<vmem>> -> memref<8x128xf32, #tpu.memory_space<vmem>>
    %dma_start3A_545 = tpu.memref_slice %arg3[%multiple_of3A_530, %multiple_of3A] : memref<100000x1024xf32, #tpu.memory_space<hbm>> -> memref<8x128xf32, #tpu.memory_space<hbm>>
    tpu.enqueue_dma source(%dma_start3A_545 : memref<8x128xf32, #tpu.memory_space<hbm>>) target(%dma_start3A_544 : memref<8x128xf32, #tpu.memory_space<vmem>>) target_semaphore(%arg8 : memref<!tpu.dma_semaphore, #tpu.memory_space<semaphore_mem>>)
    %slice3A_546 = vector.extract_strided_slice %get3A_325 {offsets = [11], sizes = [1], strides = [1]} : vector<16xi32> to vector<1xi32>
    %squeeze3A_547 = vector.extract %slice3A_546[0] : i32 from vector<1xi32>
    %and3A_548 = arith.constant -8 : i32
    %and3A_549 = arith.andi %squeeze3A_547, %and3A_548 : i32
    %multiple_of3A_550 = tpu.assume_multiple %and3A_549, 8 : i32
    %slice3A_551 = vector.extract_strided_slice %get3A_325 {offsets = [11], sizes = [1], strides = [1]} : vector<16xi32> to vector<1xi32>
    %squeeze3A_552 = vector.extract %slice3A_551[0] : i32 from vector<1xi32>
    %and3A_553 = arith.constant 7 : i32
    %and3A_554 = arith.andi %squeeze3A_552, %and3A_553 : i32
    %dma_start3A_555 = arith.constant 27 : i32
    %dma_start3A_556 = arith.constant 0 : i32
    %dma_start3A_557 = arith.constant 0 : i32
    %dma_start3A_558 = tpu.memref_slice %arg6[%dma_start3A_555, %dma_start3A_556, %dma_start3A_557] : memref<32x8x128xf32, #tpu.memory_space<vmem>> -> memref<1x8x128xf32, #tpu.memory_space<vmem>>
    %dma_start3A_559 = tpu.memref_squeeze %dma_start3A_558 : memref<1x8x128xf32, #tpu.memory_space<vmem>> -> memref<8x128xf32, #tpu.memory_space<vmem>>
    %dma_start3A_560 = tpu.memref_slice %arg3[%multiple_of3A_550, %multiple_of3A] : memref<100000x1024xf32, #tpu.memory_space<hbm>> -> memref<8x128xf32, #tpu.memory_space<hbm>>
    %dma_start3A_561 = arith.constant 0 : i32
    %dma_start3A_562 = arith.constant 0 : i32
    %dma_start3A_563 = tpu.memref_slice %arg6[%dma_start3A_555, %dma_start3A_561, %dma_start3A_562] : memref<32x8x128xf32, #tpu.memory_space<vmem>> -> memref<1x8x128xf32, #tpu.memory_space<vmem>>
    %dma_start3A_564 = tpu.memref_squeeze %dma_start3A_563 : memref<1x8x128xf32, #tpu.memory_space<vmem>> -> memref<8x128xf32, #tpu.memory_space<vmem>>
    %dma_start3A_565 = tpu.memref_slice %arg3[%multiple_of3A_550, %multiple_of3A] : memref<100000x1024xf32, #tpu.memory_space<hbm>> -> memref<8x128xf32, #tpu.memory_space<hbm>>
    tpu.enqueue_dma source(%dma_start3A_565 : memref<8x128xf32, #tpu.memory_space<hbm>>) target(%dma_start3A_564 : memref<8x128xf32, #tpu.memory_space<vmem>>) target_semaphore(%arg8 : memref<!tpu.dma_semaphore, #tpu.memory_space<semaphore_mem>>)
    %slice3A_566 = vector.extract_strided_slice %get3A_325 {offsets = [12], sizes = [1], strides = [1]} : vector<16xi32> to vector<1xi32>
    %squeeze3A_567 = vector.extract %slice3A_566[0] : i32 from vector<1xi32>
    %and3A_568 = arith.constant -8 : i32
    %and3A_569 = arith.andi %squeeze3A_567, %and3A_568 : i32
    %multiple_of3A_570 = tpu.assume_multiple %and3A_569, 8 : i32
    %slice3A_571 = vector.extract_strided_slice %get3A_325 {offsets = [12], sizes = [1], strides = [1]} : vector<16xi32> to vector<1xi32>
    %squeeze3A_572 = vector.extract %slice3A_571[0] : i32 from vector<1xi32>
    %and3A_573 = arith.constant 7 : i32
    %and3A_574 = arith.andi %squeeze3A_572, %and3A_573 : i32
    %dma_start3A_575 = arith.constant 28 : i32
    %dma_start3A_576 = arith.constant 0 : i32
    %dma_start3A_577 = arith.constant 0 : i32
    %dma_start3A_578 = tpu.memref_slice %arg6[%dma_start3A_575, %dma_start3A_576, %dma_start3A_577] : memref<32x8x128xf32, #tpu.memory_space<vmem>> -> memref<1x8x128xf32, #tpu.memory_space<vmem>>
    %dma_start3A_579 = tpu.memref_squeeze %dma_start3A_578 : memref<1x8x128xf32, #tpu.memory_space<vmem>> -> memref<8x128xf32, #tpu.memory_space<vmem>>
    %dma_start3A_580 = tpu.memref_slice %arg3[%multiple_of3A_570, %multiple_of3A] : memref<100000x1024xf32, #tpu.memory_space<hbm>> -> memref<8x128xf32, #tpu.memory_space<hbm>>
    %dma_start3A_581 = arith.constant 0 : i32
    %dma_start3A_582 = arith.constant 0 : i32
    %dma_start3A_583 = tpu.memref_slice %arg6[%dma_start3A_575, %dma_start3A_581, %dma_start3A_582] : memref<32x8x128xf32, #tpu.memory_space<vmem>> -> memref<1x8x128xf32, #tpu.memory_space<vmem>>
    %dma_start3A_584 = tpu.memref_squeeze %dma_start3A_583 : memref<1x8x128xf32, #tpu.memory_space<vmem>> -> memref<8x128xf32, #tpu.memory_space<vmem>>
    %dma_start3A_585 = tpu.memref_slice %arg3[%multiple_of3A_570, %multiple_of3A] : memref<100000x1024xf32, #tpu.memory_space<hbm>> -> memref<8x128xf32, #tpu.memory_space<hbm>>
    tpu.enqueue_dma source(%dma_start3A_585 : memref<8x128xf32, #tpu.memory_space<hbm>>) target(%dma_start3A_584 : memref<8x128xf32, #tpu.memory_space<vmem>>) target_semaphore(%arg8 : memref<!tpu.dma_semaphore, #tpu.memory_space<semaphore_mem>>)
    %slice3A_586 = vector.extract_strided_slice %get3A_325 {offsets = [13], sizes = [1], strides = [1]} : vector<16xi32> to vector<1xi32>
    %squeeze3A_587 = vector.extract %slice3A_586[0] : i32 from vector<1xi32>
    %and3A_588 = arith.constant -8 : i32
    %and3A_589 = arith.andi %squeeze3A_587, %and3A_588 : i32
    %multiple_of3A_590 = tpu.assume_multiple %and3A_589, 8 : i32
    %slice3A_591 = vector.extract_strided_slice %get3A_325 {offsets = [13], sizes = [1], strides = [1]} : vector<16xi32> to vector<1xi32>
    %squeeze3A_592 = vector.extract %slice3A_591[0] : i32 from vector<1xi32>
    %and3A_593 = arith.constant 7 : i32
    %and3A_594 = arith.andi %squeeze3A_592, %and3A_593 : i32
    %dma_start3A_595 = arith.constant 29 : i32
    %dma_start3A_596 = arith.constant 0 : i32
    %dma_start3A_597 = arith.constant 0 : i32
    %dma_start3A_598 = tpu.memref_slice %arg6[%dma_start3A_595, %dma_start3A_596, %dma_start3A_597] : memref<32x8x128xf32, #tpu.memory_space<vmem>> -> memref<1x8x128xf32, #tpu.memory_space<vmem>>
    %dma_start3A_599 = tpu.memref_squeeze %dma_start3A_598 : memref<1x8x128xf32, #tpu.memory_space<vmem>> -> memref<8x128xf32, #tpu.memory_space<vmem>>
    %dma_start3A_600 = tpu.memref_slice %arg3[%multiple_of3A_590, %multiple_of3A] : memref<100000x1024xf32, #tpu.memory_space<hbm>> -> memref<8x128xf32, #tpu.memory_space<hbm>>
    %dma_start3A_601 = arith.constant 0 : i32
    %dma_start3A_602 = arith.constant 0 : i32
    %dma_start3A_603 = tpu.memref_slice %arg6[%dma_start3A_595, %dma_start3A_601, %dma_start3A_602] : memref<32x8x128xf32, #tpu.memory_space<vmem>> -> memref<1x8x128xf32, #tpu.memory_space<vmem>>
    %dma_start3A_604 = tpu.memref_squeeze %dma_start3A_603 : memref<1x8x128xf32, #tpu.memory_space<vmem>> -> memref<8x128xf32, #tpu.memory_space<vmem>>
    %dma_start3A_605 = tpu.memref_slice %arg3[%multiple_of3A_590, %multiple_of3A] : memref<100000x1024xf32, #tpu.memory_space<hbm>> -> memref<8x128xf32, #tpu.memory_space<hbm>>
    tpu.enqueue_dma source(%dma_start3A_605 : memref<8x128xf32, #tpu.memory_space<hbm>>) target(%dma_start3A_604 : memref<8x128xf32, #tpu.memory_space<vmem>>) target_semaphore(%arg8 : memref<!tpu.dma_semaphore, #tpu.memory_space<semaphore_mem>>)
    %slice3A_606 = vector.extract_strided_slice %get3A_325 {offsets = [14], sizes = [1], strides = [1]} : vector<16xi32> to vector<1xi32>
    %squeeze3A_607 = vector.extract %slice3A_606[0] : i32 from vector<1xi32>
    %and3A_608 = arith.constant -8 : i32
    %and3A_609 = arith.andi %squeeze3A_607, %and3A_608 : i32
    %multiple_of3A_610 = tpu.assume_multiple %and3A_609, 8 : i32
    %slice3A_611 = vector.extract_strided_slice %get3A_325 {offsets = [14], sizes = [1], strides = [1]} : vector<16xi32> to vector<1xi32>
    %squeeze3A_612 = vector.extract %slice3A_611[0] : i32 from vector<1xi32>
    %and3A_613 = arith.constant 7 : i32
    %and3A_614 = arith.andi %squeeze3A_612, %and3A_613 : i32
    %dma_start3A_615 = arith.constant 30 : i32
    %dma_start3A_616 = arith.constant 0 : i32
    %dma_start3A_617 = arith.constant 0 : i32
    %dma_start3A_618 = tpu.memref_slice %arg6[%dma_start3A_615, %dma_start3A_616, %dma_start3A_617] : memref<32x8x128xf32, #tpu.memory_space<vmem>> -> memref<1x8x128xf32, #tpu.memory_space<vmem>>
    %dma_start3A_619 = tpu.memref_squeeze %dma_start3A_618 : memref<1x8x128xf32, #tpu.memory_space<vmem>> -> memref<8x128xf32, #tpu.memory_space<vmem>>
    %dma_start3A_620 = tpu.memref_slice %arg3[%multiple_of3A_610, %multiple_of3A] : memref<100000x1024xf32, #tpu.memory_space<hbm>> -> memref<8x128xf32, #tpu.memory_space<hbm>>
    %dma_start3A_621 = arith.constant 0 : i32
    %dma_start3A_622 = arith.constant 0 : i32
    %dma_start3A_623 = tpu.memref_slice %arg6[%dma_start3A_615, %dma_start3A_621, %dma_start3A_622] : memref<32x8x128xf32, #tpu.memory_space<vmem>> -> memref<1x8x128xf32, #tpu.memory_space<vmem>>
    %dma_start3A_624 = tpu.memref_squeeze %dma_start3A_623 : memref<1x8x128xf32, #tpu.memory_space<vmem>> -> memref<8x128xf32, #tpu.memory_space<vmem>>
    %dma_start3A_625 = tpu.memref_slice %arg3[%multiple_of3A_610, %multiple_of3A] : memref<100000x1024xf32, #tpu.memory_space<hbm>> -> memref<8x128xf32, #tpu.memory_space<hbm>>
    tpu.enqueue_dma source(%dma_start3A_625 : memref<8x128xf32, #tpu.memory_space<hbm>>) target(%dma_start3A_624 : memref<8x128xf32, #tpu.memory_space<vmem>>) target_semaphore(%arg8 : memref<!tpu.dma_semaphore, #tpu.memory_space<semaphore_mem>>)
    %slice3A_626 = vector.extract_strided_slice %get3A_325 {offsets = [15], sizes = [1], strides = [1]} : vector<16xi32> to vector<1xi32>
    %squeeze3A_627 = vector.extract %slice3A_626[0] : i32 from vector<1xi32>
    %and3A_628 = arith.constant -8 : i32
    %and3A_629 = arith.andi %squeeze3A_627, %and3A_628 : i32
    %multiple_of3A_630 = tpu.assume_multiple %and3A_629, 8 : i32
    %slice3A_631 = vector.extract_strided_slice %get3A_325 {offsets = [15], sizes = [1], strides = [1]} : vector<16xi32> to vector<1xi32>
    %squeeze3A_632 = vector.extract %slice3A_631[0] : i32 from vector<1xi32>
    %and3A_633 = arith.constant 7 : i32
    %and3A_634 = arith.andi %squeeze3A_632, %and3A_633 : i32
    %dma_start3A_635 = arith.constant 31 : i32
    %dma_start3A_636 = arith.constant 0 : i32
    %dma_start3A_637 = arith.constant 0 : i32
    %dma_start3A_638 = tpu.memref_slice %arg6[%dma_start3A_635, %dma_start3A_636, %dma_start3A_637] : memref<32x8x128xf32, #tpu.memory_space<vmem>> -> memref<1x8x128xf32, #tpu.memory_space<vmem>>
    %dma_start3A_639 = tpu.memref_squeeze %dma_start3A_638 : memref<1x8x128xf32, #tpu.memory_space<vmem>> -> memref<8x128xf32, #tpu.memory_space<vmem>>
    %dma_start3A_640 = tpu.memref_slice %arg3[%multiple_of3A_630, %multiple_of3A] : memref<100000x1024xf32, #tpu.memory_space<hbm>> -> memref<8x128xf32, #tpu.memory_space<hbm>>
    %dma_start3A_641 = arith.constant 0 : i32
    %dma_start3A_642 = arith.constant 0 : i32
    %dma_start3A_643 = tpu.memref_slice %arg6[%dma_start3A_635, %dma_start3A_641, %dma_start3A_642] : memref<32x8x128xf32, #tpu.memory_space<vmem>> -> memref<1x8x128xf32, #tpu.memory_space<vmem>>
    %dma_start3A_644 = tpu.memref_squeeze %dma_start3A_643 : memref<1x8x128xf32, #tpu.memory_space<vmem>> -> memref<8x128xf32, #tpu.memory_space<vmem>>
    %dma_start3A_645 = tpu.memref_slice %arg3[%multiple_of3A_630, %multiple_of3A] : memref<100000x1024xf32, #tpu.memory_space<hbm>> -> memref<8x128xf32, #tpu.memory_space<hbm>>
    tpu.enqueue_dma source(%dma_start3A_645 : memref<8x128xf32, #tpu.memory_space<hbm>>) target(%dma_start3A_644 : memref<8x128xf32, #tpu.memory_space<vmem>>) target_semaphore(%arg8 : memref<!tpu.dma_semaphore, #tpu.memory_space<semaphore_mem>>)
    %dma_wait3A = arith.constant 0 : i32
    %dma_wait3A_646 = arith.constant 0 : i32
    %dma_wait3A_647 = arith.constant 0 : i32
    %dma_wait3A_648 = tpu.memref_slice %arg6[%dma_wait3A, %dma_wait3A_646, %dma_wait3A_647] : memref<32x8x128xf32, #tpu.memory_space<vmem>> -> memref<1x8x128xf32, #tpu.memory_space<vmem>>
    %dma_wait3A_649 = tpu.memref_squeeze %dma_wait3A_648 : memref<1x8x128xf32, #tpu.memory_space<vmem>> -> memref<8x128xf32, #tpu.memory_space<vmem>>
    %dma_wait3A_650 = tpu.memref_slice %arg3[%multiple_of3A_8, %multiple_of3A] : memref<100000x1024xf32, #tpu.memory_space<hbm>> -> memref<8x128xf32, #tpu.memory_space<hbm>>
    %dma_wait3A_651 = arith.constant 0 : i32
    %dma_wait3A_652 = arith.constant 0 : i32
    %dma_wait3A_653 = tpu.memref_slice %arg6[%dma_wait3A, %dma_wait3A_651, %dma_wait3A_652] : memref<32x8x128xf32, #tpu.memory_space<vmem>> -> memref<1x8x128xf32, #tpu.memory_space<vmem>>
    %dma_wait3A_654 = tpu.memref_squeeze %dma_wait3A_653 : memref<1x8x128xf32, #tpu.memory_space<vmem>> -> memref<8x128xf32, #tpu.memory_space<vmem>>
    %dma_wait3A_655 = tpu.memref_slice %arg3[%multiple_of3A_8, %multiple_of3A] : memref<100000x1024xf32, #tpu.memory_space<hbm>> -> memref<8x128xf32, #tpu.memory_space<hbm>>
    tpu.wait_dma2 semaphore(%arg8 : memref<!tpu.dma_semaphore, #tpu.memory_space<semaphore_mem>>) src(%dma_wait3A_655 : memref<8x128xf32, #tpu.memory_space<hbm>>) dst(%dma_wait3A_654 : memref<8x128xf32, #tpu.memory_space<vmem>>)
    %dma_wait3A_656 = arith.constant 1 : i32
    %dma_wait3A_657 = arith.constant 0 : i32
    %dma_wait3A_658 = arith.constant 0 : i32
    %dma_wait3A_659 = tpu.memref_slice %arg6[%dma_wait3A_656, %dma_wait3A_657, %dma_wait3A_658] : memref<32x8x128xf32, #tpu.memory_space<vmem>> -> memref<1x8x128xf32, #tpu.memory_space<vmem>>
    %dma_wait3A_660 = tpu.memref_squeeze %dma_wait3A_659 : memref<1x8x128xf32, #tpu.memory_space<vmem>> -> memref<8x128xf32, #tpu.memory_space<vmem>>
    %dma_wait3A_661 = tpu.memref_slice %arg3[%multiple_of3A_27, %multiple_of3A] : memref<100000x1024xf32, #tpu.memory_space<hbm>> -> memref<8x128xf32, #tpu.memory_space<hbm>>
    %dma_wait3A_662 = arith.constant 0 : i32
    %dma_wait3A_663 = arith.constant 0 : i32
    %dma_wait3A_664 = tpu.memref_slice %arg6[%dma_wait3A_656, %dma_wait3A_662, %dma_wait3A_663] : memref<32x8x128xf32, #tpu.memory_space<vmem>> -> memref<1x8x128xf32, #tpu.memory_space<vmem>>
    %dma_wait3A_665 = tpu.memref_squeeze %dma_wait3A_664 : memref<1x8x128xf32, #tpu.memory_space<vmem>> -> memref<8x128xf32, #tpu.memory_space<vmem>>
    %dma_wait3A_666 = tpu.memref_slice %arg3[%multiple_of3A_27, %multiple_of3A] : memref<100000x1024xf32, #tpu.memory_space<hbm>> -> memref<8x128xf32, #tpu.memory_space<hbm>>
    tpu.wait_dma2 semaphore(%arg8 : memref<!tpu.dma_semaphore, #tpu.memory_space<semaphore_mem>>) src(%dma_wait3A_666 : memref<8x128xf32, #tpu.memory_space<hbm>>) dst(%dma_wait3A_665 : memref<8x128xf32, #tpu.memory_space<vmem>>)
    %dma_wait3A_667 = arith.constant 2 : i32
    %dma_wait3A_668 = arith.constant 0 : i32
    %dma_wait3A_669 = arith.constant 0 : i32
    %dma_wait3A_670 = tpu.memref_slice %arg6[%dma_wait3A_667, %dma_wait3A_668, %dma_wait3A_669] : memref<32x8x128xf32, #tpu.memory_space<vmem>> -> memref<1x8x128xf32, #tpu.memory_space<vmem>>
    %dma_wait3A_671 = tpu.memref_squeeze %dma_wait3A_670 : memref<1x8x128xf32, #tpu.memory_space<vmem>> -> memref<8x128xf32, #tpu.memory_space<vmem>>
    %dma_wait3A_672 = tpu.memref_slice %arg3[%multiple_of3A_47, %multiple_of3A] : memref<100000x1024xf32, #tpu.memory_space<hbm>> -> memref<8x128xf32, #tpu.memory_space<hbm>>
    %dma_wait3A_673 = arith.constant 0 : i32
    %dma_wait3A_674 = arith.constant 0 : i32
    %dma_wait3A_675 = tpu.memref_slice %arg6[%dma_wait3A_667, %dma_wait3A_673, %dma_wait3A_674] : memref<32x8x128xf32, #tpu.memory_space<vmem>> -> memref<1x8x128xf32, #tpu.memory_space<vmem>>
    %dma_wait3A_676 = tpu.memref_squeeze %dma_wait3A_675 : memref<1x8x128xf32, #tpu.memory_space<vmem>> -> memref<8x128xf32, #tpu.memory_space<vmem>>
    %dma_wait3A_677 = tpu.memref_slice %arg3[%multiple_of3A_47, %multiple_of3A] : memref<100000x1024xf32, #tpu.memory_space<hbm>> -> memref<8x128xf32, #tpu.memory_space<hbm>>
    tpu.wait_dma2 semaphore(%arg8 : memref<!tpu.dma_semaphore, #tpu.memory_space<semaphore_mem>>) src(%dma_wait3A_677 : memref<8x128xf32, #tpu.memory_space<hbm>>) dst(%dma_wait3A_676 : memref<8x128xf32, #tpu.memory_space<vmem>>)
    %dma_wait3A_678 = arith.constant 3 : i32
    %dma_wait3A_679 = arith.constant 0 : i32
    %dma_wait3A_680 = arith.constant 0 : i32
    %dma_wait3A_681 = tpu.memref_slice %arg6[%dma_wait3A_678, %dma_wait3A_679, %dma_wait3A_680] : memref<32x8x128xf32, #tpu.memory_space<vmem>> -> memref<1x8x128xf32, #tpu.memory_space<vmem>>
    %dma_wait3A_682 = tpu.memref_squeeze %dma_wait3A_681 : memref<1x8x128xf32, #tpu.memory_space<vmem>> -> memref<8x128xf32, #tpu.memory_space<vmem>>
    %dma_wait3A_683 = tpu.memref_slice %arg3[%multiple_of3A_67, %multiple_of3A] : memref<100000x1024xf32, #tpu.memory_space<hbm>> -> memref<8x128xf32, #tpu.memory_space<hbm>>
    %dma_wait3A_684 = arith.constant 0 : i32
    %dma_wait3A_685 = arith.constant 0 : i32
    %dma_wait3A_686 = tpu.memref_slice %arg6[%dma_wait3A_678, %dma_wait3A_684, %dma_wait3A_685] : memref<32x8x128xf32, #tpu.memory_space<vmem>> -> memref<1x8x128xf32, #tpu.memory_space<vmem>>
    %dma_wait3A_687 = tpu.memref_squeeze %dma_wait3A_686 : memref<1x8x128xf32, #tpu.memory_space<vmem>> -> memref<8x128xf32, #tpu.memory_space<vmem>>
    %dma_wait3A_688 = tpu.memref_slice %arg3[%multiple_of3A_67, %multiple_of3A] : memref<100000x1024xf32, #tpu.memory_space<hbm>> -> memref<8x128xf32, #tpu.memory_space<hbm>>
    tpu.wait_dma2 semaphore(%arg8 : memref<!tpu.dma_semaphore, #tpu.memory_space<semaphore_mem>>) src(%dma_wait3A_688 : memref<8x128xf32, #tpu.memory_space<hbm>>) dst(%dma_wait3A_687 : memref<8x128xf32, #tpu.memory_space<vmem>>)
    %dma_wait3A_689 = arith.constant 4 : i32
    %dma_wait3A_690 = arith.constant 0 : i32
    %dma_wait3A_691 = arith.constant 0 : i32
    %dma_wait3A_692 = tpu.memref_slice %arg6[%dma_wait3A_689, %dma_wait3A_690, %dma_wait3A_691] : memref<32x8x128xf32, #tpu.memory_space<vmem>> -> memref<1x8x128xf32, #tpu.memory_space<vmem>>
    %dma_wait3A_693 = tpu.memref_squeeze %dma_wait3A_692 : memref<1x8x128xf32, #tpu.memory_space<vmem>> -> memref<8x128xf32, #tpu.memory_space<vmem>>
    %dma_wait3A_694 = tpu.memref_slice %arg3[%multiple_of3A_87, %multiple_of3A] : memref<100000x1024xf32, #tpu.memory_space<hbm>> -> memref<8x128xf32, #tpu.memory_space<hbm>>
    %dma_wait3A_695 = arith.constant 0 : i32
    %dma_wait3A_696 = arith.constant 0 : i32
    %dma_wait3A_697 = tpu.memref_slice %arg6[%dma_wait3A_689, %dma_wait3A_695, %dma_wait3A_696] : memref<32x8x128xf32, #tpu.memory_space<vmem>> -> memref<1x8x128xf32, #tpu.memory_space<vmem>>
    %dma_wait3A_698 = tpu.memref_squeeze %dma_wait3A_697 : memref<1x8x128xf32, #tpu.memory_space<vmem>> -> memref<8x128xf32, #tpu.memory_space<vmem>>
    %dma_wait3A_699 = tpu.memref_slice %arg3[%multiple_of3A_87, %multiple_of3A] : memref<100000x1024xf32, #tpu.memory_space<hbm>> -> memref<8x128xf32, #tpu.memory_space<hbm>>
    tpu.wait_dma2 semaphore(%arg8 : memref<!tpu.dma_semaphore, #tpu.memory_space<semaphore_mem>>) src(%dma_wait3A_699 : memref<8x128xf32, #tpu.memory_space<hbm>>) dst(%dma_wait3A_698 : memref<8x128xf32, #tpu.memory_space<vmem>>)
    %dma_wait3A_700 = arith.constant 5 : i32
    %dma_wait3A_701 = arith.constant 0 : i32
    %dma_wait3A_702 = arith.constant 0 : i32
    %dma_wait3A_703 = tpu.memref_slice %arg6[%dma_wait3A_700, %dma_wait3A_701, %dma_wait3A_702] : memref<32x8x128xf32, #tpu.memory_space<vmem>> -> memref<1x8x128xf32, #tpu.memory_space<vmem>>
    %dma_wait3A_704 = tpu.memref_squeeze %dma_wait3A_703 : memref<1x8x128xf32, #tpu.memory_space<vmem>> -> memref<8x128xf32, #tpu.memory_space<vmem>>
    %dma_wait3A_705 = tpu.memref_slice %arg3[%multiple_of3A_107, %multiple_of3A] : memref<100000x1024xf32, #tpu.memory_space<hbm>> -> memref<8x128xf32, #tpu.memory_space<hbm>>
    %dma_wait3A_706 = arith.constant 0 : i32
    %dma_wait3A_707 = arith.constant 0 : i32
    %dma_wait3A_708 = tpu.memref_slice %arg6[%dma_wait3A_700, %dma_wait3A_706, %dma_wait3A_707] : memref<32x8x128xf32, #tpu.memory_space<vmem>> -> memref<1x8x128xf32, #tpu.memory_space<vmem>>
    %dma_wait3A_709 = tpu.memref_squeeze %dma_wait3A_708 : memref<1x8x128xf32, #tpu.memory_space<vmem>> -> memref<8x128xf32, #tpu.memory_space<vmem>>
    %dma_wait3A_710 = tpu.memref_slice %arg3[%multiple_of3A_107, %multiple_of3A] : memref<100000x1024xf32, #tpu.memory_space<hbm>> -> memref<8x128xf32, #tpu.memory_space<hbm>>
    tpu.wait_dma2 semaphore(%arg8 : memref<!tpu.dma_semaphore, #tpu.memory_space<semaphore_mem>>) src(%dma_wait3A_710 : memref<8x128xf32, #tpu.memory_space<hbm>>) dst(%dma_wait3A_709 : memref<8x128xf32, #tpu.memory_space<vmem>>)
    %dma_wait3A_711 = arith.constant 6 : i32
    %dma_wait3A_712 = arith.constant 0 : i32
    %dma_wait3A_713 = arith.constant 0 : i32
    %dma_wait3A_714 = tpu.memref_slice %arg6[%dma_wait3A_711, %dma_wait3A_712, %dma_wait3A_713] : memref<32x8x128xf32, #tpu.memory_space<vmem>> -> memref<1x8x128xf32, #tpu.memory_space<vmem>>
    %dma_wait3A_715 = tpu.memref_squeeze %dma_wait3A_714 : memref<1x8x128xf32, #tpu.memory_space<vmem>> -> memref<8x128xf32, #tpu.memory_space<vmem>>
    %dma_wait3A_716 = tpu.memref_slice %arg3[%multiple_of3A_127, %multiple_of3A] : memref<100000x1024xf32, #tpu.memory_space<hbm>> -> memref<8x128xf32, #tpu.memory_space<hbm>>
    %dma_wait3A_717 = arith.constant 0 : i32
    %dma_wait3A_718 = arith.constant 0 : i32
    %dma_wait3A_719 = tpu.memref_slice %arg6[%dma_wait3A_711, %dma_wait3A_717, %dma_wait3A_718] : memref<32x8x128xf32, #tpu.memory_space<vmem>> -> memref<1x8x128xf32, #tpu.memory_space<vmem>>
    %dma_wait3A_720 = tpu.memref_squeeze %dma_wait3A_719 : memref<1x8x128xf32, #tpu.memory_space<vmem>> -> memref<8x128xf32, #tpu.memory_space<vmem>>
    %dma_wait3A_721 = tpu.memref_slice %arg3[%multiple_of3A_127, %multiple_of3A] : memref<100000x1024xf32, #tpu.memory_space<hbm>> -> memref<8x128xf32, #tpu.memory_space<hbm>>
    tpu.wait_dma2 semaphore(%arg8 : memref<!tpu.dma_semaphore, #tpu.memory_space<semaphore_mem>>) src(%dma_wait3A_721 : memref<8x128xf32, #tpu.memory_space<hbm>>) dst(%dma_wait3A_720 : memref<8x128xf32, #tpu.memory_space<vmem>>)
    %dma_wait3A_722 = arith.constant 7 : i32
    %dma_wait3A_723 = arith.constant 0 : i32
    %dma_wait3A_724 = arith.constant 0 : i32
    %dma_wait3A_725 = tpu.memref_slice %arg6[%dma_wait3A_722, %dma_wait3A_723, %dma_wait3A_724] : memref<32x8x128xf32, #tpu.memory_space<vmem>> -> memref<1x8x128xf32, #tpu.memory_space<vmem>>
    %dma_wait3A_726 = tpu.memref_squeeze %dma_wait3A_725 : memref<1x8x128xf32, #tpu.memory_space<vmem>> -> memref<8x128xf32, #tpu.memory_space<vmem>>
    %dma_wait3A_727 = tpu.memref_slice %arg3[%multiple_of3A_147, %multiple_of3A] : memref<100000x1024xf32, #tpu.memory_space<hbm>> -> memref<8x128xf32, #tpu.memory_space<hbm>>
    %dma_wait3A_728 = arith.constant 0 : i32
    %dma_wait3A_729 = arith.constant 0 : i32
    %dma_wait3A_730 = tpu.memref_slice %arg6[%dma_wait3A_722, %dma_wait3A_728, %dma_wait3A_729] : memref<32x8x128xf32, #tpu.memory_space<vmem>> -> memref<1x8x128xf32, #tpu.memory_space<vmem>>
    %dma_wait3A_731 = tpu.memref_squeeze %dma_wait3A_730 : memref<1x8x128xf32, #tpu.memory_space<vmem>> -> memref<8x128xf32, #tpu.memory_space<vmem>>
    %dma_wait3A_732 = tpu.memref_slice %arg3[%multiple_of3A_147, %multiple_of3A] : memref<100000x1024xf32, #tpu.memory_space<hbm>> -> memref<8x128xf32, #tpu.memory_space<hbm>>
    tpu.wait_dma2 semaphore(%arg8 : memref<!tpu.dma_semaphore, #tpu.memory_space<semaphore_mem>>) src(%dma_wait3A_732 : memref<8x128xf32, #tpu.memory_space<hbm>>) dst(%dma_wait3A_731 : memref<8x128xf32, #tpu.memory_space<vmem>>)
    %dma_wait3A_733 = arith.constant 8 : i32
    %dma_wait3A_734 = arith.constant 0 : i32
    %dma_wait3A_735 = arith.constant 0 : i32
    %dma_wait3A_736 = tpu.memref_slice %arg6[%dma_wait3A_733, %dma_wait3A_734, %dma_wait3A_735] : memref<32x8x128xf32, #tpu.memory_space<vmem>> -> memref<1x8x128xf32, #tpu.memory_space<vmem>>
    %dma_wait3A_737 = tpu.memref_squeeze %dma_wait3A_736 : memref<1x8x128xf32, #tpu.memory_space<vmem>> -> memref<8x128xf32, #tpu.memory_space<vmem>>
    %dma_wait3A_738 = tpu.memref_slice %arg3[%multiple_of3A_167, %multiple_of3A] : memref<100000x1024xf32, #tpu.memory_space<hbm>> -> memref<8x128xf32, #tpu.memory_space<hbm>>
    %dma_wait3A_739 = arith.constant 0 : i32
    %dma_wait3A_740 = arith.constant 0 : i32
    %dma_wait3A_741 = tpu.memref_slice %arg6[%dma_wait3A_733, %dma_wait3A_739, %dma_wait3A_740] : memref<32x8x128xf32, #tpu.memory_space<vmem>> -> memref<1x8x128xf32, #tpu.memory_space<vmem>>
    %dma_wait3A_742 = tpu.memref_squeeze %dma_wait3A_741 : memref<1x8x128xf32, #tpu.memory_space<vmem>> -> memref<8x128xf32, #tpu.memory_space<vmem>>
    %dma_wait3A_743 = tpu.memref_slice %arg3[%multiple_of3A_167, %multiple_of3A] : memref<100000x1024xf32, #tpu.memory_space<hbm>> -> memref<8x128xf32, #tpu.memory_space<hbm>>
    tpu.wait_dma2 semaphore(%arg8 : memref<!tpu.dma_semaphore, #tpu.memory_space<semaphore_mem>>) src(%dma_wait3A_743 : memref<8x128xf32, #tpu.memory_space<hbm>>) dst(%dma_wait3A_742 : memref<8x128xf32, #tpu.memory_space<vmem>>)
    %dma_wait3A_744 = arith.constant 9 : i32
    %dma_wait3A_745 = arith.constant 0 : i32
    %dma_wait3A_746 = arith.constant 0 : i32
    %dma_wait3A_747 = tpu.memref_slice %arg6[%dma_wait3A_744, %dma_wait3A_745, %dma_wait3A_746] : memref<32x8x128xf32, #tpu.memory_space<vmem>> -> memref<1x8x128xf32, #tpu.memory_space<vmem>>
    %dma_wait3A_748 = tpu.memref_squeeze %dma_wait3A_747 : memref<1x8x128xf32, #tpu.memory_space<vmem>> -> memref<8x128xf32, #tpu.memory_space<vmem>>
    %dma_wait3A_749 = tpu.memref_slice %arg3[%multiple_of3A_187, %multiple_of3A] : memref<100000x1024xf32, #tpu.memory_space<hbm>> -> memref<8x128xf32, #tpu.memory_space<hbm>>
    %dma_wait3A_750 = arith.constant 0 : i32
    %dma_wait3A_751 = arith.constant 0 : i32
    %dma_wait3A_752 = tpu.memref_slice %arg6[%dma_wait3A_744, %dma_wait3A_750, %dma_wait3A_751] : memref<32x8x128xf32, #tpu.memory_space<vmem>> -> memref<1x8x128xf32, #tpu.memory_space<vmem>>
    %dma_wait3A_753 = tpu.memref_squeeze %dma_wait3A_752 : memref<1x8x128xf32, #tpu.memory_space<vmem>> -> memref<8x128xf32, #tpu.memory_space<vmem>>
    %dma_wait3A_754 = tpu.memref_slice %arg3[%multiple_of3A_187, %multiple_of3A] : memref<100000x1024xf32, #tpu.memory_space<hbm>> -> memref<8x128xf32, #tpu.memory_space<hbm>>
    tpu.wait_dma2 semaphore(%arg8 : memref<!tpu.dma_semaphore, #tpu.memory_space<semaphore_mem>>) src(%dma_wait3A_754 : memref<8x128xf32, #tpu.memory_space<hbm>>) dst(%dma_wait3A_753 : memref<8x128xf32, #tpu.memory_space<vmem>>)
    %dma_wait3A_755 = arith.constant 10 : i32
    %dma_wait3A_756 = arith.constant 0 : i32
    %dma_wait3A_757 = arith.constant 0 : i32
    %dma_wait3A_758 = tpu.memref_slice %arg6[%dma_wait3A_755, %dma_wait3A_756, %dma_wait3A_757] : memref<32x8x128xf32, #tpu.memory_space<vmem>> -> memref<1x8x128xf32, #tpu.memory_space<vmem>>
    %dma_wait3A_759 = tpu.memref_squeeze %dma_wait3A_758 : memref<1x8x128xf32, #tpu.memory_space<vmem>> -> memref<8x128xf32, #tpu.memory_space<vmem>>
    %dma_wait3A_760 = tpu.memref_slice %arg3[%multiple_of3A_207, %multiple_of3A] : memref<100000x1024xf32, #tpu.memory_space<hbm>> -> memref<8x128xf32, #tpu.memory_space<hbm>>
    %dma_wait3A_761 = arith.constant 0 : i32
    %dma_wait3A_762 = arith.constant 0 : i32
    %dma_wait3A_763 = tpu.memref_slice %arg6[%dma_wait3A_755, %dma_wait3A_761, %dma_wait3A_762] : memref<32x8x128xf32, #tpu.memory_space<vmem>> -> memref<1x8x128xf32, #tpu.memory_space<vmem>>
    %dma_wait3A_764 = tpu.memref_squeeze %dma_wait3A_763 : memref<1x8x128xf32, #tpu.memory_space<vmem>> -> memref<8x128xf32, #tpu.memory_space<vmem>>
    %dma_wait3A_765 = tpu.memref_slice %arg3[%multiple_of3A_207, %multiple_of3A] : memref<100000x1024xf32, #tpu.memory_space<hbm>> -> memref<8x128xf32, #tpu.memory_space<hbm>>
    tpu.wait_dma2 semaphore(%arg8 : memref<!tpu.dma_semaphore, #tpu.memory_space<semaphore_mem>>) src(%dma_wait3A_765 : memref<8x128xf32, #tpu.memory_space<hbm>>) dst(%dma_wait3A_764 : memref<8x128xf32, #tpu.memory_space<vmem>>)
    %dma_wait3A_766 = arith.constant 11 : i32
    %dma_wait3A_767 = arith.constant 0 : i32
    %dma_wait3A_768 = arith.constant 0 : i32
    %dma_wait3A_769 = tpu.memref_slice %arg6[%dma_wait3A_766, %dma_wait3A_767, %dma_wait3A_768] : memref<32x8x128xf32, #tpu.memory_space<vmem>> -> memref<1x8x128xf32, #tpu.memory_space<vmem>>
    %dma_wait3A_770 = tpu.memref_squeeze %dma_wait3A_769 : memref<1x8x128xf32, #tpu.memory_space<vmem>> -> memref<8x128xf32, #tpu.memory_space<vmem>>
    %dma_wait3A_771 = tpu.memref_slice %arg3[%multiple_of3A_227, %multiple_of3A] : memref<100000x1024xf32, #tpu.memory_space<hbm>> -> memref<8x128xf32, #tpu.memory_space<hbm>>
    %dma_wait3A_772 = arith.constant 0 : i32
    %dma_wait3A_773 = arith.constant 0 : i32
    %dma_wait3A_774 = tpu.memref_slice %arg6[%dma_wait3A_766, %dma_wait3A_772, %dma_wait3A_773] : memref<32x8x128xf32, #tpu.memory_space<vmem>> -> memref<1x8x128xf32, #tpu.memory_space<vmem>>
    %dma_wait3A_775 = tpu.memref_squeeze %dma_wait3A_774 : memref<1x8x128xf32, #tpu.memory_space<vmem>> -> memref<8x128xf32, #tpu.memory_space<vmem>>
    %dma_wait3A_776 = tpu.memref_slice %arg3[%multiple_of3A_227, %multiple_of3A] : memref<100000x1024xf32, #tpu.memory_space<hbm>> -> memref<8x128xf32, #tpu.memory_space<hbm>>
    tpu.wait_dma2 semaphore(%arg8 : memref<!tpu.dma_semaphore, #tpu.memory_space<semaphore_mem>>) src(%dma_wait3A_776 : memref<8x128xf32, #tpu.memory_space<hbm>>) dst(%dma_wait3A_775 : memref<8x128xf32, #tpu.memory_space<vmem>>)
    %dma_wait3A_777 = arith.constant 12 : i32
    %dma_wait3A_778 = arith.constant 0 : i32
    %dma_wait3A_779 = arith.constant 0 : i32
    %dma_wait3A_780 = tpu.memref_slice %arg6[%dma_wait3A_777, %dma_wait3A_778, %dma_wait3A_779] : memref<32x8x128xf32, #tpu.memory_space<vmem>> -> memref<1x8x128xf32, #tpu.memory_space<vmem>>
    %dma_wait3A_781 = tpu.memref_squeeze %dma_wait3A_780 : memref<1x8x128xf32, #tpu.memory_space<vmem>> -> memref<8x128xf32, #tpu.memory_space<vmem>>
    %dma_wait3A_782 = tpu.memref_slice %arg3[%multiple_of3A_247, %multiple_of3A] : memref<100000x1024xf32, #tpu.memory_space<hbm>> -> memref<8x128xf32, #tpu.memory_space<hbm>>
    %dma_wait3A_783 = arith.constant 0 : i32
    %dma_wait3A_784 = arith.constant 0 : i32
    %dma_wait3A_785 = tpu.memref_slice %arg6[%dma_wait3A_777, %dma_wait3A_783, %dma_wait3A_784] : memref<32x8x128xf32, #tpu.memory_space<vmem>> -> memref<1x8x128xf32, #tpu.memory_space<vmem>>
    %dma_wait3A_786 = tpu.memref_squeeze %dma_wait3A_785 : memref<1x8x128xf32, #tpu.memory_space<vmem>> -> memref<8x128xf32, #tpu.memory_space<vmem>>
    %dma_wait3A_787 = tpu.memref_slice %arg3[%multiple_of3A_247, %multiple_of3A] : memref<100000x1024xf32, #tpu.memory_space<hbm>> -> memref<8x128xf32, #tpu.memory_space<hbm>>
    tpu.wait_dma2 semaphore(%arg8 : memref<!tpu.dma_semaphore, #tpu.memory_space<semaphore_mem>>) src(%dma_wait3A_787 : memref<8x128xf32, #tpu.memory_space<hbm>>) dst(%dma_wait3A_786 : memref<8x128xf32, #tpu.memory_space<vmem>>)
    %dma_wait3A_788 = arith.constant 13 : i32
    %dma_wait3A_789 = arith.constant 0 : i32
    %dma_wait3A_790 = arith.constant 0 : i32
    %dma_wait3A_791 = tpu.memref_slice %arg6[%dma_wait3A_788, %dma_wait3A_789, %dma_wait3A_790] : memref<32x8x128xf32, #tpu.memory_space<vmem>> -> memref<1x8x128xf32, #tpu.memory_space<vmem>>
    %dma_wait3A_792 = tpu.memref_squeeze %dma_wait3A_791 : memref<1x8x128xf32, #tpu.memory_space<vmem>> -> memref<8x128xf32, #tpu.memory_space<vmem>>
    %dma_wait3A_793 = tpu.memref_slice %arg3[%multiple_of3A_267, %multiple_of3A] : memref<100000x1024xf32, #tpu.memory_space<hbm>> -> memref<8x128xf32, #tpu.memory_space<hbm>>
    %dma_wait3A_794 = arith.constant 0 : i32
    %dma_wait3A_795 = arith.constant 0 : i32
    %dma_wait3A_796 = tpu.memref_slice %arg6[%dma_wait3A_788, %dma_wait3A_794, %dma_wait3A_795] : memref<32x8x128xf32, #tpu.memory_space<vmem>> -> memref<1x8x128xf32, #tpu.memory_space<vmem>>
    %dma_wait3A_797 = tpu.memref_squeeze %dma_wait3A_796 : memref<1x8x128xf32, #tpu.memory_space<vmem>> -> memref<8x128xf32, #tpu.memory_space<vmem>>
    %dma_wait3A_798 = tpu.memref_slice %arg3[%multiple_of3A_267, %multiple_of3A] : memref<100000x1024xf32, #tpu.memory_space<hbm>> -> memref<8x128xf32, #tpu.memory_space<hbm>>
    tpu.wait_dma2 semaphore(%arg8 : memref<!tpu.dma_semaphore, #tpu.memory_space<semaphore_mem>>) src(%dma_wait3A_798 : memref<8x128xf32, #tpu.memory_space<hbm>>) dst(%dma_wait3A_797 : memref<8x128xf32, #tpu.memory_space<vmem>>)
    %dma_wait3A_799 = arith.constant 14 : i32
    %dma_wait3A_800 = arith.constant 0 : i32
    %dma_wait3A_801 = arith.constant 0 : i32
    %dma_wait3A_802 = tpu.memref_slice %arg6[%dma_wait3A_799, %dma_wait3A_800, %dma_wait3A_801] : memref<32x8x128xf32, #tpu.memory_space<vmem>> -> memref<1x8x128xf32, #tpu.memory_space<vmem>>
    %dma_wait3A_803 = tpu.memref_squeeze %dma_wait3A_802 : memref<1x8x128xf32, #tpu.memory_space<vmem>> -> memref<8x128xf32, #tpu.memory_space<vmem>>
    %dma_wait3A_804 = tpu.memref_slice %arg3[%multiple_of3A_287, %multiple_of3A] : memref<100000x1024xf32, #tpu.memory_space<hbm>> -> memref<8x128xf32, #tpu.memory_space<hbm>>
    %dma_wait3A_805 = arith.constant 0 : i32
    %dma_wait3A_806 = arith.constant 0 : i32
    %dma_wait3A_807 = tpu.memref_slice %arg6[%dma_wait3A_799, %dma_wait3A_805, %dma_wait3A_806] : memref<32x8x128xf32, #tpu.memory_space<vmem>> -> memref<1x8x128xf32, #tpu.memory_space<vmem>>
    %dma_wait3A_808 = tpu.memref_squeeze %dma_wait3A_807 : memref<1x8x128xf32, #tpu.memory_space<vmem>> -> memref<8x128xf32, #tpu.memory_space<vmem>>
    %dma_wait3A_809 = tpu.memref_slice %arg3[%multiple_of3A_287, %multiple_of3A] : memref<100000x1024xf32, #tpu.memory_space<hbm>> -> memref<8x128xf32, #tpu.memory_space<hbm>>
    tpu.wait_dma2 semaphore(%arg8 : memref<!tpu.dma_semaphore, #tpu.memory_space<semaphore_mem>>) src(%dma_wait3A_809 : memref<8x128xf32, #tpu.memory_space<hbm>>) dst(%dma_wait3A_808 : memref<8x128xf32, #tpu.memory_space<vmem>>)
    %dma_wait3A_810 = arith.constant 15 : i32
    %dma_wait3A_811 = arith.constant 0 : i32
    %dma_wait3A_812 = arith.constant 0 : i32
    %dma_wait3A_813 = tpu.memref_slice %arg6[%dma_wait3A_810, %dma_wait3A_811, %dma_wait3A_812] : memref<32x8x128xf32, #tpu.memory_space<vmem>> -> memref<1x8x128xf32, #tpu.memory_space<vmem>>
    %dma_wait3A_814 = tpu.memref_squeeze %dma_wait3A_813 : memref<1x8x128xf32, #tpu.memory_space<vmem>> -> memref<8x128xf32, #tpu.memory_space<vmem>>
    %dma_wait3A_815 = tpu.memref_slice %arg3[%multiple_of3A_307, %multiple_of3A] : memref<100000x1024xf32, #tpu.memory_space<hbm>> -> memref<8x128xf32, #tpu.memory_space<hbm>>
    %dma_wait3A_816 = arith.constant 0 : i32
    %dma_wait3A_817 = arith.constant 0 : i32
    %dma_wait3A_818 = tpu.memref_slice %arg6[%dma_wait3A_810, %dma_wait3A_816, %dma_wait3A_817] : memref<32x8x128xf32, #tpu.memory_space<vmem>> -> memref<1x8x128xf32, #tpu.memory_space<vmem>>
    %dma_wait3A_819 = tpu.memref_squeeze %dma_wait3A_818 : memref<1x8x128xf32, #tpu.memory_space<vmem>> -> memref<8x128xf32, #tpu.memory_space<vmem>>
    %dma_wait3A_820 = tpu.memref_slice %arg3[%multiple_of3A_307, %multiple_of3A] : memref<100000x1024xf32, #tpu.memory_space<hbm>> -> memref<8x128xf32, #tpu.memory_space<hbm>>
    tpu.wait_dma2 semaphore(%arg8 : memref<!tpu.dma_semaphore, #tpu.memory_space<semaphore_mem>>) src(%dma_wait3A_820 : memref<8x128xf32, #tpu.memory_space<hbm>>) dst(%dma_wait3A_819 : memref<8x128xf32, #tpu.memory_space<vmem>>)
    %dma_wait3A_821 = arith.constant 16 : i32
    %dma_wait3A_822 = arith.constant 0 : i32
    %dma_wait3A_823 = arith.constant 0 : i32
    %dma_wait3A_824 = tpu.memref_slice %arg6[%dma_wait3A_821, %dma_wait3A_822, %dma_wait3A_823] : memref<32x8x128xf32, #tpu.memory_space<vmem>> -> memref<1x8x128xf32, #tpu.memory_space<vmem>>
    %dma_wait3A_825 = tpu.memref_squeeze %dma_wait3A_824 : memref<1x8x128xf32, #tpu.memory_space<vmem>> -> memref<8x128xf32, #tpu.memory_space<vmem>>
    %dma_wait3A_826 = tpu.memref_slice %arg3[%multiple_of3A_330, %multiple_of3A] : memref<100000x1024xf32, #tpu.memory_space<hbm>> -> memref<8x128xf32, #tpu.memory_space<hbm>>
    %dma_wait3A_827 = arith.constant 0 : i32
    %dma_wait3A_828 = arith.constant 0 : i32
    %dma_wait3A_829 = tpu.memref_slice %arg6[%dma_wait3A_821, %dma_wait3A_827, %dma_wait3A_828] : memref<32x8x128xf32, #tpu.memory_space<vmem>> -> memref<1x8x128xf32, #tpu.memory_space<vmem>>
    %dma_wait3A_830 = tpu.memref_squeeze %dma_wait3A_829 : memref<1x8x128xf32, #tpu.memory_space<vmem>> -> memref<8x128xf32, #tpu.memory_space<vmem>>
    %dma_wait3A_831 = tpu.memref_slice %arg3[%multiple_of3A_330, %multiple_of3A] : memref<100000x1024xf32, #tpu.memory_space<hbm>> -> memref<8x128xf32, #tpu.memory_space<hbm>>
    tpu.wait_dma2 semaphore(%arg8 : memref<!tpu.dma_semaphore, #tpu.memory_space<semaphore_mem>>) src(%dma_wait3A_831 : memref<8x128xf32, #tpu.memory_space<hbm>>) dst(%dma_wait3A_830 : memref<8x128xf32, #tpu.memory_space<vmem>>)
    %dma_wait3A_832 = arith.constant 17 : i32
    %dma_wait3A_833 = arith.constant 0 : i32
    %dma_wait3A_834 = arith.constant 0 : i32
    %dma_wait3A_835 = tpu.memref_slice %arg6[%dma_wait3A_832, %dma_wait3A_833, %dma_wait3A_834] : memref<32x8x128xf32, #tpu.memory_space<vmem>> -> memref<1x8x128xf32, #tpu.memory_space<vmem>>
    %dma_wait3A_836 = tpu.memref_squeeze %dma_wait3A_835 : memref<1x8x128xf32, #tpu.memory_space<vmem>> -> memref<8x128xf32, #tpu.memory_space<vmem>>
    %dma_wait3A_837 = tpu.memref_slice %arg3[%multiple_of3A_350, %multiple_of3A] : memref<100000x1024xf32, #tpu.memory_space<hbm>> -> memref<8x128xf32, #tpu.memory_space<hbm>>
    %dma_wait3A_838 = arith.constant 0 : i32
    %dma_wait3A_839 = arith.constant 0 : i32
    %dma_wait3A_840 = tpu.memref_slice %arg6[%dma_wait3A_832, %dma_wait3A_838, %dma_wait3A_839] : memref<32x8x128xf32, #tpu.memory_space<vmem>> -> memref<1x8x128xf32, #tpu.memory_space<vmem>>
    %dma_wait3A_841 = tpu.memref_squeeze %dma_wait3A_840 : memref<1x8x128xf32, #tpu.memory_space<vmem>> -> memref<8x128xf32, #tpu.memory_space<vmem>>
    %dma_wait3A_842 = tpu.memref_slice %arg3[%multiple_of3A_350, %multiple_of3A] : memref<100000x1024xf32, #tpu.memory_space<hbm>> -> memref<8x128xf32, #tpu.memory_space<hbm>>
    tpu.wait_dma2 semaphore(%arg8 : memref<!tpu.dma_semaphore, #tpu.memory_space<semaphore_mem>>) src(%dma_wait3A_842 : memref<8x128xf32, #tpu.memory_space<hbm>>) dst(%dma_wait3A_841 : memref<8x128xf32, #tpu.memory_space<vmem>>)
    %dma_wait3A_843 = arith.constant 18 : i32
    %dma_wait3A_844 = arith.constant 0 : i32
    %dma_wait3A_845 = arith.constant 0 : i32
    %dma_wait3A_846 = tpu.memref_slice %arg6[%dma_wait3A_843, %dma_wait3A_844, %dma_wait3A_845] : memref<32x8x128xf32, #tpu.memory_space<vmem>> -> memref<1x8x128xf32, #tpu.memory_space<vmem>>
    %dma_wait3A_847 = tpu.memref_squeeze %dma_wait3A_846 : memref<1x8x128xf32, #tpu.memory_space<vmem>> -> memref<8x128xf32, #tpu.memory_space<vmem>>
    %dma_wait3A_848 = tpu.memref_slice %arg3[%multiple_of3A_370, %multiple_of3A] : memref<100000x1024xf32, #tpu.memory_space<hbm>> -> memref<8x128xf32, #tpu.memory_space<hbm>>
    %dma_wait3A_849 = arith.constant 0 : i32
    %dma_wait3A_850 = arith.constant 0 : i32
    %dma_wait3A_851 = tpu.memref_slice %arg6[%dma_wait3A_843, %dma_wait3A_849, %dma_wait3A_850] : memref<32x8x128xf32, #tpu.memory_space<vmem>> -> memref<1x8x128xf32, #tpu.memory_space<vmem>>
    %dma_wait3A_852 = tpu.memref_squeeze %dma_wait3A_851 : memref<1x8x128xf32, #tpu.memory_space<vmem>> -> memref<8x128xf32, #tpu.memory_space<vmem>>
    %dma_wait3A_853 = tpu.memref_slice %arg3[%multiple_of3A_370, %multiple_of3A] : memref<100000x1024xf32, #tpu.memory_space<hbm>> -> memref<8x128xf32, #tpu.memory_space<hbm>>
    tpu.wait_dma2 semaphore(%arg8 : memref<!tpu.dma_semaphore, #tpu.memory_space<semaphore_mem>>) src(%dma_wait3A_853 : memref<8x128xf32, #tpu.memory_space<hbm>>) dst(%dma_wait3A_852 : memref<8x128xf32, #tpu.memory_space<vmem>>)
    %dma_wait3A_854 = arith.constant 19 : i32
    %dma_wait3A_855 = arith.constant 0 : i32
    %dma_wait3A_856 = arith.constant 0 : i32
    %dma_wait3A_857 = tpu.memref_slice %arg6[%dma_wait3A_854, %dma_wait3A_855, %dma_wait3A_856] : memref<32x8x128xf32, #tpu.memory_space<vmem>> -> memref<1x8x128xf32, #tpu.memory_space<vmem>>
    %dma_wait3A_858 = tpu.memref_squeeze %dma_wait3A_857 : memref<1x8x128xf32, #tpu.memory_space<vmem>> -> memref<8x128xf32, #tpu.memory_space<vmem>>
    %dma_wait3A_859 = tpu.memref_slice %arg3[%multiple_of3A_390, %multiple_of3A] : memref<100000x1024xf32, #tpu.memory_space<hbm>> -> memref<8x128xf32, #tpu.memory_space<hbm>>
    %dma_wait3A_860 = arith.constant 0 : i32
    %dma_wait3A_861 = arith.constant 0 : i32
    %dma_wait3A_862 = tpu.memref_slice %arg6[%dma_wait3A_854, %dma_wait3A_860, %dma_wait3A_861] : memref<32x8x128xf32, #tpu.memory_space<vmem>> -> memref<1x8x128xf32, #tpu.memory_space<vmem>>
    %dma_wait3A_863 = tpu.memref_squeeze %dma_wait3A_862 : memref<1x8x128xf32, #tpu.memory_space<vmem>> -> memref<8x128xf32, #tpu.memory_space<vmem>>
    %dma_wait3A_864 = tpu.memref_slice %arg3[%multiple_of3A_390, %multiple_of3A] : memref<100000x1024xf32, #tpu.memory_space<hbm>> -> memref<8x128xf32, #tpu.memory_space<hbm>>
    tpu.wait_dma2 semaphore(%arg8 : memref<!tpu.dma_semaphore, #tpu.memory_space<semaphore_mem>>) src(%dma_wait3A_864 : memref<8x128xf32, #tpu.memory_space<hbm>>) dst(%dma_wait3A_863 : memref<8x128xf32, #tpu.memory_space<vmem>>)
    %dma_wait3A_865 = arith.constant 20 : i32
    %dma_wait3A_866 = arith.constant 0 : i32
    %dma_wait3A_867 = arith.constant 0 : i32
    %dma_wait3A_868 = tpu.memref_slice %arg6[%dma_wait3A_865, %dma_wait3A_866, %dma_wait3A_867] : memref<32x8x128xf32, #tpu.memory_space<vmem>> -> memref<1x8x128xf32, #tpu.memory_space<vmem>>
    %dma_wait3A_869 = tpu.memref_squeeze %dma_wait3A_868 : memref<1x8x128xf32, #tpu.memory_space<vmem>> -> memref<8x128xf32, #tpu.memory_space<vmem>>
    %dma_wait3A_870 = tpu.memref_slice %arg3[%multiple_of3A_410, %multiple_of3A] : memref<100000x1024xf32, #tpu.memory_space<hbm>> -> memref<8x128xf32, #tpu.memory_space<hbm>>
    %dma_wait3A_871 = arith.constant 0 : i32
    %dma_wait3A_872 = arith.constant 0 : i32
    %dma_wait3A_873 = tpu.memref_slice %arg6[%dma_wait3A_865, %dma_wait3A_871, %dma_wait3A_872] : memref<32x8x128xf32, #tpu.memory_space<vmem>> -> memref<1x8x128xf32, #tpu.memory_space<vmem>>
    %dma_wait3A_874 = tpu.memref_squeeze %dma_wait3A_873 : memref<1x8x128xf32, #tpu.memory_space<vmem>> -> memref<8x128xf32, #tpu.memory_space<vmem>>
    %dma_wait3A_875 = tpu.memref_slice %arg3[%multiple_of3A_410, %multiple_of3A] : memref<100000x1024xf32, #tpu.memory_space<hbm>> -> memref<8x128xf32, #tpu.memory_space<hbm>>
    tpu.wait_dma2 semaphore(%arg8 : memref<!tpu.dma_semaphore, #tpu.memory_space<semaphore_mem>>) src(%dma_wait3A_875 : memref<8x128xf32, #tpu.memory_space<hbm>>) dst(%dma_wait3A_874 : memref<8x128xf32, #tpu.memory_space<vmem>>)
    %dma_wait3A_876 = arith.constant 21 : i32
    %dma_wait3A_877 = arith.constant 0 : i32
    %dma_wait3A_878 = arith.constant 0 : i32
    %dma_wait3A_879 = tpu.memref_slice %arg6[%dma_wait3A_876, %dma_wait3A_877, %dma_wait3A_878] : memref<32x8x128xf32, #tpu.memory_space<vmem>> -> memref<1x8x128xf32, #tpu.memory_space<vmem>>
    %dma_wait3A_880 = tpu.memref_squeeze %dma_wait3A_879 : memref<1x8x128xf32, #tpu.memory_space<vmem>> -> memref<8x128xf32, #tpu.memory_space<vmem>>
    %dma_wait3A_881 = tpu.memref_slice %arg3[%multiple_of3A_430, %multiple_of3A] : memref<100000x1024xf32, #tpu.memory_space<hbm>> -> memref<8x128xf32, #tpu.memory_space<hbm>>
    %dma_wait3A_882 = arith.constant 0 : i32
    %dma_wait3A_883 = arith.constant 0 : i32
    %dma_wait3A_884 = tpu.memref_slice %arg6[%dma_wait3A_876, %dma_wait3A_882, %dma_wait3A_883] : memref<32x8x128xf32, #tpu.memory_space<vmem>> -> memref<1x8x128xf32, #tpu.memory_space<vmem>>
    %dma_wait3A_885 = tpu.memref_squeeze %dma_wait3A_884 : memref<1x8x128xf32, #tpu.memory_space<vmem>> -> memref<8x128xf32, #tpu.memory_space<vmem>>
    %dma_wait3A_886 = tpu.memref_slice %arg3[%multiple_of3A_430, %multiple_of3A] : memref<100000x1024xf32, #tpu.memory_space<hbm>> -> memref<8x128xf32, #tpu.memory_space<hbm>>
    tpu.wait_dma2 semaphore(%arg8 : memref<!tpu.dma_semaphore, #tpu.memory_space<semaphore_mem>>) src(%dma_wait3A_886 : memref<8x128xf32, #tpu.memory_space<hbm>>) dst(%dma_wait3A_885 : memref<8x128xf32, #tpu.memory_space<vmem>>)
    %dma_wait3A_887 = arith.constant 22 : i32
    %dma_wait3A_888 = arith.constant 0 : i32
    %dma_wait3A_889 = arith.constant 0 : i32
    %dma_wait3A_890 = tpu.memref_slice %arg6[%dma_wait3A_887, %dma_wait3A_888, %dma_wait3A_889] : memref<32x8x128xf32, #tpu.memory_space<vmem>> -> memref<1x8x128xf32, #tpu.memory_space<vmem>>
    %dma_wait3A_891 = tpu.memref_squeeze %dma_wait3A_890 : memref<1x8x128xf32, #tpu.memory_space<vmem>> -> memref<8x128xf32, #tpu.memory_space<vmem>>
    %dma_wait3A_892 = tpu.memref_slice %arg3[%multiple_of3A_450, %multiple_of3A] : memref<100000x1024xf32, #tpu.memory_space<hbm>> -> memref<8x128xf32, #tpu.memory_space<hbm>>
    %dma_wait3A_893 = arith.constant 0 : i32
    %dma_wait3A_894 = arith.constant 0 : i32
    %dma_wait3A_895 = tpu.memref_slice %arg6[%dma_wait3A_887, %dma_wait3A_893, %dma_wait3A_894] : memref<32x8x128xf32, #tpu.memory_space<vmem>> -> memref<1x8x128xf32, #tpu.memory_space<vmem>>
    %dma_wait3A_896 = tpu.memref_squeeze %dma_wait3A_895 : memref<1x8x128xf32, #tpu.memory_space<vmem>> -> memref<8x128xf32, #tpu.memory_space<vmem>>
    %dma_wait3A_897 = tpu.memref_slice %arg3[%multiple_of3A_450, %multiple_of3A] : memref<100000x1024xf32, #tpu.memory_space<hbm>> -> memref<8x128xf32, #tpu.memory_space<hbm>>
    tpu.wait_dma2 semaphore(%arg8 : memref<!tpu.dma_semaphore, #tpu.memory_space<semaphore_mem>>) src(%dma_wait3A_897 : memref<8x128xf32, #tpu.memory_space<hbm>>) dst(%dma_wait3A_896 : memref<8x128xf32, #tpu.memory_space<vmem>>)
    %dma_wait3A_898 = arith.constant 23 : i32
    %dma_wait3A_899 = arith.constant 0 : i32
    %dma_wait3A_900 = arith.constant 0 : i32
    %dma_wait3A_901 = tpu.memref_slice %arg6[%dma_wait3A_898, %dma_wait3A_899, %dma_wait3A_900] : memref<32x8x128xf32, #tpu.memory_space<vmem>> -> memref<1x8x128xf32, #tpu.memory_space<vmem>>
    %dma_wait3A_902 = tpu.memref_squeeze %dma_wait3A_901 : memref<1x8x128xf32, #tpu.memory_space<vmem>> -> memref<8x128xf32, #tpu.memory_space<vmem>>
    %dma_wait3A_903 = tpu.memref_slice %arg3[%multiple_of3A_470, %multiple_of3A] : memref<100000x1024xf32, #tpu.memory_space<hbm>> -> memref<8x128xf32, #tpu.memory_space<hbm>>
    %dma_wait3A_904 = arith.constant 0 : i32
    %dma_wait3A_905 = arith.constant 0 : i32
    %dma_wait3A_906 = tpu.memref_slice %arg6[%dma_wait3A_898, %dma_wait3A_904, %dma_wait3A_905] : memref<32x8x128xf32, #tpu.memory_space<vmem>> -> memref<1x8x128xf32, #tpu.memory_space<vmem>>
    %dma_wait3A_907 = tpu.memref_squeeze %dma_wait3A_906 : memref<1x8x128xf32, #tpu.memory_space<vmem>> -> memref<8x128xf32, #tpu.memory_space<vmem>>
    %dma_wait3A_908 = tpu.memref_slice %arg3[%multiple_of3A_470, %multiple_of3A] : memref<100000x1024xf32, #tpu.memory_space<hbm>> -> memref<8x128xf32, #tpu.memory_space<hbm>>
    tpu.wait_dma2 semaphore(%arg8 : memref<!tpu.dma_semaphore, #tpu.memory_space<semaphore_mem>>) src(%dma_wait3A_908 : memref<8x128xf32, #tpu.memory_space<hbm>>) dst(%dma_wait3A_907 : memref<8x128xf32, #tpu.memory_space<vmem>>)
    %dma_wait3A_909 = arith.constant 24 : i32
    %dma_wait3A_910 = arith.constant 0 : i32
    %dma_wait3A_911 = arith.constant 0 : i32
    %dma_wait3A_912 = tpu.memref_slice %arg6[%dma_wait3A_909, %dma_wait3A_910, %dma_wait3A_911] : memref<32x8x128xf32, #tpu.memory_space<vmem>> -> memref<1x8x128xf32, #tpu.memory_space<vmem>>
    %dma_wait3A_913 = tpu.memref_squeeze %dma_wait3A_912 : memref<1x8x128xf32, #tpu.memory_space<vmem>> -> memref<8x128xf32, #tpu.memory_space<vmem>>
    %dma_wait3A_914 = tpu.memref_slice %arg3[%multiple_of3A_490, %multiple_of3A] : memref<100000x1024xf32, #tpu.memory_space<hbm>> -> memref<8x128xf32, #tpu.memory_space<hbm>>
    %dma_wait3A_915 = arith.constant 0 : i32
    %dma_wait3A_916 = arith.constant 0 : i32
    %dma_wait3A_917 = tpu.memref_slice %arg6[%dma_wait3A_909, %dma_wait3A_915, %dma_wait3A_916] : memref<32x8x128xf32, #tpu.memory_space<vmem>> -> memref<1x8x128xf32, #tpu.memory_space<vmem>>
    %dma_wait3A_918 = tpu.memref_squeeze %dma_wait3A_917 : memref<1x8x128xf32, #tpu.memory_space<vmem>> -> memref<8x128xf32, #tpu.memory_space<vmem>>
    %dma_wait3A_919 = tpu.memref_slice %arg3[%multiple_of3A_490, %multiple_of3A] : memref<100000x1024xf32, #tpu.memory_space<hbm>> -> memref<8x128xf32, #tpu.memory_space<hbm>>
    tpu.wait_dma2 semaphore(%arg8 : memref<!tpu.dma_semaphore, #tpu.memory_space<semaphore_mem>>) src(%dma_wait3A_919 : memref<8x128xf32, #tpu.memory_space<hbm>>) dst(%dma_wait3A_918 : memref<8x128xf32, #tpu.memory_space<vmem>>)
    %dma_wait3A_920 = arith.constant 25 : i32
    %dma_wait3A_921 = arith.constant 0 : i32
    %dma_wait3A_922 = arith.constant 0 : i32
    %dma_wait3A_923 = tpu.memref_slice %arg6[%dma_wait3A_920, %dma_wait3A_921, %dma_wait3A_922] : memref<32x8x128xf32, #tpu.memory_space<vmem>> -> memref<1x8x128xf32, #tpu.memory_space<vmem>>
    %dma_wait3A_924 = tpu.memref_squeeze %dma_wait3A_923 : memref<1x8x128xf32, #tpu.memory_space<vmem>> -> memref<8x128xf32, #tpu.memory_space<vmem>>
    %dma_wait3A_925 = tpu.memref_slice %arg3[%multiple_of3A_510, %multiple_of3A] : memref<100000x1024xf32, #tpu.memory_space<hbm>> -> memref<8x128xf32, #tpu.memory_space<hbm>>
    %dma_wait3A_926 = arith.constant 0 : i32
    %dma_wait3A_927 = arith.constant 0 : i32
    %dma_wait3A_928 = tpu.memref_slice %arg6[%dma_wait3A_920, %dma_wait3A_926, %dma_wait3A_927] : memref<32x8x128xf32, #tpu.memory_space<vmem>> -> memref<1x8x128xf32, #tpu.memory_space<vmem>>
    %dma_wait3A_929 = tpu.memref_squeeze %dma_wait3A_928 : memref<1x8x128xf32, #tpu.memory_space<vmem>> -> memref<8x128xf32, #tpu.memory_space<vmem>>
    %dma_wait3A_930 = tpu.memref_slice %arg3[%multiple_of3A_510, %multiple_of3A] : memref<100000x1024xf32, #tpu.memory_space<hbm>> -> memref<8x128xf32, #tpu.memory_space<hbm>>
    tpu.wait_dma2 semaphore(%arg8 : memref<!tpu.dma_semaphore, #tpu.memory_space<semaphore_mem>>) src(%dma_wait3A_930 : memref<8x128xf32, #tpu.memory_space<hbm>>) dst(%dma_wait3A_929 : memref<8x128xf32, #tpu.memory_space<vmem>>)
    %dma_wait3A_931 = arith.constant 26 : i32
    %dma_wait3A_932 = arith.constant 0 : i32
    %dma_wait3A_933 = arith.constant 0 : i32
    %dma_wait3A_934 = tpu.memref_slice %arg6[%dma_wait3A_931, %dma_wait3A_932, %dma_wait3A_933] : memref<32x8x128xf32, #tpu.memory_space<vmem>> -> memref<1x8x128xf32, #tpu.memory_space<vmem>>
    %dma_wait3A_935 = tpu.memref_squeeze %dma_wait3A_934 : memref<1x8x128xf32, #tpu.memory_space<vmem>> -> memref<8x128xf32, #tpu.memory_space<vmem>>
    %dma_wait3A_936 = tpu.memref_slice %arg3[%multiple_of3A_530, %multiple_of3A] : memref<100000x1024xf32, #tpu.memory_space<hbm>> -> memref<8x128xf32, #tpu.memory_space<hbm>>
    %dma_wait3A_937 = arith.constant 0 : i32
    %dma_wait3A_938 = arith.constant 0 : i32
    %dma_wait3A_939 = tpu.memref_slice %arg6[%dma_wait3A_931, %dma_wait3A_937, %dma_wait3A_938] : memref<32x8x128xf32, #tpu.memory_space<vmem>> -> memref<1x8x128xf32, #tpu.memory_space<vmem>>
    %dma_wait3A_940 = tpu.memref_squeeze %dma_wait3A_939 : memref<1x8x128xf32, #tpu.memory_space<vmem>> -> memref<8x128xf32, #tpu.memory_space<vmem>>
    %dma_wait3A_941 = tpu.memref_slice %arg3[%multiple_of3A_530, %multiple_of3A] : memref<100000x1024xf32, #tpu.memory_space<hbm>> -> memref<8x128xf32, #tpu.memory_space<hbm>>
    tpu.wait_dma2 semaphore(%arg8 : memref<!tpu.dma_semaphore, #tpu.memory_space<semaphore_mem>>) src(%dma_wait3A_941 : memref<8x128xf32, #tpu.memory_space<hbm>>) dst(%dma_wait3A_940 : memref<8x128xf32, #tpu.memory_space<vmem>>)
    %dma_wait3A_942 = arith.constant 27 : i32
    %dma_wait3A_943 = arith.constant 0 : i32
    %dma_wait3A_944 = arith.constant 0 : i32
    %dma_wait3A_945 = tpu.memref_slice %arg6[%dma_wait3A_942, %dma_wait3A_943, %dma_wait3A_944] : memref<32x8x128xf32, #tpu.memory_space<vmem>> -> memref<1x8x128xf32, #tpu.memory_space<vmem>>
    %dma_wait3A_946 = tpu.memref_squeeze %dma_wait3A_945 : memref<1x8x128xf32, #tpu.memory_space<vmem>> -> memref<8x128xf32, #tpu.memory_space<vmem>>
    %dma_wait3A_947 = tpu.memref_slice %arg3[%multiple_of3A_550, %multiple_of3A] : memref<100000x1024xf32, #tpu.memory_space<hbm>> -> memref<8x128xf32, #tpu.memory_space<hbm>>
    %dma_wait3A_948 = arith.constant 0 : i32
    %dma_wait3A_949 = arith.constant 0 : i32
    %dma_wait3A_950 = tpu.memref_slice %arg6[%dma_wait3A_942, %dma_wait3A_948, %dma_wait3A_949] : memref<32x8x128xf32, #tpu.memory_space<vmem>> -> memref<1x8x128xf32, #tpu.memory_space<vmem>>
    %dma_wait3A_951 = tpu.memref_squeeze %dma_wait3A_950 : memref<1x8x128xf32, #tpu.memory_space<vmem>> -> memref<8x128xf32, #tpu.memory_space<vmem>>
    %dma_wait3A_952 = tpu.memref_slice %arg3[%multiple_of3A_550, %multiple_of3A] : memref<100000x1024xf32, #tpu.memory_space<hbm>> -> memref<8x128xf32, #tpu.memory_space<hbm>>
    tpu.wait_dma2 semaphore(%arg8 : memref<!tpu.dma_semaphore, #tpu.memory_space<semaphore_mem>>) src(%dma_wait3A_952 : memref<8x128xf32, #tpu.memory_space<hbm>>) dst(%dma_wait3A_951 : memref<8x128xf32, #tpu.memory_space<vmem>>)
    %dma_wait3A_953 = arith.constant 28 : i32
    %dma_wait3A_954 = arith.constant 0 : i32
    %dma_wait3A_955 = arith.constant 0 : i32
    %dma_wait3A_956 = tpu.memref_slice %arg6[%dma_wait3A_953, %dma_wait3A_954, %dma_wait3A_955] : memref<32x8x128xf32, #tpu.memory_space<vmem>> -> memref<1x8x128xf32, #tpu.memory_space<vmem>>
    %dma_wait3A_957 = tpu.memref_squeeze %dma_wait3A_956 : memref<1x8x128xf32, #tpu.memory_space<vmem>> -> memref<8x128xf32, #tpu.memory_space<vmem>>
    %dma_wait3A_958 = tpu.memref_slice %arg3[%multiple_of3A_570, %multiple_of3A] : memref<100000x1024xf32, #tpu.memory_space<hbm>> -> memref<8x128xf32, #tpu.memory_space<hbm>>
    %dma_wait3A_959 = arith.constant 0 : i32
    %dma_wait3A_960 = arith.constant 0 : i32
    %dma_wait3A_961 = tpu.memref_slice %arg6[%dma_wait3A_953, %dma_wait3A_959, %dma_wait3A_960] : memref<32x8x128xf32, #tpu.memory_space<vmem>> -> memref<1x8x128xf32, #tpu.memory_space<vmem>>
    %dma_wait3A_962 = tpu.memref_squeeze %dma_wait3A_961 : memref<1x8x128xf32, #tpu.memory_space<vmem>> -> memref<8x128xf32, #tpu.memory_space<vmem>>
    %dma_wait3A_963 = tpu.memref_slice %arg3[%multiple_of3A_570, %multiple_of3A] : memref<100000x1024xf32, #tpu.memory_space<hbm>> -> memref<8x128xf32, #tpu.memory_space<hbm>>
    tpu.wait_dma2 semaphore(%arg8 : memref<!tpu.dma_semaphore, #tpu.memory_space<semaphore_mem>>) src(%dma_wait3A_963 : memref<8x128xf32, #tpu.memory_space<hbm>>) dst(%dma_wait3A_962 : memref<8x128xf32, #tpu.memory_space<vmem>>)
    %dma_wait3A_964 = arith.constant 29 : i32
    %dma_wait3A_965 = arith.constant 0 : i32
    %dma_wait3A_966 = arith.constant 0 : i32
    %dma_wait3A_967 = tpu.memref_slice %arg6[%dma_wait3A_964, %dma_wait3A_965, %dma_wait3A_966] : memref<32x8x128xf32, #tpu.memory_space<vmem>> -> memref<1x8x128xf32, #tpu.memory_space<vmem>>
    %dma_wait3A_968 = tpu.memref_squeeze %dma_wait3A_967 : memref<1x8x128xf32, #tpu.memory_space<vmem>> -> memref<8x128xf32, #tpu.memory_space<vmem>>
    %dma_wait3A_969 = tpu.memref_slice %arg3[%multiple_of3A_590, %multiple_of3A] : memref<100000x1024xf32, #tpu.memory_space<hbm>> -> memref<8x128xf32, #tpu.memory_space<hbm>>
    %dma_wait3A_970 = arith.constant 0 : i32
    %dma_wait3A_971 = arith.constant 0 : i32
    %dma_wait3A_972 = tpu.memref_slice %arg6[%dma_wait3A_964, %dma_wait3A_970, %dma_wait3A_971] : memref<32x8x128xf32, #tpu.memory_space<vmem>> -> memref<1x8x128xf32, #tpu.memory_space<vmem>>
    %dma_wait3A_973 = tpu.memref_squeeze %dma_wait3A_972 : memref<1x8x128xf32, #tpu.memory_space<vmem>> -> memref<8x128xf32, #tpu.memory_space<vmem>>
    %dma_wait3A_974 = tpu.memref_slice %arg3[%multiple_of3A_590, %multiple_of3A] : memref<100000x1024xf32, #tpu.memory_space<hbm>> -> memref<8x128xf32, #tpu.memory_space<hbm>>
    tpu.wait_dma2 semaphore(%arg8 : memref<!tpu.dma_semaphore, #tpu.memory_space<semaphore_mem>>) src(%dma_wait3A_974 : memref<8x128xf32, #tpu.memory_space<hbm>>) dst(%dma_wait3A_973 : memref<8x128xf32, #tpu.memory_space<vmem>>)
    %dma_wait3A_975 = arith.constant 30 : i32
    %dma_wait3A_976 = arith.constant 0 : i32
    %dma_wait3A_977 = arith.constant 0 : i32
    %dma_wait3A_978 = tpu.memref_slice %arg6[%dma_wait3A_975, %dma_wait3A_976, %dma_wait3A_977] : memref<32x8x128xf32, #tpu.memory_space<vmem>> -> memref<1x8x128xf32, #tpu.memory_space<vmem>>
    %dma_wait3A_979 = tpu.memref_squeeze %dma_wait3A_978 : memref<1x8x128xf32, #tpu.memory_space<vmem>> -> memref<8x128xf32, #tpu.memory_space<vmem>>
    %dma_wait3A_980 = tpu.memref_slice %arg3[%multiple_of3A_610, %multiple_of3A] : memref<100000x1024xf32, #tpu.memory_space<hbm>> -> memref<8x128xf32, #tpu.memory_space<hbm>>
    %dma_wait3A_981 = arith.constant 0 : i32
    %dma_wait3A_982 = arith.constant 0 : i32
    %dma_wait3A_983 = tpu.memref_slice %arg6[%dma_wait3A_975, %dma_wait3A_981, %dma_wait3A_982] : memref<32x8x128xf32, #tpu.memory_space<vmem>> -> memref<1x8x128xf32, #tpu.memory_space<vmem>>
    %dma_wait3A_984 = tpu.memref_squeeze %dma_wait3A_983 : memref<1x8x128xf32, #tpu.memory_space<vmem>> -> memref<8x128xf32, #tpu.memory_space<vmem>>
    %dma_wait3A_985 = tpu.memref_slice %arg3[%multiple_of3A_610, %multiple_of3A] : memref<100000x1024xf32, #tpu.memory_space<hbm>> -> memref<8x128xf32, #tpu.memory_space<hbm>>
    tpu.wait_dma2 semaphore(%arg8 : memref<!tpu.dma_semaphore, #tpu.memory_space<semaphore_mem>>) src(%dma_wait3A_985 : memref<8x128xf32, #tpu.memory_space<hbm>>) dst(%dma_wait3A_984 : memref<8x128xf32, #tpu.memory_space<vmem>>)
    %dma_wait3A_986 = arith.constant 31 : i32
    %dma_wait3A_987 = arith.constant 0 : i32
    %dma_wait3A_988 = arith.constant 0 : i32
    %dma_wait3A_989 = tpu.memref_slice %arg6[%dma_wait3A_986, %dma_wait3A_987, %dma_wait3A_988] : memref<32x8x128xf32, #tpu.memory_space<vmem>> -> memref<1x8x128xf32, #tpu.memory_space<vmem>>
    %dma_wait3A_990 = tpu.memref_squeeze %dma_wait3A_989 : memref<1x8x128xf32, #tpu.memory_space<vmem>> -> memref<8x128xf32, #tpu.memory_space<vmem>>
    %dma_wait3A_991 = tpu.memref_slice %arg3[%multiple_of3A_630, %multiple_of3A] : memref<100000x1024xf32, #tpu.memory_space<hbm>> -> memref<8x128xf32, #tpu.memory_space<hbm>>
    %dma_wait3A_992 = arith.constant 0 : i32
    %dma_wait3A_993 = arith.constant 0 : i32
    %dma_wait3A_994 = tpu.memref_slice %arg6[%dma_wait3A_986, %dma_wait3A_992, %dma_wait3A_993] : memref<32x8x128xf32, #tpu.memory_space<vmem>> -> memref<1x8x128xf32, #tpu.memory_space<vmem>>
    %dma_wait3A_995 = tpu.memref_squeeze %dma_wait3A_994 : memref<1x8x128xf32, #tpu.memory_space<vmem>> -> memref<8x128xf32, #tpu.memory_space<vmem>>
    %dma_wait3A_996 = tpu.memref_slice %arg3[%multiple_of3A_630, %multiple_of3A] : memref<100000x1024xf32, #tpu.memory_space<hbm>> -> memref<8x128xf32, #tpu.memory_space<hbm>>
    tpu.wait_dma2 semaphore(%arg8 : memref<!tpu.dma_semaphore, #tpu.memory_space<semaphore_mem>>) src(%dma_wait3A_996 : memref<8x128xf32, #tpu.memory_space<hbm>>) dst(%dma_wait3A_995 : memref<8x128xf32, #tpu.memory_space<vmem>>)
    %get3A_997 = arith.constant 0 : i32
    %get3A_998 = arith.index_cast %get3A_997 : i32 to index
    %get3A_999 = arith.index_cast %and3A_12 : i32 to index
    %get3A_1000 = arith.constant 0 : index
    %get3A_1001 = tpu.vector_load %arg6[%get3A_998, %get3A_999, %get3A_1000] {strides = array<i32>} : memref<32x8x128xf32, #tpu.memory_space<vmem>>, vector<1x1x16xf32>,
    %get3A_1002 = vector.shape_cast %get3A_1001 : vector<1x1x16xf32> to vector<16xf32>
    %swap3A = arith.constant 0 : i32
    %swap3A_1003 = arith.index_cast %swap3A : i32 to index
    %swap3A_1004 = arith.constant 0 : index
    %swap3A_1005 = tpu.vector_load %arg7[%swap3A_1003, %swap3A_1004] {strides = array<i32>} : memref<32x128xf32, #tpu.memory_space<vmem>>, vector<1x16xf32>,
    %swap3A_1006 = vector.shape_cast %swap3A_1005 : vector<1x16xf32> to vector<16xf32>
    %swap3A_1007 = vector.shape_cast %get3A_1002 : vector<16xf32> to vector<1x16xf32>
    tpu.vector_store %arg7[%swap3A_1003, %swap3A_1004], %swap3A_1007 {strides = array<i32>} : memref<32x128xf32, #tpu.memory_space<vmem>>, vector<1x16xf32>,
    %get3A_1008 = arith.constant 0 : i32
    %get3A_1009 = arith.index_cast %get3A_1008 : i32 to index
    %get3A_1010 = arith.index_cast %and3A_12 : i32 to index
    %get3A_1011 = arith.constant 16 : index
    %get3A_1012 = tpu.vector_load %arg6[%get3A_1009, %get3A_1010, %get3A_1011] {strides = array<i32>} : memref<32x8x128xf32, #tpu.memory_space<vmem>>, vector<1x1x16xf32>,
    %get3A_1013 = vector.shape_cast %get3A_1012 : vector<1x1x16xf32> to vector<16xf32>
    %swap3A_1014 = arith.constant 0 : i32
    %swap3A_1015 = arith.index_cast %swap3A_1014 : i32 to index
    %swap3A_1016 = arith.constant 16 : index
    %swap3A_1017 = tpu.vector_load %arg7[%swap3A_1015, %swap3A_1016] {strides = array<i32>} : memref<32x128xf32, #tpu.memory_space<vmem>>, vector<1x16xf32>,
    %swap3A_1018 = vector.shape_cast %swap3A_1017 : vector<1x16xf32> to vector<16xf32>
    %swap3A_1019 = vector.shape_cast %get3A_1013 : vector<16xf32> to vector<1x16xf32>
    tpu.vector_store %arg7[%swap3A_1015, %swap3A_1016], %swap3A_1019 {strides = array<i32>} : memref<32x128xf32, #tpu.memory_space<vmem>>, vector<1x16xf32>,
    %get3A_1020 = arith.constant 0 : i32
    %get3A_1021 = arith.index_cast %get3A_1020 : i32 to index
    %get3A_1022 = arith.index_cast %and3A_12 : i32 to index
    %get3A_1023 = arith.constant 32 : index
    %get3A_1024 = tpu.vector_load %arg6[%get3A_1021, %get3A_1022, %get3A_1023] {strides = array<i32>} : memref<32x8x128xf32, #tpu.memory_space<vmem>>, vector<1x1x16xf32>,
    %get3A_1025 = vector.shape_cast %get3A_1024 : vector<1x1x16xf32> to vector<16xf32>
    %swap3A_1026 = arith.constant 0 : i32
    %swap3A_1027 = arith.index_cast %swap3A_1026 : i32 to index
    %swap3A_1028 = arith.constant 32 : index
    %swap3A_1029 = tpu.vector_load %arg7[%swap3A_1027, %swap3A_1028] {strides = array<i32>} : memref<32x128xf32, #tpu.memory_space<vmem>>, vector<1x16xf32>,
    %swap3A_1030 = vector.shape_cast %swap3A_1029 : vector<1x16xf32> to vector<16xf32>
    %swap3A_1031 = vector.shape_cast %get3A_1025 : vector<16xf32> to vector<1x16xf32>
    tpu.vector_store %arg7[%swap3A_1027, %swap3A_1028], %swap3A_1031 {strides = array<i32>} : memref<32x128xf32, #tpu.memory_space<vmem>>, vector<1x16xf32>,
    %get3A_1032 = arith.constant 0 : i32
    %get3A_1033 = arith.index_cast %get3A_1032 : i32 to index
    %get3A_1034 = arith.index_cast %and3A_12 : i32 to index
    %get3A_1035 = arith.constant 48 : index
    %get3A_1036 = tpu.vector_load %arg6[%get3A_1033, %get3A_1034, %get3A_1035] {strides = array<i32>} : memref<32x8x128xf32, #tpu.memory_space<vmem>>, vector<1x1x16xf32>,
    %get3A_1037 = vector.shape_cast %get3A_1036 : vector<1x1x16xf32> to vector<16xf32>
    %swap3A_1038 = arith.constant 0 : i32
    %swap3A_1039 = arith.index_cast %swap3A_1038 : i32 to index
    %swap3A_1040 = arith.constant 48 : index
    %swap3A_1041 = tpu.vector_load %arg7[%swap3A_1039, %swap3A_1040] {strides = array<i32>} : memref<32x128xf32, #tpu.memory_space<vmem>>, vector<1x16xf32>,
    %swap3A_1042 = vector.shape_cast %swap3A_1041 : vector<1x16xf32> to vector<16xf32>
    %swap3A_1043 = vector.shape_cast %get3A_1037 : vector<16xf32> to vector<1x16xf32>
    tpu.vector_store %arg7[%swap3A_1039, %swap3A_1040], %swap3A_1043 {strides = array<i32>} : memref<32x128xf32, #tpu.memory_space<vmem>>, vector<1x16xf32>,
    %get3A_1044 = arith.constant 0 : i32
    %get3A_1045 = arith.index_cast %get3A_1044 : i32 to index
    %get3A_1046 = arith.index_cast %and3A_12 : i32 to index
    %get3A_1047 = arith.constant 64 : index
    %get3A_1048 = tpu.vector_load %arg6[%get3A_1045, %get3A_1046, %get3A_1047] {strides = array<i32>} : memref<32x8x128xf32, #tpu.memory_space<vmem>>, vector<1x1x16xf32>,
    %get3A_1049 = vector.shape_cast %get3A_1048 : vector<1x1x16xf32> to vector<16xf32>
    %swap3A_1050 = arith.constant 0 : i32
    %swap3A_1051 = arith.index_cast %swap3A_1050 : i32 to index
    %swap3A_1052 = arith.constant 64 : index
    %swap3A_1053 = tpu.vector_load %arg7[%swap3A_1051, %swap3A_1052] {strides = array<i32>} : memref<32x128xf32, #tpu.memory_space<vmem>>, vector<1x16xf32>,
    %swap3A_1054 = vector.shape_cast %swap3A_1053 : vector<1x16xf32> to vector<16xf32>
    %swap3A_1055 = vector.shape_cast %get3A_1049 : vector<16xf32> to vector<1x16xf32>
    tpu.vector_store %arg7[%swap3A_1051, %swap3A_1052], %swap3A_1055 {strides = array<i32>} : memref<32x128xf32, #tpu.memory_space<vmem>>, vector<1x16xf32>,
    %get3A_1056 = arith.constant 0 : i32
    %get3A_1057 = arith.index_cast %get3A_1056 : i32 to index
    %get3A_1058 = arith.index_cast %and3A_12 : i32 to index
    %get3A_1059 = arith.constant 80 : index
    %get3A_1060 = tpu.vector_load %arg6[%get3A_1057, %get3A_1058, %get3A_1059] {strides = array<i32>} : memref<32x8x128xf32, #tpu.memory_space<vmem>>, vector<1x1x16xf32>,
    %get3A_1061 = vector.shape_cast %get3A_1060 : vector<1x1x16xf32> to vector<16xf32>
    %swap3A_1062 = arith.constant 0 : i32
    %swap3A_1063 = arith.index_cast %swap3A_1062 : i32 to index
    %swap3A_1064 = arith.constant 80 : index
    %swap3A_1065 = tpu.vector_load %arg7[%swap3A_1063, %swap3A_1064] {strides = array<i32>} : memref<32x128xf32, #tpu.memory_space<vmem>>, vector<1x16xf32>,
    %swap3A_1066 = vector.shape_cast %swap3A_1065 : vector<1x16xf32> to vector<16xf32>
    %swap3A_1067 = vector.shape_cast %get3A_1061 : vector<16xf32> to vector<1x16xf32>
    tpu.vector_store %arg7[%swap3A_1063, %swap3A_1064], %swap3A_1067 {strides = array<i32>} : memref<32x128xf32, #tpu.memory_space<vmem>>, vector<1x16xf32>,
    %get3A_1068 = arith.constant 0 : i32
    %get3A_1069 = arith.index_cast %get3A_1068 : i32 to index
    %get3A_1070 = arith.index_cast %and3A_12 : i32 to index
    %get3A_1071 = arith.constant 96 : index
    %get3A_1072 = tpu.vector_load %arg6[%get3A_1069, %get3A_1070, %get3A_1071] {strides = array<i32>} : memref<32x8x128xf32, #tpu.memory_space<vmem>>, vector<1x1x16xf32>,
    %get3A_1073 = vector.shape_cast %get3A_1072 : vector<1x1x16xf32> to vector<16xf32>
    %swap3A_1074 = arith.constant 0 : i32
    %swap3A_1075 = arith.index_cast %swap3A_1074 : i32 to index
    %swap3A_1076 = arith.constant 96 : index
    %swap3A_1077 = tpu.vector_load %arg7[%swap3A_1075, %swap3A_1076] {strides = array<i32>} : memref<32x128xf32, #tpu.memory_space<vmem>>, vector<1x16xf32>,
    %swap3A_1078 = vector.shape_cast %swap3A_1077 : vector<1x16xf32> to vector<16xf32>
    %swap3A_1079 = vector.shape_cast %get3A_1073 : vector<16xf32> to vector<1x16xf32>
    tpu.vector_store %arg7[%swap3A_1075, %swap3A_1076], %swap3A_1079 {strides = array<i32>} : memref<32x128xf32, #tpu.memory_space<vmem>>, vector<1x16xf32>,
    %get3A_1080 = arith.constant 0 : i32
    %get3A_1081 = arith.index_cast %get3A_1080 : i32 to index
    %get3A_1082 = arith.index_cast %and3A_12 : i32 to index
    %get3A_1083 = arith.constant 112 : index
    %get3A_1084 = tpu.vector_load %arg6[%get3A_1081, %get3A_1082, %get3A_1083] {strides = array<i32>} : memref<32x8x128xf32, #tpu.memory_space<vmem>>, vector<1x1x16xf32>,
    %get3A_1085 = vector.shape_cast %get3A_1084 : vector<1x1x16xf32> to vector<16xf32>
    %swap3A_1086 = arith.constant 0 : i32
    %swap3A_1087 = arith.index_cast %swap3A_1086 : i32 to index
    %swap3A_1088 = arith.constant 112 : index
    %swap3A_1089 = tpu.vector_load %arg7[%swap3A_1087, %swap3A_1088] {strides = array<i32>} : memref<32x128xf32, #tpu.memory_space<vmem>>, vector<1x16xf32>,
    %swap3A_1090 = vector.shape_cast %swap3A_1089 : vector<1x16xf32> to vector<16xf32>
    %swap3A_1091 = vector.shape_cast %get3A_1085 : vector<16xf32> to vector<1x16xf32>
    tpu.vector_store %arg7[%swap3A_1087, %swap3A_1088], %swap3A_1091 {strides = array<i32>} : memref<32x128xf32, #tpu.memory_space<vmem>>, vector<1x16xf32>,
    %get3A_1092 = arith.constant 1 : i32
    %get3A_1093 = arith.index_cast %get3A_1092 : i32 to index
    %get3A_1094 = arith.index_cast %and3A_31 : i32 to index
    %get3A_1095 = arith.constant 0 : index
    %get3A_1096 = tpu.vector_load %arg6[%get3A_1093, %get3A_1094, %get3A_1095] {strides = array<i32>} : memref<32x8x128xf32, #tpu.memory_space<vmem>>, vector<1x1x16xf32>,
    %get3A_1097 = vector.shape_cast %get3A_1096 : vector<1x1x16xf32> to vector<16xf32>
    %swap3A_1098 = arith.constant 1 : i32
    %swap3A_1099 = arith.index_cast %swap3A_1098 : i32 to index
    %swap3A_1100 = arith.constant 0 : index
    %swap3A_1101 = tpu.vector_load %arg7[%swap3A_1099, %swap3A_1100] {strides = array<i32>} : memref<32x128xf32, #tpu.memory_space<vmem>>, vector<1x16xf32>,
    %swap3A_1102 = vector.shape_cast %swap3A_1101 : vector<1x16xf32> to vector<16xf32>
    %swap3A_1103 = vector.shape_cast %get3A_1097 : vector<16xf32> to vector<1x16xf32>
    tpu.vector_store %arg7[%swap3A_1099, %swap3A_1100], %swap3A_1103 {strides = array<i32>} : memref<32x128xf32, #tpu.memory_space<vmem>>, vector<1x16xf32>,
    %get3A_1104 = arith.constant 1 : i32
    %get3A_1105 = arith.index_cast %get3A_1104 : i32 to index
    %get3A_1106 = arith.index_cast %and3A_31 : i32 to index
    %get3A_1107 = arith.constant 16 : index
    %get3A_1108 = tpu.vector_load %arg6[%get3A_1105, %get3A_1106, %get3A_1107] {strides = array<i32>} : memref<32x8x128xf32, #tpu.memory_space<vmem>>, vector<1x1x16xf32>,
    %get3A_1109 = vector.shape_cast %get3A_1108 : vector<1x1x16xf32> to vector<16xf32>
    %swap3A_1110 = arith.constant 1 : i32
    %swap3A_1111 = arith.index_cast %swap3A_1110 : i32 to index
    %swap3A_1112 = arith.constant 16 : index
    %swap3A_1113 = tpu.vector_load %arg7[%swap3A_1111, %swap3A_1112] {strides = array<i32>} : memref<32x128xf32, #tpu.memory_space<vmem>>, vector<1x16xf32>,
    %swap3A_1114 = vector.shape_cast %swap3A_1113 : vector<1x16xf32> to vector<16xf32>
    %swap3A_1115 = vector.shape_cast %get3A_1109 : vector<16xf32> to vector<1x16xf32>
    tpu.vector_store %arg7[%swap3A_1111, %swap3A_1112], %swap3A_1115 {strides = array<i32>} : memref<32x128xf32, #tpu.memory_space<vmem>>, vector<1x16xf32>,
    %get3A_1116 = arith.constant 1 : i32
    %get3A_1117 = arith.index_cast %get3A_1116 : i32 to index
    %get3A_1118 = arith.index_cast %and3A_31 : i32 to index
    %get3A_1119 = arith.constant 32 : index
    %get3A_1120 = tpu.vector_load %arg6[%get3A_1117, %get3A_1118, %get3A_1119] {strides = array<i32>} : memref<32x8x128xf32, #tpu.memory_space<vmem>>, vector<1x1x16xf32>,
    %get3A_1121 = vector.shape_cast %get3A_1120 : vector<1x1x16xf32> to vector<16xf32>
    %swap3A_1122 = arith.constant 1 : i32
    %swap3A_1123 = arith.index_cast %swap3A_1122 : i32 to index
    %swap3A_1124 = arith.constant 32 : index
    %swap3A_1125 = tpu.vector_load %arg7[%swap3A_1123, %swap3A_1124] {strides = array<i32>} : memref<32x128xf32, #tpu.memory_space<vmem>>, vector<1x16xf32>,
    %swap3A_1126 = vector.shape_cast %swap3A_1125 : vector<1x16xf32> to vector<16xf32>
    %swap3A_1127 = vector.shape_cast %get3A_1121 : vector<16xf32> to vector<1x16xf32>
    tpu.vector_store %arg7[%swap3A_1123, %swap3A_1124], %swap3A_1127 {strides = array<i32>} : memref<32x128xf32, #tpu.memory_space<vmem>>, vector<1x16xf32>,
    %get3A_1128 = arith.constant 1 : i32
    %get3A_1129 = arith.index_cast %get3A_1128 : i32 to index
    %get3A_1130 = arith.index_cast %and3A_31 : i32 to index
    %get3A_1131 = arith.constant 48 : index
    %get3A_1132 = tpu.vector_load %arg6[%get3A_1129, %get3A_1130, %get3A_1131] {strides = array<i32>} : memref<32x8x128xf32, #tpu.memory_space<vmem>>, vector<1x1x16xf32>,
    %get3A_1133 = vector.shape_cast %get3A_1132 : vector<1x1x16xf32> to vector<16xf32>
    %swap3A_1134 = arith.constant 1 : i32
    %swap3A_1135 = arith.index_cast %swap3A_1134 : i32 to index
    %swap3A_1136 = arith.constant 48 : index
    %swap3A_1137 = tpu.vector_load %arg7[%swap3A_1135, %swap3A_1136] {strides = array<i32>} : memref<32x128xf32, #tpu.memory_space<vmem>>, vector<1x16xf32>,
    %swap3A_1138 = vector.shape_cast %swap3A_1137 : vector<1x16xf32> to vector<16xf32>
    %swap3A_1139 = vector.shape_cast %get3A_1133 : vector<16xf32> to vector<1x16xf32>
    tpu.vector_store %arg7[%swap3A_1135, %swap3A_1136], %swap3A_1139 {strides = array<i32>} : memref<32x128xf32, #tpu.memory_space<vmem>>, vector<1x16xf32>,
    %get3A_1140 = arith.constant 1 : i32
    %get3A_1141 = arith.index_cast %get3A_1140 : i32 to index
    %get3A_1142 = arith.index_cast %and3A_31 : i32 to index
    %get3A_1143 = arith.constant 64 : index
    %get3A_1144 = tpu.vector_load %arg6[%get3A_1141, %get3A_1142, %get3A_1143] {strides = array<i32>} : memref<32x8x128xf32, #tpu.memory_space<vmem>>, vector<1x1x16xf32>,
    %get3A_1145 = vector.shape_cast %get3A_1144 : vector<1x1x16xf32> to vector<16xf32>
    %swap3A_1146 = arith.constant 1 : i32
    %swap3A_1147 = arith.index_cast %swap3A_1146 : i32 to index
    %swap3A_1148 = arith.constant 64 : index
    %swap3A_1149 = tpu.vector_load %arg7[%swap3A_1147, %swap3A_1148] {strides = array<i32>} : memref<32x128xf32, #tpu.memory_space<vmem>>, vector<1x16xf32>,
    %swap3A_1150 = vector.shape_cast %swap3A_1149 : vector<1x16xf32> to vector<16xf32>
    %swap3A_1151 = vector.shape_cast %get3A_1145 : vector<16xf32> to vector<1x16xf32>
    tpu.vector_store %arg7[%swap3A_1147, %swap3A_1148], %swap3A_1151 {strides = array<i32>} : memref<32x128xf32, #tpu.memory_space<vmem>>, vector<1x16xf32>,
    %get3A_1152 = arith.constant 1 : i32
    %get3A_1153 = arith.index_cast %get3A_1152 : i32 to index
    %get3A_1154 = arith.index_cast %and3A_31 : i32 to index
    %get3A_1155 = arith.constant 80 : index
    %get3A_1156 = tpu.vector_load %arg6[%get3A_1153, %get3A_1154, %get3A_1155] {strides = array<i32>} : memref<32x8x128xf32, #tpu.memory_space<vmem>>, vector<1x1x16xf32>,
    %get3A_1157 = vector.shape_cast %get3A_1156 : vector<1x1x16xf32> to vector<16xf32>
    %swap3A_1158 = arith.constant 1 : i32
    %swap3A_1159 = arith.index_cast %swap3A_1158 : i32 to index
    %swap3A_1160 = arith.constant 80 : index
    %swap3A_1161 = tpu.vector_load %arg7[%swap3A_1159, %swap3A_1160] {strides = array<i32>} : memref<32x128xf32, #tpu.memory_space<vmem>>, vector<1x16xf32>,
    %swap3A_1162 = vector.shape_cast %swap3A_1161 : vector<1x16xf32> to vector<16xf32>
    %swap3A_1163 = vector.shape_cast %get3A_1157 : vector<16xf32> to vector<1x16xf32>
    tpu.vector_store %arg7[%swap3A_1159, %swap3A_1160], %swap3A_1163 {strides = array<i32>} : memref<32x128xf32, #tpu.memory_space<vmem>>, vector<1x16xf32>,
    %get3A_1164 = arith.constant 1 : i32
    %get3A_1165 = arith.index_cast %get3A_1164 : i32 to index
    %get3A_1166 = arith.index_cast %and3A_31 : i32 to index
    %get3A_1167 = arith.constant 96 : index
    %get3A_1168 = tpu.vector_load %arg6[%get3A_1165, %get3A_1166, %get3A_1167] {strides = array<i32>} : memref<32x8x128xf32, #tpu.memory_space<vmem>>, vector<1x1x16xf32>,
    %get3A_1169 = vector.shape_cast %get3A_1168 : vector<1x1x16xf32> to vector<16xf32>
    %swap3A_1170 = arith.constant 1 : i32
    %swap3A_1171 = arith.index_cast %swap3A_1170 : i32 to index
    %swap3A_1172 = arith.constant 96 : index
    %swap3A_1173 = tpu.vector_load %arg7[%swap3A_1171, %swap3A_1172] {strides = array<i32>} : memref<32x128xf32, #tpu.memory_space<vmem>>, vector<1x16xf32>,
    %swap3A_1174 = vector.shape_cast %swap3A_1173 : vector<1x16xf32> to vector<16xf32>
    %swap3A_1175 = vector.shape_cast %get3A_1169 : vector<16xf32> to vector<1x16xf32>
    tpu.vector_store %arg7[%swap3A_1171, %swap3A_1172], %swap3A_1175 {strides = array<i32>} : memref<32x128xf32, #tpu.memory_space<vmem>>, vector<1x16xf32>,
    %get3A_1176 = arith.constant 1 : i32
    %get3A_1177 = arith.index_cast %get3A_1176 : i32 to index
    %get3A_1178 = arith.index_cast %and3A_31 : i32 to index
    %get3A_1179 = arith.constant 112 : index
    %get3A_1180 = tpu.vector_load %arg6[%get3A_1177, %get3A_1178, %get3A_1179] {strides = array<i32>} : memref<32x8x128xf32, #tpu.memory_space<vmem>>, vector<1x1x16xf32>,
    %get3A_1181 = vector.shape_cast %get3A_1180 : vector<1x1x16xf32> to vector<16xf32>
    %swap3A_1182 = arith.constant 1 : i32
    %swap3A_1183 = arith.index_cast %swap3A_1182 : i32 to index
    %swap3A_1184 = arith.constant 112 : index
    %swap3A_1185 = tpu.vector_load %arg7[%swap3A_1183, %swap3A_1184] {strides = array<i32>} : memref<32x128xf32, #tpu.memory_space<vmem>>, vector<1x16xf32>,
    %swap3A_1186 = vector.shape_cast %swap3A_1185 : vector<1x16xf32> to vector<16xf32>
    %swap3A_1187 = vector.shape_cast %get3A_1181 : vector<16xf32> to vector<1x16xf32>
    tpu.vector_store %arg7[%swap3A_1183, %swap3A_1184], %swap3A_1187 {strides = array<i32>} : memref<32x128xf32, #tpu.memory_space<vmem>>, vector<1x16xf32>,
    %get3A_1188 = arith.constant 2 : i32
    %get3A_1189 = arith.index_cast %get3A_1188 : i32 to index
    %get3A_1190 = arith.index_cast %and3A_51 : i32 to index
    %get3A_1191 = arith.constant 0 : index
    %get3A_1192 = tpu.vector_load %arg6[%get3A_1189, %get3A_1190, %get3A_1191] {strides = array<i32>} : memref<32x8x128xf32, #tpu.memory_space<vmem>>, vector<1x1x16xf32>,
    %get3A_1193 = vector.shape_cast %get3A_1192 : vector<1x1x16xf32> to vector<16xf32>
    %swap3A_1194 = arith.constant 2 : i32
    %swap3A_1195 = arith.index_cast %swap3A_1194 : i32 to index
    %swap3A_1196 = arith.constant 0 : index
    %swap3A_1197 = tpu.vector_load %arg7[%swap3A_1195, %swap3A_1196] {strides = array<i32>} : memref<32x128xf32, #tpu.memory_space<vmem>>, vector<1x16xf32>,
    %swap3A_1198 = vector.shape_cast %swap3A_1197 : vector<1x16xf32> to vector<16xf32>
    %swap3A_1199 = vector.shape_cast %get3A_1193 : vector<16xf32> to vector<1x16xf32>
    tpu.vector_store %arg7[%swap3A_1195, %swap3A_1196], %swap3A_1199 {strides = array<i32>} : memref<32x128xf32, #tpu.memory_space<vmem>>, vector<1x16xf32>,
    %get3A_1200 = arith.constant 2 : i32
    %get3A_1201 = arith.index_cast %get3A_1200 : i32 to index
    %get3A_1202 = arith.index_cast %and3A_51 : i32 to index
    %get3A_1203 = arith.constant 16 : index
    %get3A_1204 = tpu.vector_load %arg6[%get3A_1201, %get3A_1202, %get3A_1203] {strides = array<i32>} : memref<32x8x128xf32, #tpu.memory_space<vmem>>, vector<1x1x16xf32>,
    %get3A_1205 = vector.shape_cast %get3A_1204 : vector<1x1x16xf32> to vector<16xf32>
    %swap3A_1206 = arith.constant 2 : i32
    %swap3A_1207 = arith.index_cast %swap3A_1206 : i32 to index
    %swap3A_1208 = arith.constant 16 : index
    %swap3A_1209 = tpu.vector_load %arg7[%swap3A_1207, %swap3A_1208] {strides = array<i32>} : memref<32x128xf32, #tpu.memory_space<vmem>>, vector<1x16xf32>,
    %swap3A_1210 = vector.shape_cast %swap3A_1209 : vector<1x16xf32> to vector<16xf32>
    %swap3A_1211 = vector.shape_cast %get3A_1205 : vector<16xf32> to vector<1x16xf32>
    tpu.vector_store %arg7[%swap3A_1207, %swap3A_1208], %swap3A_1211 {strides = array<i32>} : memref<32x128xf32, #tpu.memory_space<vmem>>, vector<1x16xf32>,
    %get3A_1212 = arith.constant 2 : i32
    %get3A_1213 = arith.index_cast %get3A_1212 : i32 to index
    %get3A_1214 = arith.index_cast %and3A_51 : i32 to index
    %get3A_1215 = arith.constant 32 : index
    %get3A_1216 = tpu.vector_load %arg6[%get3A_1213, %get3A_1214, %get3A_1215] {strides = array<i32>} : memref<32x8x128xf32, #tpu.memory_space<vmem>>, vector<1x1x16xf32>,
    %get3A_1217 = vector.shape_cast %get3A_1216 : vector<1x1x16xf32> to vector<16xf32>
    %swap3A_1218 = arith.constant 2 : i32
    %swap3A_1219 = arith.index_cast %swap3A_1218 : i32 to index
    %swap3A_1220 = arith.constant 32 : index
    %swap3A_1221 = tpu.vector_load %arg7[%swap3A_1219, %swap3A_1220] {strides = array<i32>} : memref<32x128xf32, #tpu.memory_space<vmem>>, vector<1x16xf32>,
    %swap3A_1222 = vector.shape_cast %swap3A_1221 : vector<1x16xf32> to vector<16xf32>
    %swap3A_1223 = vector.shape_cast %get3A_1217 : vector<16xf32> to vector<1x16xf32>
    tpu.vector_store %arg7[%swap3A_1219, %swap3A_1220], %swap3A_1223 {strides = array<i32>} : memref<32x128xf32, #tpu.memory_space<vmem>>, vector<1x16xf32>,
    %get3A_1224 = arith.constant 2 : i32
    %get3A_1225 = arith.index_cast %get3A_1224 : i32 to index
    %get3A_1226 = arith.index_cast %and3A_51 : i32 to index
    %get3A_1227 = arith.constant 48 : index
    %get3A_1228 = tpu.vector_load %arg6[%get3A_1225, %get3A_1226, %get3A_1227] {strides = array<i32>} : memref<32x8x128xf32, #tpu.memory_space<vmem>>, vector<1x1x16xf32>,
    %get3A_1229 = vector.shape_cast %get3A_1228 : vector<1x1x16xf32> to vector<16xf32>
    %swap3A_1230 = arith.constant 2 : i32
    %swap3A_1231 = arith.index_cast %swap3A_1230 : i32 to index
    %swap3A_1232 = arith.constant 48 : index
    %swap3A_1233 = tpu.vector_load %arg7[%swap3A_1231, %swap3A_1232] {strides = array<i32>} : memref<32x128xf32, #tpu.memory_space<vmem>>, vector<1x16xf32>,
    %swap3A_1234 = vector.shape_cast %swap3A_1233 : vector<1x16xf32> to vector<16xf32>
    %swap3A_1235 = vector.shape_cast %get3A_1229 : vector<16xf32> to vector<1x16xf32>
    tpu.vector_store %arg7[%swap3A_1231, %swap3A_1232], %swap3A_1235 {strides = array<i32>} : memref<32x128xf32, #tpu.memory_space<vmem>>, vector<1x16xf32>,
    %get3A_1236 = arith.constant 2 : i32
    %get3A_1237 = arith.index_cast %get3A_1236 : i32 to index
    %get3A_1238 = arith.index_cast %and3A_51 : i32 to index
    %get3A_1239 = arith.constant 64 : index
    %get3A_1240 = tpu.vector_load %arg6[%get3A_1237, %get3A_1238, %get3A_1239] {strides = array<i32>} : memref<32x8x128xf32, #tpu.memory_space<vmem>>, vector<1x1x16xf32>,
    %get3A_1241 = vector.shape_cast %get3A_1240 : vector<1x1x16xf32> to vector<16xf32>
    %swap3A_1242 = arith.constant 2 : i32
    %swap3A_1243 = arith.index_cast %swap3A_1242 : i32 to index
    %swap3A_1244 = arith.constant 64 : index
    %swap3A_1245 = tpu.vector_load %arg7[%swap3A_1243, %swap3A_1244] {strides = array<i32>} : memref<32x128xf32, #tpu.memory_space<vmem>>, vector<1x16xf32>,
    %swap3A_1246 = vector.shape_cast %swap3A_1245 : vector<1x16xf32> to vector<16xf32>
    %swap3A_1247 = vector.shape_cast %get3A_1241 : vector<16xf32> to vector<1x16xf32>
    tpu.vector_store %arg7[%swap3A_1243, %swap3A_1244], %swap3A_1247 {strides = array<i32>} : memref<32x128xf32, #tpu.memory_space<vmem>>, vector<1x16xf32>,
    %get3A_1248 = arith.constant 2 : i32
    %get3A_1249 = arith.index_cast %get3A_1248 : i32 to index
    %get3A_1250 = arith.index_cast %and3A_51 : i32 to index
    %get3A_1251 = arith.constant 80 : index
    %get3A_1252 = tpu.vector_load %arg6[%get3A_1249, %get3A_1250, %get3A_1251] {strides = array<i32>} : memref<32x8x128xf32, #tpu.memory_space<vmem>>, vector<1x1x16xf32>,
    %get3A_1253 = vector.shape_cast %get3A_1252 : vector<1x1x16xf32> to vector<16xf32>
    %swap3A_1254 = arith.constant 2 : i32
    %swap3A_1255 = arith.index_cast %swap3A_1254 : i32 to index
    %swap3A_1256 = arith.constant 80 : index
    %swap3A_1257 = tpu.vector_load %arg7[%swap3A_1255, %swap3A_1256] {strides = array<i32>} : memref<32x128xf32, #tpu.memory_space<vmem>>, vector<1x16xf32>,
    %swap3A_1258 = vector.shape_cast %swap3A_1257 : vector<1x16xf32> to vector<16xf32>
    %swap3A_1259 = vector.shape_cast %get3A_1253 : vector<16xf32> to vector<1x16xf32>
    tpu.vector_store %arg7[%swap3A_1255, %swap3A_1256], %swap3A_1259 {strides = array<i32>} : memref<32x128xf32, #tpu.memory_space<vmem>>, vector<1x16xf32>,
    %get3A_1260 = arith.constant 2 : i32
    %get3A_1261 = arith.index_cast %get3A_1260 : i32 to index
    %get3A_1262 = arith.index_cast %and3A_51 : i32 to index
    %get3A_1263 = arith.constant 96 : index
    %get3A_1264 = tpu.vector_load %arg6[%get3A_1261, %get3A_1262, %get3A_1263] {strides = array<i32>} : memref<32x8x128xf32, #tpu.memory_space<vmem>>, vector<1x1x16xf32>,
    %get3A_1265 = vector.shape_cast %get3A_1264 : vector<1x1x16xf32> to vector<16xf32>
    %swap3A_1266 = arith.constant 2 : i32
    %swap3A_1267 = arith.index_cast %swap3A_1266 : i32 to index
    %swap3A_1268 = arith.constant 96 : index
    %swap3A_1269 = tpu.vector_load %arg7[%swap3A_1267, %swap3A_1268] {strides = array<i32>} : memref<32x128xf32, #tpu.memory_space<vmem>>, vector<1x16xf32>,
    %swap3A_1270 = vector.shape_cast %swap3A_1269 : vector<1x16xf32> to vector<16xf32>
    %swap3A_1271 = vector.shape_cast %get3A_1265 : vector<16xf32> to vector<1x16xf32>
    tpu.vector_store %arg7[%swap3A_1267, %swap3A_1268], %swap3A_1271 {strides = array<i32>} : memref<32x128xf32, #tpu.memory_space<vmem>>, vector<1x16xf32>,
    %get3A_1272 = arith.constant 2 : i32
    %get3A_1273 = arith.index_cast %get3A_1272 : i32 to index
    %get3A_1274 = arith.index_cast %and3A_51 : i32 to index
    %get3A_1275 = arith.constant 112 : index
    %get3A_1276 = tpu.vector_load %arg6[%get3A_1273, %get3A_1274, %get3A_1275] {strides = array<i32>} : memref<32x8x128xf32, #tpu.memory_space<vmem>>, vector<1x1x16xf32>,
    %get3A_1277 = vector.shape_cast %get3A_1276 : vector<1x1x16xf32> to vector<16xf32>
    %swap3A_1278 = arith.constant 2 : i32
    %swap3A_1279 = arith.index_cast %swap3A_1278 : i32 to index
    %swap3A_1280 = arith.constant 112 : index
    %swap3A_1281 = tpu.vector_load %arg7[%swap3A_1279, %swap3A_1280] {strides = array<i32>} : memref<32x128xf32, #tpu.memory_space<vmem>>, vector<1x16xf32>,
    %swap3A_1282 = vector.shape_cast %swap3A_1281 : vector<1x16xf32> to vector<16xf32>
    %swap3A_1283 = vector.shape_cast %get3A_1277 : vector<16xf32> to vector<1x16xf32>
    tpu.vector_store %arg7[%swap3A_1279, %swap3A_1280], %swap3A_1283 {strides = array<i32>} : memref<32x128xf32, #tpu.memory_space<vmem>>, vector<1x16xf32>,
    %get3A_1284 = arith.constant 3 : i32
    %get3A_1285 = arith.index_cast %get3A_1284 : i32 to index
    %get3A_1286 = arith.index_cast %and3A_71 : i32 to index
    %get3A_1287 = arith.constant 0 : index
    %get3A_1288 = tpu.vector_load %arg6[%get3A_1285, %get3A_1286, %get3A_1287] {strides = array<i32>} : memref<32x8x128xf32, #tpu.memory_space<vmem>>, vector<1x1x16xf32>,
    %get3A_1289 = vector.shape_cast %get3A_1288 : vector<1x1x16xf32> to vector<16xf32>
    %swap3A_1290 = arith.constant 3 : i32
    %swap3A_1291 = arith.index_cast %swap3A_1290 : i32 to index
    %swap3A_1292 = arith.constant 0 : index
    %swap3A_1293 = tpu.vector_load %arg7[%swap3A_1291, %swap3A_1292] {strides = array<i32>} : memref<32x128xf32, #tpu.memory_space<vmem>>, vector<1x16xf32>,
    %swap3A_1294 = vector.shape_cast %swap3A_1293 : vector<1x16xf32> to vector<16xf32>
    %swap3A_1295 = vector.shape_cast %get3A_1289 : vector<16xf32> to vector<1x16xf32>
    tpu.vector_store %arg7[%swap3A_1291, %swap3A_1292], %swap3A_1295 {strides = array<i32>} : memref<32x128xf32, #tpu.memory_space<vmem>>, vector<1x16xf32>,
    %get3A_1296 = arith.constant 3 : i32
    %get3A_1297 = arith.index_cast %get3A_1296 : i32 to index
    %get3A_1298 = arith.index_cast %and3A_71 : i32 to index
    %get3A_1299 = arith.constant 16 : index
    %get3A_1300 = tpu.vector_load %arg6[%get3A_1297, %get3A_1298, %get3A_1299] {strides = array<i32>} : memref<32x8x128xf32, #tpu.memory_space<vmem>>, vector<1x1x16xf32>,
    %get3A_1301 = vector.shape_cast %get3A_1300 : vector<1x1x16xf32> to vector<16xf32>
    %swap3A_1302 = arith.constant 3 : i32
    %swap3A_1303 = arith.index_cast %swap3A_1302 : i32 to index
    %swap3A_1304 = arith.constant 16 : index
    %swap3A_1305 = tpu.vector_load %arg7[%swap3A_1303, %swap3A_1304] {strides = array<i32>} : memref<32x128xf32, #tpu.memory_space<vmem>>, vector<1x16xf32>,
    %swap3A_1306 = vector.shape_cast %swap3A_1305 : vector<1x16xf32> to vector<16xf32>
    %swap3A_1307 = vector.shape_cast %get3A_1301 : vector<16xf32> to vector<1x16xf32>
    tpu.vector_store %arg7[%swap3A_1303, %swap3A_1304], %swap3A_1307 {strides = array<i32>} : memref<32x128xf32, #tpu.memory_space<vmem>>, vector<1x16xf32>,
    %get3A_1308 = arith.constant 3 : i32
    %get3A_1309 = arith.index_cast %get3A_1308 : i32 to index
    %get3A_1310 = arith.index_cast %and3A_71 : i32 to index
    %get3A_1311 = arith.constant 32 : index
    %get3A_1312 = tpu.vector_load %arg6[%get3A_1309, %get3A_1310, %get3A_1311] {strides = array<i32>} : memref<32x8x128xf32, #tpu.memory_space<vmem>>, vector<1x1x16xf32>,
    %get3A_1313 = vector.shape_cast %get3A_1312 : vector<1x1x16xf32> to vector<16xf32>
    %swap3A_1314 = arith.constant 3 : i32
    %swap3A_1315 = arith.index_cast %swap3A_1314 : i32 to index
    %swap3A_1316 = arith.constant 32 : index
    %swap3A_1317 = tpu.vector_load %arg7[%swap3A_1315, %swap3A_1316] {strides = array<i32>} : memref<32x128xf32, #tpu.memory_space<vmem>>, vector<1x16xf32>,
    %swap3A_1318 = vector.shape_cast %swap3A_1317 : vector<1x16xf32> to vector<16xf32>
    %swap3A_1319 = vector.shape_cast %get3A_1313 : vector<16xf32> to vector<1x16xf32>
    tpu.vector_store %arg7[%swap3A_1315, %swap3A_1316], %swap3A_1319 {strides = array<i32>} : memref<32x128xf32, #tpu.memory_space<vmem>>, vector<1x16xf32>,
    %get3A_1320 = arith.constant 3 : i32
    %get3A_1321 = arith.index_cast %get3A_1320 : i32 to index
    %get3A_1322 = arith.index_cast %and3A_71 : i32 to index
    %get3A_1323 = arith.constant 48 : index
    %get3A_1324 = tpu.vector_load %arg6[%get3A_1321, %get3A_1322, %get3A_1323] {strides = array<i32>} : memref<32x8x128xf32, #tpu.memory_space<vmem>>, vector<1x1x16xf32>,
    %get3A_1325 = vector.shape_cast %get3A_1324 : vector<1x1x16xf32> to vector<16xf32>
    %swap3A_1326 = arith.constant 3 : i32
    %swap3A_1327 = arith.index_cast %swap3A_1326 : i32 to index
    %swap3A_1328 = arith.constant 48 : index
    %swap3A_1329 = tpu.vector_load %arg7[%swap3A_1327, %swap3A_1328] {strides = array<i32>} : memref<32x128xf32, #tpu.memory_space<vmem>>, vector<1x16xf32>,
    %swap3A_1330 = vector.shape_cast %swap3A_1329 : vector<1x16xf32> to vector<16xf32>
    %swap3A_1331 = vector.shape_cast %get3A_1325 : vector<16xf32> to vector<1x16xf32>
    tpu.vector_store %arg7[%swap3A_1327, %swap3A_1328], %swap3A_1331 {strides = array<i32>} : memref<32x128xf32, #tpu.memory_space<vmem>>, vector<1x16xf32>,
    %get3A_1332 = arith.constant 3 : i32
    %get3A_1333 = arith.index_cast %get3A_1332 : i32 to index
    %get3A_1334 = arith.index_cast %and3A_71 : i32 to index
    %get3A_1335 = arith.constant 64 : index
    %get3A_1336 = tpu.vector_load %arg6[%get3A_1333, %get3A_1334, %get3A_1335] {strides = array<i32>} : memref<32x8x128xf32, #tpu.memory_space<vmem>>, vector<1x1x16xf32>,
    %get3A_1337 = vector.shape_cast %get3A_1336 : vector<1x1x16xf32> to vector<16xf32>
    %swap3A_1338 = arith.constant 3 : i32
    %swap3A_1339 = arith.index_cast %swap3A_1338 : i32 to index
    %swap3A_1340 = arith.constant 64 : index
    %swap3A_1341 = tpu.vector_load %arg7[%swap3A_1339, %swap3A_1340] {strides = array<i32>} : memref<32x128xf32, #tpu.memory_space<vmem>>, vector<1x16xf32>,
    %swap3A_1342 = vector.shape_cast %swap3A_1341 : vector<1x16xf32> to vector<16xf32>
    %swap3A_1343 = vector.shape_cast %get3A_1337 : vector<16xf32> to vector<1x16xf32>
    tpu.vector_store %arg7[%swap3A_1339, %swap3A_1340], %swap3A_1343 {strides = array<i32>} : memref<32x128xf32, #tpu.memory_space<vmem>>, vector<1x16xf32>,
    %get3A_1344 = arith.constant 3 : i32
    %get3A_1345 = arith.index_cast %get3A_1344 : i32 to index
    %get3A_1346 = arith.index_cast %and3A_71 : i32 to index
    %get3A_1347 = arith.constant 80 : index
    %get3A_1348 = tpu.vector_load %arg6[%get3A_1345, %get3A_1346, %get3A_1347] {strides = array<i32>} : memref<32x8x128xf32, #tpu.memory_space<vmem>>, vector<1x1x16xf32>,
    %get3A_1349 = vector.shape_cast %get3A_1348 : vector<1x1x16xf32> to vector<16xf32>
    %swap3A_1350 = arith.constant 3 : i32
    %swap3A_1351 = arith.index_cast %swap3A_1350 : i32 to index
    %swap3A_1352 = arith.constant 80 : index
    %swap3A_1353 = tpu.vector_load %arg7[%swap3A_1351, %swap3A_1352] {strides = array<i32>} : memref<32x128xf32, #tpu.memory_space<vmem>>, vector<1x16xf32>,
    %swap3A_1354 = vector.shape_cast %swap3A_1353 : vector<1x16xf32> to vector<16xf32>
    %swap3A_1355 = vector.shape_cast %get3A_1349 : vector<16xf32> to vector<1x16xf32>
    tpu.vector_store %arg7[%swap3A_1351, %swap3A_1352], %swap3A_1355 {strides = array<i32>} : memref<32x128xf32, #tpu.memory_space<vmem>>, vector<1x16xf32>,
    %get3A_1356 = arith.constant 3 : i32
    %get3A_1357 = arith.index_cast %get3A_1356 : i32 to index
    %get3A_1358 = arith.index_cast %and3A_71 : i32 to index
    %get3A_1359 = arith.constant 96 : index
    %get3A_1360 = tpu.vector_load %arg6[%get3A_1357, %get3A_1358, %get3A_1359] {strides = array<i32>} : memref<32x8x128xf32, #tpu.memory_space<vmem>>, vector<1x1x16xf32>,
    %get3A_1361 = vector.shape_cast %get3A_1360 : vector<1x1x16xf32> to vector<16xf32>
    %swap3A_1362 = arith.constant 3 : i32
    %swap3A_1363 = arith.index_cast %swap3A_1362 : i32 to index
    %swap3A_1364 = arith.constant 96 : index
    %swap3A_1365 = tpu.vector_load %arg7[%swap3A_1363, %swap3A_1364] {strides = array<i32>} : memref<32x128xf32, #tpu.memory_space<vmem>>, vector<1x16xf32>,
    %swap3A_1366 = vector.shape_cast %swap3A_1365 : vector<1x16xf32> to vector<16xf32>
    %swap3A_1367 = vector.shape_cast %get3A_1361 : vector<16xf32> to vector<1x16xf32>
    tpu.vector_store %arg7[%swap3A_1363, %swap3A_1364], %swap3A_1367 {strides = array<i32>} : memref<32x128xf32, #tpu.memory_space<vmem>>, vector<1x16xf32>,
    %get3A_1368 = arith.constant 3 : i32
    %get3A_1369 = arith.index_cast %get3A_1368 : i32 to index
    %get3A_1370 = arith.index_cast %and3A_71 : i32 to index
    %get3A_1371 = arith.constant 112 : index
    %get3A_1372 = tpu.vector_load %arg6[%get3A_1369, %get3A_1370, %get3A_1371] {strides = array<i32>} : memref<32x8x128xf32, #tpu.memory_space<vmem>>, vector<1x1x16xf32>,
    %get3A_1373 = vector.shape_cast %get3A_1372 : vector<1x1x16xf32> to vector<16xf32>
    %swap3A_1374 = arith.constant 3 : i32
    %swap3A_1375 = arith.index_cast %swap3A_1374 : i32 to index
    %swap3A_1376 = arith.constant 112 : index
    %swap3A_1377 = tpu.vector_load %arg7[%swap3A_1375, %swap3A_1376] {strides = array<i32>} : memref<32x128xf32, #tpu.memory_space<vmem>>, vector<1x16xf32>,
    %swap3A_1378 = vector.shape_cast %swap3A_1377 : vector<1x16xf32> to vector<16xf32>
    %swap3A_1379 = vector.shape_cast %get3A_1373 : vector<16xf32> to vector<1x16xf32>
    tpu.vector_store %arg7[%swap3A_1375, %swap3A_1376], %swap3A_1379 {strides = array<i32>} : memref<32x128xf32, #tpu.memory_space<vmem>>, vector<1x16xf32>,
    %get3A_1380 = arith.constant 4 : i32
    %get3A_1381 = arith.index_cast %get3A_1380 : i32 to index
    %get3A_1382 = arith.index_cast %and3A_91 : i32 to index
    %get3A_1383 = arith.constant 0 : index
    %get3A_1384 = tpu.vector_load %arg6[%get3A_1381, %get3A_1382, %get3A_1383] {strides = array<i32>} : memref<32x8x128xf32, #tpu.memory_space<vmem>>, vector<1x1x16xf32>,
    %get3A_1385 = vector.shape_cast %get3A_1384 : vector<1x1x16xf32> to vector<16xf32>
    %swap3A_1386 = arith.constant 4 : i32
    %swap3A_1387 = arith.index_cast %swap3A_1386 : i32 to index
    %swap3A_1388 = arith.constant 0 : index
    %swap3A_1389 = tpu.vector_load %arg7[%swap3A_1387, %swap3A_1388] {strides = array<i32>} : memref<32x128xf32, #tpu.memory_space<vmem>>, vector<1x16xf32>,
    %swap3A_1390 = vector.shape_cast %swap3A_1389 : vector<1x16xf32> to vector<16xf32>
    %swap3A_1391 = vector.shape_cast %get3A_1385 : vector<16xf32> to vector<1x16xf32>
    tpu.vector_store %arg7[%swap3A_1387, %swap3A_1388], %swap3A_1391 {strides = array<i32>} : memref<32x128xf32, #tpu.memory_space<vmem>>, vector<1x16xf32>,
    %get3A_1392 = arith.constant 4 : i32
    %get3A_1393 = arith.index_cast %get3A_1392 : i32 to index
    %get3A_1394 = arith.index_cast %and3A_91 : i32 to index
    %get3A_1395 = arith.constant 16 : index
    %get3A_1396 = tpu.vector_load %arg6[%get3A_1393, %get3A_1394, %get3A_1395] {strides = array<i32>} : memref<32x8x128xf32, #tpu.memory_space<vmem>>, vector<1x1x16xf32>,
    %get3A_1397 = vector.shape_cast %get3A_1396 : vector<1x1x16xf32> to vector<16xf32>
    %swap3A_1398 = arith.constant 4 : i32
    %swap3A_1399 = arith.index_cast %swap3A_1398 : i32 to index
    %swap3A_1400 = arith.constant 16 : index
    %swap3A_1401 = tpu.vector_load %arg7[%swap3A_1399, %swap3A_1400] {strides = array<i32>} : memref<32x128xf32, #tpu.memory_space<vmem>>, vector<1x16xf32>,
    %swap3A_1402 = vector.shape_cast %swap3A_1401 : vector<1x16xf32> to vector<16xf32>
    %swap3A_1403 = vector.shape_cast %get3A_1397 : vector<16xf32> to vector<1x16xf32>
    tpu.vector_store %arg7[%swap3A_1399, %swap3A_1400], %swap3A_1403 {strides = array<i32>} : memref<32x128xf32, #tpu.memory_space<vmem>>, vector<1x16xf32>,
    %get3A_1404 = arith.constant 4 : i32
    %get3A_1405 = arith.index_cast %get3A_1404 : i32 to index
    %get3A_1406 = arith.index_cast %and3A_91 : i32 to index
    %get3A_1407 = arith.constant 32 : index
    %get3A_1408 = tpu.vector_load %arg6[%get3A_1405, %get3A_1406, %get3A_1407] {strides = array<i32>} : memref<32x8x128xf32, #tpu.memory_space<vmem>>, vector<1x1x16xf32>,
    %get3A_1409 = vector.shape_cast %get3A_1408 : vector<1x1x16xf32> to vector<16xf32>
    %swap3A_1410 = arith.constant 4 : i32
    %swap3A_1411 = arith.index_cast %swap3A_1410 : i32 to index
    %swap3A_1412 = arith.constant 32 : index
    %swap3A_1413 = tpu.vector_load %arg7[%swap3A_1411, %swap3A_1412] {strides = array<i32>} : memref<32x128xf32, #tpu.memory_space<vmem>>, vector<1x16xf32>,
    %swap3A_1414 = vector.shape_cast %swap3A_1413 : vector<1x16xf32> to vector<16xf32>
    %swap3A_1415 = vector.shape_cast %get3A_1409 : vector<16xf32> to vector<1x16xf32>
    tpu.vector_store %arg7[%swap3A_1411, %swap3A_1412], %swap3A_1415 {strides = array<i32>} : memref<32x128xf32, #tpu.memory_space<vmem>>, vector<1x16xf32>,
    %get3A_1416 = arith.constant 4 : i32
    %get3A_1417 = arith.index_cast %get3A_1416 : i32 to index
    %get3A_1418 = arith.index_cast %and3A_91 : i32 to index
    %get3A_1419 = arith.constant 48 : index
    %get3A_1420 = tpu.vector_load %arg6[%get3A_1417, %get3A_1418, %get3A_1419] {strides = array<i32>} : memref<32x8x128xf32, #tpu.memory_space<vmem>>, vector<1x1x16xf32>,
    %get3A_1421 = vector.shape_cast %get3A_1420 : vector<1x1x16xf32> to vector<16xf32>
    %swap3A_1422 = arith.constant 4 : i32
    %swap3A_1423 = arith.index_cast %swap3A_1422 : i32 to index
    %swap3A_1424 = arith.constant 48 : index
    %swap3A_1425 = tpu.vector_load %arg7[%swap3A_1423, %swap3A_1424] {strides = array<i32>} : memref<32x128xf32, #tpu.memory_space<vmem>>, vector<1x16xf32>,
    %swap3A_1426 = vector.shape_cast %swap3A_1425 : vector<1x16xf32> to vector<16xf32>
    %swap3A_1427 = vector.shape_cast %get3A_1421 : vector<16xf32> to vector<1x16xf32>
    tpu.vector_store %arg7[%swap3A_1423, %swap3A_1424], %swap3A_1427 {strides = array<i32>} : memref<32x128xf32, #tpu.memory_space<vmem>>, vector<1x16xf32>,
    %get3A_1428 = arith.constant 4 : i32
    %get3A_1429 = arith.index_cast %get3A_1428 : i32 to index
    %get3A_1430 = arith.index_cast %and3A_91 : i32 to index
    %get3A_1431 = arith.constant 64 : index
    %get3A_1432 = tpu.vector_load %arg6[%get3A_1429, %get3A_1430, %get3A_1431] {strides = array<i32>} : memref<32x8x128xf32, #tpu.memory_space<vmem>>, vector<1x1x16xf32>,
    %get3A_1433 = vector.shape_cast %get3A_1432 : vector<1x1x16xf32> to vector<16xf32>
    %swap3A_1434 = arith.constant 4 : i32
    %swap3A_1435 = arith.index_cast %swap3A_1434 : i32 to index
    %swap3A_1436 = arith.constant 64 : index
    %swap3A_1437 = tpu.vector_load %arg7[%swap3A_1435, %swap3A_1436] {strides = array<i32>} : memref<32x128xf32, #tpu.memory_space<vmem>>, vector<1x16xf32>,
    %swap3A_1438 = vector.shape_cast %swap3A_1437 : vector<1x16xf32> to vector<16xf32>
    %swap3A_1439 = vector.shape_cast %get3A_1433 : vector<16xf32> to vector<1x16xf32>
    tpu.vector_store %arg7[%swap3A_1435, %swap3A_1436], %swap3A_1439 {strides = array<i32>} : memref<32x128xf32, #tpu.memory_space<vmem>>, vector<1x16xf32>,
    %get3A_1440 = arith.constant 4 : i32
    %get3A_1441 = arith.index_cast %get3A_1440 : i32 to index
    %get3A_1442 = arith.index_cast %and3A_91 : i32 to index
    %get3A_1443 = arith.constant 80 : index
    %get3A_1444 = tpu.vector_load %arg6[%get3A_1441, %get3A_1442, %get3A_1443] {strides = array<i32>} : memref<32x8x128xf32, #tpu.memory_space<vmem>>, vector<1x1x16xf32>,
    %get3A_1445 = vector.shape_cast %get3A_1444 : vector<1x1x16xf32> to vector<16xf32>
    %swap3A_1446 = arith.constant 4 : i32
    %swap3A_1447 = arith.index_cast %swap3A_1446 : i32 to index
    %swap3A_1448 = arith.constant 80 : index
    %swap3A_1449 = tpu.vector_load %arg7[%swap3A_1447, %swap3A_1448] {strides = array<i32>} : memref<32x128xf32, #tpu.memory_space<vmem>>, vector<1x16xf32>,
    %swap3A_1450 = vector.shape_cast %swap3A_1449 : vector<1x16xf32> to vector<16xf32>
    %swap3A_1451 = vector.shape_cast %get3A_1445 : vector<16xf32> to vector<1x16xf32>
    tpu.vector_store %arg7[%swap3A_1447, %swap3A_1448], %swap3A_1451 {strides = array<i32>} : memref<32x128xf32, #tpu.memory_space<vmem>>, vector<1x16xf32>,
    %get3A_1452 = arith.constant 4 : i32
    %get3A_1453 = arith.index_cast %get3A_1452 : i32 to index
    %get3A_1454 = arith.index_cast %and3A_91 : i32 to index
    %get3A_1455 = arith.constant 96 : index
    %get3A_1456 = tpu.vector_load %arg6[%get3A_1453, %get3A_1454, %get3A_1455] {strides = array<i32>} : memref<32x8x128xf32, #tpu.memory_space<vmem>>, vector<1x1x16xf32>,
    %get3A_1457 = vector.shape_cast %get3A_1456 : vector<1x1x16xf32> to vector<16xf32>
    %swap3A_1458 = arith.constant 4 : i32
    %swap3A_1459 = arith.index_cast %swap3A_1458 : i32 to index
    %swap3A_1460 = arith.constant 96 : index
    %swap3A_1461 = tpu.vector_load %arg7[%swap3A_1459, %swap3A_1460] {strides = array<i32>} : memref<32x128xf32, #tpu.memory_space<vmem>>, vector<1x16xf32>,
    %swap3A_1462 = vector.shape_cast %swap3A_1461 : vector<1x16xf32> to vector<16xf32>
    %swap3A_1463 = vector.shape_cast %get3A_1457 : vector<16xf32> to vector<1x16xf32>
    tpu.vector_store %arg7[%swap3A_1459, %swap3A_1460], %swap3A_1463 {strides = array<i32>} : memref<32x128xf32, #tpu.memory_space<vmem>>, vector<1x16xf32>,
    %get3A_1464 = arith.constant 4 : i32
    %get3A_1465 = arith.index_cast %get3A_1464 : i32 to index
    %get3A_1466 = arith.index_cast %and3A_91 : i32 to index
    %get3A_1467 = arith.constant 112 : index
    %get3A_1468 = tpu.vector_load %arg6[%get3A_1465, %get3A_1466, %get3A_1467] {strides = array<i32>} : memref<32x8x128xf32, #tpu.memory_space<vmem>>, vector<1x1x16xf32>,
    %get3A_1469 = vector.shape_cast %get3A_1468 : vector<1x1x16xf32> to vector<16xf32>
    %swap3A_1470 = arith.constant 4 : i32
    %swap3A_1471 = arith.index_cast %swap3A_1470 : i32 to index
    %swap3A_1472 = arith.constant 112 : index
    %swap3A_1473 = tpu.vector_load %arg7[%swap3A_1471, %swap3A_1472] {strides = array<i32>} : memref<32x128xf32, #tpu.memory_space<vmem>>, vector<1x16xf32>,
    %swap3A_1474 = vector.shape_cast %swap3A_1473 : vector<1x16xf32> to vector<16xf32>
    %swap3A_1475 = vector.shape_cast %get3A_1469 : vector<16xf32> to vector<1x16xf32>
    tpu.vector_store %arg7[%swap3A_1471, %swap3A_1472], %swap3A_1475 {strides = array<i32>} : memref<32x128xf32, #tpu.memory_space<vmem>>, vector<1x16xf32>,
    %get3A_1476 = arith.constant 5 : i32
    %get3A_1477 = arith.index_cast %get3A_1476 : i32 to index
    %get3A_1478 = arith.index_cast %and3A_111 : i32 to index
    %get3A_1479 = arith.constant 0 : index
    %get3A_1480 = tpu.vector_load %arg6[%get3A_1477, %get3A_1478, %get3A_1479] {strides = array<i32>} : memref<32x8x128xf32, #tpu.memory_space<vmem>>, vector<1x1x16xf32>,
    %get3A_1481 = vector.shape_cast %get3A_1480 : vector<1x1x16xf32> to vector<16xf32>
    %swap3A_1482 = arith.constant 5 : i32
    %swap3A_1483 = arith.index_cast %swap3A_1482 : i32 to index
    %swap3A_1484 = arith.constant 0 : index
    %swap3A_1485 = tpu.vector_load %arg7[%swap3A_1483, %swap3A_1484] {strides = array<i32>} : memref<32x128xf32, #tpu.memory_space<vmem>>, vector<1x16xf32>,
    %swap3A_1486 = vector.shape_cast %swap3A_1485 : vector<1x16xf32> to vector<16xf32>
    %swap3A_1487 = vector.shape_cast %get3A_1481 : vector<16xf32> to vector<1x16xf32>
    tpu.vector_store %arg7[%swap3A_1483, %swap3A_1484], %swap3A_1487 {strides = array<i32>} : memref<32x128xf32, #tpu.memory_space<vmem>>, vector<1x16xf32>,
    %get3A_1488 = arith.constant 5 : i32
    %get3A_1489 = arith.index_cast %get3A_1488 : i32 to index
    %get3A_1490 = arith.index_cast %and3A_111 : i32 to index
    %get3A_1491 = arith.constant 16 : index
    %get3A_1492 = tpu.vector_load %arg6[%get3A_1489, %get3A_1490, %get3A_1491] {strides = array<i32>} : memref<32x8x128xf32, #tpu.memory_space<vmem>>, vector<1x1x16xf32>,
    %get3A_1493 = vector.shape_cast %get3A_1492 : vector<1x1x16xf32> to vector<16xf32>
    %swap3A_1494 = arith.constant 5 : i32
    %swap3A_1495 = arith.index_cast %swap3A_1494 : i32 to index
    %swap3A_1496 = arith.constant 16 : index
    %swap3A_1497 = tpu.vector_load %arg7[%swap3A_1495, %swap3A_1496] {strides = array<i32>} : memref<32x128xf32, #tpu.memory_space<vmem>>, vector<1x16xf32>,
    %swap3A_1498 = vector.shape_cast %swap3A_1497 : vector<1x16xf32> to vector<16xf32>
    %swap3A_1499 = vector.shape_cast %get3A_1493 : vector<16xf32> to vector<1x16xf32>
    tpu.vector_store %arg7[%swap3A_1495, %swap3A_1496], %swap3A_1499 {strides = array<i32>} : memref<32x128xf32, #tpu.memory_space<vmem>>, vector<1x16xf32>,
    %get3A_1500 = arith.constant 5 : i32
    %get3A_1501 = arith.index_cast %get3A_1500 : i32 to index
    %get3A_1502 = arith.index_cast %and3A_111 : i32 to index
    %get3A_1503 = arith.constant 32 : index
    %get3A_1504 = tpu.vector_load %arg6[%get3A_1501, %get3A_1502, %get3A_1503] {strides = array<i32>} : memref<32x8x128xf32, #tpu.memory_space<vmem>>, vector<1x1x16xf32>,
    %get3A_1505 = vector.shape_cast %get3A_1504 : vector<1x1x16xf32> to vector<16xf32>
    %swap3A_1506 = arith.constant 5 : i32
    %swap3A_1507 = arith.index_cast %swap3A_1506 : i32 to index
    %swap3A_1508 = arith.constant 32 : index
    %swap3A_1509 = tpu.vector_load %arg7[%swap3A_1507, %swap3A_1508] {strides = array<i32>} : memref<32x128xf32, #tpu.memory_space<vmem>>, vector<1x16xf32>,
    %swap3A_1510 = vector.shape_cast %swap3A_1509 : vector<1x16xf32> to vector<16xf32>
    %swap3A_1511 = vector.shape_cast %get3A_1505 : vector<16xf32> to vector<1x16xf32>
    tpu.vector_store %arg7[%swap3A_1507, %swap3A_1508], %swap3A_1511 {strides = array<i32>} : memref<32x128xf32, #tpu.memory_space<vmem>>, vector<1x16xf32>,
    %get3A_1512 = arith.constant 5 : i32
    %get3A_1513 = arith.index_cast %get3A_1512 : i32 to index
    %get3A_1514 = arith.index_cast %and3A_111 : i32 to index
    %get3A_1515 = arith.constant 48 : index
    %get3A_1516 = tpu.vector_load %arg6[%get3A_1513, %get3A_1514, %get3A_1515] {strides = array<i32>} : memref<32x8x128xf32, #tpu.memory_space<vmem>>, vector<1x1x16xf32>,
    %get3A_1517 = vector.shape_cast %get3A_1516 : vector<1x1x16xf32> to vector<16xf32>
    %swap3A_1518 = arith.constant 5 : i32
    %swap3A_1519 = arith.index_cast %swap3A_1518 : i32 to index
    %swap3A_1520 = arith.constant 48 : index
    %swap3A_1521 = tpu.vector_load %arg7[%swap3A_1519, %swap3A_1520] {strides = array<i32>} : memref<32x128xf32, #tpu.memory_space<vmem>>, vector<1x16xf32>,
    %swap3A_1522 = vector.shape_cast %swap3A_1521 : vector<1x16xf32> to vector<16xf32>
    %swap3A_1523 = vector.shape_cast %get3A_1517 : vector<16xf32> to vector<1x16xf32>
    tpu.vector_store %arg7[%swap3A_1519, %swap3A_1520], %swap3A_1523 {strides = array<i32>} : memref<32x128xf32, #tpu.memory_space<vmem>>, vector<1x16xf32>,
    %get3A_1524 = arith.constant 5 : i32
    %get3A_1525 = arith.index_cast %get3A_1524 : i32 to index
    %get3A_1526 = arith.index_cast %and3A_111 : i32 to index
    %get3A_1527 = arith.constant 64 : index
    %get3A_1528 = tpu.vector_load %arg6[%get3A_1525, %get3A_1526, %get3A_1527] {strides = array<i32>} : memref<32x8x128xf32, #tpu.memory_space<vmem>>, vector<1x1x16xf32>,
    %get3A_1529 = vector.shape_cast %get3A_1528 : vector<1x1x16xf32> to vector<16xf32>
    %swap3A_1530 = arith.constant 5 : i32
    %swap3A_1531 = arith.index_cast %swap3A_1530 : i32 to index
    %swap3A_1532 = arith.constant 64 : index
    %swap3A_1533 = tpu.vector_load %arg7[%swap3A_1531, %swap3A_1532] {strides = array<i32>} : memref<32x128xf32, #tpu.memory_space<vmem>>, vector<1x16xf32>,
    %swap3A_1534 = vector.shape_cast %swap3A_1533 : vector<1x16xf32> to vector<16xf32>
    %swap3A_1535 = vector.shape_cast %get3A_1529 : vector<16xf32> to vector<1x16xf32>
    tpu.vector_store %arg7[%swap3A_1531, %swap3A_1532], %swap3A_1535 {strides = array<i32>} : memref<32x128xf32, #tpu.memory_space<vmem>>, vector<1x16xf32>,
    %get3A_1536 = arith.constant 5 : i32
    %get3A_1537 = arith.index_cast %get3A_1536 : i32 to index
    %get3A_1538 = arith.index_cast %and3A_111 : i32 to index
    %get3A_1539 = arith.constant 80 : index
    %get3A_1540 = tpu.vector_load %arg6[%get3A_1537, %get3A_1538, %get3A_1539] {strides = array<i32>} : memref<32x8x128xf32, #tpu.memory_space<vmem>>, vector<1x1x16xf32>,
    %get3A_1541 = vector.shape_cast %get3A_1540 : vector<1x1x16xf32> to vector<16xf32>
    %swap3A_1542 = arith.constant 5 : i32
    %swap3A_1543 = arith.index_cast %swap3A_1542 : i32 to index
    %swap3A_1544 = arith.constant 80 : index
    %swap3A_1545 = tpu.vector_load %arg7[%swap3A_1543, %swap3A_1544] {strides = array<i32>} : memref<32x128xf32, #tpu.memory_space<vmem>>, vector<1x16xf32>,
    %swap3A_1546 = vector.shape_cast %swap3A_1545 : vector<1x16xf32> to vector<16xf32>
    %swap3A_1547 = vector.shape_cast %get3A_1541 : vector<16xf32> to vector<1x16xf32>
    tpu.vector_store %arg7[%swap3A_1543, %swap3A_1544], %swap3A_1547 {strides = array<i32>} : memref<32x128xf32, #tpu.memory_space<vmem>>, vector<1x16xf32>,
    %get3A_1548 = arith.constant 5 : i32
    %get3A_1549 = arith.index_cast %get3A_1548 : i32 to index
    %get3A_1550 = arith.index_cast %and3A_111 : i32 to index
    %get3A_1551 = arith.constant 96 : index
    %get3A_1552 = tpu.vector_load %arg6[%get3A_1549, %get3A_1550, %get3A_1551] {strides = array<i32>} : memref<32x8x128xf32, #tpu.memory_space<vmem>>, vector<1x1x16xf32>,
    %get3A_1553 = vector.shape_cast %get3A_1552 : vector<1x1x16xf32> to vector<16xf32>
    %swap3A_1554 = arith.constant 5 : i32
    %swap3A_1555 = arith.index_cast %swap3A_1554 : i32 to index
    %swap3A_1556 = arith.constant 96 : index
    %swap3A_1557 = tpu.vector_load %arg7[%swap3A_1555, %swap3A_1556] {strides = array<i32>} : memref<32x128xf32, #tpu.memory_space<vmem>>, vector<1x16xf32>,
    %swap3A_1558 = vector.shape_cast %swap3A_1557 : vector<1x16xf32> to vector<16xf32>
    %swap3A_1559 = vector.shape_cast %get3A_1553 : vector<16xf32> to vector<1x16xf32>
    tpu.vector_store %arg7[%swap3A_1555, %swap3A_1556], %swap3A_1559 {strides = array<i32>} : memref<32x128xf32, #tpu.memory_space<vmem>>, vector<1x16xf32>,
    %get3A_1560 = arith.constant 5 : i32
    %get3A_1561 = arith.index_cast %get3A_1560 : i32 to index
    %get3A_1562 = arith.index_cast %and3A_111 : i32 to index
    %get3A_1563 = arith.constant 112 : index
    %get3A_1564 = tpu.vector_load %arg6[%get3A_1561, %get3A_1562, %get3A_1563] {strides = array<i32>} : memref<32x8x128xf32, #tpu.memory_space<vmem>>, vector<1x1x16xf32>,
    %get3A_1565 = vector.shape_cast %get3A_1564 : vector<1x1x16xf32> to vector<16xf32>
    %swap3A_1566 = arith.constant 5 : i32
    %swap3A_1567 = arith.index_cast %swap3A_1566 : i32 to index
    %swap3A_1568 = arith.constant 112 : index
    %swap3A_1569 = tpu.vector_load %arg7[%swap3A_1567, %swap3A_1568] {strides = array<i32>} : memref<32x128xf32, #tpu.memory_space<vmem>>, vector<1x16xf32>,
    %swap3A_1570 = vector.shape_cast %swap3A_1569 : vector<1x16xf32> to vector<16xf32>
    %swap3A_1571 = vector.shape_cast %get3A_1565 : vector<16xf32> to vector<1x16xf32>
    tpu.vector_store %arg7[%swap3A_1567, %swap3A_1568], %swap3A_1571 {strides = array<i32>} : memref<32x128xf32, #tpu.memory_space<vmem>>, vector<1x16xf32>,
    %get3A_1572 = arith.constant 6 : i32
    %get3A_1573 = arith.index_cast %get3A_1572 : i32 to index
    %get3A_1574 = arith.index_cast %and3A_131 : i32 to index
    %get3A_1575 = arith.constant 0 : index
    %get3A_1576 = tpu.vector_load %arg6[%get3A_1573, %get3A_1574, %get3A_1575] {strides = array<i32>} : memref<32x8x128xf32, #tpu.memory_space<vmem>>, vector<1x1x16xf32>,
    %get3A_1577 = vector.shape_cast %get3A_1576 : vector<1x1x16xf32> to vector<16xf32>
    %swap3A_1578 = arith.constant 6 : i32
    %swap3A_1579 = arith.index_cast %swap3A_1578 : i32 to index
    %swap3A_1580 = arith.constant 0 : index
    %swap3A_1581 = tpu.vector_load %arg7[%swap3A_1579, %swap3A_1580] {strides = array<i32>} : memref<32x128xf32, #tpu.memory_space<vmem>>, vector<1x16xf32>,
    %swap3A_1582 = vector.shape_cast %swap3A_1581 : vector<1x16xf32> to vector<16xf32>
    %swap3A_1583 = vector.shape_cast %get3A_1577 : vector<16xf32> to vector<1x16xf32>
    tpu.vector_store %arg7[%swap3A_1579, %swap3A_1580], %swap3A_1583 {strides = array<i32>} : memref<32x128xf32, #tpu.memory_space<vmem>>, vector<1x16xf32>,
    %get3A_1584 = arith.constant 6 : i32
    %get3A_1585 = arith.index_cast %get3A_1584 : i32 to index
    %get3A_1586 = arith.index_cast %and3A_131 : i32 to index
    %get3A_1587 = arith.constant 16 : index
    %get3A_1588 = tpu.vector_load %arg6[%get3A_1585, %get3A_1586, %get3A_1587] {strides = array<i32>} : memref<32x8x128xf32, #tpu.memory_space<vmem>>, vector<1x1x16xf32>,
    %get3A_1589 = vector.shape_cast %get3A_1588 : vector<1x1x16xf32> to vector<16xf32>
    %swap3A_1590 = arith.constant 6 : i32
    %swap3A_1591 = arith.index_cast %swap3A_1590 : i32 to index
    %swap3A_1592 = arith.constant 16 : index
    %swap3A_1593 = tpu.vector_load %arg7[%swap3A_1591, %swap3A_1592] {strides = array<i32>} : memref<32x128xf32, #tpu.memory_space<vmem>>, vector<1x16xf32>,
    %swap3A_1594 = vector.shape_cast %swap3A_1593 : vector<1x16xf32> to vector<16xf32>
    %swap3A_1595 = vector.shape_cast %get3A_1589 : vector<16xf32> to vector<1x16xf32>
    tpu.vector_store %arg7[%swap3A_1591, %swap3A_1592], %swap3A_1595 {strides = array<i32>} : memref<32x128xf32, #tpu.memory_space<vmem>>, vector<1x16xf32>,
    %get3A_1596 = arith.constant 6 : i32
    %get3A_1597 = arith.index_cast %get3A_1596 : i32 to index
    %get3A_1598 = arith.index_cast %and3A_131 : i32 to index
    %get3A_1599 = arith.constant 32 : index
    %get3A_1600 = tpu.vector_load %arg6[%get3A_1597, %get3A_1598, %get3A_1599] {strides = array<i32>} : memref<32x8x128xf32, #tpu.memory_space<vmem>>, vector<1x1x16xf32>,
    %get3A_1601 = vector.shape_cast %get3A_1600 : vector<1x1x16xf32> to vector<16xf32>
    %swap3A_1602 = arith.constant 6 : i32
    %swap3A_1603 = arith.index_cast %swap3A_1602 : i32 to index
    %swap3A_1604 = arith.constant 32 : index
    %swap3A_1605 = tpu.vector_load %arg7[%swap3A_1603, %swap3A_1604] {strides = array<i32>} : memref<32x128xf32, #tpu.memory_space<vmem>>, vector<1x16xf32>,
    %swap3A_1606 = vector.shape_cast %swap3A_1605 : vector<1x16xf32> to vector<16xf32>
    %swap3A_1607 = vector.shape_cast %get3A_1601 : vector<16xf32> to vector<1x16xf32>
    tpu.vector_store %arg7[%swap3A_1603, %swap3A_1604], %swap3A_1607 {strides = array<i32>} : memref<32x128xf32, #tpu.memory_space<vmem>>, vector<1x16xf32>,
    %get3A_1608 = arith.constant 6 : i32
    %get3A_1609 = arith.index_cast %get3A_1608 : i32 to index
    %get3A_1610 = arith.index_cast %and3A_131 : i32 to index
    %get3A_1611 = arith.constant 48 : index
    %get3A_1612 = tpu.vector_load %arg6[%get3A_1609, %get3A_1610, %get3A_1611] {strides = array<i32>} : memref<32x8x128xf32, #tpu.memory_space<vmem>>, vector<1x1x16xf32>,
    %get3A_1613 = vector.shape_cast %get3A_1612 : vector<1x1x16xf32> to vector<16xf32>
    %swap3A_1614 = arith.constant 6 : i32
    %swap3A_1615 = arith.index_cast %swap3A_1614 : i32 to index
    %swap3A_1616 = arith.constant 48 : index
    %swap3A_1617 = tpu.vector_load %arg7[%swap3A_1615, %swap3A_1616] {strides = array<i32>} : memref<32x128xf32, #tpu.memory_space<vmem>>, vector<1x16xf32>,
    %swap3A_1618 = vector.shape_cast %swap3A_1617 : vector<1x16xf32> to vector<16xf32>
    %swap3A_1619 = vector.shape_cast %get3A_1613 : vector<16xf32> to vector<1x16xf32>
    tpu.vector_store %arg7[%swap3A_1615, %swap3A_1616], %swap3A_1619 {strides = array<i32>} : memref<32x128xf32, #tpu.memory_space<vmem>>, vector<1x16xf32>,
    %get3A_1620 = arith.constant 6 : i32
    %get3A_1621 = arith.index_cast %get3A_1620 : i32 to index
    %get3A_1622 = arith.index_cast %and3A_131 : i32 to index
    %get3A_1623 = arith.constant 64 : index
    %get3A_1624 = tpu.vector_load %arg6[%get3A_1621, %get3A_1622, %get3A_1623] {strides = array<i32>} : memref<32x8x128xf32, #tpu.memory_space<vmem>>, vector<1x1x16xf32>,
    %get3A_1625 = vector.shape_cast %get3A_1624 : vector<1x1x16xf32> to vector<16xf32>
    %swap3A_1626 = arith.constant 6 : i32
    %swap3A_1627 = arith.index_cast %swap3A_1626 : i32 to index
    %swap3A_1628 = arith.constant 64 : index
    %swap3A_1629 = tpu.vector_load %arg7[%swap3A_1627, %swap3A_1628] {strides = array<i32>} : memref<32x128xf32, #tpu.memory_space<vmem>>, vector<1x16xf32>,
    %swap3A_1630 = vector.shape_cast %swap3A_1629 : vector<1x16xf32> to vector<16xf32>
    %swap3A_1631 = vector.shape_cast %get3A_1625 : vector<16xf32> to vector<1x16xf32>
    tpu.vector_store %arg7[%swap3A_1627, %swap3A_1628], %swap3A_1631 {strides = array<i32>} : memref<32x128xf32, #tpu.memory_space<vmem>>, vector<1x16xf32>,
    %get3A_1632 = arith.constant 6 : i32
    %get3A_1633 = arith.index_cast %get3A_1632 : i32 to index
    %get3A_1634 = arith.index_cast %and3A_131 : i32 to index
    %get3A_1635 = arith.constant 80 : index
    %get3A_1636 = tpu.vector_load %arg6[%get3A_1633, %get3A_1634, %get3A_1635] {strides = array<i32>} : memref<32x8x128xf32, #tpu.memory_space<vmem>>, vector<1x1x16xf32>,
    %get3A_1637 = vector.shape_cast %get3A_1636 : vector<1x1x16xf32> to vector<16xf32>
    %swap3A_1638 = arith.constant 6 : i32
    %swap3A_1639 = arith.index_cast %swap3A_1638 : i32 to index
    %swap3A_1640 = arith.constant 80 : index
    %swap3A_1641 = tpu.vector_load %arg7[%swap3A_1639, %swap3A_1640] {strides = array<i32>} : memref<32x128xf32, #tpu.memory_space<vmem>>, vector<1x16xf32>,
    %swap3A_1642 = vector.shape_cast %swap3A_1641 : vector<1x16xf32> to vector<16xf32>
    %swap3A_1643 = vector.shape_cast %get3A_1637 : vector<16xf32> to vector<1x16xf32>
    tpu.vector_store %arg7[%swap3A_1639, %swap3A_1640], %swap3A_1643 {strides = array<i32>} : memref<32x128xf32, #tpu.memory_space<vmem>>, vector<1x16xf32>,
    %get3A_1644 = arith.constant 6 : i32
    %get3A_1645 = arith.index_cast %get3A_1644 : i32 to index
    %get3A_1646 = arith.index_cast %and3A_131 : i32 to index
    %get3A_1647 = arith.constant 96 : index
    %get3A_1648 = tpu.vector_load %arg6[%get3A_1645, %get3A_1646, %get3A_1647] {strides = array<i32>} : memref<32x8x128xf32, #tpu.memory_space<vmem>>, vector<1x1x16xf32>,
    %get3A_1649 = vector.shape_cast %get3A_1648 : vector<1x1x16xf32> to vector<16xf32>
    %swap3A_1650 = arith.constant 6 : i32
    %swap3A_1651 = arith.index_cast %swap3A_1650 : i32 to index
    %swap3A_1652 = arith.constant 96 : index
    %swap3A_1653 = tpu.vector_load %arg7[%swap3A_1651, %swap3A_1652] {strides = array<i32>} : memref<32x128xf32, #tpu.memory_space<vmem>>, vector<1x16xf32>,
    %swap3A_1654 = vector.shape_cast %swap3A_1653 : vector<1x16xf32> to vector<16xf32>
    %swap3A_1655 = vector.shape_cast %get3A_1649 : vector<16xf32> to vector<1x16xf32>
    tpu.vector_store %arg7[%swap3A_1651, %swap3A_1652], %swap3A_1655 {strides = array<i32>} : memref<32x128xf32, #tpu.memory_space<vmem>>, vector<1x16xf32>,
    %get3A_1656 = arith.constant 6 : i32
    %get3A_1657 = arith.index_cast %get3A_1656 : i32 to index
    %get3A_1658 = arith.index_cast %and3A_131 : i32 to index
    %get3A_1659 = arith.constant 112 : index
    %get3A_1660 = tpu.vector_load %arg6[%get3A_1657, %get3A_1658, %get3A_1659] {strides = array<i32>} : memref<32x8x128xf32, #tpu.memory_space<vmem>>, vector<1x1x16xf32>,
    %get3A_1661 = vector.shape_cast %get3A_1660 : vector<1x1x16xf32> to vector<16xf32>
    %swap3A_1662 = arith.constant 6 : i32
    %swap3A_1663 = arith.index_cast %swap3A_1662 : i32 to index
    %swap3A_1664 = arith.constant 112 : index
    %swap3A_1665 = tpu.vector_load %arg7[%swap3A_1663, %swap3A_1664] {strides = array<i32>} : memref<32x128xf32, #tpu.memory_space<vmem>>, vector<1x16xf32>,
    %swap3A_1666 = vector.shape_cast %swap3A_1665 : vector<1x16xf32> to vector<16xf32>
    %swap3A_1667 = vector.shape_cast %get3A_1661 : vector<16xf32> to vector<1x16xf32>
    tpu.vector_store %arg7[%swap3A_1663, %swap3A_1664], %swap3A_1667 {strides = array<i32>} : memref<32x128xf32, #tpu.memory_space<vmem>>, vector<1x16xf32>,
    %get3A_1668 = arith.constant 7 : i32
    %get3A_1669 = arith.index_cast %get3A_1668 : i32 to index
    %get3A_1670 = arith.index_cast %and3A_151 : i32 to index
    %get3A_1671 = arith.constant 0 : index
    %get3A_1672 = tpu.vector_load %arg6[%get3A_1669, %get3A_1670, %get3A_1671] {strides = array<i32>} : memref<32x8x128xf32, #tpu.memory_space<vmem>>, vector<1x1x16xf32>,
    %get3A_1673 = vector.shape_cast %get3A_1672 : vector<1x1x16xf32> to vector<16xf32>
    %swap3A_1674 = arith.constant 7 : i32
    %swap3A_1675 = arith.index_cast %swap3A_1674 : i32 to index
    %swap3A_1676 = arith.constant 0 : index
    %swap3A_1677 = tpu.vector_load %arg7[%swap3A_1675, %swap3A_1676] {strides = array<i32>} : memref<32x128xf32, #tpu.memory_space<vmem>>, vector<1x16xf32>,
    %swap3A_1678 = vector.shape_cast %swap3A_1677 : vector<1x16xf32> to vector<16xf32>
    %swap3A_1679 = vector.shape_cast %get3A_1673 : vector<16xf32> to vector<1x16xf32>
    tpu.vector_store %arg7[%swap3A_1675, %swap3A_1676], %swap3A_1679 {strides = array<i32>} : memref<32x128xf32, #tpu.memory_space<vmem>>, vector<1x16xf32>,
    %get3A_1680 = arith.constant 7 : i32
    %get3A_1681 = arith.index_cast %get3A_1680 : i32 to index
    %get3A_1682 = arith.index_cast %and3A_151 : i32 to index
    %get3A_1683 = arith.constant 16 : index
    %get3A_1684 = tpu.vector_load %arg6[%get3A_1681, %get3A_1682, %get3A_1683] {strides = array<i32>} : memref<32x8x128xf32, #tpu.memory_space<vmem>>, vector<1x1x16xf32>,
    %get3A_1685 = vector.shape_cast %get3A_1684 : vector<1x1x16xf32> to vector<16xf32>
    %swap3A_1686 = arith.constant 7 : i32
    %swap3A_1687 = arith.index_cast %swap3A_1686 : i32 to index
    %swap3A_1688 = arith.constant 16 : index
    %swap3A_1689 = tpu.vector_load %arg7[%swap3A_1687, %swap3A_1688] {strides = array<i32>} : memref<32x128xf32, #tpu.memory_space<vmem>>, vector<1x16xf32>,
    %swap3A_1690 = vector.shape_cast %swap3A_1689 : vector<1x16xf32> to vector<16xf32>
    %swap3A_1691 = vector.shape_cast %get3A_1685 : vector<16xf32> to vector<1x16xf32>
    tpu.vector_store %arg7[%swap3A_1687, %swap3A_1688], %swap3A_1691 {strides = array<i32>} : memref<32x128xf32, #tpu.memory_space<vmem>>, vector<1x16xf32>,
    %get3A_1692 = arith.constant 7 : i32
    %get3A_1693 = arith.index_cast %get3A_1692 : i32 to index
    %get3A_1694 = arith.index_cast %and3A_151 : i32 to index
    %get3A_1695 = arith.constant 32 : index
    %get3A_1696 = tpu.vector_load %arg6[%get3A_1693, %get3A_1694, %get3A_1695] {strides = array<i32>} : memref<32x8x128xf32, #tpu.memory_space<vmem>>, vector<1x1x16xf32>,
    %get3A_1697 = vector.shape_cast %get3A_1696 : vector<1x1x16xf32> to vector<16xf32>
    %swap3A_1698 = arith.constant 7 : i32
    %swap3A_1699 = arith.index_cast %swap3A_1698 : i32 to index
    %swap3A_1700 = arith.constant 32 : index
    %swap3A_1701 = tpu.vector_load %arg7[%swap3A_1699, %swap3A_1700] {strides = array<i32>} : memref<32x128xf32, #tpu.memory_space<vmem>>, vector<1x16xf32>,
    %swap3A_1702 = vector.shape_cast %swap3A_1701 : vector<1x16xf32> to vector<16xf32>
    %swap3A_1703 = vector.shape_cast %get3A_1697 : vector<16xf32> to vector<1x16xf32>
    tpu.vector_store %arg7[%swap3A_1699, %swap3A_1700], %swap3A_1703 {strides = array<i32>} : memref<32x128xf32, #tpu.memory_space<vmem>>, vector<1x16xf32>,
    %get3A_1704 = arith.constant 7 : i32
    %get3A_1705 = arith.index_cast %get3A_1704 : i32 to index
    %get3A_1706 = arith.index_cast %and3A_151 : i32 to index
    %get3A_1707 = arith.constant 48 : index
    %get3A_1708 = tpu.vector_load %arg6[%get3A_1705, %get3A_1706, %get3A_1707] {strides = array<i32>} : memref<32x8x128xf32, #tpu.memory_space<vmem>>, vector<1x1x16xf32>,
    %get3A_1709 = vector.shape_cast %get3A_1708 : vector<1x1x16xf32> to vector<16xf32>
    %swap3A_1710 = arith.constant 7 : i32
    %swap3A_1711 = arith.index_cast %swap3A_1710 : i32 to index
    %swap3A_1712 = arith.constant 48 : index
    %swap3A_1713 = tpu.vector_load %arg7[%swap3A_1711, %swap3A_1712] {strides = array<i32>} : memref<32x128xf32, #tpu.memory_space<vmem>>, vector<1x16xf32>,
    %swap3A_1714 = vector.shape_cast %swap3A_1713 : vector<1x16xf32> to vector<16xf32>
    %swap3A_1715 = vector.shape_cast %get3A_1709 : vector<16xf32> to vector<1x16xf32>
    tpu.vector_store %arg7[%swap3A_1711, %swap3A_1712], %swap3A_1715 {strides = array<i32>} : memref<32x128xf32, #tpu.memory_space<vmem>>, vector<1x16xf32>,
    %get3A_1716 = arith.constant 7 : i32
    %get3A_1717 = arith.index_cast %get3A_1716 : i32 to index
    %get3A_1718 = arith.index_cast %and3A_151 : i32 to index
    %get3A_1719 = arith.constant 64 : index
    %get3A_1720 = tpu.vector_load %arg6[%get3A_1717, %get3A_1718, %get3A_1719] {strides = array<i32>} : memref<32x8x128xf32, #tpu.memory_space<vmem>>, vector<1x1x16xf32>,
    %get3A_1721 = vector.shape_cast %get3A_1720 : vector<1x1x16xf32> to vector<16xf32>
    %swap3A_1722 = arith.constant 7 : i32
    %swap3A_1723 = arith.index_cast %swap3A_1722 : i32 to index
    %swap3A_1724 = arith.constant 64 : index
    %swap3A_1725 = tpu.vector_load %arg7[%swap3A_1723, %swap3A_1724] {strides = array<i32>} : memref<32x128xf32, #tpu.memory_space<vmem>>, vector<1x16xf32>,
    %swap3A_1726 = vector.shape_cast %swap3A_1725 : vector<1x16xf32> to vector<16xf32>
    %swap3A_1727 = vector.shape_cast %get3A_1721 : vector<16xf32> to vector<1x16xf32>
    tpu.vector_store %arg7[%swap3A_1723, %swap3A_1724], %swap3A_1727 {strides = array<i32>} : memref<32x128xf32, #tpu.memory_space<vmem>>, vector<1x16xf32>,
    %get3A_1728 = arith.constant 7 : i32
    %get3A_1729 = arith.index_cast %get3A_1728 : i32 to index
    %get3A_1730 = arith.index_cast %and3A_151 : i32 to index
    %get3A_1731 = arith.constant 80 : index
    %get3A_1732 = tpu.vector_load %arg6[%get3A_1729, %get3A_1730, %get3A_1731] {strides = array<i32>} : memref<32x8x128xf32, #tpu.memory_space<vmem>>, vector<1x1x16xf32>,
    %get3A_1733 = vector.shape_cast %get3A_1732 : vector<1x1x16xf32> to vector<16xf32>
    %swap3A_1734 = arith.constant 7 : i32
    %swap3A_1735 = arith.index_cast %swap3A_1734 : i32 to index
    %swap3A_1736 = arith.constant 80 : index
    %swap3A_1737 = tpu.vector_load %arg7[%swap3A_1735, %swap3A_1736] {strides = array<i32>} : memref<32x128xf32, #tpu.memory_space<vmem>>, vector<1x16xf32>,
    %swap3A_1738 = vector.shape_cast %swap3A_1737 : vector<1x16xf32> to vector<16xf32>
    %swap3A_1739 = vector.shape_cast %get3A_1733 : vector<16xf32> to vector<1x16xf32>
    tpu.vector_store %arg7[%swap3A_1735, %swap3A_1736], %swap3A_1739 {strides = array<i32>} : memref<32x128xf32, #tpu.memory_space<vmem>>, vector<1x16xf32>,
    %get3A_1740 = arith.constant 7 : i32
    %get3A_1741 = arith.index_cast %get3A_1740 : i32 to index
    %get3A_1742 = arith.index_cast %and3A_151 : i32 to index
    %get3A_1743 = arith.constant 96 : index
    %get3A_1744 = tpu.vector_load %arg6[%get3A_1741, %get3A_1742, %get3A_1743] {strides = array<i32>} : memref<32x8x128xf32, #tpu.memory_space<vmem>>, vector<1x1x16xf32>,
    %get3A_1745 = vector.shape_cast %get3A_1744 : vector<1x1x16xf32> to vector<16xf32>
    %swap3A_1746 = arith.constant 7 : i32
    %swap3A_1747 = arith.index_cast %swap3A_1746 : i32 to index
    %swap3A_1748 = arith.constant 96 : index
    %swap3A_1749 = tpu.vector_load %arg7[%swap3A_1747, %swap3A_1748] {strides = array<i32>} : memref<32x128xf32, #tpu.memory_space<vmem>>, vector<1x16xf32>,
    %swap3A_1750 = vector.shape_cast %swap3A_1749 : vector<1x16xf32> to vector<16xf32>
    %swap3A_1751 = vector.shape_cast %get3A_1745 : vector<16xf32> to vector<1x16xf32>
    tpu.vector_store %arg7[%swap3A_1747, %swap3A_1748], %swap3A_1751 {strides = array<i32>} : memref<32x128xf32, #tpu.memory_space<vmem>>, vector<1x16xf32>,
    %get3A_1752 = arith.constant 7 : i32
    %get3A_1753 = arith.index_cast %get3A_1752 : i32 to index
    %get3A_1754 = arith.index_cast %and3A_151 : i32 to index
    %get3A_1755 = arith.constant 112 : index
    %get3A_1756 = tpu.vector_load %arg6[%get3A_1753, %get3A_1754, %get3A_1755] {strides = array<i32>} : memref<32x8x128xf32, #tpu.memory_space<vmem>>, vector<1x1x16xf32>,
    %get3A_1757 = vector.shape_cast %get3A_1756 : vector<1x1x16xf32> to vector<16xf32>
    %swap3A_1758 = arith.constant 7 : i32
    %swap3A_1759 = arith.index_cast %swap3A_1758 : i32 to index
    %swap3A_1760 = arith.constant 112 : index
    %swap3A_1761 = tpu.vector_load %arg7[%swap3A_1759, %swap3A_1760] {strides = array<i32>} : memref<32x128xf32, #tpu.memory_space<vmem>>, vector<1x16xf32>,
    %swap3A_1762 = vector.shape_cast %swap3A_1761 : vector<1x16xf32> to vector<16xf32>
    %swap3A_1763 = vector.shape_cast %get3A_1757 : vector<16xf32> to vector<1x16xf32>
    tpu.vector_store %arg7[%swap3A_1759, %swap3A_1760], %swap3A_1763 {strides = array<i32>} : memref<32x128xf32, #tpu.memory_space<vmem>>, vector<1x16xf32>,
    %get3A_1764 = arith.constant 8 : i32
    %get3A_1765 = arith.index_cast %get3A_1764 : i32 to index
    %get3A_1766 = arith.index_cast %and3A_171 : i32 to index
    %get3A_1767 = arith.constant 0 : index
    %get3A_1768 = tpu.vector_load %arg6[%get3A_1765, %get3A_1766, %get3A_1767] {strides = array<i32>} : memref<32x8x128xf32, #tpu.memory_space<vmem>>, vector<1x1x16xf32>,
    %get3A_1769 = vector.shape_cast %get3A_1768 : vector<1x1x16xf32> to vector<16xf32>
    %swap3A_1770 = arith.constant 8 : i32
    %swap3A_1771 = arith.index_cast %swap3A_1770 : i32 to index
    %swap3A_1772 = arith.constant 0 : index
    %swap3A_1773 = tpu.vector_load %arg7[%swap3A_1771, %swap3A_1772] {strides = array<i32>} : memref<32x128xf32, #tpu.memory_space<vmem>>, vector<1x16xf32>,
    %swap3A_1774 = vector.shape_cast %swap3A_1773 : vector<1x16xf32> to vector<16xf32>
    %swap3A_1775 = vector.shape_cast %get3A_1769 : vector<16xf32> to vector<1x16xf32>
    tpu.vector_store %arg7[%swap3A_1771, %swap3A_1772], %swap3A_1775 {strides = array<i32>} : memref<32x128xf32, #tpu.memory_space<vmem>>, vector<1x16xf32>,
    %get3A_1776 = arith.constant 8 : i32
    %get3A_1777 = arith.index_cast %get3A_1776 : i32 to index
    %get3A_1778 = arith.index_cast %and3A_171 : i32 to index
    %get3A_1779 = arith.constant 16 : index
    %get3A_1780 = tpu.vector_load %arg6[%get3A_1777, %get3A_1778, %get3A_1779] {strides = array<i32>} : memref<32x8x128xf32, #tpu.memory_space<vmem>>, vector<1x1x16xf32>,
    %get3A_1781 = vector.shape_cast %get3A_1780 : vector<1x1x16xf32> to vector<16xf32>
    %swap3A_1782 = arith.constant 8 : i32
    %swap3A_1783 = arith.index_cast %swap3A_1782 : i32 to index
    %swap3A_1784 = arith.constant 16 : index
    %swap3A_1785 = tpu.vector_load %arg7[%swap3A_1783, %swap3A_1784] {strides = array<i32>} : memref<32x128xf32, #tpu.memory_space<vmem>>, vector<1x16xf32>,
    %swap3A_1786 = vector.shape_cast %swap3A_1785 : vector<1x16xf32> to vector<16xf32>
    %swap3A_1787 = vector.shape_cast %get3A_1781 : vector<16xf32> to vector<1x16xf32>
    tpu.vector_store %arg7[%swap3A_1783, %swap3A_1784], %swap3A_1787 {strides = array<i32>} : memref<32x128xf32, #tpu.memory_space<vmem>>, vector<1x16xf32>,
    %get3A_1788 = arith.constant 8 : i32
    %get3A_1789 = arith.index_cast %get3A_1788 : i32 to index
    %get3A_1790 = arith.index_cast %and3A_171 : i32 to index
    %get3A_1791 = arith.constant 32 : index
    %get3A_1792 = tpu.vector_load %arg6[%get3A_1789, %get3A_1790, %get3A_1791] {strides = array<i32>} : memref<32x8x128xf32, #tpu.memory_space<vmem>>, vector<1x1x16xf32>,
    %get3A_1793 = vector.shape_cast %get3A_1792 : vector<1x1x16xf32> to vector<16xf32>
    %swap3A_1794 = arith.constant 8 : i32
    %swap3A_1795 = arith.index_cast %swap3A_1794 : i32 to index
    %swap3A_1796 = arith.constant 32 : index
    %swap3A_1797 = tpu.vector_load %arg7[%swap3A_1795, %swap3A_1796] {strides = array<i32>} : memref<32x128xf32, #tpu.memory_space<vmem>>, vector<1x16xf32>,
    %swap3A_1798 = vector.shape_cast %swap3A_1797 : vector<1x16xf32> to vector<16xf32>
    %swap3A_1799 = vector.shape_cast %get3A_1793 : vector<16xf32> to vector<1x16xf32>
    tpu.vector_store %arg7[%swap3A_1795, %swap3A_1796], %swap3A_1799 {strides = array<i32>} : memref<32x128xf32, #tpu.memory_space<vmem>>, vector<1x16xf32>,
    %get3A_1800 = arith.constant 8 : i32
    %get3A_1801 = arith.index_cast %get3A_1800 : i32 to index
    %get3A_1802 = arith.index_cast %and3A_171 : i32 to index
    %get3A_1803 = arith.constant 48 : index
    %get3A_1804 = tpu.vector_load %arg6[%get3A_1801, %get3A_1802, %get3A_1803] {strides = array<i32>} : memref<32x8x128xf32, #tpu.memory_space<vmem>>, vector<1x1x16xf32>,
    %get3A_1805 = vector.shape_cast %get3A_1804 : vector<1x1x16xf32> to vector<16xf32>
    %swap3A_1806 = arith.constant 8 : i32
    %swap3A_1807 = arith.index_cast %swap3A_1806 : i32 to index
    %swap3A_1808 = arith.constant 48 : index
    %swap3A_1809 = tpu.vector_load %arg7[%swap3A_1807, %swap3A_1808] {strides = array<i32>} : memref<32x128xf32, #tpu.memory_space<vmem>>, vector<1x16xf32>,
    %swap3A_1810 = vector.shape_cast %swap3A_1809 : vector<1x16xf32> to vector<16xf32>
    %swap3A_1811 = vector.shape_cast %get3A_1805 : vector<16xf32> to vector<1x16xf32>
    tpu.vector_store %arg7[%swap3A_1807, %swap3A_1808], %swap3A_1811 {strides = array<i32>} : memref<32x128xf32, #tpu.memory_space<vmem>>, vector<1x16xf32>,
    %get3A_1812 = arith.constant 8 : i32
    %get3A_1813 = arith.index_cast %get3A_1812 : i32 to index
    %get3A_1814 = arith.index_cast %and3A_171 : i32 to index
    %get3A_1815 = arith.constant 64 : index
    %get3A_1816 = tpu.vector_load %arg6[%get3A_1813, %get3A_1814, %get3A_1815] {strides = array<i32>} : memref<32x8x128xf32, #tpu.memory_space<vmem>>, vector<1x1x16xf32>,
    %get3A_1817 = vector.shape_cast %get3A_1816 : vector<1x1x16xf32> to vector<16xf32>
    %swap3A_1818 = arith.constant 8 : i32
    %swap3A_1819 = arith.index_cast %swap3A_1818 : i32 to index
    %swap3A_1820 = arith.constant 64 : index
    %swap3A_1821 = tpu.vector_load %arg7[%swap3A_1819, %swap3A_1820] {strides = array<i32>} : memref<32x128xf32, #tpu.memory_space<vmem>>, vector<1x16xf32>,
    %swap3A_1822 = vector.shape_cast %swap3A_1821 : vector<1x16xf32> to vector<16xf32>
    %swap3A_1823 = vector.shape_cast %get3A_1817 : vector<16xf32> to vector<1x16xf32>
    tpu.vector_store %arg7[%swap3A_1819, %swap3A_1820], %swap3A_1823 {strides = array<i32>} : memref<32x128xf32, #tpu.memory_space<vmem>>, vector<1x16xf32>,
    %get3A_1824 = arith.constant 8 : i32
    %get3A_1825 = arith.index_cast %get3A_1824 : i32 to index
    %get3A_1826 = arith.index_cast %and3A_171 : i32 to index
    %get3A_1827 = arith.constant 80 : index
    %get3A_1828 = tpu.vector_load %arg6[%get3A_1825, %get3A_1826, %get3A_1827] {strides = array<i32>} : memref<32x8x128xf32, #tpu.memory_space<vmem>>, vector<1x1x16xf32>,
    %get3A_1829 = vector.shape_cast %get3A_1828 : vector<1x1x16xf32> to vector<16xf32>
    %swap3A_1830 = arith.constant 8 : i32
    %swap3A_1831 = arith.index_cast %swap3A_1830 : i32 to index
    %swap3A_1832 = arith.constant 80 : index
    %swap3A_1833 = tpu.vector_load %arg7[%swap3A_1831, %swap3A_1832] {strides = array<i32>} : memref<32x128xf32, #tpu.memory_space<vmem>>, vector<1x16xf32>,
    %swap3A_1834 = vector.shape_cast %swap3A_1833 : vector<1x16xf32> to vector<16xf32>
    %swap3A_1835 = vector.shape_cast %get3A_1829 : vector<16xf32> to vector<1x16xf32>
    tpu.vector_store %arg7[%swap3A_1831, %swap3A_1832], %swap3A_1835 {strides = array<i32>} : memref<32x128xf32, #tpu.memory_space<vmem>>, vector<1x16xf32>,
    %get3A_1836 = arith.constant 8 : i32
    %get3A_1837 = arith.index_cast %get3A_1836 : i32 to index
    %get3A_1838 = arith.index_cast %and3A_171 : i32 to index
    %get3A_1839 = arith.constant 96 : index
    %get3A_1840 = tpu.vector_load %arg6[%get3A_1837, %get3A_1838, %get3A_1839] {strides = array<i32>} : memref<32x8x128xf32, #tpu.memory_space<vmem>>, vector<1x1x16xf32>,
    %get3A_1841 = vector.shape_cast %get3A_1840 : vector<1x1x16xf32> to vector<16xf32>
    %swap3A_1842 = arith.constant 8 : i32
    %swap3A_1843 = arith.index_cast %swap3A_1842 : i32 to index
    %swap3A_1844 = arith.constant 96 : index
    %swap3A_1845 = tpu.vector_load %arg7[%swap3A_1843, %swap3A_1844] {strides = array<i32>} : memref<32x128xf32, #tpu.memory_space<vmem>>, vector<1x16xf32>,
    %swap3A_1846 = vector.shape_cast %swap3A_1845 : vector<1x16xf32> to vector<16xf32>
    %swap3A_1847 = vector.shape_cast %get3A_1841 : vector<16xf32> to vector<1x16xf32>
    tpu.vector_store %arg7[%swap3A_1843, %swap3A_1844], %swap3A_1847 {strides = array<i32>} : memref<32x128xf32, #tpu.memory_space<vmem>>, vector<1x16xf32>,
    %get3A_1848 = arith.constant 8 : i32
    %get3A_1849 = arith.index_cast %get3A_1848 : i32 to index
    %get3A_1850 = arith.index_cast %and3A_171 : i32 to index
    %get3A_1851 = arith.constant 112 : index
    %get3A_1852 = tpu.vector_load %arg6[%get3A_1849, %get3A_1850, %get3A_1851] {strides = array<i32>} : memref<32x8x128xf32, #tpu.memory_space<vmem>>, vector<1x1x16xf32>,
    %get3A_1853 = vector.shape_cast %get3A_1852 : vector<1x1x16xf32> to vector<16xf32>
    %swap3A_1854 = arith.constant 8 : i32
    %swap3A_1855 = arith.index_cast %swap3A_1854 : i32 to index
    %swap3A_1856 = arith.constant 112 : index
    %swap3A_1857 = tpu.vector_load %arg7[%swap3A_1855, %swap3A_1856] {strides = array<i32>} : memref<32x128xf32, #tpu.memory_space<vmem>>, vector<1x16xf32>,
    %swap3A_1858 = vector.shape_cast %swap3A_1857 : vector<1x16xf32> to vector<16xf32>
    %swap3A_1859 = vector.shape_cast %get3A_1853 : vector<16xf32> to vector<1x16xf32>
    tpu.vector_store %arg7[%swap3A_1855, %swap3A_1856], %swap3A_1859 {strides = array<i32>} : memref<32x128xf32, #tpu.memory_space<vmem>>, vector<1x16xf32>,
    %get3A_1860 = arith.constant 9 : i32
    %get3A_1861 = arith.index_cast %get3A_1860 : i32 to index
    %get3A_1862 = arith.index_cast %and3A_191 : i32 to index
    %get3A_1863 = arith.constant 0 : index
    %get3A_1864 = tpu.vector_load %arg6[%get3A_1861, %get3A_1862, %get3A_1863] {strides = array<i32>} : memref<32x8x128xf32, #tpu.memory_space<vmem>>, vector<1x1x16xf32>,
    %get3A_1865 = vector.shape_cast %get3A_1864 : vector<1x1x16xf32> to vector<16xf32>
    %swap3A_1866 = arith.constant 9 : i32
    %swap3A_1867 = arith.index_cast %swap3A_1866 : i32 to index
    %swap3A_1868 = arith.constant 0 : index
    %swap3A_1869 = tpu.vector_load %arg7[%swap3A_1867, %swap3A_1868] {strides = array<i32>} : memref<32x128xf32, #tpu.memory_space<vmem>>, vector<1x16xf32>,
    %swap3A_1870 = vector.shape_cast %swap3A_1869 : vector<1x16xf32> to vector<16xf32>
    %swap3A_1871 = vector.shape_cast %get3A_1865 : vector<16xf32> to vector<1x16xf32>
    tpu.vector_store %arg7[%swap3A_1867, %swap3A_1868], %swap3A_1871 {strides = array<i32>} : memref<32x128xf32, #tpu.memory_space<vmem>>, vector<1x16xf32>,
    %get3A_1872 = arith.constant 9 : i32
    %get3A_1873 = arith.index_cast %get3A_1872 : i32 to index
    %get3A_1874 = arith.index_cast %and3A_191 : i32 to index
    %get3A_1875 = arith.constant 16 : index
    %get3A_1876 = tpu.vector_load %arg6[%get3A_1873, %get3A_1874, %get3A_1875] {strides = array<i32>} : memref<32x8x128xf32, #tpu.memory_space<vmem>>, vector<1x1x16xf32>,
    %get3A_1877 = vector.shape_cast %get3A_1876 : vector<1x1x16xf32> to vector<16xf32>
    %swap3A_1878 = arith.constant 9 : i32
    %swap3A_1879 = arith.index_cast %swap3A_1878 : i32 to index
    %swap3A_1880 = arith.constant 16 : index
    %swap3A_1881 = tpu.vector_load %arg7[%swap3A_1879, %swap3A_1880] {strides = array<i32>} : memref<32x128xf32, #tpu.memory_space<vmem>>, vector<1x16xf32>,
    %swap3A_1882 = vector.shape_cast %swap3A_1881 : vector<1x16xf32> to vector<16xf32>
    %swap3A_1883 = vector.shape_cast %get3A_1877 : vector<16xf32> to vector<1x16xf32>
    tpu.vector_store %arg7[%swap3A_1879, %swap3A_1880], %swap3A_1883 {strides = array<i32>} : memref<32x128xf32, #tpu.memory_space<vmem>>, vector<1x16xf32>,
    %get3A_1884 = arith.constant 9 : i32
    %get3A_1885 = arith.index_cast %get3A_1884 : i32 to index
    %get3A_1886 = arith.index_cast %and3A_191 : i32 to index
    %get3A_1887 = arith.constant 32 : index
    %get3A_1888 = tpu.vector_load %arg6[%get3A_1885, %get3A_1886, %get3A_1887] {strides = array<i32>} : memref<32x8x128xf32, #tpu.memory_space<vmem>>, vector<1x1x16xf32>,
    %get3A_1889 = vector.shape_cast %get3A_1888 : vector<1x1x16xf32> to vector<16xf32>
    %swap3A_1890 = arith.constant 9 : i32
    %swap3A_1891 = arith.index_cast %swap3A_1890 : i32 to index
    %swap3A_1892 = arith.constant 32 : index
    %swap3A_1893 = tpu.vector_load %arg7[%swap3A_1891, %swap3A_1892] {strides = array<i32>} : memref<32x128xf32, #tpu.memory_space<vmem>>, vector<1x16xf32>,
    %swap3A_1894 = vector.shape_cast %swap3A_1893 : vector<1x16xf32> to vector<16xf32>
    %swap3A_1895 = vector.shape_cast %get3A_1889 : vector<16xf32> to vector<1x16xf32>
    tpu.vector_store %arg7[%swap3A_1891, %swap3A_1892], %swap3A_1895 {strides = array<i32>} : memref<32x128xf32, #tpu.memory_space<vmem>>, vector<1x16xf32>,
    %get3A_1896 = arith.constant 9 : i32
    %get3A_1897 = arith.index_cast %get3A_1896 : i32 to index
    %get3A_1898 = arith.index_cast %and3A_191 : i32 to index
    %get3A_1899 = arith.constant 48 : index
    %get3A_1900 = tpu.vector_load %arg6[%get3A_1897, %get3A_1898, %get3A_1899] {strides = array<i32>} : memref<32x8x128xf32, #tpu.memory_space<vmem>>, vector<1x1x16xf32>,
    %get3A_1901 = vector.shape_cast %get3A_1900 : vector<1x1x16xf32> to vector<16xf32>
    %swap3A_1902 = arith.constant 9 : i32
    %swap3A_1903 = arith.index_cast %swap3A_1902 : i32 to index
    %swap3A_1904 = arith.constant 48 : index
    %swap3A_1905 = tpu.vector_load %arg7[%swap3A_1903, %swap3A_1904] {strides = array<i32>} : memref<32x128xf32, #tpu.memory_space<vmem>>, vector<1x16xf32>,
    %swap3A_1906 = vector.shape_cast %swap3A_1905 : vector<1x16xf32> to vector<16xf32>
    %swap3A_1907 = vector.shape_cast %get3A_1901 : vector<16xf32> to vector<1x16xf32>
    tpu.vector_store %arg7[%swap3A_1903, %swap3A_1904], %swap3A_1907 {strides = array<i32>} : memref<32x128xf32, #tpu.memory_space<vmem>>, vector<1x16xf32>,
    %get3A_1908 = arith.constant 9 : i32
    %get3A_1909 = arith.index_cast %get3A_1908 : i32 to index
    %get3A_1910 = arith.index_cast %and3A_191 : i32 to index
    %get3A_1911 = arith.constant 64 : index
    %get3A_1912 = tpu.vector_load %arg6[%get3A_1909, %get3A_1910, %get3A_1911] {strides = array<i32>} : memref<32x8x128xf32, #tpu.memory_space<vmem>>, vector<1x1x16xf32>,
    %get3A_1913 = vector.shape_cast %get3A_1912 : vector<1x1x16xf32> to vector<16xf32>
    %swap3A_1914 = arith.constant 9 : i32
    %swap3A_1915 = arith.index_cast %swap3A_1914 : i32 to index
    %swap3A_1916 = arith.constant 64 : index
    %swap3A_1917 = tpu.vector_load %arg7[%swap3A_1915, %swap3A_1916] {strides = array<i32>} : memref<32x128xf32, #tpu.memory_space<vmem>>, vector<1x16xf32>,
    %swap3A_1918 = vector.shape_cast %swap3A_1917 : vector<1x16xf32> to vector<16xf32>
    %swap3A_1919 = vector.shape_cast %get3A_1913 : vector<16xf32> to vector<1x16xf32>
    tpu.vector_store %arg7[%swap3A_1915, %swap3A_1916], %swap3A_1919 {strides = array<i32>} : memref<32x128xf32, #tpu.memory_space<vmem>>, vector<1x16xf32>,
    %get3A_1920 = arith.constant 9 : i32
    %get3A_1921 = arith.index_cast %get3A_1920 : i32 to index
    %get3A_1922 = arith.index_cast %and3A_191 : i32 to index
    %get3A_1923 = arith.constant 80 : index
    %get3A_1924 = tpu.vector_load %arg6[%get3A_1921, %get3A_1922, %get3A_1923] {strides = array<i32>} : memref<32x8x128xf32, #tpu.memory_space<vmem>>, vector<1x1x16xf32>,
    %get3A_1925 = vector.shape_cast %get3A_1924 : vector<1x1x16xf32> to vector<16xf32>
    %swap3A_1926 = arith.constant 9 : i32
    %swap3A_1927 = arith.index_cast %swap3A_1926 : i32 to index
    %swap3A_1928 = arith.constant 80 : index
    %swap3A_1929 = tpu.vector_load %arg7[%swap3A_1927, %swap3A_1928] {strides = array<i32>} : memref<32x128xf32, #tpu.memory_space<vmem>>, vector<1x16xf32>,
    %swap3A_1930 = vector.shape_cast %swap3A_1929 : vector<1x16xf32> to vector<16xf32>
    %swap3A_1931 = vector.shape_cast %get3A_1925 : vector<16xf32> to vector<1x16xf32>
    tpu.vector_store %arg7[%swap3A_1927, %swap3A_1928], %swap3A_1931 {strides = array<i32>} : memref<32x128xf32, #tpu.memory_space<vmem>>, vector<1x16xf32>,
    %get3A_1932 = arith.constant 9 : i32
    %get3A_1933 = arith.index_cast %get3A_1932 : i32 to index
    %get3A_1934 = arith.index_cast %and3A_191 : i32 to index
    %get3A_1935 = arith.constant 96 : index
    %get3A_1936 = tpu.vector_load %arg6[%get3A_1933, %get3A_1934, %get3A_1935] {strides = array<i32>} : memref<32x8x128xf32, #tpu.memory_space<vmem>>, vector<1x1x16xf32>,
    %get3A_1937 = vector.shape_cast %get3A_1936 : vector<1x1x16xf32> to vector<16xf32>
    %swap3A_1938 = arith.constant 9 : i32
    %swap3A_1939 = arith.index_cast %swap3A_1938 : i32 to index
    %swap3A_1940 = arith.constant 96 : index
    %swap3A_1941 = tpu.vector_load %arg7[%swap3A_1939, %swap3A_1940] {strides = array<i32>} : memref<32x128xf32, #tpu.memory_space<vmem>>, vector<1x16xf32>,
    %swap3A_1942 = vector.shape_cast %swap3A_1941 : vector<1x16xf32> to vector<16xf32>
    %swap3A_1943 = vector.shape_cast %get3A_1937 : vector<16xf32> to vector<1x16xf32>
    tpu.vector_store %arg7[%swap3A_1939, %swap3A_1940], %swap3A_1943 {strides = array<i32>} : memref<32x128xf32, #tpu.memory_space<vmem>>, vector<1x16xf32>,
    %get3A_1944 = arith.constant 9 : i32
    %get3A_1945 = arith.index_cast %get3A_1944 : i32 to index
    %get3A_1946 = arith.index_cast %and3A_191 : i32 to index
    %get3A_1947 = arith.constant 112 : index
    %get3A_1948 = tpu.vector_load %arg6[%get3A_1945, %get3A_1946, %get3A_1947] {strides = array<i32>} : memref<32x8x128xf32, #tpu.memory_space<vmem>>, vector<1x1x16xf32>,
    %get3A_1949 = vector.shape_cast %get3A_1948 : vector<1x1x16xf32> to vector<16xf32>
    %swap3A_1950 = arith.constant 9 : i32
    %swap3A_1951 = arith.index_cast %swap3A_1950 : i32 to index
    %swap3A_1952 = arith.constant 112 : index
    %swap3A_1953 = tpu.vector_load %arg7[%swap3A_1951, %swap3A_1952] {strides = array<i32>} : memref<32x128xf32, #tpu.memory_space<vmem>>, vector<1x16xf32>,
    %swap3A_1954 = vector.shape_cast %swap3A_1953 : vector<1x16xf32> to vector<16xf32>
    %swap3A_1955 = vector.shape_cast %get3A_1949 : vector<16xf32> to vector<1x16xf32>
    tpu.vector_store %arg7[%swap3A_1951, %swap3A_1952], %swap3A_1955 {strides = array<i32>} : memref<32x128xf32, #tpu.memory_space<vmem>>, vector<1x16xf32>,
    %get3A_1956 = arith.constant 10 : i32
    %get3A_1957 = arith.index_cast %get3A_1956 : i32 to index
    %get3A_1958 = arith.index_cast %and3A_211 : i32 to index
    %get3A_1959 = arith.constant 0 : index
    %get3A_1960 = tpu.vector_load %arg6[%get3A_1957, %get3A_1958, %get3A_1959] {strides = array<i32>} : memref<32x8x128xf32, #tpu.memory_space<vmem>>, vector<1x1x16xf32>,
    %get3A_1961 = vector.shape_cast %get3A_1960 : vector<1x1x16xf32> to vector<16xf32>
    %swap3A_1962 = arith.constant 10 : i32
    %swap3A_1963 = arith.index_cast %swap3A_1962 : i32 to index
    %swap3A_1964 = arith.constant 0 : index
    %swap3A_1965 = tpu.vector_load %arg7[%swap3A_1963, %swap3A_1964] {strides = array<i32>} : memref<32x128xf32, #tpu.memory_space<vmem>>, vector<1x16xf32>,
    %swap3A_1966 = vector.shape_cast %swap3A_1965 : vector<1x16xf32> to vector<16xf32>
    %swap3A_1967 = vector.shape_cast %get3A_1961 : vector<16xf32> to vector<1x16xf32>
    tpu.vector_store %arg7[%swap3A_1963, %swap3A_1964], %swap3A_1967 {strides = array<i32>} : memref<32x128xf32, #tpu.memory_space<vmem>>, vector<1x16xf32>,
    %get3A_1968 = arith.constant 10 : i32
    %get3A_1969 = arith.index_cast %get3A_1968 : i32 to index
    %get3A_1970 = arith.index_cast %and3A_211 : i32 to index
    %get3A_1971 = arith.constant 16 : index
    %get3A_1972 = tpu.vector_load %arg6[%get3A_1969, %get3A_1970, %get3A_1971] {strides = array<i32>} : memref<32x8x128xf32, #tpu.memory_space<vmem>>, vector<1x1x16xf32>,
    %get3A_1973 = vector.shape_cast %get3A_1972 : vector<1x1x16xf32> to vector<16xf32>
    %swap3A_1974 = arith.constant 10 : i32
    %swap3A_1975 = arith.index_cast %swap3A_1974 : i32 to index
    %swap3A_1976 = arith.constant 16 : index
    %swap3A_1977 = tpu.vector_load %arg7[%swap3A_1975, %swap3A_1976] {strides = array<i32>} : memref<32x128xf32, #tpu.memory_space<vmem>>, vector<1x16xf32>,
    %swap3A_1978 = vector.shape_cast %swap3A_1977 : vector<1x16xf32> to vector<16xf32>
    %swap3A_1979 = vector.shape_cast %get3A_1973 : vector<16xf32> to vector<1x16xf32>
    tpu.vector_store %arg7[%swap3A_1975, %swap3A_1976], %swap3A_1979 {strides = array<i32>} : memref<32x128xf32, #tpu.memory_space<vmem>>, vector<1x16xf32>,
    %get3A_1980 = arith.constant 10 : i32
    %get3A_1981 = arith.index_cast %get3A_1980 : i32 to index
    %get3A_1982 = arith.index_cast %and3A_211 : i32 to index
    %get3A_1983 = arith.constant 32 : index
    %get3A_1984 = tpu.vector_load %arg6[%get3A_1981, %get3A_1982, %get3A_1983] {strides = array<i32>} : memref<32x8x128xf32, #tpu.memory_space<vmem>>, vector<1x1x16xf32>,
    %get3A_1985 = vector.shape_cast %get3A_1984 : vector<1x1x16xf32> to vector<16xf32>
    %swap3A_1986 = arith.constant 10 : i32
    %swap3A_1987 = arith.index_cast %swap3A_1986 : i32 to index
    %swap3A_1988 = arith.constant 32 : index
    %swap3A_1989 = tpu.vector_load %arg7[%swap3A_1987, %swap3A_1988] {strides = array<i32>} : memref<32x128xf32, #tpu.memory_space<vmem>>, vector<1x16xf32>,
    %swap3A_1990 = vector.shape_cast %swap3A_1989 : vector<1x16xf32> to vector<16xf32>
    %swap3A_1991 = vector.shape_cast %get3A_1985 : vector<16xf32> to vector<1x16xf32>
    tpu.vector_store %arg7[%swap3A_1987, %swap3A_1988], %swap3A_1991 {strides = array<i32>} : memref<32x128xf32, #tpu.memory_space<vmem>>, vector<1x16xf32>,
    %get3A_1992 = arith.constant 10 : i32
    %get3A_1993 = arith.index_cast %get3A_1992 : i32 to index
    %get3A_1994 = arith.index_cast %and3A_211 : i32 to index
    %get3A_1995 = arith.constant 48 : index
    %get3A_1996 = tpu.vector_load %arg6[%get3A_1993, %get3A_1994, %get3A_1995] {strides = array<i32>} : memref<32x8x128xf32, #tpu.memory_space<vmem>>, vector<1x1x16xf32>,
    %get3A_1997 = vector.shape_cast %get3A_1996 : vector<1x1x16xf32> to vector<16xf32>
    %swap3A_1998 = arith.constant 10 : i32
    %swap3A_1999 = arith.index_cast %swap3A_1998 : i32 to index
    %swap3A_2000 = arith.constant 48 : index
    %swap3A_2001 = tpu.vector_load %arg7[%swap3A_1999, %swap3A_2000] {strides = array<i32>} : memref<32x128xf32, #tpu.memory_space<vmem>>, vector<1x16xf32>,
    %swap3A_2002 = vector.shape_cast %swap3A_2001 : vector<1x16xf32> to vector<16xf32>
    %swap3A_2003 = vector.shape_cast %get3A_1997 : vector<16xf32> to vector<1x16xf32>
    tpu.vector_store %arg7[%swap3A_1999, %swap3A_2000], %swap3A_2003 {strides = array<i32>} : memref<32x128xf32, #tpu.memory_space<vmem>>, vector<1x16xf32>,
    %get3A_2004 = arith.constant 10 : i32
    %get3A_2005 = arith.index_cast %get3A_2004 : i32 to index
    %get3A_2006 = arith.index_cast %and3A_211 : i32 to index
    %get3A_2007 = arith.constant 64 : index
    %get3A_2008 = tpu.vector_load %arg6[%get3A_2005, %get3A_2006, %get3A_2007] {strides = array<i32>} : memref<32x8x128xf32, #tpu.memory_space<vmem>>, vector<1x1x16xf32>,
    %get3A_2009 = vector.shape_cast %get3A_2008 : vector<1x1x16xf32> to vector<16xf32>
    %swap3A_2010 = arith.constant 10 : i32
    %swap3A_2011 = arith.index_cast %swap3A_2010 : i32 to index
    %swap3A_2012 = arith.constant 64 : index
    %swap3A_2013 = tpu.vector_load %arg7[%swap3A_2011, %swap3A_2012] {strides = array<i32>} : memref<32x128xf32, #tpu.memory_space<vmem>>, vector<1x16xf32>,
    %swap3A_2014 = vector.shape_cast %swap3A_2013 : vector<1x16xf32> to vector<16xf32>
    %swap3A_2015 = vector.shape_cast %get3A_2009 : vector<16xf32> to vector<1x16xf32>
    tpu.vector_store %arg7[%swap3A_2011, %swap3A_2012], %swap3A_2015 {strides = array<i32>} : memref<32x128xf32, #tpu.memory_space<vmem>>, vector<1x16xf32>,
    %get3A_2016 = arith.constant 10 : i32
    %get3A_2017 = arith.index_cast %get3A_2016 : i32 to index
    %get3A_2018 = arith.index_cast %and3A_211 : i32 to index
    %get3A_2019 = arith.constant 80 : index
    %get3A_2020 = tpu.vector_load %arg6[%get3A_2017, %get3A_2018, %get3A_2019] {strides = array<i32>} : memref<32x8x128xf32, #tpu.memory_space<vmem>>, vector<1x1x16xf32>,
    %get3A_2021 = vector.shape_cast %get3A_2020 : vector<1x1x16xf32> to vector<16xf32>
    %swap3A_2022 = arith.constant 10 : i32
    %swap3A_2023 = arith.index_cast %swap3A_2022 : i32 to index
    %swap3A_2024 = arith.constant 80 : index
    %swap3A_2025 = tpu.vector_load %arg7[%swap3A_2023, %swap3A_2024] {strides = array<i32>} : memref<32x128xf32, #tpu.memory_space<vmem>>, vector<1x16xf32>,
    %swap3A_2026 = vector.shape_cast %swap3A_2025 : vector<1x16xf32> to vector<16xf32>
    %swap3A_2027 = vector.shape_cast %get3A_2021 : vector<16xf32> to vector<1x16xf32>
    tpu.vector_store %arg7[%swap3A_2023, %swap3A_2024], %swap3A_2027 {strides = array<i32>} : memref<32x128xf32, #tpu.memory_space<vmem>>, vector<1x16xf32>,
    %get3A_2028 = arith.constant 10 : i32
    %get3A_2029 = arith.index_cast %get3A_2028 : i32 to index
    %get3A_2030 = arith.index_cast %and3A_211 : i32 to index
    %get3A_2031 = arith.constant 96 : index
    %get3A_2032 = tpu.vector_load %arg6[%get3A_2029, %get3A_2030, %get3A_2031] {strides = array<i32>} : memref<32x8x128xf32, #tpu.memory_space<vmem>>, vector<1x1x16xf32>,
    %get3A_2033 = vector.shape_cast %get3A_2032 : vector<1x1x16xf32> to vector<16xf32>
    %swap3A_2034 = arith.constant 10 : i32
    %swap3A_2035 = arith.index_cast %swap3A_2034 : i32 to index
    %swap3A_2036 = arith.constant 96 : index
    %swap3A_2037 = tpu.vector_load %arg7[%swap3A_2035, %swap3A_2036] {strides = array<i32>} : memref<32x128xf32, #tpu.memory_space<vmem>>, vector<1x16xf32>,
    %swap3A_2038 = vector.shape_cast %swap3A_2037 : vector<1x16xf32> to vector<16xf32>
    %swap3A_2039 = vector.shape_cast %get3A_2033 : vector<16xf32> to vector<1x16xf32>
    tpu.vector_store %arg7[%swap3A_2035, %swap3A_2036], %swap3A_2039 {strides = array<i32>} : memref<32x128xf32, #tpu.memory_space<vmem>>, vector<1x16xf32>,
    %get3A_2040 = arith.constant 10 : i32
    %get3A_2041 = arith.index_cast %get3A_2040 : i32 to index
    %get3A_2042 = arith.index_cast %and3A_211 : i32 to index
    %get3A_2043 = arith.constant 112 : index
    %get3A_2044 = tpu.vector_load %arg6[%get3A_2041, %get3A_2042, %get3A_2043] {strides = array<i32>} : memref<32x8x128xf32, #tpu.memory_space<vmem>>, vector<1x1x16xf32>,
    %get3A_2045 = vector.shape_cast %get3A_2044 : vector<1x1x16xf32> to vector<16xf32>
    %swap3A_2046 = arith.constant 10 : i32
    %swap3A_2047 = arith.index_cast %swap3A_2046 : i32 to index
    %swap3A_2048 = arith.constant 112 : index
    %swap3A_2049 = tpu.vector_load %arg7[%swap3A_2047, %swap3A_2048] {strides = array<i32>} : memref<32x128xf32, #tpu.memory_space<vmem>>, vector<1x16xf32>,
    %swap3A_2050 = vector.shape_cast %swap3A_2049 : vector<1x16xf32> to vector<16xf32>
    %swap3A_2051 = vector.shape_cast %get3A_2045 : vector<16xf32> to vector<1x16xf32>
    tpu.vector_store %arg7[%swap3A_2047, %swap3A_2048], %swap3A_2051 {strides = array<i32>} : memref<32x128xf32, #tpu.memory_space<vmem>>, vector<1x16xf32>,
    %get3A_2052 = arith.constant 11 : i32
    %get3A_2053 = arith.index_cast %get3A_2052 : i32 to index
    %get3A_2054 = arith.index_cast %and3A_231 : i32 to index
    %get3A_2055 = arith.constant 0 : index
    %get3A_2056 = tpu.vector_load %arg6[%get3A_2053, %get3A_2054, %get3A_2055] {strides = array<i32>} : memref<32x8x128xf32, #tpu.memory_space<vmem>>, vector<1x1x16xf32>,
    %get3A_2057 = vector.shape_cast %get3A_2056 : vector<1x1x16xf32> to vector<16xf32>
    %swap3A_2058 = arith.constant 11 : i32
    %swap3A_2059 = arith.index_cast %swap3A_2058 : i32 to index
    %swap3A_2060 = arith.constant 0 : index
    %swap3A_2061 = tpu.vector_load %arg7[%swap3A_2059, %swap3A_2060] {strides = array<i32>} : memref<32x128xf32, #tpu.memory_space<vmem>>, vector<1x16xf32>,
    %swap3A_2062 = vector.shape_cast %swap3A_2061 : vector<1x16xf32> to vector<16xf32>
    %swap3A_2063 = vector.shape_cast %get3A_2057 : vector<16xf32> to vector<1x16xf32>
    tpu.vector_store %arg7[%swap3A_2059, %swap3A_2060], %swap3A_2063 {strides = array<i32>} : memref<32x128xf32, #tpu.memory_space<vmem>>, vector<1x16xf32>,
    %get3A_2064 = arith.constant 11 : i32
    %get3A_2065 = arith.index_cast %get3A_2064 : i32 to index
    %get3A_2066 = arith.index_cast %and3A_231 : i32 to index
    %get3A_2067 = arith.constant 16 : index
    %get3A_2068 = tpu.vector_load %arg6[%get3A_2065, %get3A_2066, %get3A_2067] {strides = array<i32>} : memref<32x8x128xf32, #tpu.memory_space<vmem>>, vector<1x1x16xf32>,
    %get3A_2069 = vector.shape_cast %get3A_2068 : vector<1x1x16xf32> to vector<16xf32>
    %swap3A_2070 = arith.constant 11 : i32
    %swap3A_2071 = arith.index_cast %swap3A_2070 : i32 to index
    %swap3A_2072 = arith.constant 16 : index
    %swap3A_2073 = tpu.vector_load %arg7[%swap3A_2071, %swap3A_2072] {strides = array<i32>} : memref<32x128xf32, #tpu.memory_space<vmem>>, vector<1x16xf32>,
    %swap3A_2074 = vector.shape_cast %swap3A_2073 : vector<1x16xf32> to vector<16xf32>
    %swap3A_2075 = vector.shape_cast %get3A_2069 : vector<16xf32> to vector<1x16xf32>
    tpu.vector_store %arg7[%swap3A_2071, %swap3A_2072], %swap3A_2075 {strides = array<i32>} : memref<32x128xf32, #tpu.memory_space<vmem>>, vector<1x16xf32>,
    %get3A_2076 = arith.constant 11 : i32
    %get3A_2077 = arith.index_cast %get3A_2076 : i32 to index
    %get3A_2078 = arith.index_cast %and3A_231 : i32 to index
    %get3A_2079 = arith.constant 32 : index
    %get3A_2080 = tpu.vector_load %arg6[%get3A_2077, %get3A_2078, %get3A_2079] {strides = array<i32>} : memref<32x8x128xf32, #tpu.memory_space<vmem>>, vector<1x1x16xf32>,
    %get3A_2081 = vector.shape_cast %get3A_2080 : vector<1x1x16xf32> to vector<16xf32>
    %swap3A_2082 = arith.constant 11 : i32
    %swap3A_2083 = arith.index_cast %swap3A_2082 : i32 to index
    %swap3A_2084 = arith.constant 32 : index
    %swap3A_2085 = tpu.vector_load %arg7[%swap3A_2083, %swap3A_2084] {strides = array<i32>} : memref<32x128xf32, #tpu.memory_space<vmem>>, vector<1x16xf32>,
    %swap3A_2086 = vector.shape_cast %swap3A_2085 : vector<1x16xf32> to vector<16xf32>
    %swap3A_2087 = vector.shape_cast %get3A_2081 : vector<16xf32> to vector<1x16xf32>
    tpu.vector_store %arg7[%swap3A_2083, %swap3A_2084], %swap3A_2087 {strides = array<i32>} : memref<32x128xf32, #tpu.memory_space<vmem>>, vector<1x16xf32>,
    %get3A_2088 = arith.constant 11 : i32
    %get3A_2089 = arith.index_cast %get3A_2088 : i32 to index
    %get3A_2090 = arith.index_cast %and3A_231 : i32 to index
    %get3A_2091 = arith.constant 48 : index
    %get3A_2092 = tpu.vector_load %arg6[%get3A_2089, %get3A_2090, %get3A_2091] {strides = array<i32>} : memref<32x8x128xf32, #tpu.memory_space<vmem>>, vector<1x1x16xf32>,
    %get3A_2093 = vector.shape_cast %get3A_2092 : vector<1x1x16xf32> to vector<16xf32>
    %swap3A_2094 = arith.constant 11 : i32
    %swap3A_2095 = arith.index_cast %swap3A_2094 : i32 to index
    %swap3A_2096 = arith.constant 48 : index
    %swap3A_2097 = tpu.vector_load %arg7[%swap3A_2095, %swap3A_2096] {strides = array<i32>} : memref<32x128xf32, #tpu.memory_space<vmem>>, vector<1x16xf32>,
    %swap3A_2098 = vector.shape_cast %swap3A_2097 : vector<1x16xf32> to vector<16xf32>
    %swap3A_2099 = vector.shape_cast %get3A_2093 : vector<16xf32> to vector<1x16xf32>
    tpu.vector_store %arg7[%swap3A_2095, %swap3A_2096], %swap3A_2099 {strides = array<i32>} : memref<32x128xf32, #tpu.memory_space<vmem>>, vector<1x16xf32>,
    %get3A_2100 = arith.constant 11 : i32
    %get3A_2101 = arith.index_cast %get3A_2100 : i32 to index
    %get3A_2102 = arith.index_cast %and3A_231 : i32 to index
    %get3A_2103 = arith.constant 64 : index
    %get3A_2104 = tpu.vector_load %arg6[%get3A_2101, %get3A_2102, %get3A_2103] {strides = array<i32>} : memref<32x8x128xf32, #tpu.memory_space<vmem>>, vector<1x1x16xf32>,
    %get3A_2105 = vector.shape_cast %get3A_2104 : vector<1x1x16xf32> to vector<16xf32>
    %swap3A_2106 = arith.constant 11 : i32
    %swap3A_2107 = arith.index_cast %swap3A_2106 : i32 to index
    %swap3A_2108 = arith.constant 64 : index
    %swap3A_2109 = tpu.vector_load %arg7[%swap3A_2107, %swap3A_2108] {strides = array<i32>} : memref<32x128xf32, #tpu.memory_space<vmem>>, vector<1x16xf32>,
    %swap3A_2110 = vector.shape_cast %swap3A_2109 : vector<1x16xf32> to vector<16xf32>
    %swap3A_2111 = vector.shape_cast %get3A_2105 : vector<16xf32> to vector<1x16xf32>
    tpu.vector_store %arg7[%swap3A_2107, %swap3A_2108], %swap3A_2111 {strides = array<i32>} : memref<32x128xf32, #tpu.memory_space<vmem>>, vector<1x16xf32>,
    %get3A_2112 = arith.constant 11 : i32
    %get3A_2113 = arith.index_cast %get3A_2112 : i32 to index
    %get3A_2114 = arith.index_cast %and3A_231 : i32 to index
    %get3A_2115 = arith.constant 80 : index
    %get3A_2116 = tpu.vector_load %arg6[%get3A_2113, %get3A_2114, %get3A_2115] {strides = array<i32>} : memref<32x8x128xf32, #tpu.memory_space<vmem>>, vector<1x1x16xf32>,
    %get3A_2117 = vector.shape_cast %get3A_2116 : vector<1x1x16xf32> to vector<16xf32>
    %swap3A_2118 = arith.constant 11 : i32
    %swap3A_2119 = arith.index_cast %swap3A_2118 : i32 to index
    %swap3A_2120 = arith.constant 80 : index
    %swap3A_2121 = tpu.vector_load %arg7[%swap3A_2119, %swap3A_2120] {strides = array<i32>} : memref<32x128xf32, #tpu.memory_space<vmem>>, vector<1x16xf32>,
    %swap3A_2122 = vector.shape_cast %swap3A_2121 : vector<1x16xf32> to vector<16xf32>
    %swap3A_2123 = vector.shape_cast %get3A_2117 : vector<16xf32> to vector<1x16xf32>
    tpu.vector_store %arg7[%swap3A_2119, %swap3A_2120], %swap3A_2123 {strides = array<i32>} : memref<32x128xf32, #tpu.memory_space<vmem>>, vector<1x16xf32>,
    %get3A_2124 = arith.constant 11 : i32
    %get3A_2125 = arith.index_cast %get3A_2124 : i32 to index
    %get3A_2126 = arith.index_cast %and3A_231 : i32 to index
    %get3A_2127 = arith.constant 96 : index
    %get3A_2128 = tpu.vector_load %arg6[%get3A_2125, %get3A_2126, %get3A_2127] {strides = array<i32>} : memref<32x8x128xf32, #tpu.memory_space<vmem>>, vector<1x1x16xf32>,
    %get3A_2129 = vector.shape_cast %get3A_2128 : vector<1x1x16xf32> to vector<16xf32>
    %swap3A_2130 = arith.constant 11 : i32
    %swap3A_2131 = arith.index_cast %swap3A_2130 : i32 to index
    %swap3A_2132 = arith.constant 96 : index
    %swap3A_2133 = tpu.vector_load %arg7[%swap3A_2131, %swap3A_2132] {strides = array<i32>} : memref<32x128xf32, #tpu.memory_space<vmem>>, vector<1x16xf32>,
    %swap3A_2134 = vector.shape_cast %swap3A_2133 : vector<1x16xf32> to vector<16xf32>
    %swap3A_2135 = vector.shape_cast %get3A_2129 : vector<16xf32> to vector<1x16xf32>
    tpu.vector_store %arg7[%swap3A_2131, %swap3A_2132], %swap3A_2135 {strides = array<i32>} : memref<32x128xf32, #tpu.memory_space<vmem>>, vector<1x16xf32>,
    %get3A_2136 = arith.constant 11 : i32
    %get3A_2137 = arith.index_cast %get3A_2136 : i32 to index
    %get3A_2138 = arith.index_cast %and3A_231 : i32 to index
    %get3A_2139 = arith.constant 112 : index
    %get3A_2140 = tpu.vector_load %arg6[%get3A_2137, %get3A_2138, %get3A_2139] {strides = array<i32>} : memref<32x8x128xf32, #tpu.memory_space<vmem>>, vector<1x1x16xf32>,
    %get3A_2141 = vector.shape_cast %get3A_2140 : vector<1x1x16xf32> to vector<16xf32>
    %swap3A_2142 = arith.constant 11 : i32
    %swap3A_2143 = arith.index_cast %swap3A_2142 : i32 to index
    %swap3A_2144 = arith.constant 112 : index
    %swap3A_2145 = tpu.vector_load %arg7[%swap3A_2143, %swap3A_2144] {strides = array<i32>} : memref<32x128xf32, #tpu.memory_space<vmem>>, vector<1x16xf32>,
    %swap3A_2146 = vector.shape_cast %swap3A_2145 : vector<1x16xf32> to vector<16xf32>
    %swap3A_2147 = vector.shape_cast %get3A_2141 : vector<16xf32> to vector<1x16xf32>
    tpu.vector_store %arg7[%swap3A_2143, %swap3A_2144], %swap3A_2147 {strides = array<i32>} : memref<32x128xf32, #tpu.memory_space<vmem>>, vector<1x16xf32>,
    %get3A_2148 = arith.constant 12 : i32
    %get3A_2149 = arith.index_cast %get3A_2148 : i32 to index
    %get3A_2150 = arith.index_cast %and3A_251 : i32 to index
    %get3A_2151 = arith.constant 0 : index
    %get3A_2152 = tpu.vector_load %arg6[%get3A_2149, %get3A_2150, %get3A_2151] {strides = array<i32>} : memref<32x8x128xf32, #tpu.memory_space<vmem>>, vector<1x1x16xf32>,
    %get3A_2153 = vector.shape_cast %get3A_2152 : vector<1x1x16xf32> to vector<16xf32>
    %swap3A_2154 = arith.constant 12 : i32
    %swap3A_2155 = arith.index_cast %swap3A_2154 : i32 to index
    %swap3A_2156 = arith.constant 0 : index
    %swap3A_2157 = tpu.vector_load %arg7[%swap3A_2155, %swap3A_2156] {strides = array<i32>} : memref<32x128xf32, #tpu.memory_space<vmem>>, vector<1x16xf32>,
    %swap3A_2158 = vector.shape_cast %swap3A_2157 : vector<1x16xf32> to vector<16xf32>
    %swap3A_2159 = vector.shape_cast %get3A_2153 : vector<16xf32> to vector<1x16xf32>
    tpu.vector_store %arg7[%swap3A_2155, %swap3A_2156], %swap3A_2159 {strides = array<i32>} : memref<32x128xf32, #tpu.memory_space<vmem>>, vector<1x16xf32>,
    %get3A_2160 = arith.constant 12 : i32
    %get3A_2161 = arith.index_cast %get3A_2160 : i32 to index
    %get3A_2162 = arith.index_cast %and3A_251 : i32 to index
    %get3A_2163 = arith.constant 16 : index
    %get3A_2164 = tpu.vector_load %arg6[%get3A_2161, %get3A_2162, %get3A_2163] {strides = array<i32>} : memref<32x8x128xf32, #tpu.memory_space<vmem>>, vector<1x1x16xf32>,
    %get3A_2165 = vector.shape_cast %get3A_2164 : vector<1x1x16xf32> to vector<16xf32>
    %swap3A_2166 = arith.constant 12 : i32
    %swap3A_2167 = arith.index_cast %swap3A_2166 : i32 to index
    %swap3A_2168 = arith.constant 16 : index
    %swap3A_2169 = tpu.vector_load %arg7[%swap3A_2167, %swap3A_2168] {strides = array<i32>} : memref<32x128xf32, #tpu.memory_space<vmem>>, vector<1x16xf32>,
    %swap3A_2170 = vector.shape_cast %swap3A_2169 : vector<1x16xf32> to vector<16xf32>
    %swap3A_2171 = vector.shape_cast %get3A_2165 : vector<16xf32> to vector<1x16xf32>
    tpu.vector_store %arg7[%swap3A_2167, %swap3A_2168], %swap3A_2171 {strides = array<i32>} : memref<32x128xf32, #tpu.memory_space<vmem>>, vector<1x16xf32>,
    %get3A_2172 = arith.constant 12 : i32
    %get3A_2173 = arith.index_cast %get3A_2172 : i32 to index
    %get3A_2174 = arith.index_cast %and3A_251 : i32 to index
    %get3A_2175 = arith.constant 32 : index
    %get3A_2176 = tpu.vector_load %arg6[%get3A_2173, %get3A_2174, %get3A_2175] {strides = array<i32>} : memref<32x8x128xf32, #tpu.memory_space<vmem>>, vector<1x1x16xf32>,
    %get3A_2177 = vector.shape_cast %get3A_2176 : vector<1x1x16xf32> to vector<16xf32>
    %swap3A_2178 = arith.constant 12 : i32
    %swap3A_2179 = arith.index_cast %swap3A_2178 : i32 to index
    %swap3A_2180 = arith.constant 32 : index
    %swap3A_2181 = tpu.vector_load %arg7[%swap3A_2179, %swap3A_2180] {strides = array<i32>} : memref<32x128xf32, #tpu.memory_space<vmem>>, vector<1x16xf32>,
    %swap3A_2182 = vector.shape_cast %swap3A_2181 : vector<1x16xf32> to vector<16xf32>
    %swap3A_2183 = vector.shape_cast %get3A_2177 : vector<16xf32> to vector<1x16xf32>
    tpu.vector_store %arg7[%swap3A_2179, %swap3A_2180], %swap3A_2183 {strides = array<i32>} : memref<32x128xf32, #tpu.memory_space<vmem>>, vector<1x16xf32>,
    %get3A_2184 = arith.constant 12 : i32
    %get3A_2185 = arith.index_cast %get3A_2184 : i32 to index
    %get3A_2186 = arith.index_cast %and3A_251 : i32 to index
    %get3A_2187 = arith.constant 48 : index
    %get3A_2188 = tpu.vector_load %arg6[%get3A_2185, %get3A_2186, %get3A_2187] {strides = array<i32>} : memref<32x8x128xf32, #tpu.memory_space<vmem>>, vector<1x1x16xf32>,
    %get3A_2189 = vector.shape_cast %get3A_2188 : vector<1x1x16xf32> to vector<16xf32>
    %swap3A_2190 = arith.constant 12 : i32
    %swap3A_2191 = arith.index_cast %swap3A_2190 : i32 to index
    %swap3A_2192 = arith.constant 48 : index
    %swap3A_2193 = tpu.vector_load %arg7[%swap3A_2191, %swap3A_2192] {strides = array<i32>} : memref<32x128xf32, #tpu.memory_space<vmem>>, vector<1x16xf32>,
    %swap3A_2194 = vector.shape_cast %swap3A_2193 : vector<1x16xf32> to vector<16xf32>
    %swap3A_2195 = vector.shape_cast %get3A_2189 : vector<16xf32> to vector<1x16xf32>
    tpu.vector_store %arg7[%swap3A_2191, %swap3A_2192], %swap3A_2195 {strides = array<i32>} : memref<32x128xf32, #tpu.memory_space<vmem>>, vector<1x16xf32>,
    %get3A_2196 = arith.constant 12 : i32
    %get3A_2197 = arith.index_cast %get3A_2196 : i32 to index
    %get3A_2198 = arith.index_cast %and3A_251 : i32 to index
    %get3A_2199 = arith.constant 64 : index
    %get3A_2200 = tpu.vector_load %arg6[%get3A_2197, %get3A_2198, %get3A_2199] {strides = array<i32>} : memref<32x8x128xf32, #tpu.memory_space<vmem>>, vector<1x1x16xf32>,
    %get3A_2201 = vector.shape_cast %get3A_2200 : vector<1x1x16xf32> to vector<16xf32>
    %swap3A_2202 = arith.constant 12 : i32
    %swap3A_2203 = arith.index_cast %swap3A_2202 : i32 to index
    %swap3A_2204 = arith.constant 64 : index
    %swap3A_2205 = tpu.vector_load %arg7[%swap3A_2203, %swap3A_2204] {strides = array<i32>} : memref<32x128xf32, #tpu.memory_space<vmem>>, vector<1x16xf32>,
    %swap3A_2206 = vector.shape_cast %swap3A_2205 : vector<1x16xf32> to vector<16xf32>
    %swap3A_2207 = vector.shape_cast %get3A_2201 : vector<16xf32> to vector<1x16xf32>
    tpu.vector_store %arg7[%swap3A_2203, %swap3A_2204], %swap3A_2207 {strides = array<i32>} : memref<32x128xf32, #tpu.memory_space<vmem>>, vector<1x16xf32>,
    %get3A_2208 = arith.constant 12 : i32
    %get3A_2209 = arith.index_cast %get3A_2208 : i32 to index
    %get3A_2210 = arith.index_cast %and3A_251 : i32 to index
    %get3A_2211 = arith.constant 80 : index
    %get3A_2212 = tpu.vector_load %arg6[%get3A_2209, %get3A_2210, %get3A_2211] {strides = array<i32>} : memref<32x8x128xf32, #tpu.memory_space<vmem>>, vector<1x1x16xf32>,
    %get3A_2213 = vector.shape_cast %get3A_2212 : vector<1x1x16xf32> to vector<16xf32>
    %swap3A_2214 = arith.constant 12 : i32
    %swap3A_2215 = arith.index_cast %swap3A_2214 : i32 to index
    %swap3A_2216 = arith.constant 80 : index
    %swap3A_2217 = tpu.vector_load %arg7[%swap3A_2215, %swap3A_2216] {strides = array<i32>} : memref<32x128xf32, #tpu.memory_space<vmem>>, vector<1x16xf32>,
    %swap3A_2218 = vector.shape_cast %swap3A_2217 : vector<1x16xf32> to vector<16xf32>
    %swap3A_2219 = vector.shape_cast %get3A_2213 : vector<16xf32> to vector<1x16xf32>
    tpu.vector_store %arg7[%swap3A_2215, %swap3A_2216], %swap3A_2219 {strides = array<i32>} : memref<32x128xf32, #tpu.memory_space<vmem>>, vector<1x16xf32>,
    %get3A_2220 = arith.constant 12 : i32
    %get3A_2221 = arith.index_cast %get3A_2220 : i32 to index
    %get3A_2222 = arith.index_cast %and3A_251 : i32 to index
    %get3A_2223 = arith.constant 96 : index
    %get3A_2224 = tpu.vector_load %arg6[%get3A_2221, %get3A_2222, %get3A_2223] {strides = array<i32>} : memref<32x8x128xf32, #tpu.memory_space<vmem>>, vector<1x1x16xf32>,
    %get3A_2225 = vector.shape_cast %get3A_2224 : vector<1x1x16xf32> to vector<16xf32>
    %swap3A_2226 = arith.constant 12 : i32
    %swap3A_2227 = arith.index_cast %swap3A_2226 : i32 to index
    %swap3A_2228 = arith.constant 96 : index
    %swap3A_2229 = tpu.vector_load %arg7[%swap3A_2227, %swap3A_2228] {strides = array<i32>} : memref<32x128xf32, #tpu.memory_space<vmem>>, vector<1x16xf32>,
    %swap3A_2230 = vector.shape_cast %swap3A_2229 : vector<1x16xf32> to vector<16xf32>
    %swap3A_2231 = vector.shape_cast %get3A_2225 : vector<16xf32> to vector<1x16xf32>
    tpu.vector_store %arg7[%swap3A_2227, %swap3A_2228], %swap3A_2231 {strides = array<i32>} : memref<32x128xf32, #tpu.memory_space<vmem>>, vector<1x16xf32>,
    %get3A_2232 = arith.constant 12 : i32
    %get3A_2233 = arith.index_cast %get3A_2232 : i32 to index
    %get3A_2234 = arith.index_cast %and3A_251 : i32 to index
    %get3A_2235 = arith.constant 112 : index
    %get3A_2236 = tpu.vector_load %arg6[%get3A_2233, %get3A_2234, %get3A_2235] {strides = array<i32>} : memref<32x8x128xf32, #tpu.memory_space<vmem>>, vector<1x1x16xf32>,
    %get3A_2237 = vector.shape_cast %get3A_2236 : vector<1x1x16xf32> to vector<16xf32>
    %swap3A_2238 = arith.constant 12 : i32
    %swap3A_2239 = arith.index_cast %swap3A_2238 : i32 to index
    %swap3A_2240 = arith.constant 112 : index
    %swap3A_2241 = tpu.vector_load %arg7[%swap3A_2239, %swap3A_2240] {strides = array<i32>} : memref<32x128xf32, #tpu.memory_space<vmem>>, vector<1x16xf32>,
    %swap3A_2242 = vector.shape_cast %swap3A_2241 : vector<1x16xf32> to vector<16xf32>
    %swap3A_2243 = vector.shape_cast %get3A_2237 : vector<16xf32> to vector<1x16xf32>
    tpu.vector_store %arg7[%swap3A_2239, %swap3A_2240], %swap3A_2243 {strides = array<i32>} : memref<32x128xf32, #tpu.memory_space<vmem>>, vector<1x16xf32>,
    %get3A_2244 = arith.constant 13 : i32
    %get3A_2245 = arith.index_cast %get3A_2244 : i32 to index
    %get3A_2246 = arith.index_cast %and3A_271 : i32 to index
    %get3A_2247 = arith.constant 0 : index
    %get3A_2248 = tpu.vector_load %arg6[%get3A_2245, %get3A_2246, %get3A_2247] {strides = array<i32>} : memref<32x8x128xf32, #tpu.memory_space<vmem>>, vector<1x1x16xf32>,
    %get3A_2249 = vector.shape_cast %get3A_2248 : vector<1x1x16xf32> to vector<16xf32>
    %swap3A_2250 = arith.constant 13 : i32
    %swap3A_2251 = arith.index_cast %swap3A_2250 : i32 to index
    %swap3A_2252 = arith.constant 0 : index
    %swap3A_2253 = tpu.vector_load %arg7[%swap3A_2251, %swap3A_2252] {strides = array<i32>} : memref<32x128xf32, #tpu.memory_space<vmem>>, vector<1x16xf32>,
    %swap3A_2254 = vector.shape_cast %swap3A_2253 : vector<1x16xf32> to vector<16xf32>
    %swap3A_2255 = vector.shape_cast %get3A_2249 : vector<16xf32> to vector<1x16xf32>
    tpu.vector_store %arg7[%swap3A_2251, %swap3A_2252], %swap3A_2255 {strides = array<i32>} : memref<32x128xf32, #tpu.memory_space<vmem>>, vector<1x16xf32>,
    %get3A_2256 = arith.constant 13 : i32
    %get3A_2257 = arith.index_cast %get3A_2256 : i32 to index
    %get3A_2258 = arith.index_cast %and3A_271 : i32 to index
    %get3A_2259 = arith.constant 16 : index
    %get3A_2260 = tpu.vector_load %arg6[%get3A_2257, %get3A_2258, %get3A_2259] {strides = array<i32>} : memref<32x8x128xf32, #tpu.memory_space<vmem>>, vector<1x1x16xf32>,
    %get3A_2261 = vector.shape_cast %get3A_2260 : vector<1x1x16xf32> to vector<16xf32>
    %swap3A_2262 = arith.constant 13 : i32
    %swap3A_2263 = arith.index_cast %swap3A_2262 : i32 to index
    %swap3A_2264 = arith.constant 16 : index
    %swap3A_2265 = tpu.vector_load %arg7[%swap3A_2263, %swap3A_2264] {strides = array<i32>} : memref<32x128xf32, #tpu.memory_space<vmem>>, vector<1x16xf32>,
    %swap3A_2266 = vector.shape_cast %swap3A_2265 : vector<1x16xf32> to vector<16xf32>
    %swap3A_2267 = vector.shape_cast %get3A_2261 : vector<16xf32> to vector<1x16xf32>
    tpu.vector_store %arg7[%swap3A_2263, %swap3A_2264], %swap3A_2267 {strides = array<i32>} : memref<32x128xf32, #tpu.memory_space<vmem>>, vector<1x16xf32>,
    %get3A_2268 = arith.constant 13 : i32
    %get3A_2269 = arith.index_cast %get3A_2268 : i32 to index
    %get3A_2270 = arith.index_cast %and3A_271 : i32 to index
    %get3A_2271 = arith.constant 32 : index
    %get3A_2272 = tpu.vector_load %arg6[%get3A_2269, %get3A_2270, %get3A_2271] {strides = array<i32>} : memref<32x8x128xf32, #tpu.memory_space<vmem>>, vector<1x1x16xf32>,
    %get3A_2273 = vector.shape_cast %get3A_2272 : vector<1x1x16xf32> to vector<16xf32>
    %swap3A_2274 = arith.constant 13 : i32
    %swap3A_2275 = arith.index_cast %swap3A_2274 : i32 to index
    %swap3A_2276 = arith.constant 32 : index
    %swap3A_2277 = tpu.vector_load %arg7[%swap3A_2275, %swap3A_2276] {strides = array<i32>} : memref<32x128xf32, #tpu.memory_space<vmem>>, vector<1x16xf32>,
    %swap3A_2278 = vector.shape_cast %swap3A_2277 : vector<1x16xf32> to vector<16xf32>
    %swap3A_2279 = vector.shape_cast %get3A_2273 : vector<16xf32> to vector<1x16xf32>
    tpu.vector_store %arg7[%swap3A_2275, %swap3A_2276], %swap3A_2279 {strides = array<i32>} : memref<32x128xf32, #tpu.memory_space<vmem>>, vector<1x16xf32>,
    %get3A_2280 = arith.constant 13 : i32
    %get3A_2281 = arith.index_cast %get3A_2280 : i32 to index
    %get3A_2282 = arith.index_cast %and3A_271 : i32 to index
    %get3A_2283 = arith.constant 48 : index
    %get3A_2284 = tpu.vector_load %arg6[%get3A_2281, %get3A_2282, %get3A_2283] {strides = array<i32>} : memref<32x8x128xf32, #tpu.memory_space<vmem>>, vector<1x1x16xf32>,
    %get3A_2285 = vector.shape_cast %get3A_2284 : vector<1x1x16xf32> to vector<16xf32>
    %swap3A_2286 = arith.constant 13 : i32
    %swap3A_2287 = arith.index_cast %swap3A_2286 : i32 to index
    %swap3A_2288 = arith.constant 48 : index
    %swap3A_2289 = tpu.vector_load %arg7[%swap3A_2287, %swap3A_2288] {strides = array<i32>} : memref<32x128xf32, #tpu.memory_space<vmem>>, vector<1x16xf32>,
    %swap3A_2290 = vector.shape_cast %swap3A_2289 : vector<1x16xf32> to vector<16xf32>
    %swap3A_2291 = vector.shape_cast %get3A_2285 : vector<16xf32> to vector<1x16xf32>
    tpu.vector_store %arg7[%swap3A_2287, %swap3A_2288], %swap3A_2291 {strides = array<i32>} : memref<32x128xf32, #tpu.memory_space<vmem>>, vector<1x16xf32>,
    %get3A_2292 = arith.constant 13 : i32
    %get3A_2293 = arith.index_cast %get3A_2292 : i32 to index
    %get3A_2294 = arith.index_cast %and3A_271 : i32 to index
    %get3A_2295 = arith.constant 64 : index
    %get3A_2296 = tpu.vector_load %arg6[%get3A_2293, %get3A_2294, %get3A_2295] {strides = array<i32>} : memref<32x8x128xf32, #tpu.memory_space<vmem>>, vector<1x1x16xf32>,
    %get3A_2297 = vector.shape_cast %get3A_2296 : vector<1x1x16xf32> to vector<16xf32>
    %swap3A_2298 = arith.constant 13 : i32
    %swap3A_2299 = arith.index_cast %swap3A_2298 : i32 to index
    %swap3A_2300 = arith.constant 64 : index
    %swap3A_2301 = tpu.vector_load %arg7[%swap3A_2299, %swap3A_2300] {strides = array<i32>} : memref<32x128xf32, #tpu.memory_space<vmem>>, vector<1x16xf32>,
    %swap3A_2302 = vector.shape_cast %swap3A_2301 : vector<1x16xf32> to vector<16xf32>
    %swap3A_2303 = vector.shape_cast %get3A_2297 : vector<16xf32> to vector<1x16xf32>
    tpu.vector_store %arg7[%swap3A_2299, %swap3A_2300], %swap3A_2303 {strides = array<i32>} : memref<32x128xf32, #tpu.memory_space<vmem>>, vector<1x16xf32>,
    %get3A_2304 = arith.constant 13 : i32
    %get3A_2305 = arith.index_cast %get3A_2304 : i32 to index
    %get3A_2306 = arith.index_cast %and3A_271 : i32 to index
    %get3A_2307 = arith.constant 80 : index
    %get3A_2308 = tpu.vector_load %arg6[%get3A_2305, %get3A_2306, %get3A_2307] {strides = array<i32>} : memref<32x8x128xf32, #tpu.memory_space<vmem>>, vector<1x1x16xf32>,
    %get3A_2309 = vector.shape_cast %get3A_2308 : vector<1x1x16xf32> to vector<16xf32>
    %swap3A_2310 = arith.constant 13 : i32
    %swap3A_2311 = arith.index_cast %swap3A_2310 : i32 to index
    %swap3A_2312 = arith.constant 80 : index
    %swap3A_2313 = tpu.vector_load %arg7[%swap3A_2311, %swap3A_2312] {strides = array<i32>} : memref<32x128xf32, #tpu.memory_space<vmem>>, vector<1x16xf32>,
    %swap3A_2314 = vector.shape_cast %swap3A_2313 : vector<1x16xf32> to vector<16xf32>
    %swap3A_2315 = vector.shape_cast %get3A_2309 : vector<16xf32> to vector<1x16xf32>
    tpu.vector_store %arg7[%swap3A_2311, %swap3A_2312], %swap3A_2315 {strides = array<i32>} : memref<32x128xf32, #tpu.memory_space<vmem>>, vector<1x16xf32>,
    %get3A_2316 = arith.constant 13 : i32
    %get3A_2317 = arith.index_cast %get3A_2316 : i32 to index
    %get3A_2318 = arith.index_cast %and3A_271 : i32 to index
    %get3A_2319 = arith.constant 96 : index
    %get3A_2320 = tpu.vector_load %arg6[%get3A_2317, %get3A_2318, %get3A_2319] {strides = array<i32>} : memref<32x8x128xf32, #tpu.memory_space<vmem>>, vector<1x1x16xf32>,
    %get3A_2321 = vector.shape_cast %get3A_2320 : vector<1x1x16xf32> to vector<16xf32>
    %swap3A_2322 = arith.constant 13 : i32
    %swap3A_2323 = arith.index_cast %swap3A_2322 : i32 to index
    %swap3A_2324 = arith.constant 96 : index
    %swap3A_2325 = tpu.vector_load %arg7[%swap3A_2323, %swap3A_2324] {strides = array<i32>} : memref<32x128xf32, #tpu.memory_space<vmem>>, vector<1x16xf32>,
    %swap3A_2326 = vector.shape_cast %swap3A_2325 : vector<1x16xf32> to vector<16xf32>
    %swap3A_2327 = vector.shape_cast %get3A_2321 : vector<16xf32> to vector<1x16xf32>
    tpu.vector_store %arg7[%swap3A_2323, %swap3A_2324], %swap3A_2327 {strides = array<i32>} : memref<32x128xf32, #tpu.memory_space<vmem>>, vector<1x16xf32>,
    %get3A_2328 = arith.constant 13 : i32
    %get3A_2329 = arith.index_cast %get3A_2328 : i32 to index
    %get3A_2330 = arith.index_cast %and3A_271 : i32 to index
    %get3A_2331 = arith.constant 112 : index
    %get3A_2332 = tpu.vector_load %arg6[%get3A_2329, %get3A_2330, %get3A_2331] {strides = array<i32>} : memref<32x8x128xf32, #tpu.memory_space<vmem>>, vector<1x1x16xf32>,
    %get3A_2333 = vector.shape_cast %get3A_2332 : vector<1x1x16xf32> to vector<16xf32>
    %swap3A_2334 = arith.constant 13 : i32
    %swap3A_2335 = arith.index_cast %swap3A_2334 : i32 to index
    %swap3A_2336 = arith.constant 112 : index
    %swap3A_2337 = tpu.vector_load %arg7[%swap3A_2335, %swap3A_2336] {strides = array<i32>} : memref<32x128xf32, #tpu.memory_space<vmem>>, vector<1x16xf32>,
    %swap3A_2338 = vector.shape_cast %swap3A_2337 : vector<1x16xf32> to vector<16xf32>
    %swap3A_2339 = vector.shape_cast %get3A_2333 : vector<16xf32> to vector<1x16xf32>
    tpu.vector_store %arg7[%swap3A_2335, %swap3A_2336], %swap3A_2339 {strides = array<i32>} : memref<32x128xf32, #tpu.memory_space<vmem>>, vector<1x16xf32>,
    %get3A_2340 = arith.constant 14 : i32
    %get3A_2341 = arith.index_cast %get3A_2340 : i32 to index
    %get3A_2342 = arith.index_cast %and3A_291 : i32 to index
    %get3A_2343 = arith.constant 0 : index
    %get3A_2344 = tpu.vector_load %arg6[%get3A_2341, %get3A_2342, %get3A_2343] {strides = array<i32>} : memref<32x8x128xf32, #tpu.memory_space<vmem>>, vector<1x1x16xf32>,
    %get3A_2345 = vector.shape_cast %get3A_2344 : vector<1x1x16xf32> to vector<16xf32>
    %swap3A_2346 = arith.constant 14 : i32
    %swap3A_2347 = arith.index_cast %swap3A_2346 : i32 to index
    %swap3A_2348 = arith.constant 0 : index
    %swap3A_2349 = tpu.vector_load %arg7[%swap3A_2347, %swap3A_2348] {strides = array<i32>} : memref<32x128xf32, #tpu.memory_space<vmem>>, vector<1x16xf32>,
    %swap3A_2350 = vector.shape_cast %swap3A_2349 : vector<1x16xf32> to vector<16xf32>
    %swap3A_2351 = vector.shape_cast %get3A_2345 : vector<16xf32> to vector<1x16xf32>
    tpu.vector_store %arg7[%swap3A_2347, %swap3A_2348], %swap3A_2351 {strides = array<i32>} : memref<32x128xf32, #tpu.memory_space<vmem>>, vector<1x16xf32>,
    %get3A_2352 = arith.constant 14 : i32
    %get3A_2353 = arith.index_cast %get3A_2352 : i32 to index
    %get3A_2354 = arith.index_cast %and3A_291 : i32 to index
    %get3A_2355 = arith.constant 16 : index
    %get3A_2356 = tpu.vector_load %arg6[%get3A_2353, %get3A_2354, %get3A_2355] {strides = array<i32>} : memref<32x8x128xf32, #tpu.memory_space<vmem>>, vector<1x1x16xf32>,
    %get3A_2357 = vector.shape_cast %get3A_2356 : vector<1x1x16xf32> to vector<16xf32>
    %swap3A_2358 = arith.constant 14 : i32
    %swap3A_2359 = arith.index_cast %swap3A_2358 : i32 to index
    %swap3A_2360 = arith.constant 16 : index
    %swap3A_2361 = tpu.vector_load %arg7[%swap3A_2359, %swap3A_2360] {strides = array<i32>} : memref<32x128xf32, #tpu.memory_space<vmem>>, vector<1x16xf32>,
    %swap3A_2362 = vector.shape_cast %swap3A_2361 : vector<1x16xf32> to vector<16xf32>
    %swap3A_2363 = vector.shape_cast %get3A_2357 : vector<16xf32> to vector<1x16xf32>
    tpu.vector_store %arg7[%swap3A_2359, %swap3A_2360], %swap3A_2363 {strides = array<i32>} : memref<32x128xf32, #tpu.memory_space<vmem>>, vector<1x16xf32>,
    %get3A_2364 = arith.constant 14 : i32
    %get3A_2365 = arith.index_cast %get3A_2364 : i32 to index
    %get3A_2366 = arith.index_cast %and3A_291 : i32 to index
    %get3A_2367 = arith.constant 32 : index
    %get3A_2368 = tpu.vector_load %arg6[%get3A_2365, %get3A_2366, %get3A_2367] {strides = array<i32>} : memref<32x8x128xf32, #tpu.memory_space<vmem>>, vector<1x1x16xf32>,
    %get3A_2369 = vector.shape_cast %get3A_2368 : vector<1x1x16xf32> to vector<16xf32>
    %swap3A_2370 = arith.constant 14 : i32
    %swap3A_2371 = arith.index_cast %swap3A_2370 : i32 to index
    %swap3A_2372 = arith.constant 32 : index
    %swap3A_2373 = tpu.vector_load %arg7[%swap3A_2371, %swap3A_2372] {strides = array<i32>} : memref<32x128xf32, #tpu.memory_space<vmem>>, vector<1x16xf32>,
    %swap3A_2374 = vector.shape_cast %swap3A_2373 : vector<1x16xf32> to vector<16xf32>
    %swap3A_2375 = vector.shape_cast %get3A_2369 : vector<16xf32> to vector<1x16xf32>
    tpu.vector_store %arg7[%swap3A_2371, %swap3A_2372], %swap3A_2375 {strides = array<i32>} : memref<32x128xf32, #tpu.memory_space<vmem>>, vector<1x16xf32>,
    %get3A_2376 = arith.constant 14 : i32
    %get3A_2377 = arith.index_cast %get3A_2376 : i32 to index
    %get3A_2378 = arith.index_cast %and3A_291 : i32 to index
    %get3A_2379 = arith.constant 48 : index
    %get3A_2380 = tpu.vector_load %arg6[%get3A_2377, %get3A_2378, %get3A_2379] {strides = array<i32>} : memref<32x8x128xf32, #tpu.memory_space<vmem>>, vector<1x1x16xf32>,
    %get3A_2381 = vector.shape_cast %get3A_2380 : vector<1x1x16xf32> to vector<16xf32>
    %swap3A_2382 = arith.constant 14 : i32
    %swap3A_2383 = arith.index_cast %swap3A_2382 : i32 to index
    %swap3A_2384 = arith.constant 48 : index
    %swap3A_2385 = tpu.vector_load %arg7[%swap3A_2383, %swap3A_2384] {strides = array<i32>} : memref<32x128xf32, #tpu.memory_space<vmem>>, vector<1x16xf32>,
    %swap3A_2386 = vector.shape_cast %swap3A_2385 : vector<1x16xf32> to vector<16xf32>
    %swap3A_2387 = vector.shape_cast %get3A_2381 : vector<16xf32> to vector<1x16xf32>
    tpu.vector_store %arg7[%swap3A_2383, %swap3A_2384], %swap3A_2387 {strides = array<i32>} : memref<32x128xf32, #tpu.memory_space<vmem>>, vector<1x16xf32>,
    %get3A_2388 = arith.constant 14 : i32
    %get3A_2389 = arith.index_cast %get3A_2388 : i32 to index
    %get3A_2390 = arith.index_cast %and3A_291 : i32 to index
    %get3A_2391 = arith.constant 64 : index
    %get3A_2392 = tpu.vector_load %arg6[%get3A_2389, %get3A_2390, %get3A_2391] {strides = array<i32>} : memref<32x8x128xf32, #tpu.memory_space<vmem>>, vector<1x1x16xf32>,
    %get3A_2393 = vector.shape_cast %get3A_2392 : vector<1x1x16xf32> to vector<16xf32>
    %swap3A_2394 = arith.constant 14 : i32
    %swap3A_2395 = arith.index_cast %swap3A_2394 : i32 to index
    %swap3A_2396 = arith.constant 64 : index
    %swap3A_2397 = tpu.vector_load %arg7[%swap3A_2395, %swap3A_2396] {strides = array<i32>} : memref<32x128xf32, #tpu.memory_space<vmem>>, vector<1x16xf32>,
    %swap3A_2398 = vector.shape_cast %swap3A_2397 : vector<1x16xf32> to vector<16xf32>
    %swap3A_2399 = vector.shape_cast %get3A_2393 : vector<16xf32> to vector<1x16xf32>
    tpu.vector_store %arg7[%swap3A_2395, %swap3A_2396], %swap3A_2399 {strides = array<i32>} : memref<32x128xf32, #tpu.memory_space<vmem>>, vector<1x16xf32>,
    %get3A_2400 = arith.constant 14 : i32
    %get3A_2401 = arith.index_cast %get3A_2400 : i32 to index
    %get3A_2402 = arith.index_cast %and3A_291 : i32 to index
    %get3A_2403 = arith.constant 80 : index
    %get3A_2404 = tpu.vector_load %arg6[%get3A_2401, %get3A_2402, %get3A_2403] {strides = array<i32>} : memref<32x8x128xf32, #tpu.memory_space<vmem>>, vector<1x1x16xf32>,
    %get3A_2405 = vector.shape_cast %get3A_2404 : vector<1x1x16xf32> to vector<16xf32>
    %swap3A_2406 = arith.constant 14 : i32
    %swap3A_2407 = arith.index_cast %swap3A_2406 : i32 to index
    %swap3A_2408 = arith.constant 80 : index
    %swap3A_2409 = tpu.vector_load %arg7[%swap3A_2407, %swap3A_2408] {strides = array<i32>} : memref<32x128xf32, #tpu.memory_space<vmem>>, vector<1x16xf32>,
    %swap3A_2410 = vector.shape_cast %swap3A_2409 : vector<1x16xf32> to vector<16xf32>
    %swap3A_2411 = vector.shape_cast %get3A_2405 : vector<16xf32> to vector<1x16xf32>
    tpu.vector_store %arg7[%swap3A_2407, %swap3A_2408], %swap3A_2411 {strides = array<i32>} : memref<32x128xf32, #tpu.memory_space<vmem>>, vector<1x16xf32>,
    %get3A_2412 = arith.constant 14 : i32
    %get3A_2413 = arith.index_cast %get3A_2412 : i32 to index
    %get3A_2414 = arith.index_cast %and3A_291 : i32 to index
    %get3A_2415 = arith.constant 96 : index
    %get3A_2416 = tpu.vector_load %arg6[%get3A_2413, %get3A_2414, %get3A_2415] {strides = array<i32>} : memref<32x8x128xf32, #tpu.memory_space<vmem>>, vector<1x1x16xf32>,
    %get3A_2417 = vector.shape_cast %get3A_2416 : vector<1x1x16xf32> to vector<16xf32>
    %swap3A_2418 = arith.constant 14 : i32
    %swap3A_2419 = arith.index_cast %swap3A_2418 : i32 to index
    %swap3A_2420 = arith.constant 96 : index
    %swap3A_2421 = tpu.vector_load %arg7[%swap3A_2419, %swap3A_2420] {strides = array<i32>} : memref<32x128xf32, #tpu.memory_space<vmem>>, vector<1x16xf32>,
    %swap3A_2422 = vector.shape_cast %swap3A_2421 : vector<1x16xf32> to vector<16xf32>
    %swap3A_2423 = vector.shape_cast %get3A_2417 : vector<16xf32> to vector<1x16xf32>
    tpu.vector_store %arg7[%swap3A_2419, %swap3A_2420], %swap3A_2423 {strides = array<i32>} : memref<32x128xf32, #tpu.memory_space<vmem>>, vector<1x16xf32>,
    %get3A_2424 = arith.constant 14 : i32
    %get3A_2425 = arith.index_cast %get3A_2424 : i32 to index
    %get3A_2426 = arith.index_cast %and3A_291 : i32 to index
    %get3A_2427 = arith.constant 112 : index
    %get3A_2428 = tpu.vector_load %arg6[%get3A_2425, %get3A_2426, %get3A_2427] {strides = array<i32>} : memref<32x8x128xf32, #tpu.memory_space<vmem>>, vector<1x1x16xf32>,
    %get3A_2429 = vector.shape_cast %get3A_2428 : vector<1x1x16xf32> to vector<16xf32>
    %swap3A_2430 = arith.constant 14 : i32
    %swap3A_2431 = arith.index_cast %swap3A_2430 : i32 to index
    %swap3A_2432 = arith.constant 112 : index
    %swap3A_2433 = tpu.vector_load %arg7[%swap3A_2431, %swap3A_2432] {strides = array<i32>} : memref<32x128xf32, #tpu.memory_space<vmem>>, vector<1x16xf32>,
    %swap3A_2434 = vector.shape_cast %swap3A_2433 : vector<1x16xf32> to vector<16xf32>
    %swap3A_2435 = vector.shape_cast %get3A_2429 : vector<16xf32> to vector<1x16xf32>
    tpu.vector_store %arg7[%swap3A_2431, %swap3A_2432], %swap3A_2435 {strides = array<i32>} : memref<32x128xf32, #tpu.memory_space<vmem>>, vector<1x16xf32>,
    %get3A_2436 = arith.constant 15 : i32
    %get3A_2437 = arith.index_cast %get3A_2436 : i32 to index
    %get3A_2438 = arith.index_cast %and3A_311 : i32 to index
    %get3A_2439 = arith.constant 0 : index
    %get3A_2440 = tpu.vector_load %arg6[%get3A_2437, %get3A_2438, %get3A_2439] {strides = array<i32>} : memref<32x8x128xf32, #tpu.memory_space<vmem>>, vector<1x1x16xf32>,
    %get3A_2441 = vector.shape_cast %get3A_2440 : vector<1x1x16xf32> to vector<16xf32>
    %swap3A_2442 = arith.constant 15 : i32
    %swap3A_2443 = arith.index_cast %swap3A_2442 : i32 to index
    %swap3A_2444 = arith.constant 0 : index
    %swap3A_2445 = tpu.vector_load %arg7[%swap3A_2443, %swap3A_2444] {strides = array<i32>} : memref<32x128xf32, #tpu.memory_space<vmem>>, vector<1x16xf32>,
    %swap3A_2446 = vector.shape_cast %swap3A_2445 : vector<1x16xf32> to vector<16xf32>
    %swap3A_2447 = vector.shape_cast %get3A_2441 : vector<16xf32> to vector<1x16xf32>
    tpu.vector_store %arg7[%swap3A_2443, %swap3A_2444], %swap3A_2447 {strides = array<i32>} : memref<32x128xf32, #tpu.memory_space<vmem>>, vector<1x16xf32>,
    %get3A_2448 = arith.constant 15 : i32
    %get3A_2449 = arith.index_cast %get3A_2448 : i32 to index
    %get3A_2450 = arith.index_cast %and3A_311 : i32 to index
    %get3A_2451 = arith.constant 16 : index
    %get3A_2452 = tpu.vector_load %arg6[%get3A_2449, %get3A_2450, %get3A_2451] {strides = array<i32>} : memref<32x8x128xf32, #tpu.memory_space<vmem>>, vector<1x1x16xf32>,
    %get3A_2453 = vector.shape_cast %get3A_2452 : vector<1x1x16xf32> to vector<16xf32>
    %swap3A_2454 = arith.constant 15 : i32
    %swap3A_2455 = arith.index_cast %swap3A_2454 : i32 to index
    %swap3A_2456 = arith.constant 16 : index
    %swap3A_2457 = tpu.vector_load %arg7[%swap3A_2455, %swap3A_2456] {strides = array<i32>} : memref<32x128xf32, #tpu.memory_space<vmem>>, vector<1x16xf32>,
    %swap3A_2458 = vector.shape_cast %swap3A_2457 : vector<1x16xf32> to vector<16xf32>
    %swap3A_2459 = vector.shape_cast %get3A_2453 : vector<16xf32> to vector<1x16xf32>
    tpu.vector_store %arg7[%swap3A_2455, %swap3A_2456], %swap3A_2459 {strides = array<i32>} : memref<32x128xf32, #tpu.memory_space<vmem>>, vector<1x16xf32>,
    %get3A_2460 = arith.constant 15 : i32
    %get3A_2461 = arith.index_cast %get3A_2460 : i32 to index
    %get3A_2462 = arith.index_cast %and3A_311 : i32 to index
    %get3A_2463 = arith.constant 32 : index
    %get3A_2464 = tpu.vector_load %arg6[%get3A_2461, %get3A_2462, %get3A_2463] {strides = array<i32>} : memref<32x8x128xf32, #tpu.memory_space<vmem>>, vector<1x1x16xf32>,
    %get3A_2465 = vector.shape_cast %get3A_2464 : vector<1x1x16xf32> to vector<16xf32>
    %swap3A_2466 = arith.constant 15 : i32
    %swap3A_2467 = arith.index_cast %swap3A_2466 : i32 to index
    %swap3A_2468 = arith.constant 32 : index
    %swap3A_2469 = tpu.vector_load %arg7[%swap3A_2467, %swap3A_2468] {strides = array<i32>} : memref<32x128xf32, #tpu.memory_space<vmem>>, vector<1x16xf32>,
    %swap3A_2470 = vector.shape_cast %swap3A_2469 : vector<1x16xf32> to vector<16xf32>
    %swap3A_2471 = vector.shape_cast %get3A_2465 : vector<16xf32> to vector<1x16xf32>
    tpu.vector_store %arg7[%swap3A_2467, %swap3A_2468], %swap3A_2471 {strides = array<i32>} : memref<32x128xf32, #tpu.memory_space<vmem>>, vector<1x16xf32>,
    %get3A_2472 = arith.constant 15 : i32
    %get3A_2473 = arith.index_cast %get3A_2472 : i32 to index
    %get3A_2474 = arith.index_cast %and3A_311 : i32 to index
    %get3A_2475 = arith.constant 48 : index
    %get3A_2476 = tpu.vector_load %arg6[%get3A_2473, %get3A_2474, %get3A_2475] {strides = array<i32>} : memref<32x8x128xf32, #tpu.memory_space<vmem>>, vector<1x1x16xf32>,
    %get3A_2477 = vector.shape_cast %get3A_2476 : vector<1x1x16xf32> to vector<16xf32>
    %swap3A_2478 = arith.constant 15 : i32
    %swap3A_2479 = arith.index_cast %swap3A_2478 : i32 to index
    %swap3A_2480 = arith.constant 48 : index
    %swap3A_2481 = tpu.vector_load %arg7[%swap3A_2479, %swap3A_2480] {strides = array<i32>} : memref<32x128xf32, #tpu.memory_space<vmem>>, vector<1x16xf32>,
    %swap3A_2482 = vector.shape_cast %swap3A_2481 : vector<1x16xf32> to vector<16xf32>
    %swap3A_2483 = vector.shape_cast %get3A_2477 : vector<16xf32> to vector<1x16xf32>
    tpu.vector_store %arg7[%swap3A_2479, %swap3A_2480], %swap3A_2483 {strides = array<i32>} : memref<32x128xf32, #tpu.memory_space<vmem>>, vector<1x16xf32>,
    %get3A_2484 = arith.constant 15 : i32
    %get3A_2485 = arith.index_cast %get3A_2484 : i32 to index
    %get3A_2486 = arith.index_cast %and3A_311 : i32 to index
    %get3A_2487 = arith.constant 64 : index
    %get3A_2488 = tpu.vector_load %arg6[%get3A_2485, %get3A_2486, %get3A_2487] {strides = array<i32>} : memref<32x8x128xf32, #tpu.memory_space<vmem>>, vector<1x1x16xf32>,
    %get3A_2489 = vector.shape_cast %get3A_2488 : vector<1x1x16xf32> to vector<16xf32>
    %swap3A_2490 = arith.constant 15 : i32
    %swap3A_2491 = arith.index_cast %swap3A_2490 : i32 to index
    %swap3A_2492 = arith.constant 64 : index
    %swap3A_2493 = tpu.vector_load %arg7[%swap3A_2491, %swap3A_2492] {strides = array<i32>} : memref<32x128xf32, #tpu.memory_space<vmem>>, vector<1x16xf32>,
    %swap3A_2494 = vector.shape_cast %swap3A_2493 : vector<1x16xf32> to vector<16xf32>
    %swap3A_2495 = vector.shape_cast %get3A_2489 : vector<16xf32> to vector<1x16xf32>
    tpu.vector_store %arg7[%swap3A_2491, %swap3A_2492], %swap3A_2495 {strides = array<i32>} : memref<32x128xf32, #tpu.memory_space<vmem>>, vector<1x16xf32>,
    %get3A_2496 = arith.constant 15 : i32
    %get3A_2497 = arith.index_cast %get3A_2496 : i32 to index
    %get3A_2498 = arith.index_cast %and3A_311 : i32 to index
    %get3A_2499 = arith.constant 80 : index
    %get3A_2500 = tpu.vector_load %arg6[%get3A_2497, %get3A_2498, %get3A_2499] {strides = array<i32>} : memref<32x8x128xf32, #tpu.memory_space<vmem>>, vector<1x1x16xf32>,
    %get3A_2501 = vector.shape_cast %get3A_2500 : vector<1x1x16xf32> to vector<16xf32>
    %swap3A_2502 = arith.constant 15 : i32
    %swap3A_2503 = arith.index_cast %swap3A_2502 : i32 to index
    %swap3A_2504 = arith.constant 80 : index
    %swap3A_2505 = tpu.vector_load %arg7[%swap3A_2503, %swap3A_2504] {strides = array<i32>} : memref<32x128xf32, #tpu.memory_space<vmem>>, vector<1x16xf32>,
    %swap3A_2506 = vector.shape_cast %swap3A_2505 : vector<1x16xf32> to vector<16xf32>
    %swap3A_2507 = vector.shape_cast %get3A_2501 : vector<16xf32> to vector<1x16xf32>
    tpu.vector_store %arg7[%swap3A_2503, %swap3A_2504], %swap3A_2507 {strides = array<i32>} : memref<32x128xf32, #tpu.memory_space<vmem>>, vector<1x16xf32>,
    %get3A_2508 = arith.constant 15 : i32
    %get3A_2509 = arith.index_cast %get3A_2508 : i32 to index
    %get3A_2510 = arith.index_cast %and3A_311 : i32 to index
    %get3A_2511 = arith.constant 96 : index
    %get3A_2512 = tpu.vector_load %arg6[%get3A_2509, %get3A_2510, %get3A_2511] {strides = array<i32>} : memref<32x8x128xf32, #tpu.memory_space<vmem>>, vector<1x1x16xf32>,
    %get3A_2513 = vector.shape_cast %get3A_2512 : vector<1x1x16xf32> to vector<16xf32>
    %swap3A_2514 = arith.constant 15 : i32
    %swap3A_2515 = arith.index_cast %swap3A_2514 : i32 to index
    %swap3A_2516 = arith.constant 96 : index
    %swap3A_2517 = tpu.vector_load %arg7[%swap3A_2515, %swap3A_2516] {strides = array<i32>} : memref<32x128xf32, #tpu.memory_space<vmem>>, vector<1x16xf32>,
    %swap3A_2518 = vector.shape_cast %swap3A_2517 : vector<1x16xf32> to vector<16xf32>
    %swap3A_2519 = vector.shape_cast %get3A_2513 : vector<16xf32> to vector<1x16xf32>
    tpu.vector_store %arg7[%swap3A_2515, %swap3A_2516], %swap3A_2519 {strides = array<i32>} : memref<32x128xf32, #tpu.memory_space<vmem>>, vector<1x16xf32>,
    %get3A_2520 = arith.constant 15 : i32
    %get3A_2521 = arith.index_cast %get3A_2520 : i32 to index
    %get3A_2522 = arith.index_cast %and3A_311 : i32 to index
    %get3A_2523 = arith.constant 112 : index
    %get3A_2524 = tpu.vector_load %arg6[%get3A_2521, %get3A_2522, %get3A_2523] {strides = array<i32>} : memref<32x8x128xf32, #tpu.memory_space<vmem>>, vector<1x1x16xf32>,
    %get3A_2525 = vector.shape_cast %get3A_2524 : vector<1x1x16xf32> to vector<16xf32>
    %swap3A_2526 = arith.constant 15 : i32
    %swap3A_2527 = arith.index_cast %swap3A_2526 : i32 to index
    %swap3A_2528 = arith.constant 112 : index
    %swap3A_2529 = tpu.vector_load %arg7[%swap3A_2527, %swap3A_2528] {strides = array<i32>} : memref<32x128xf32, #tpu.memory_space<vmem>>, vector<1x16xf32>,
    %swap3A_2530 = vector.shape_cast %swap3A_2529 : vector<1x16xf32> to vector<16xf32>
    %swap3A_2531 = vector.shape_cast %get3A_2525 : vector<16xf32> to vector<1x16xf32>
    tpu.vector_store %arg7[%swap3A_2527, %swap3A_2528], %swap3A_2531 {strides = array<i32>} : memref<32x128xf32, #tpu.memory_space<vmem>>, vector<1x16xf32>,
    %get3A_2532 = arith.constant 16 : i32
    %get3A_2533 = arith.index_cast %get3A_2532 : i32 to index
    %get3A_2534 = arith.index_cast %and3A_334 : i32 to index
    %get3A_2535 = arith.constant 0 : index
    %get3A_2536 = tpu.vector_load %arg6[%get3A_2533, %get3A_2534, %get3A_2535] {strides = array<i32>} : memref<32x8x128xf32, #tpu.memory_space<vmem>>, vector<1x1x16xf32>,
    %get3A_2537 = vector.shape_cast %get3A_2536 : vector<1x1x16xf32> to vector<16xf32>
    %swap3A_2538 = arith.constant 16 : i32
    %swap3A_2539 = arith.index_cast %swap3A_2538 : i32 to index
    %swap3A_2540 = arith.constant 0 : index
    %swap3A_2541 = tpu.vector_load %arg7[%swap3A_2539, %swap3A_2540] {strides = array<i32>} : memref<32x128xf32, #tpu.memory_space<vmem>>, vector<1x16xf32>,
    %swap3A_2542 = vector.shape_cast %swap3A_2541 : vector<1x16xf32> to vector<16xf32>
    %swap3A_2543 = vector.shape_cast %get3A_2537 : vector<16xf32> to vector<1x16xf32>
    tpu.vector_store %arg7[%swap3A_2539, %swap3A_2540], %swap3A_2543 {strides = array<i32>} : memref<32x128xf32, #tpu.memory_space<vmem>>, vector<1x16xf32>,
    %get3A_2544 = arith.constant 16 : i32
    %get3A_2545 = arith.index_cast %get3A_2544 : i32 to index
    %get3A_2546 = arith.index_cast %and3A_334 : i32 to index
    %get3A_2547 = arith.constant 16 : index
    %get3A_2548 = tpu.vector_load %arg6[%get3A_2545, %get3A_2546, %get3A_2547] {strides = array<i32>} : memref<32x8x128xf32, #tpu.memory_space<vmem>>, vector<1x1x16xf32>,
    %get3A_2549 = vector.shape_cast %get3A_2548 : vector<1x1x16xf32> to vector<16xf32>
    %swap3A_2550 = arith.constant 16 : i32
    %swap3A_2551 = arith.index_cast %swap3A_2550 : i32 to index
    %swap3A_2552 = arith.constant 16 : index
    %swap3A_2553 = tpu.vector_load %arg7[%swap3A_2551, %swap3A_2552] {strides = array<i32>} : memref<32x128xf32, #tpu.memory_space<vmem>>, vector<1x16xf32>,
    %swap3A_2554 = vector.shape_cast %swap3A_2553 : vector<1x16xf32> to vector<16xf32>
    %swap3A_2555 = vector.shape_cast %get3A_2549 : vector<16xf32> to vector<1x16xf32>
    tpu.vector_store %arg7[%swap3A_2551, %swap3A_2552], %swap3A_2555 {strides = array<i32>} : memref<32x128xf32, #tpu.memory_space<vmem>>, vector<1x16xf32>,
    %get3A_2556 = arith.constant 16 : i32
    %get3A_2557 = arith.index_cast %get3A_2556 : i32 to index
    %get3A_2558 = arith.index_cast %and3A_334 : i32 to index
    %get3A_2559 = arith.constant 32 : index
    %get3A_2560 = tpu.vector_load %arg6[%get3A_2557, %get3A_2558, %get3A_2559] {strides = array<i32>} : memref<32x8x128xf32, #tpu.memory_space<vmem>>, vector<1x1x16xf32>,
    %get3A_2561 = vector.shape_cast %get3A_2560 : vector<1x1x16xf32> to vector<16xf32>
    %swap3A_2562 = arith.constant 16 : i32
    %swap3A_2563 = arith.index_cast %swap3A_2562 : i32 to index
    %swap3A_2564 = arith.constant 32 : index
    %swap3A_2565 = tpu.vector_load %arg7[%swap3A_2563, %swap3A_2564] {strides = array<i32>} : memref<32x128xf32, #tpu.memory_space<vmem>>, vector<1x16xf32>,
    %swap3A_2566 = vector.shape_cast %swap3A_2565 : vector<1x16xf32> to vector<16xf32>
    %swap3A_2567 = vector.shape_cast %get3A_2561 : vector<16xf32> to vector<1x16xf32>
    tpu.vector_store %arg7[%swap3A_2563, %swap3A_2564], %swap3A_2567 {strides = array<i32>} : memref<32x128xf32, #tpu.memory_space<vmem>>, vector<1x16xf32>,
    %get3A_2568 = arith.constant 16 : i32
    %get3A_2569 = arith.index_cast %get3A_2568 : i32 to index
    %get3A_2570 = arith.index_cast %and3A_334 : i32 to index
    %get3A_2571 = arith.constant 48 : index
    %get3A_2572 = tpu.vector_load %arg6[%get3A_2569, %get3A_2570, %get3A_2571] {strides = array<i32>} : memref<32x8x128xf32, #tpu.memory_space<vmem>>, vector<1x1x16xf32>,
    %get3A_2573 = vector.shape_cast %get3A_2572 : vector<1x1x16xf32> to vector<16xf32>
    %swap3A_2574 = arith.constant 16 : i32
    %swap3A_2575 = arith.index_cast %swap3A_2574 : i32 to index
    %swap3A_2576 = arith.constant 48 : index
    %swap3A_2577 = tpu.vector_load %arg7[%swap3A_2575, %swap3A_2576] {strides = array<i32>} : memref<32x128xf32, #tpu.memory_space<vmem>>, vector<1x16xf32>,
    %swap3A_2578 = vector.shape_cast %swap3A_2577 : vector<1x16xf32> to vector<16xf32>
    %swap3A_2579 = vector.shape_cast %get3A_2573 : vector<16xf32> to vector<1x16xf32>
    tpu.vector_store %arg7[%swap3A_2575, %swap3A_2576], %swap3A_2579 {strides = array<i32>} : memref<32x128xf32, #tpu.memory_space<vmem>>, vector<1x16xf32>,
    %get3A_2580 = arith.constant 16 : i32
    %get3A_2581 = arith.index_cast %get3A_2580 : i32 to index
    %get3A_2582 = arith.index_cast %and3A_334 : i32 to index
    %get3A_2583 = arith.constant 64 : index
    %get3A_2584 = tpu.vector_load %arg6[%get3A_2581, %get3A_2582, %get3A_2583] {strides = array<i32>} : memref<32x8x128xf32, #tpu.memory_space<vmem>>, vector<1x1x16xf32>,
    %get3A_2585 = vector.shape_cast %get3A_2584 : vector<1x1x16xf32> to vector<16xf32>
    %swap3A_2586 = arith.constant 16 : i32
    %swap3A_2587 = arith.index_cast %swap3A_2586 : i32 to index
    %swap3A_2588 = arith.constant 64 : index
    %swap3A_2589 = tpu.vector_load %arg7[%swap3A_2587, %swap3A_2588] {strides = array<i32>} : memref<32x128xf32, #tpu.memory_space<vmem>>, vector<1x16xf32>,
    %swap3A_2590 = vector.shape_cast %swap3A_2589 : vector<1x16xf32> to vector<16xf32>
    %swap3A_2591 = vector.shape_cast %get3A_2585 : vector<16xf32> to vector<1x16xf32>
    tpu.vector_store %arg7[%swap3A_2587, %swap3A_2588], %swap3A_2591 {strides = array<i32>} : memref<32x128xf32, #tpu.memory_space<vmem>>, vector<1x16xf32>,
    %get3A_2592 = arith.constant 16 : i32
    %get3A_2593 = arith.index_cast %get3A_2592 : i32 to index
    %get3A_2594 = arith.index_cast %and3A_334 : i32 to index
    %get3A_2595 = arith.constant 80 : index
    %get3A_2596 = tpu.vector_load %arg6[%get3A_2593, %get3A_2594, %get3A_2595] {strides = array<i32>} : memref<32x8x128xf32, #tpu.memory_space<vmem>>, vector<1x1x16xf32>,
    %get3A_2597 = vector.shape_cast %get3A_2596 : vector<1x1x16xf32> to vector<16xf32>
    %swap3A_2598 = arith.constant 16 : i32
    %swap3A_2599 = arith.index_cast %swap3A_2598 : i32 to index
    %swap3A_2600 = arith.constant 80 : index
    %swap3A_2601 = tpu.vector_load %arg7[%swap3A_2599, %swap3A_2600] {strides = array<i32>} : memref<32x128xf32, #tpu.memory_space<vmem>>, vector<1x16xf32>,
    %swap3A_2602 = vector.shape_cast %swap3A_2601 : vector<1x16xf32> to vector<16xf32>
    %swap3A_2603 = vector.shape_cast %get3A_2597 : vector<16xf32> to vector<1x16xf32>
    tpu.vector_store %arg7[%swap3A_2599, %swap3A_2600], %swap3A_2603 {strides = array<i32>} : memref<32x128xf32, #tpu.memory_space<vmem>>, vector<1x16xf32>,
    %get3A_2604 = arith.constant 16 : i32
    %get3A_2605 = arith.index_cast %get3A_2604 : i32 to index
    %get3A_2606 = arith.index_cast %and3A_334 : i32 to index
    %get3A_2607 = arith.constant 96 : index
    %get3A_2608 = tpu.vector_load %arg6[%get3A_2605, %get3A_2606, %get3A_2607] {strides = array<i32>} : memref<32x8x128xf32, #tpu.memory_space<vmem>>, vector<1x1x16xf32>,
    %get3A_2609 = vector.shape_cast %get3A_2608 : vector<1x1x16xf32> to vector<16xf32>
    %swap3A_2610 = arith.constant 16 : i32
    %swap3A_2611 = arith.index_cast %swap3A_2610 : i32 to index
    %swap3A_2612 = arith.constant 96 : index
    %swap3A_2613 = tpu.vector_load %arg7[%swap3A_2611, %swap3A_2612] {strides = array<i32>} : memref<32x128xf32, #tpu.memory_space<vmem>>, vector<1x16xf32>,
    %swap3A_2614 = vector.shape_cast %swap3A_2613 : vector<1x16xf32> to vector<16xf32>
    %swap3A_2615 = vector.shape_cast %get3A_2609 : vector<16xf32> to vector<1x16xf32>
    tpu.vector_store %arg7[%swap3A_2611, %swap3A_2612], %swap3A_2615 {strides = array<i32>} : memref<32x128xf32, #tpu.memory_space<vmem>>, vector<1x16xf32>,
    %get3A_2616 = arith.constant 16 : i32
    %get3A_2617 = arith.index_cast %get3A_2616 : i32 to index
    %get3A_2618 = arith.index_cast %and3A_334 : i32 to index
    %get3A_2619 = arith.constant 112 : index
    %get3A_2620 = tpu.vector_load %arg6[%get3A_2617, %get3A_2618, %get3A_2619] {strides = array<i32>} : memref<32x8x128xf32, #tpu.memory_space<vmem>>, vector<1x1x16xf32>,
    %get3A_2621 = vector.shape_cast %get3A_2620 : vector<1x1x16xf32> to vector<16xf32>
    %swap3A_2622 = arith.constant 16 : i32
    %swap3A_2623 = arith.index_cast %swap3A_2622 : i32 to index
    %swap3A_2624 = arith.constant 112 : index
    %swap3A_2625 = tpu.vector_load %arg7[%swap3A_2623, %swap3A_2624] {strides = array<i32>} : memref<32x128xf32, #tpu.memory_space<vmem>>, vector<1x16xf32>,
    %swap3A_2626 = vector.shape_cast %swap3A_2625 : vector<1x16xf32> to vector<16xf32>
    %swap3A_2627 = vector.shape_cast %get3A_2621 : vector<16xf32> to vector<1x16xf32>
    tpu.vector_store %arg7[%swap3A_2623, %swap3A_2624], %swap3A_2627 {strides = array<i32>} : memref<32x128xf32, #tpu.memory_space<vmem>>, vector<1x16xf32>,
    %get3A_2628 = arith.constant 17 : i32
    %get3A_2629 = arith.index_cast %get3A_2628 : i32 to index
    %get3A_2630 = arith.index_cast %and3A_354 : i32 to index
    %get3A_2631 = arith.constant 0 : index
    %get3A_2632 = tpu.vector_load %arg6[%get3A_2629, %get3A_2630, %get3A_2631] {strides = array<i32>} : memref<32x8x128xf32, #tpu.memory_space<vmem>>, vector<1x1x16xf32>,
    %get3A_2633 = vector.shape_cast %get3A_2632 : vector<1x1x16xf32> to vector<16xf32>
    %swap3A_2634 = arith.constant 17 : i32
    %swap3A_2635 = arith.index_cast %swap3A_2634 : i32 to index
    %swap3A_2636 = arith.constant 0 : index
    %swap3A_2637 = tpu.vector_load %arg7[%swap3A_2635, %swap3A_2636] {strides = array<i32>} : memref<32x128xf32, #tpu.memory_space<vmem>>, vector<1x16xf32>,
    %swap3A_2638 = vector.shape_cast %swap3A_2637 : vector<1x16xf32> to vector<16xf32>
    %swap3A_2639 = vector.shape_cast %get3A_2633 : vector<16xf32> to vector<1x16xf32>
    tpu.vector_store %arg7[%swap3A_2635, %swap3A_2636], %swap3A_2639 {strides = array<i32>} : memref<32x128xf32, #tpu.memory_space<vmem>>, vector<1x16xf32>,
    %get3A_2640 = arith.constant 17 : i32
    %get3A_2641 = arith.index_cast %get3A_2640 : i32 to index
    %get3A_2642 = arith.index_cast %and3A_354 : i32 to index
    %get3A_2643 = arith.constant 16 : index
    %get3A_2644 = tpu.vector_load %arg6[%get3A_2641, %get3A_2642, %get3A_2643] {strides = array<i32>} : memref<32x8x128xf32, #tpu.memory_space<vmem>>, vector<1x1x16xf32>,
    %get3A_2645 = vector.shape_cast %get3A_2644 : vector<1x1x16xf32> to vector<16xf32>
    %swap3A_2646 = arith.constant 17 : i32
    %swap3A_2647 = arith.index_cast %swap3A_2646 : i32 to index
    %swap3A_2648 = arith.constant 16 : index
    %swap3A_2649 = tpu.vector_load %arg7[%swap3A_2647, %swap3A_2648] {strides = array<i32>} : memref<32x128xf32, #tpu.memory_space<vmem>>, vector<1x16xf32>,
    %swap3A_2650 = vector.shape_cast %swap3A_2649 : vector<1x16xf32> to vector<16xf32>
    %swap3A_2651 = vector.shape_cast %get3A_2645 : vector<16xf32> to vector<1x16xf32>
    tpu.vector_store %arg7[%swap3A_2647, %swap3A_2648], %swap3A_2651 {strides = array<i32>} : memref<32x128xf32, #tpu.memory_space<vmem>>, vector<1x16xf32>,
    %get3A_2652 = arith.constant 17 : i32
    %get3A_2653 = arith.index_cast %get3A_2652 : i32 to index
    %get3A_2654 = arith.index_cast %and3A_354 : i32 to index
    %get3A_2655 = arith.constant 32 : index
    %get3A_2656 = tpu.vector_load %arg6[%get3A_2653, %get3A_2654, %get3A_2655] {strides = array<i32>} : memref<32x8x128xf32, #tpu.memory_space<vmem>>, vector<1x1x16xf32>,
    %get3A_2657 = vector.shape_cast %get3A_2656 : vector<1x1x16xf32> to vector<16xf32>
    %swap3A_2658 = arith.constant 17 : i32
    %swap3A_2659 = arith.index_cast %swap3A_2658 : i32 to index
    %swap3A_2660 = arith.constant 32 : index
    %swap3A_2661 = tpu.vector_load %arg7[%swap3A_2659, %swap3A_2660] {strides = array<i32>} : memref<32x128xf32, #tpu.memory_space<vmem>>, vector<1x16xf32>,
    %swap3A_2662 = vector.shape_cast %swap3A_2661 : vector<1x16xf32> to vector<16xf32>
    %swap3A_2663 = vector.shape_cast %get3A_2657 : vector<16xf32> to vector<1x16xf32>
    tpu.vector_store %arg7[%swap3A_2659, %swap3A_2660], %swap3A_2663 {strides = array<i32>} : memref<32x128xf32, #tpu.memory_space<vmem>>, vector<1x16xf32>,
    %get3A_2664 = arith.constant 17 : i32
    %get3A_2665 = arith.index_cast %get3A_2664 : i32 to index
    %get3A_2666 = arith.index_cast %and3A_354 : i32 to index
    %get3A_2667 = arith.constant 48 : index
    %get3A_2668 = tpu.vector_load %arg6[%get3A_2665, %get3A_2666, %get3A_2667] {strides = array<i32>} : memref<32x8x128xf32, #tpu.memory_space<vmem>>, vector<1x1x16xf32>,
    %get3A_2669 = vector.shape_cast %get3A_2668 : vector<1x1x16xf32> to vector<16xf32>
    %swap3A_2670 = arith.constant 17 : i32
    %swap3A_2671 = arith.index_cast %swap3A_2670 : i32 to index
    %swap3A_2672 = arith.constant 48 : index
    %swap3A_2673 = tpu.vector_load %arg7[%swap3A_2671, %swap3A_2672] {strides = array<i32>} : memref<32x128xf32, #tpu.memory_space<vmem>>, vector<1x16xf32>,
    %swap3A_2674 = vector.shape_cast %swap3A_2673 : vector<1x16xf32> to vector<16xf32>
    %swap3A_2675 = vector.shape_cast %get3A_2669 : vector<16xf32> to vector<1x16xf32>
    tpu.vector_store %arg7[%swap3A_2671, %swap3A_2672], %swap3A_2675 {strides = array<i32>} : memref<32x128xf32, #tpu.memory_space<vmem>>, vector<1x16xf32>,
    %get3A_2676 = arith.constant 17 : i32
    %get3A_2677 = arith.index_cast %get3A_2676 : i32 to index
    %get3A_2678 = arith.index_cast %and3A_354 : i32 to index
    %get3A_2679 = arith.constant 64 : index
    %get3A_2680 = tpu.vector_load %arg6[%get3A_2677, %get3A_2678, %get3A_2679] {strides = array<i32>} : memref<32x8x128xf32, #tpu.memory_space<vmem>>, vector<1x1x16xf32>,
    %get3A_2681 = vector.shape_cast %get3A_2680 : vector<1x1x16xf32> to vector<16xf32>
    %swap3A_2682 = arith.constant 17 : i32
    %swap3A_2683 = arith.index_cast %swap3A_2682 : i32 to index
    %swap3A_2684 = arith.constant 64 : index
    %swap3A_2685 = tpu.vector_load %arg7[%swap3A_2683, %swap3A_2684] {strides = array<i32>} : memref<32x128xf32, #tpu.memory_space<vmem>>, vector<1x16xf32>,
    %swap3A_2686 = vector.shape_cast %swap3A_2685 : vector<1x16xf32> to vector<16xf32>
    %swap3A_2687 = vector.shape_cast %get3A_2681 : vector<16xf32> to vector<1x16xf32>
    tpu.vector_store %arg7[%swap3A_2683, %swap3A_2684], %swap3A_2687 {strides = array<i32>} : memref<32x128xf32, #tpu.memory_space<vmem>>, vector<1x16xf32>,
    %get3A_2688 = arith.constant 17 : i32
    %get3A_2689 = arith.index_cast %get3A_2688 : i32 to index
    %get3A_2690 = arith.index_cast %and3A_354 : i32 to index
    %get3A_2691 = arith.constant 80 : index
    %get3A_2692 = tpu.vector_load %arg6[%get3A_2689, %get3A_2690, %get3A_2691] {strides = array<i32>} : memref<32x8x128xf32, #tpu.memory_space<vmem>>, vector<1x1x16xf32>,
    %get3A_2693 = vector.shape_cast %get3A_2692 : vector<1x1x16xf32> to vector<16xf32>
    %swap3A_2694 = arith.constant 17 : i32
    %swap3A_2695 = arith.index_cast %swap3A_2694 : i32 to index
    %swap3A_2696 = arith.constant 80 : index
    %swap3A_2697 = tpu.vector_load %arg7[%swap3A_2695, %swap3A_2696] {strides = array<i32>} : memref<32x128xf32, #tpu.memory_space<vmem>>, vector<1x16xf32>,
    %swap3A_2698 = vector.shape_cast %swap3A_2697 : vector<1x16xf32> to vector<16xf32>
    %swap3A_2699 = vector.shape_cast %get3A_2693 : vector<16xf32> to vector<1x16xf32>
    tpu.vector_store %arg7[%swap3A_2695, %swap3A_2696], %swap3A_2699 {strides = array<i32>} : memref<32x128xf32, #tpu.memory_space<vmem>>, vector<1x16xf32>,
    %get3A_2700 = arith.constant 17 : i32
    %get3A_2701 = arith.index_cast %get3A_2700 : i32 to index
    %get3A_2702 = arith.index_cast %and3A_354 : i32 to index
    %get3A_2703 = arith.constant 96 : index
    %get3A_2704 = tpu.vector_load %arg6[%get3A_2701, %get3A_2702, %get3A_2703] {strides = array<i32>} : memref<32x8x128xf32, #tpu.memory_space<vmem>>, vector<1x1x16xf32>,
    %get3A_2705 = vector.shape_cast %get3A_2704 : vector<1x1x16xf32> to vector<16xf32>
    %swap3A_2706 = arith.constant 17 : i32
    %swap3A_2707 = arith.index_cast %swap3A_2706 : i32 to index
    %swap3A_2708 = arith.constant 96 : index
    %swap3A_2709 = tpu.vector_load %arg7[%swap3A_2707, %swap3A_2708] {strides = array<i32>} : memref<32x128xf32, #tpu.memory_space<vmem>>, vector<1x16xf32>,
    %swap3A_2710 = vector.shape_cast %swap3A_2709 : vector<1x16xf32> to vector<16xf32>
    %swap3A_2711 = vector.shape_cast %get3A_2705 : vector<16xf32> to vector<1x16xf32>
    tpu.vector_store %arg7[%swap3A_2707, %swap3A_2708], %swap3A_2711 {strides = array<i32>} : memref<32x128xf32, #tpu.memory_space<vmem>>, vector<1x16xf32>,
    %get3A_2712 = arith.constant 17 : i32
    %get3A_2713 = arith.index_cast %get3A_2712 : i32 to index
    %get3A_2714 = arith.index_cast %and3A_354 : i32 to index
    %get3A_2715 = arith.constant 112 : index
    %get3A_2716 = tpu.vector_load %arg6[%get3A_2713, %get3A_2714, %get3A_2715] {strides = array<i32>} : memref<32x8x128xf32, #tpu.memory_space<vmem>>, vector<1x1x16xf32>,
    %get3A_2717 = vector.shape_cast %get3A_2716 : vector<1x1x16xf32> to vector<16xf32>
    %swap3A_2718 = arith.constant 17 : i32
    %swap3A_2719 = arith.index_cast %swap3A_2718 : i32 to index
    %swap3A_2720 = arith.constant 112 : index
    %swap3A_2721 = tpu.vector_load %arg7[%swap3A_2719, %swap3A_2720] {strides = array<i32>} : memref<32x128xf32, #tpu.memory_space<vmem>>, vector<1x16xf32>,
    %swap3A_2722 = vector.shape_cast %swap3A_2721 : vector<1x16xf32> to vector<16xf32>
    %swap3A_2723 = vector.shape_cast %get3A_2717 : vector<16xf32> to vector<1x16xf32>
    tpu.vector_store %arg7[%swap3A_2719, %swap3A_2720], %swap3A_2723 {strides = array<i32>} : memref<32x128xf32, #tpu.memory_space<vmem>>, vector<1x16xf32>,
    %get3A_2724 = arith.constant 18 : i32
    %get3A_2725 = arith.index_cast %get3A_2724 : i32 to index
    %get3A_2726 = arith.index_cast %and3A_374 : i32 to index
    %get3A_2727 = arith.constant 0 : index
    %get3A_2728 = tpu.vector_load %arg6[%get3A_2725, %get3A_2726, %get3A_2727] {strides = array<i32>} : memref<32x8x128xf32, #tpu.memory_space<vmem>>, vector<1x1x16xf32>,
    %get3A_2729 = vector.shape_cast %get3A_2728 : vector<1x1x16xf32> to vector<16xf32>
    %swap3A_2730 = arith.constant 18 : i32
    %swap3A_2731 = arith.index_cast %swap3A_2730 : i32 to index
    %swap3A_2732 = arith.constant 0 : index
    %swap3A_2733 = tpu.vector_load %arg7[%swap3A_2731, %swap3A_2732] {strides = array<i32>} : memref<32x128xf32, #tpu.memory_space<vmem>>, vector<1x16xf32>,
    %swap3A_2734 = vector.shape_cast %swap3A_2733 : vector<1x16xf32> to vector<16xf32>
    %swap3A_2735 = vector.shape_cast %get3A_2729 : vector<16xf32> to vector<1x16xf32>
    tpu.vector_store %arg7[%swap3A_2731, %swap3A_2732], %swap3A_2735 {strides = array<i32>} : memref<32x128xf32, #tpu.memory_space<vmem>>, vector<1x16xf32>,
    %get3A_2736 = arith.constant 18 : i32
    %get3A_2737 = arith.index_cast %get3A_2736 : i32 to index
    %get3A_2738 = arith.index_cast %and3A_374 : i32 to index
    %get3A_2739 = arith.constant 16 : index
    %get3A_2740 = tpu.vector_load %arg6[%get3A_2737, %get3A_2738, %get3A_2739] {strides = array<i32>} : memref<32x8x128xf32, #tpu.memory_space<vmem>>, vector<1x1x16xf32>,
    %get3A_2741 = vector.shape_cast %get3A_2740 : vector<1x1x16xf32> to vector<16xf32>
    %swap3A_2742 = arith.constant 18 : i32
    %swap3A_2743 = arith.index_cast %swap3A_2742 : i32 to index
    %swap3A_2744 = arith.constant 16 : index
    %swap3A_2745 = tpu.vector_load %arg7[%swap3A_2743, %swap3A_2744] {strides = array<i32>} : memref<32x128xf32, #tpu.memory_space<vmem>>, vector<1x16xf32>,
    %swap3A_2746 = vector.shape_cast %swap3A_2745 : vector<1x16xf32> to vector<16xf32>
    %swap3A_2747 = vector.shape_cast %get3A_2741 : vector<16xf32> to vector<1x16xf32>
    tpu.vector_store %arg7[%swap3A_2743, %swap3A_2744], %swap3A_2747 {strides = array<i32>} : memref<32x128xf32, #tpu.memory_space<vmem>>, vector<1x16xf32>,
    %get3A_2748 = arith.constant 18 : i32
    %get3A_2749 = arith.index_cast %get3A_2748 : i32 to index
    %get3A_2750 = arith.index_cast %and3A_374 : i32 to index
    %get3A_2751 = arith.constant 32 : index
    %get3A_2752 = tpu.vector_load %arg6[%get3A_2749, %get3A_2750, %get3A_2751] {strides = array<i32>} : memref<32x8x128xf32, #tpu.memory_space<vmem>>, vector<1x1x16xf32>,
    %get3A_2753 = vector.shape_cast %get3A_2752 : vector<1x1x16xf32> to vector<16xf32>
    %swap3A_2754 = arith.constant 18 : i32
    %swap3A_2755 = arith.index_cast %swap3A_2754 : i32 to index
    %swap3A_2756 = arith.constant 32 : index
    %swap3A_2757 = tpu.vector_load %arg7[%swap3A_2755, %swap3A_2756] {strides = array<i32>} : memref<32x128xf32, #tpu.memory_space<vmem>>, vector<1x16xf32>,
    %swap3A_2758 = vector.shape_cast %swap3A_2757 : vector<1x16xf32> to vector<16xf32>
    %swap3A_2759 = vector.shape_cast %get3A_2753 : vector<16xf32> to vector<1x16xf32>
    tpu.vector_store %arg7[%swap3A_2755, %swap3A_2756], %swap3A_2759 {strides = array<i32>} : memref<32x128xf32, #tpu.memory_space<vmem>>, vector<1x16xf32>,
    %get3A_2760 = arith.constant 18 : i32
    %get3A_2761 = arith.index_cast %get3A_2760 : i32 to index
    %get3A_2762 = arith.index_cast %and3A_374 : i32 to index
    %get3A_2763 = arith.constant 48 : index
    %get3A_2764 = tpu.vector_load %arg6[%get3A_2761, %get3A_2762, %get3A_2763] {strides = array<i32>} : memref<32x8x128xf32, #tpu.memory_space<vmem>>, vector<1x1x16xf32>,
    %get3A_2765 = vector.shape_cast %get3A_2764 : vector<1x1x16xf32> to vector<16xf32>
    %swap3A_2766 = arith.constant 18 : i32
    %swap3A_2767 = arith.index_cast %swap3A_2766 : i32 to index
    %swap3A_2768 = arith.constant 48 : index
    %swap3A_2769 = tpu.vector_load %arg7[%swap3A_2767, %swap3A_2768] {strides = array<i32>} : memref<32x128xf32, #tpu.memory_space<vmem>>, vector<1x16xf32>,
    %swap3A_2770 = vector.shape_cast %swap3A_2769 : vector<1x16xf32> to vector<16xf32>
    %swap3A_2771 = vector.shape_cast %get3A_2765 : vector<16xf32> to vector<1x16xf32>
    tpu.vector_store %arg7[%swap3A_2767, %swap3A_2768], %swap3A_2771 {strides = array<i32>} : memref<32x128xf32, #tpu.memory_space<vmem>>, vector<1x16xf32>,
    %get3A_2772 = arith.constant 18 : i32
    %get3A_2773 = arith.index_cast %get3A_2772 : i32 to index
    %get3A_2774 = arith.index_cast %and3A_374 : i32 to index
    %get3A_2775 = arith.constant 64 : index
    %get3A_2776 = tpu.vector_load %arg6[%get3A_2773, %get3A_2774, %get3A_2775] {strides = array<i32>} : memref<32x8x128xf32, #tpu.memory_space<vmem>>, vector<1x1x16xf32>,
    %get3A_2777 = vector.shape_cast %get3A_2776 : vector<1x1x16xf32> to vector<16xf32>
    %swap3A_2778 = arith.constant 18 : i32
    %swap3A_2779 = arith.index_cast %swap3A_2778 : i32 to index
    %swap3A_2780 = arith.constant 64 : index
    %swap3A_2781 = tpu.vector_load %arg7[%swap3A_2779, %swap3A_2780] {strides = array<i32>} : memref<32x128xf32, #tpu.memory_space<vmem>>, vector<1x16xf32>,
    %swap3A_2782 = vector.shape_cast %swap3A_2781 : vector<1x16xf32> to vector<16xf32>
    %swap3A_2783 = vector.shape_cast %get3A_2777 : vector<16xf32> to vector<1x16xf32>
    tpu.vector_store %arg7[%swap3A_2779, %swap3A_2780], %swap3A_2783 {strides = array<i32>} : memref<32x128xf32, #tpu.memory_space<vmem>>, vector<1x16xf32>,
    %get3A_2784 = arith.constant 18 : i32
    %get3A_2785 = arith.index_cast %get3A_2784 : i32 to index
    %get3A_2786 = arith.index_cast %and3A_374 : i32 to index
    %get3A_2787 = arith.constant 80 : index
    %get3A_2788 = tpu.vector_load %arg6[%get3A_2785, %get3A_2786, %get3A_2787] {strides = array<i32>} : memref<32x8x128xf32, #tpu.memory_space<vmem>>, vector<1x1x16xf32>,
    %get3A_2789 = vector.shape_cast %get3A_2788 : vector<1x1x16xf32> to vector<16xf32>
    %swap3A_2790 = arith.constant 18 : i32
    %swap3A_2791 = arith.index_cast %swap3A_2790 : i32 to index
    %swap3A_2792 = arith.constant 80 : index
    %swap3A_2793 = tpu.vector_load %arg7[%swap3A_2791, %swap3A_2792] {strides = array<i32>} : memref<32x128xf32, #tpu.memory_space<vmem>>, vector<1x16xf32>,
    %swap3A_2794 = vector.shape_cast %swap3A_2793 : vector<1x16xf32> to vector<16xf32>
    %swap3A_2795 = vector.shape_cast %get3A_2789 : vector<16xf32> to vector<1x16xf32>
    tpu.vector_store %arg7[%swap3A_2791, %swap3A_2792], %swap3A_2795 {strides = array<i32>} : memref<32x128xf32, #tpu.memory_space<vmem>>, vector<1x16xf32>,
    %get3A_2796 = arith.constant 18 : i32
    %get3A_2797 = arith.index_cast %get3A_2796 : i32 to index
    %get3A_2798 = arith.index_cast %and3A_374 : i32 to index
    %get3A_2799 = arith.constant 96 : index
    %get3A_2800 = tpu.vector_load %arg6[%get3A_2797, %get3A_2798, %get3A_2799] {strides = array<i32>} : memref<32x8x128xf32, #tpu.memory_space<vmem>>, vector<1x1x16xf32>,
    %get3A_2801 = vector.shape_cast %get3A_2800 : vector<1x1x16xf32> to vector<16xf32>
    %swap3A_2802 = arith.constant 18 : i32
    %swap3A_2803 = arith.index_cast %swap3A_2802 : i32 to index
    %swap3A_2804 = arith.constant 96 : index
    %swap3A_2805 = tpu.vector_load %arg7[%swap3A_2803, %swap3A_2804] {strides = array<i32>} : memref<32x128xf32, #tpu.memory_space<vmem>>, vector<1x16xf32>,
    %swap3A_2806 = vector.shape_cast %swap3A_2805 : vector<1x16xf32> to vector<16xf32>
    %swap3A_2807 = vector.shape_cast %get3A_2801 : vector<16xf32> to vector<1x16xf32>
    tpu.vector_store %arg7[%swap3A_2803, %swap3A_2804], %swap3A_2807 {strides = array<i32>} : memref<32x128xf32, #tpu.memory_space<vmem>>, vector<1x16xf32>,
    %get3A_2808 = arith.constant 18 : i32
    %get3A_2809 = arith.index_cast %get3A_2808 : i32 to index
    %get3A_2810 = arith.index_cast %and3A_374 : i32 to index
    %get3A_2811 = arith.constant 112 : index
    %get3A_2812 = tpu.vector_load %arg6[%get3A_2809, %get3A_2810, %get3A_2811] {strides = array<i32>} : memref<32x8x128xf32, #tpu.memory_space<vmem>>, vector<1x1x16xf32>,
    %get3A_2813 = vector.shape_cast %get3A_2812 : vector<1x1x16xf32> to vector<16xf32>
    %swap3A_2814 = arith.constant 18 : i32
    %swap3A_2815 = arith.index_cast %swap3A_2814 : i32 to index
    %swap3A_2816 = arith.constant 112 : index
    %swap3A_2817 = tpu.vector_load %arg7[%swap3A_2815, %swap3A_2816] {strides = array<i32>} : memref<32x128xf32, #tpu.memory_space<vmem>>, vector<1x16xf32>,
    %swap3A_2818 = vector.shape_cast %swap3A_2817 : vector<1x16xf32> to vector<16xf32>
    %swap3A_2819 = vector.shape_cast %get3A_2813 : vector<16xf32> to vector<1x16xf32>
    tpu.vector_store %arg7[%swap3A_2815, %swap3A_2816], %swap3A_2819 {strides = array<i32>} : memref<32x128xf32, #tpu.memory_space<vmem>>, vector<1x16xf32>,
    %get3A_2820 = arith.constant 19 : i32
    %get3A_2821 = arith.index_cast %get3A_2820 : i32 to index
    %get3A_2822 = arith.index_cast %and3A_394 : i32 to index
    %get3A_2823 = arith.constant 0 : index
    %get3A_2824 = tpu.vector_load %arg6[%get3A_2821, %get3A_2822, %get3A_2823] {strides = array<i32>} : memref<32x8x128xf32, #tpu.memory_space<vmem>>, vector<1x1x16xf32>,
    %get3A_2825 = vector.shape_cast %get3A_2824 : vector<1x1x16xf32> to vector<16xf32>
    %swap3A_2826 = arith.constant 19 : i32
    %swap3A_2827 = arith.index_cast %swap3A_2826 : i32 to index
    %swap3A_2828 = arith.constant 0 : index
    %swap3A_2829 = tpu.vector_load %arg7[%swap3A_2827, %swap3A_2828] {strides = array<i32>} : memref<32x128xf32, #tpu.memory_space<vmem>>, vector<1x16xf32>,
    %swap3A_2830 = vector.shape_cast %swap3A_2829 : vector<1x16xf32> to vector<16xf32>
    %swap3A_2831 = vector.shape_cast %get3A_2825 : vector<16xf32> to vector<1x16xf32>
    tpu.vector_store %arg7[%swap3A_2827, %swap3A_2828], %swap3A_2831 {strides = array<i32>} : memref<32x128xf32, #tpu.memory_space<vmem>>, vector<1x16xf32>,
    %get3A_2832 = arith.constant 19 : i32
    %get3A_2833 = arith.index_cast %get3A_2832 : i32 to index
    %get3A_2834 = arith.index_cast %and3A_394 : i32 to index
    %get3A_2835 = arith.constant 16 : index
    %get3A_2836 = tpu.vector_load %arg6[%get3A_2833, %get3A_2834, %get3A_2835] {strides = array<i32>} : memref<32x8x128xf32, #tpu.memory_space<vmem>>, vector<1x1x16xf32>,
    %get3A_2837 = vector.shape_cast %get3A_2836 : vector<1x1x16xf32> to vector<16xf32>
    %swap3A_2838 = arith.constant 19 : i32
    %swap3A_2839 = arith.index_cast %swap3A_2838 : i32 to index
    %swap3A_2840 = arith.constant 16 : index
    %swap3A_2841 = tpu.vector_load %arg7[%swap3A_2839, %swap3A_2840] {strides = array<i32>} : memref<32x128xf32, #tpu.memory_space<vmem>>, vector<1x16xf32>,
    %swap3A_2842 = vector.shape_cast %swap3A_2841 : vector<1x16xf32> to vector<16xf32>
    %swap3A_2843 = vector.shape_cast %get3A_2837 : vector<16xf32> to vector<1x16xf32>
    tpu.vector_store %arg7[%swap3A_2839, %swap3A_2840], %swap3A_2843 {strides = array<i32>} : memref<32x128xf32, #tpu.memory_space<vmem>>, vector<1x16xf32>,
    %get3A_2844 = arith.constant 19 : i32
    %get3A_2845 = arith.index_cast %get3A_2844 : i32 to index
    %get3A_2846 = arith.index_cast %and3A_394 : i32 to index
    %get3A_2847 = arith.constant 32 : index
    %get3A_2848 = tpu.vector_load %arg6[%get3A_2845, %get3A_2846, %get3A_2847] {strides = array<i32>} : memref<32x8x128xf32, #tpu.memory_space<vmem>>, vector<1x1x16xf32>,
    %get3A_2849 = vector.shape_cast %get3A_2848 : vector<1x1x16xf32> to vector<16xf32>
    %swap3A_2850 = arith.constant 19 : i32
    %swap3A_2851 = arith.index_cast %swap3A_2850 : i32 to index
    %swap3A_2852 = arith.constant 32 : index
    %swap3A_2853 = tpu.vector_load %arg7[%swap3A_2851, %swap3A_2852] {strides = array<i32>} : memref<32x128xf32, #tpu.memory_space<vmem>>, vector<1x16xf32>,
    %swap3A_2854 = vector.shape_cast %swap3A_2853 : vector<1x16xf32> to vector<16xf32>
    %swap3A_2855 = vector.shape_cast %get3A_2849 : vector<16xf32> to vector<1x16xf32>
    tpu.vector_store %arg7[%swap3A_2851, %swap3A_2852], %swap3A_2855 {strides = array<i32>} : memref<32x128xf32, #tpu.memory_space<vmem>>, vector<1x16xf32>,
    %get3A_2856 = arith.constant 19 : i32
    %get3A_2857 = arith.index_cast %get3A_2856 : i32 to index
    %get3A_2858 = arith.index_cast %and3A_394 : i32 to index
    %get3A_2859 = arith.constant 48 : index
    %get3A_2860 = tpu.vector_load %arg6[%get3A_2857, %get3A_2858, %get3A_2859] {strides = array<i32>} : memref<32x8x128xf32, #tpu.memory_space<vmem>>, vector<1x1x16xf32>,
    %get3A_2861 = vector.shape_cast %get3A_2860 : vector<1x1x16xf32> to vector<16xf32>
    %swap3A_2862 = arith.constant 19 : i32
    %swap3A_2863 = arith.index_cast %swap3A_2862 : i32 to index
    %swap3A_2864 = arith.constant 48 : index
    %swap3A_2865 = tpu.vector_load %arg7[%swap3A_2863, %swap3A_2864] {strides = array<i32>} : memref<32x128xf32, #tpu.memory_space<vmem>>, vector<1x16xf32>,
    %swap3A_2866 = vector.shape_cast %swap3A_2865 : vector<1x16xf32> to vector<16xf32>
    %swap3A_2867 = vector.shape_cast %get3A_2861 : vector<16xf32> to vector<1x16xf32>
    tpu.vector_store %arg7[%swap3A_2863, %swap3A_2864], %swap3A_2867 {strides = array<i32>} : memref<32x128xf32, #tpu.memory_space<vmem>>, vector<1x16xf32>,
    %get3A_2868 = arith.constant 19 : i32
    %get3A_2869 = arith.index_cast %get3A_2868 : i32 to index
    %get3A_2870 = arith.index_cast %and3A_394 : i32 to index
    %get3A_2871 = arith.constant 64 : index
    %get3A_2872 = tpu.vector_load %arg6[%get3A_2869, %get3A_2870, %get3A_2871] {strides = array<i32>} : memref<32x8x128xf32, #tpu.memory_space<vmem>>, vector<1x1x16xf32>,
    %get3A_2873 = vector.shape_cast %get3A_2872 : vector<1x1x16xf32> to vector<16xf32>
    %swap3A_2874 = arith.constant 19 : i32
    %swap3A_2875 = arith.index_cast %swap3A_2874 : i32 to index
    %swap3A_2876 = arith.constant 64 : index
    %swap3A_2877 = tpu.vector_load %arg7[%swap3A_2875, %swap3A_2876] {strides = array<i32>} : memref<32x128xf32, #tpu.memory_space<vmem>>, vector<1x16xf32>,
    %swap3A_2878 = vector.shape_cast %swap3A_2877 : vector<1x16xf32> to vector<16xf32>
    %swap3A_2879 = vector.shape_cast %get3A_2873 : vector<16xf32> to vector<1x16xf32>
    tpu.vector_store %arg7[%swap3A_2875, %swap3A_2876], %swap3A_2879 {strides = array<i32>} : memref<32x128xf32, #tpu.memory_space<vmem>>, vector<1x16xf32>,
    %get3A_2880 = arith.constant 19 : i32
    %get3A_2881 = arith.index_cast %get3A_2880 : i32 to index
    %get3A_2882 = arith.index_cast %and3A_394 : i32 to index
    %get3A_2883 = arith.constant 80 : index
    %get3A_2884 = tpu.vector_load %arg6[%get3A_2881, %get3A_2882, %get3A_2883] {strides = array<i32>} : memref<32x8x128xf32, #tpu.memory_space<vmem>>, vector<1x1x16xf32>,
    %get3A_2885 = vector.shape_cast %get3A_2884 : vector<1x1x16xf32> to vector<16xf32>
    %swap3A_2886 = arith.constant 19 : i32
    %swap3A_2887 = arith.index_cast %swap3A_2886 : i32 to index
    %swap3A_2888 = arith.constant 80 : index
    %swap3A_2889 = tpu.vector_load %arg7[%swap3A_2887, %swap3A_2888] {strides = array<i32>} : memref<32x128xf32, #tpu.memory_space<vmem>>, vector<1x16xf32>,
    %swap3A_2890 = vector.shape_cast %swap3A_2889 : vector<1x16xf32> to vector<16xf32>
    %swap3A_2891 = vector.shape_cast %get3A_2885 : vector<16xf32> to vector<1x16xf32>
    tpu.vector_store %arg7[%swap3A_2887, %swap3A_2888], %swap3A_2891 {strides = array<i32>} : memref<32x128xf32, #tpu.memory_space<vmem>>, vector<1x16xf32>,
    %get3A_2892 = arith.constant 19 : i32
    %get3A_2893 = arith.index_cast %get3A_2892 : i32 to index
    %get3A_2894 = arith.index_cast %and3A_394 : i32 to index
    %get3A_2895 = arith.constant 96 : index
    %get3A_2896 = tpu.vector_load %arg6[%get3A_2893, %get3A_2894, %get3A_2895] {strides = array<i32>} : memref<32x8x128xf32, #tpu.memory_space<vmem>>, vector<1x1x16xf32>,
    %get3A_2897 = vector.shape_cast %get3A_2896 : vector<1x1x16xf32> to vector<16xf32>
    %swap3A_2898 = arith.constant 19 : i32
    %swap3A_2899 = arith.index_cast %swap3A_2898 : i32 to index
    %swap3A_2900 = arith.constant 96 : index
    %swap3A_2901 = tpu.vector_load %arg7[%swap3A_2899, %swap3A_2900] {strides = array<i32>} : memref<32x128xf32, #tpu.memory_space<vmem>>, vector<1x16xf32>,
    %swap3A_2902 = vector.shape_cast %swap3A_2901 : vector<1x16xf32> to vector<16xf32>
    %swap3A_2903 = vector.shape_cast %get3A_2897 : vector<16xf32> to vector<1x16xf32>
    tpu.vector_store %arg7[%swap3A_2899, %swap3A_2900], %swap3A_2903 {strides = array<i32>} : memref<32x128xf32, #tpu.memory_space<vmem>>, vector<1x16xf32>,
    %get3A_2904 = arith.constant 19 : i32
    %get3A_2905 = arith.index_cast %get3A_2904 : i32 to index
    %get3A_2906 = arith.index_cast %and3A_394 : i32 to index
    %get3A_2907 = arith.constant 112 : index
    %get3A_2908 = tpu.vector_load %arg6[%get3A_2905, %get3A_2906, %get3A_2907] {strides = array<i32>} : memref<32x8x128xf32, #tpu.memory_space<vmem>>, vector<1x1x16xf32>,
    %get3A_2909 = vector.shape_cast %get3A_2908 : vector<1x1x16xf32> to vector<16xf32>
    %swap3A_2910 = arith.constant 19 : i32
    %swap3A_2911 = arith.index_cast %swap3A_2910 : i32 to index
    %swap3A_2912 = arith.constant 112 : index
    %swap3A_2913 = tpu.vector_load %arg7[%swap3A_2911, %swap3A_2912] {strides = array<i32>} : memref<32x128xf32, #tpu.memory_space<vmem>>, vector<1x16xf32>,
    %swap3A_2914 = vector.shape_cast %swap3A_2913 : vector<1x16xf32> to vector<16xf32>
    %swap3A_2915 = vector.shape_cast %get3A_2909 : vector<16xf32> to vector<1x16xf32>
    tpu.vector_store %arg7[%swap3A_2911, %swap3A_2912], %swap3A_2915 {strides = array<i32>} : memref<32x128xf32, #tpu.memory_space<vmem>>, vector<1x16xf32>,
    %get3A_2916 = arith.constant 20 : i32
    %get3A_2917 = arith.index_cast %get3A_2916 : i32 to index
    %get3A_2918 = arith.index_cast %and3A_414 : i32 to index
    %get3A_2919 = arith.constant 0 : index
    %get3A_2920 = tpu.vector_load %arg6[%get3A_2917, %get3A_2918, %get3A_2919] {strides = array<i32>} : memref<32x8x128xf32, #tpu.memory_space<vmem>>, vector<1x1x16xf32>,
    %get3A_2921 = vector.shape_cast %get3A_2920 : vector<1x1x16xf32> to vector<16xf32>
    %swap3A_2922 = arith.constant 20 : i32
    %swap3A_2923 = arith.index_cast %swap3A_2922 : i32 to index
    %swap3A_2924 = arith.constant 0 : index
    %swap3A_2925 = tpu.vector_load %arg7[%swap3A_2923, %swap3A_2924] {strides = array<i32>} : memref<32x128xf32, #tpu.memory_space<vmem>>, vector<1x16xf32>,
    %swap3A_2926 = vector.shape_cast %swap3A_2925 : vector<1x16xf32> to vector<16xf32>
    %swap3A_2927 = vector.shape_cast %get3A_2921 : vector<16xf32> to vector<1x16xf32>
    tpu.vector_store %arg7[%swap3A_2923, %swap3A_2924], %swap3A_2927 {strides = array<i32>} : memref<32x128xf32, #tpu.memory_space<vmem>>, vector<1x16xf32>,
    %get3A_2928 = arith.constant 20 : i32
    %get3A_2929 = arith.index_cast %get3A_2928 : i32 to index
    %get3A_2930 = arith.index_cast %and3A_414 : i32 to index
    %get3A_2931 = arith.constant 16 : index
    %get3A_2932 = tpu.vector_load %arg6[%get3A_2929, %get3A_2930, %get3A_2931] {strides = array<i32>} : memref<32x8x128xf32, #tpu.memory_space<vmem>>, vector<1x1x16xf32>,
    %get3A_2933 = vector.shape_cast %get3A_2932 : vector<1x1x16xf32> to vector<16xf32>
    %swap3A_2934 = arith.constant 20 : i32
    %swap3A_2935 = arith.index_cast %swap3A_2934 : i32 to index
    %swap3A_2936 = arith.constant 16 : index
    %swap3A_2937 = tpu.vector_load %arg7[%swap3A_2935, %swap3A_2936] {strides = array<i32>} : memref<32x128xf32, #tpu.memory_space<vmem>>, vector<1x16xf32>,
    %swap3A_2938 = vector.shape_cast %swap3A_2937 : vector<1x16xf32> to vector<16xf32>
    %swap3A_2939 = vector.shape_cast %get3A_2933 : vector<16xf32> to vector<1x16xf32>
    tpu.vector_store %arg7[%swap3A_2935, %swap3A_2936], %swap3A_2939 {strides = array<i32>} : memref<32x128xf32, #tpu.memory_space<vmem>>, vector<1x16xf32>,
    %get3A_2940 = arith.constant 20 : i32
    %get3A_2941 = arith.index_cast %get3A_2940 : i32 to index
    %get3A_2942 = arith.index_cast %and3A_414 : i32 to index
    %get3A_2943 = arith.constant 32 : index
    %get3A_2944 = tpu.vector_load %arg6[%get3A_2941, %get3A_2942, %get3A_2943] {strides = array<i32>} : memref<32x8x128xf32, #tpu.memory_space<vmem>>, vector<1x1x16xf32>,
    %get3A_2945 = vector.shape_cast %get3A_2944 : vector<1x1x16xf32> to vector<16xf32>
    %swap3A_2946 = arith.constant 20 : i32
    %swap3A_2947 = arith.index_cast %swap3A_2946 : i32 to index
    %swap3A_2948 = arith.constant 32 : index
    %swap3A_2949 = tpu.vector_load %arg7[%swap3A_2947, %swap3A_2948] {strides = array<i32>} : memref<32x128xf32, #tpu.memory_space<vmem>>, vector<1x16xf32>,
    %swap3A_2950 = vector.shape_cast %swap3A_2949 : vector<1x16xf32> to vector<16xf32>
    %swap3A_2951 = vector.shape_cast %get3A_2945 : vector<16xf32> to vector<1x16xf32>
    tpu.vector_store %arg7[%swap3A_2947, %swap3A_2948], %swap3A_2951 {strides = array<i32>} : memref<32x128xf32, #tpu.memory_space<vmem>>, vector<1x16xf32>,
    %get3A_2952 = arith.constant 20 : i32
    %get3A_2953 = arith.index_cast %get3A_2952 : i32 to index
    %get3A_2954 = arith.index_cast %and3A_414 : i32 to index
    %get3A_2955 = arith.constant 48 : index
    %get3A_2956 = tpu.vector_load %arg6[%get3A_2953, %get3A_2954, %get3A_2955] {strides = array<i32>} : memref<32x8x128xf32, #tpu.memory_space<vmem>>, vector<1x1x16xf32>,
    %get3A_2957 = vector.shape_cast %get3A_2956 : vector<1x1x16xf32> to vector<16xf32>
    %swap3A_2958 = arith.constant 20 : i32
    %swap3A_2959 = arith.index_cast %swap3A_2958 : i32 to index
    %swap3A_2960 = arith.constant 48 : index
    %swap3A_2961 = tpu.vector_load %arg7[%swap3A_2959, %swap3A_2960] {strides = array<i32>} : memref<32x128xf32, #tpu.memory_space<vmem>>, vector<1x16xf32>,
    %swap3A_2962 = vector.shape_cast %swap3A_2961 : vector<1x16xf32> to vector<16xf32>
    %swap3A_2963 = vector.shape_cast %get3A_2957 : vector<16xf32> to vector<1x16xf32>
    tpu.vector_store %arg7[%swap3A_2959, %swap3A_2960], %swap3A_2963 {strides = array<i32>} : memref<32x128xf32, #tpu.memory_space<vmem>>, vector<1x16xf32>,
    %get3A_2964 = arith.constant 20 : i32
    %get3A_2965 = arith.index_cast %get3A_2964 : i32 to index
    %get3A_2966 = arith.index_cast %and3A_414 : i32 to index
    %get3A_2967 = arith.constant 64 : index
    %get3A_2968 = tpu.vector_load %arg6[%get3A_2965, %get3A_2966, %get3A_2967] {strides = array<i32>} : memref<32x8x128xf32, #tpu.memory_space<vmem>>, vector<1x1x16xf32>,
    %get3A_2969 = vector.shape_cast %get3A_2968 : vector<1x1x16xf32> to vector<16xf32>
    %swap3A_2970 = arith.constant 20 : i32
    %swap3A_2971 = arith.index_cast %swap3A_2970 : i32 to index
    %swap3A_2972 = arith.constant 64 : index
    %swap3A_2973 = tpu.vector_load %arg7[%swap3A_2971, %swap3A_2972] {strides = array<i32>} : memref<32x128xf32, #tpu.memory_space<vmem>>, vector<1x16xf32>,
    %swap3A_2974 = vector.shape_cast %swap3A_2973 : vector<1x16xf32> to vector<16xf32>
    %swap3A_2975 = vector.shape_cast %get3A_2969 : vector<16xf32> to vector<1x16xf32>
    tpu.vector_store %arg7[%swap3A_2971, %swap3A_2972], %swap3A_2975 {strides = array<i32>} : memref<32x128xf32, #tpu.memory_space<vmem>>, vector<1x16xf32>,
    %get3A_2976 = arith.constant 20 : i32
    %get3A_2977 = arith.index_cast %get3A_2976 : i32 to index
    %get3A_2978 = arith.index_cast %and3A_414 : i32 to index
    %get3A_2979 = arith.constant 80 : index
    %get3A_2980 = tpu.vector_load %arg6[%get3A_2977, %get3A_2978, %get3A_2979] {strides = array<i32>} : memref<32x8x128xf32, #tpu.memory_space<vmem>>, vector<1x1x16xf32>,
    %get3A_2981 = vector.shape_cast %get3A_2980 : vector<1x1x16xf32> to vector<16xf32>
    %swap3A_2982 = arith.constant 20 : i32
    %swap3A_2983 = arith.index_cast %swap3A_2982 : i32 to index
    %swap3A_2984 = arith.constant 80 : index
    %swap3A_2985 = tpu.vector_load %arg7[%swap3A_2983, %swap3A_2984] {strides = array<i32>} : memref<32x128xf32, #tpu.memory_space<vmem>>, vector<1x16xf32>,
    %swap3A_2986 = vector.shape_cast %swap3A_2985 : vector<1x16xf32> to vector<16xf32>
    %swap3A_2987 = vector.shape_cast %get3A_2981 : vector<16xf32> to vector<1x16xf32>
    tpu.vector_store %arg7[%swap3A_2983, %swap3A_2984], %swap3A_2987 {strides = array<i32>} : memref<32x128xf32, #tpu.memory_space<vmem>>, vector<1x16xf32>,
    %get3A_2988 = arith.constant 20 : i32
    %get3A_2989 = arith.index_cast %get3A_2988 : i32 to index
    %get3A_2990 = arith.index_cast %and3A_414 : i32 to index
    %get3A_2991 = arith.constant 96 : index
    %get3A_2992 = tpu.vector_load %arg6[%get3A_2989, %get3A_2990, %get3A_2991] {strides = array<i32>} : memref<32x8x128xf32, #tpu.memory_space<vmem>>, vector<1x1x16xf32>,
    %get3A_2993 = vector.shape_cast %get3A_2992 : vector<1x1x16xf32> to vector<16xf32>
    %swap3A_2994 = arith.constant 20 : i32
    %swap3A_2995 = arith.index_cast %swap3A_2994 : i32 to index
    %swap3A_2996 = arith.constant 96 : index
    %swap3A_2997 = tpu.vector_load %arg7[%swap3A_2995, %swap3A_2996] {strides = array<i32>} : memref<32x128xf32, #tpu.memory_space<vmem>>, vector<1x16xf32>,
    %swap3A_2998 = vector.shape_cast %swap3A_2997 : vector<1x16xf32> to vector<16xf32>
    %swap3A_2999 = vector.shape_cast %get3A_2993 : vector<16xf32> to vector<1x16xf32>
    tpu.vector_store %arg7[%swap3A_2995, %swap3A_2996], %swap3A_2999 {strides = array<i32>} : memref<32x128xf32, #tpu.memory_space<vmem>>, vector<1x16xf32>,
    %get3A_3000 = arith.constant 20 : i32
    %get3A_3001 = arith.index_cast %get3A_3000 : i32 to index
    %get3A_3002 = arith.index_cast %and3A_414 : i32 to index
    %get3A_3003 = arith.constant 112 : index
    %get3A_3004 = tpu.vector_load %arg6[%get3A_3001, %get3A_3002, %get3A_3003] {strides = array<i32>} : memref<32x8x128xf32, #tpu.memory_space<vmem>>, vector<1x1x16xf32>,
    %get3A_3005 = vector.shape_cast %get3A_3004 : vector<1x1x16xf32> to vector<16xf32>
    %swap3A_3006 = arith.constant 20 : i32
    %swap3A_3007 = arith.index_cast %swap3A_3006 : i32 to index
    %swap3A_3008 = arith.constant 112 : index
    %swap3A_3009 = tpu.vector_load %arg7[%swap3A_3007, %swap3A_3008] {strides = array<i32>} : memref<32x128xf32, #tpu.memory_space<vmem>>, vector<1x16xf32>,
    %swap3A_3010 = vector.shape_cast %swap3A_3009 : vector<1x16xf32> to vector<16xf32>
    %swap3A_3011 = vector.shape_cast %get3A_3005 : vector<16xf32> to vector<1x16xf32>
    tpu.vector_store %arg7[%swap3A_3007, %swap3A_3008], %swap3A_3011 {strides = array<i32>} : memref<32x128xf32, #tpu.memory_space<vmem>>, vector<1x16xf32>,
    %get3A_3012 = arith.constant 21 : i32
    %get3A_3013 = arith.index_cast %get3A_3012 : i32 to index
    %get3A_3014 = arith.index_cast %and3A_434 : i32 to index
    %get3A_3015 = arith.constant 0 : index
    %get3A_3016 = tpu.vector_load %arg6[%get3A_3013, %get3A_3014, %get3A_3015] {strides = array<i32>} : memref<32x8x128xf32, #tpu.memory_space<vmem>>, vector<1x1x16xf32>,
    %get3A_3017 = vector.shape_cast %get3A_3016 : vector<1x1x16xf32> to vector<16xf32>
    %swap3A_3018 = arith.constant 21 : i32
    %swap3A_3019 = arith.index_cast %swap3A_3018 : i32 to index
    %swap3A_3020 = arith.constant 0 : index
    %swap3A_3021 = tpu.vector_load %arg7[%swap3A_3019, %swap3A_3020] {strides = array<i32>} : memref<32x128xf32, #tpu.memory_space<vmem>>, vector<1x16xf32>,
    %swap3A_3022 = vector.shape_cast %swap3A_3021 : vector<1x16xf32> to vector<16xf32>
    %swap3A_3023 = vector.shape_cast %get3A_3017 : vector<16xf32> to vector<1x16xf32>
    tpu.vector_store %arg7[%swap3A_3019, %swap3A_3020], %swap3A_3023 {strides = array<i32>} : memref<32x128xf32, #tpu.memory_space<vmem>>, vector<1x16xf32>,
    %get3A_3024 = arith.constant 21 : i32
    %get3A_3025 = arith.index_cast %get3A_3024 : i32 to index
    %get3A_3026 = arith.index_cast %and3A_434 : i32 to index
    %get3A_3027 = arith.constant 16 : index
    %get3A_3028 = tpu.vector_load %arg6[%get3A_3025, %get3A_3026, %get3A_3027] {strides = array<i32>} : memref<32x8x128xf32, #tpu.memory_space<vmem>>, vector<1x1x16xf32>,
    %get3A_3029 = vector.shape_cast %get3A_3028 : vector<1x1x16xf32> to vector<16xf32>
    %swap3A_3030 = arith.constant 21 : i32
    %swap3A_3031 = arith.index_cast %swap3A_3030 : i32 to index
    %swap3A_3032 = arith.constant 16 : index
    %swap3A_3033 = tpu.vector_load %arg7[%swap3A_3031, %swap3A_3032] {strides = array<i32>} : memref<32x128xf32, #tpu.memory_space<vmem>>, vector<1x16xf32>,
    %swap3A_3034 = vector.shape_cast %swap3A_3033 : vector<1x16xf32> to vector<16xf32>
    %swap3A_3035 = vector.shape_cast %get3A_3029 : vector<16xf32> to vector<1x16xf32>
    tpu.vector_store %arg7[%swap3A_3031, %swap3A_3032], %swap3A_3035 {strides = array<i32>} : memref<32x128xf32, #tpu.memory_space<vmem>>, vector<1x16xf32>,
    %get3A_3036 = arith.constant 21 : i32
    %get3A_3037 = arith.index_cast %get3A_3036 : i32 to index
    %get3A_3038 = arith.index_cast %and3A_434 : i32 to index
    %get3A_3039 = arith.constant 32 : index
    %get3A_3040 = tpu.vector_load %arg6[%get3A_3037, %get3A_3038, %get3A_3039] {strides = array<i32>} : memref<32x8x128xf32, #tpu.memory_space<vmem>>, vector<1x1x16xf32>,
    %get3A_3041 = vector.shape_cast %get3A_3040 : vector<1x1x16xf32> to vector<16xf32>
    %swap3A_3042 = arith.constant 21 : i32
    %swap3A_3043 = arith.index_cast %swap3A_3042 : i32 to index
    %swap3A_3044 = arith.constant 32 : index
    %swap3A_3045 = tpu.vector_load %arg7[%swap3A_3043, %swap3A_3044] {strides = array<i32>} : memref<32x128xf32, #tpu.memory_space<vmem>>, vector<1x16xf32>,
    %swap3A_3046 = vector.shape_cast %swap3A_3045 : vector<1x16xf32> to vector<16xf32>
    %swap3A_3047 = vector.shape_cast %get3A_3041 : vector<16xf32> to vector<1x16xf32>
    tpu.vector_store %arg7[%swap3A_3043, %swap3A_3044], %swap3A_3047 {strides = array<i32>} : memref<32x128xf32, #tpu.memory_space<vmem>>, vector<1x16xf32>,
    %get3A_3048 = arith.constant 21 : i32
    %get3A_3049 = arith.index_cast %get3A_3048 : i32 to index
    %get3A_3050 = arith.index_cast %and3A_434 : i32 to index
    %get3A_3051 = arith.constant 48 : index
    %get3A_3052 = tpu.vector_load %arg6[%get3A_3049, %get3A_3050, %get3A_3051] {strides = array<i32>} : memref<32x8x128xf32, #tpu.memory_space<vmem>>, vector<1x1x16xf32>,
    %get3A_3053 = vector.shape_cast %get3A_3052 : vector<1x1x16xf32> to vector<16xf32>
    %swap3A_3054 = arith.constant 21 : i32
    %swap3A_3055 = arith.index_cast %swap3A_3054 : i32 to index
    %swap3A_3056 = arith.constant 48 : index
    %swap3A_3057 = tpu.vector_load %arg7[%swap3A_3055, %swap3A_3056] {strides = array<i32>} : memref<32x128xf32, #tpu.memory_space<vmem>>, vector<1x16xf32>,
    %swap3A_3058 = vector.shape_cast %swap3A_3057 : vector<1x16xf32> to vector<16xf32>
    %swap3A_3059 = vector.shape_cast %get3A_3053 : vector<16xf32> to vector<1x16xf32>
    tpu.vector_store %arg7[%swap3A_3055, %swap3A_3056], %swap3A_3059 {strides = array<i32>} : memref<32x128xf32, #tpu.memory_space<vmem>>, vector<1x16xf32>,
    %get3A_3060 = arith.constant 21 : i32
    %get3A_3061 = arith.index_cast %get3A_3060 : i32 to index
    %get3A_3062 = arith.index_cast %and3A_434 : i32 to index
    %get3A_3063 = arith.constant 64 : index
    %get3A_3064 = tpu.vector_load %arg6[%get3A_3061, %get3A_3062, %get3A_3063] {strides = array<i32>} : memref<32x8x128xf32, #tpu.memory_space<vmem>>, vector<1x1x16xf32>,
    %get3A_3065 = vector.shape_cast %get3A_3064 : vector<1x1x16xf32> to vector<16xf32>
    %swap3A_3066 = arith.constant 21 : i32
    %swap3A_3067 = arith.index_cast %swap3A_3066 : i32 to index
    %swap3A_3068 = arith.constant 64 : index
    %swap3A_3069 = tpu.vector_load %arg7[%swap3A_3067, %swap3A_3068] {strides = array<i32>} : memref<32x128xf32, #tpu.memory_space<vmem>>, vector<1x16xf32>,
    %swap3A_3070 = vector.shape_cast %swap3A_3069 : vector<1x16xf32> to vector<16xf32>
    %swap3A_3071 = vector.shape_cast %get3A_3065 : vector<16xf32> to vector<1x16xf32>
    tpu.vector_store %arg7[%swap3A_3067, %swap3A_3068], %swap3A_3071 {strides = array<i32>} : memref<32x128xf32, #tpu.memory_space<vmem>>, vector<1x16xf32>,
    %get3A_3072 = arith.constant 21 : i32
    %get3A_3073 = arith.index_cast %get3A_3072 : i32 to index
    %get3A_3074 = arith.index_cast %and3A_434 : i32 to index
    %get3A_3075 = arith.constant 80 : index
    %get3A_3076 = tpu.vector_load %arg6[%get3A_3073, %get3A_3074, %get3A_3075] {strides = array<i32>} : memref<32x8x128xf32, #tpu.memory_space<vmem>>, vector<1x1x16xf32>,
    %get3A_3077 = vector.shape_cast %get3A_3076 : vector<1x1x16xf32> to vector<16xf32>
    %swap3A_3078 = arith.constant 21 : i32
    %swap3A_3079 = arith.index_cast %swap3A_3078 : i32 to index
    %swap3A_3080 = arith.constant 80 : index
    %swap3A_3081 = tpu.vector_load %arg7[%swap3A_3079, %swap3A_3080] {strides = array<i32>} : memref<32x128xf32, #tpu.memory_space<vmem>>, vector<1x16xf32>,
    %swap3A_3082 = vector.shape_cast %swap3A_3081 : vector<1x16xf32> to vector<16xf32>
    %swap3A_3083 = vector.shape_cast %get3A_3077 : vector<16xf32> to vector<1x16xf32>
    tpu.vector_store %arg7[%swap3A_3079, %swap3A_3080], %swap3A_3083 {strides = array<i32>} : memref<32x128xf32, #tpu.memory_space<vmem>>, vector<1x16xf32>,
    %get3A_3084 = arith.constant 21 : i32
    %get3A_3085 = arith.index_cast %get3A_3084 : i32 to index
    %get3A_3086 = arith.index_cast %and3A_434 : i32 to index
    %get3A_3087 = arith.constant 96 : index
    %get3A_3088 = tpu.vector_load %arg6[%get3A_3085, %get3A_3086, %get3A_3087] {strides = array<i32>} : memref<32x8x128xf32, #tpu.memory_space<vmem>>, vector<1x1x16xf32>,
    %get3A_3089 = vector.shape_cast %get3A_3088 : vector<1x1x16xf32> to vector<16xf32>
    %swap3A_3090 = arith.constant 21 : i32
    %swap3A_3091 = arith.index_cast %swap3A_3090 : i32 to index
    %swap3A_3092 = arith.constant 96 : index
    %swap3A_3093 = tpu.vector_load %arg7[%swap3A_3091, %swap3A_3092] {strides = array<i32>} : memref<32x128xf32, #tpu.memory_space<vmem>>, vector<1x16xf32>,
    %swap3A_3094 = vector.shape_cast %swap3A_3093 : vector<1x16xf32> to vector<16xf32>
    %swap3A_3095 = vector.shape_cast %get3A_3089 : vector<16xf32> to vector<1x16xf32>
    tpu.vector_store %arg7[%swap3A_3091, %swap3A_3092], %swap3A_3095 {strides = array<i32>} : memref<32x128xf32, #tpu.memory_space<vmem>>, vector<1x16xf32>,
    %get3A_3096 = arith.constant 21 : i32
    %get3A_3097 = arith.index_cast %get3A_3096 : i32 to index
    %get3A_3098 = arith.index_cast %and3A_434 : i32 to index
    %get3A_3099 = arith.constant 112 : index
    %get3A_3100 = tpu.vector_load %arg6[%get3A_3097, %get3A_3098, %get3A_3099] {strides = array<i32>} : memref<32x8x128xf32, #tpu.memory_space<vmem>>, vector<1x1x16xf32>,
    %get3A_3101 = vector.shape_cast %get3A_3100 : vector<1x1x16xf32> to vector<16xf32>
    %swap3A_3102 = arith.constant 21 : i32
    %swap3A_3103 = arith.index_cast %swap3A_3102 : i32 to index
    %swap3A_3104 = arith.constant 112 : index
    %swap3A_3105 = tpu.vector_load %arg7[%swap3A_3103, %swap3A_3104] {strides = array<i32>} : memref<32x128xf32, #tpu.memory_space<vmem>>, vector<1x16xf32>,
    %swap3A_3106 = vector.shape_cast %swap3A_3105 : vector<1x16xf32> to vector<16xf32>
    %swap3A_3107 = vector.shape_cast %get3A_3101 : vector<16xf32> to vector<1x16xf32>
    tpu.vector_store %arg7[%swap3A_3103, %swap3A_3104], %swap3A_3107 {strides = array<i32>} : memref<32x128xf32, #tpu.memory_space<vmem>>, vector<1x16xf32>,
    %get3A_3108 = arith.constant 22 : i32
    %get3A_3109 = arith.index_cast %get3A_3108 : i32 to index
    %get3A_3110 = arith.index_cast %and3A_454 : i32 to index
    %get3A_3111 = arith.constant 0 : index
    %get3A_3112 = tpu.vector_load %arg6[%get3A_3109, %get3A_3110, %get3A_3111] {strides = array<i32>} : memref<32x8x128xf32, #tpu.memory_space<vmem>>, vector<1x1x16xf32>,
    %get3A_3113 = vector.shape_cast %get3A_3112 : vector<1x1x16xf32> to vector<16xf32>
    %swap3A_3114 = arith.constant 22 : i32
    %swap3A_3115 = arith.index_cast %swap3A_3114 : i32 to index
    %swap3A_3116 = arith.constant 0 : index
    %swap3A_3117 = tpu.vector_load %arg7[%swap3A_3115, %swap3A_3116] {strides = array<i32>} : memref<32x128xf32, #tpu.memory_space<vmem>>, vector<1x16xf32>,
    %swap3A_3118 = vector.shape_cast %swap3A_3117 : vector<1x16xf32> to vector<16xf32>
    %swap3A_3119 = vector.shape_cast %get3A_3113 : vector<16xf32> to vector<1x16xf32>
    tpu.vector_store %arg7[%swap3A_3115, %swap3A_3116], %swap3A_3119 {strides = array<i32>} : memref<32x128xf32, #tpu.memory_space<vmem>>, vector<1x16xf32>,
    %get3A_3120 = arith.constant 22 : i32
    %get3A_3121 = arith.index_cast %get3A_3120 : i32 to index
    %get3A_3122 = arith.index_cast %and3A_454 : i32 to index
    %get3A_3123 = arith.constant 16 : index
    %get3A_3124 = tpu.vector_load %arg6[%get3A_3121, %get3A_3122, %get3A_3123] {strides = array<i32>} : memref<32x8x128xf32, #tpu.memory_space<vmem>>, vector<1x1x16xf32>,
    %get3A_3125 = vector.shape_cast %get3A_3124 : vector<1x1x16xf32> to vector<16xf32>
    %swap3A_3126 = arith.constant 22 : i32
    %swap3A_3127 = arith.index_cast %swap3A_3126 : i32 to index
    %swap3A_3128 = arith.constant 16 : index
    %swap3A_3129 = tpu.vector_load %arg7[%swap3A_3127, %swap3A_3128] {strides = array<i32>} : memref<32x128xf32, #tpu.memory_space<vmem>>, vector<1x16xf32>,
    %swap3A_3130 = vector.shape_cast %swap3A_3129 : vector<1x16xf32> to vector<16xf32>
    %swap3A_3131 = vector.shape_cast %get3A_3125 : vector<16xf32> to vector<1x16xf32>
    tpu.vector_store %arg7[%swap3A_3127, %swap3A_3128], %swap3A_3131 {strides = array<i32>} : memref<32x128xf32, #tpu.memory_space<vmem>>, vector<1x16xf32>,
    %get3A_3132 = arith.constant 22 : i32
    %get3A_3133 = arith.index_cast %get3A_3132 : i32 to index
    %get3A_3134 = arith.index_cast %and3A_454 : i32 to index
    %get3A_3135 = arith.constant 32 : index
    %get3A_3136 = tpu.vector_load %arg6[%get3A_3133, %get3A_3134, %get3A_3135] {strides = array<i32>} : memref<32x8x128xf32, #tpu.memory_space<vmem>>, vector<1x1x16xf32>,
    %get3A_3137 = vector.shape_cast %get3A_3136 : vector<1x1x16xf32> to vector<16xf32>
    %swap3A_3138 = arith.constant 22 : i32
    %swap3A_3139 = arith.index_cast %swap3A_3138 : i32 to index
    %swap3A_3140 = arith.constant 32 : index
    %swap3A_3141 = tpu.vector_load %arg7[%swap3A_3139, %swap3A_3140] {strides = array<i32>} : memref<32x128xf32, #tpu.memory_space<vmem>>, vector<1x16xf32>,
    %swap3A_3142 = vector.shape_cast %swap3A_3141 : vector<1x16xf32> to vector<16xf32>
    %swap3A_3143 = vector.shape_cast %get3A_3137 : vector<16xf32> to vector<1x16xf32>
    tpu.vector_store %arg7[%swap3A_3139, %swap3A_3140], %swap3A_3143 {strides = array<i32>} : memref<32x128xf32, #tpu.memory_space<vmem>>, vector<1x16xf32>,
    %get3A_3144 = arith.constant 22 : i32
    %get3A_3145 = arith.index_cast %get3A_3144 : i32 to index
    %get3A_3146 = arith.index_cast %and3A_454 : i32 to index
    %get3A_3147 = arith.constant 48 : index
    %get3A_3148 = tpu.vector_load %arg6[%get3A_3145, %get3A_3146, %get3A_3147] {strides = array<i32>} : memref<32x8x128xf32, #tpu.memory_space<vmem>>, vector<1x1x16xf32>,
    %get3A_3149 = vector.shape_cast %get3A_3148 : vector<1x1x16xf32> to vector<16xf32>
    %swap3A_3150 = arith.constant 22 : i32
    %swap3A_3151 = arith.index_cast %swap3A_3150 : i32 to index
    %swap3A_3152 = arith.constant 48 : index
    %swap3A_3153 = tpu.vector_load %arg7[%swap3A_3151, %swap3A_3152] {strides = array<i32>} : memref<32x128xf32, #tpu.memory_space<vmem>>, vector<1x16xf32>,
    %swap3A_3154 = vector.shape_cast %swap3A_3153 : vector<1x16xf32> to vector<16xf32>
    %swap3A_3155 = vector.shape_cast %get3A_3149 : vector<16xf32> to vector<1x16xf32>
    tpu.vector_store %arg7[%swap3A_3151, %swap3A_3152], %swap3A_3155 {strides = array<i32>} : memref<32x128xf32, #tpu.memory_space<vmem>>, vector<1x16xf32>,
    %get3A_3156 = arith.constant 22 : i32
    %get3A_3157 = arith.index_cast %get3A_3156 : i32 to index
    %get3A_3158 = arith.index_cast %and3A_454 : i32 to index
    %get3A_3159 = arith.constant 64 : index
    %get3A_3160 = tpu.vector_load %arg6[%get3A_3157, %get3A_3158, %get3A_3159] {strides = array<i32>} : memref<32x8x128xf32, #tpu.memory_space<vmem>>, vector<1x1x16xf32>,
    %get3A_3161 = vector.shape_cast %get3A_3160 : vector<1x1x16xf32> to vector<16xf32>
    %swap3A_3162 = arith.constant 22 : i32
    %swap3A_3163 = arith.index_cast %swap3A_3162 : i32 to index
    %swap3A_3164 = arith.constant 64 : index
    %swap3A_3165 = tpu.vector_load %arg7[%swap3A_3163, %swap3A_3164] {strides = array<i32>} : memref<32x128xf32, #tpu.memory_space<vmem>>, vector<1x16xf32>,
    %swap3A_3166 = vector.shape_cast %swap3A_3165 : vector<1x16xf32> to vector<16xf32>
    %swap3A_3167 = vector.shape_cast %get3A_3161 : vector<16xf32> to vector<1x16xf32>
    tpu.vector_store %arg7[%swap3A_3163, %swap3A_3164], %swap3A_3167 {strides = array<i32>} : memref<32x128xf32, #tpu.memory_space<vmem>>, vector<1x16xf32>,
    %get3A_3168 = arith.constant 22 : i32
    %get3A_3169 = arith.index_cast %get3A_3168 : i32 to index
    %get3A_3170 = arith.index_cast %and3A_454 : i32 to index
    %get3A_3171 = arith.constant 80 : index
    %get3A_3172 = tpu.vector_load %arg6[%get3A_3169, %get3A_3170, %get3A_3171] {strides = array<i32>} : memref<32x8x128xf32, #tpu.memory_space<vmem>>, vector<1x1x16xf32>,
    %get3A_3173 = vector.shape_cast %get3A_3172 : vector<1x1x16xf32> to vector<16xf32>
    %swap3A_3174 = arith.constant 22 : i32
    %swap3A_3175 = arith.index_cast %swap3A_3174 : i32 to index
    %swap3A_3176 = arith.constant 80 : index
    %swap3A_3177 = tpu.vector_load %arg7[%swap3A_3175, %swap3A_3176] {strides = array<i32>} : memref<32x128xf32, #tpu.memory_space<vmem>>, vector<1x16xf32>,
    %swap3A_3178 = vector.shape_cast %swap3A_3177 : vector<1x16xf32> to vector<16xf32>
    %swap3A_3179 = vector.shape_cast %get3A_3173 : vector<16xf32> to vector<1x16xf32>
    tpu.vector_store %arg7[%swap3A_3175, %swap3A_3176], %swap3A_3179 {strides = array<i32>} : memref<32x128xf32, #tpu.memory_space<vmem>>, vector<1x16xf32>,
    %get3A_3180 = arith.constant 22 : i32
    %get3A_3181 = arith.index_cast %get3A_3180 : i32 to index
    %get3A_3182 = arith.index_cast %and3A_454 : i32 to index
    %get3A_3183 = arith.constant 96 : index
    %get3A_3184 = tpu.vector_load %arg6[%get3A_3181, %get3A_3182, %get3A_3183] {strides = array<i32>} : memref<32x8x128xf32, #tpu.memory_space<vmem>>, vector<1x1x16xf32>,
    %get3A_3185 = vector.shape_cast %get3A_3184 : vector<1x1x16xf32> to vector<16xf32>
    %swap3A_3186 = arith.constant 22 : i32
    %swap3A_3187 = arith.index_cast %swap3A_3186 : i32 to index
    %swap3A_3188 = arith.constant 96 : index
    %swap3A_3189 = tpu.vector_load %arg7[%swap3A_3187, %swap3A_3188] {strides = array<i32>} : memref<32x128xf32, #tpu.memory_space<vmem>>, vector<1x16xf32>,
    %swap3A_3190 = vector.shape_cast %swap3A_3189 : vector<1x16xf32> to vector<16xf32>
    %swap3A_3191 = vector.shape_cast %get3A_3185 : vector<16xf32> to vector<1x16xf32>
    tpu.vector_store %arg7[%swap3A_3187, %swap3A_3188], %swap3A_3191 {strides = array<i32>} : memref<32x128xf32, #tpu.memory_space<vmem>>, vector<1x16xf32>,
    %get3A_3192 = arith.constant 22 : i32
    %get3A_3193 = arith.index_cast %get3A_3192 : i32 to index
    %get3A_3194 = arith.index_cast %and3A_454 : i32 to index
    %get3A_3195 = arith.constant 112 : index
    %get3A_3196 = tpu.vector_load %arg6[%get3A_3193, %get3A_3194, %get3A_3195] {strides = array<i32>} : memref<32x8x128xf32, #tpu.memory_space<vmem>>, vector<1x1x16xf32>,
    %get3A_3197 = vector.shape_cast %get3A_3196 : vector<1x1x16xf32> to vector<16xf32>
    %swap3A_3198 = arith.constant 22 : i32
    %swap3A_3199 = arith.index_cast %swap3A_3198 : i32 to index
    %swap3A_3200 = arith.constant 112 : index
    %swap3A_3201 = tpu.vector_load %arg7[%swap3A_3199, %swap3A_3200] {strides = array<i32>} : memref<32x128xf32, #tpu.memory_space<vmem>>, vector<1x16xf32>,
    %swap3A_3202 = vector.shape_cast %swap3A_3201 : vector<1x16xf32> to vector<16xf32>
    %swap3A_3203 = vector.shape_cast %get3A_3197 : vector<16xf32> to vector<1x16xf32>
    tpu.vector_store %arg7[%swap3A_3199, %swap3A_3200], %swap3A_3203 {strides = array<i32>} : memref<32x128xf32, #tpu.memory_space<vmem>>, vector<1x16xf32>,
    %get3A_3204 = arith.constant 23 : i32
    %get3A_3205 = arith.index_cast %get3A_3204 : i32 to index
    %get3A_3206 = arith.index_cast %and3A_474 : i32 to index
    %get3A_3207 = arith.constant 0 : index
    %get3A_3208 = tpu.vector_load %arg6[%get3A_3205, %get3A_3206, %get3A_3207] {strides = array<i32>} : memref<32x8x128xf32, #tpu.memory_space<vmem>>, vector<1x1x16xf32>,
    %get3A_3209 = vector.shape_cast %get3A_3208 : vector<1x1x16xf32> to vector<16xf32>
    %swap3A_3210 = arith.constant 23 : i32
    %swap3A_3211 = arith.index_cast %swap3A_3210 : i32 to index
    %swap3A_3212 = arith.constant 0 : index
    %swap3A_3213 = tpu.vector_load %arg7[%swap3A_3211, %swap3A_3212] {strides = array<i32>} : memref<32x128xf32, #tpu.memory_space<vmem>>, vector<1x16xf32>,
    %swap3A_3214 = vector.shape_cast %swap3A_3213 : vector<1x16xf32> to vector<16xf32>
    %swap3A_3215 = vector.shape_cast %get3A_3209 : vector<16xf32> to vector<1x16xf32>
    tpu.vector_store %arg7[%swap3A_3211, %swap3A_3212], %swap3A_3215 {strides = array<i32>} : memref<32x128xf32, #tpu.memory_space<vmem>>, vector<1x16xf32>,
    %get3A_3216 = arith.constant 23 : i32
    %get3A_3217 = arith.index_cast %get3A_3216 : i32 to index
    %get3A_3218 = arith.index_cast %and3A_474 : i32 to index
    %get3A_3219 = arith.constant 16 : index
    %get3A_3220 = tpu.vector_load %arg6[%get3A_3217, %get3A_3218, %get3A_3219] {strides = array<i32>} : memref<32x8x128xf32, #tpu.memory_space<vmem>>, vector<1x1x16xf32>,
    %get3A_3221 = vector.shape_cast %get3A_3220 : vector<1x1x16xf32> to vector<16xf32>
    %swap3A_3222 = arith.constant 23 : i32
    %swap3A_3223 = arith.index_cast %swap3A_3222 : i32 to index
    %swap3A_3224 = arith.constant 16 : index
    %swap3A_3225 = tpu.vector_load %arg7[%swap3A_3223, %swap3A_3224] {strides = array<i32>} : memref<32x128xf32, #tpu.memory_space<vmem>>, vector<1x16xf32>,
    %swap3A_3226 = vector.shape_cast %swap3A_3225 : vector<1x16xf32> to vector<16xf32>
    %swap3A_3227 = vector.shape_cast %get3A_3221 : vector<16xf32> to vector<1x16xf32>
    tpu.vector_store %arg7[%swap3A_3223, %swap3A_3224], %swap3A_3227 {strides = array<i32>} : memref<32x128xf32, #tpu.memory_space<vmem>>, vector<1x16xf32>,
    %get3A_3228 = arith.constant 23 : i32
    %get3A_3229 = arith.index_cast %get3A_3228 : i32 to index
    %get3A_3230 = arith.index_cast %and3A_474 : i32 to index
    %get3A_3231 = arith.constant 32 : index
    %get3A_3232 = tpu.vector_load %arg6[%get3A_3229, %get3A_3230, %get3A_3231] {strides = array<i32>} : memref<32x8x128xf32, #tpu.memory_space<vmem>>, vector<1x1x16xf32>,
    %get3A_3233 = vector.shape_cast %get3A_3232 : vector<1x1x16xf32> to vector<16xf32>
    %swap3A_3234 = arith.constant 23 : i32
    %swap3A_3235 = arith.index_cast %swap3A_3234 : i32 to index
    %swap3A_3236 = arith.constant 32 : index
    %swap3A_3237 = tpu.vector_load %arg7[%swap3A_3235, %swap3A_3236] {strides = array<i32>} : memref<32x128xf32, #tpu.memory_space<vmem>>, vector<1x16xf32>,
    %swap3A_3238 = vector.shape_cast %swap3A_3237 : vector<1x16xf32> to vector<16xf32>
    %swap3A_3239 = vector.shape_cast %get3A_3233 : vector<16xf32> to vector<1x16xf32>
    tpu.vector_store %arg7[%swap3A_3235, %swap3A_3236], %swap3A_3239 {strides = array<i32>} : memref<32x128xf32, #tpu.memory_space<vmem>>, vector<1x16xf32>,
    %get3A_3240 = arith.constant 23 : i32
    %get3A_3241 = arith.index_cast %get3A_3240 : i32 to index
    %get3A_3242 = arith.index_cast %and3A_474 : i32 to index
    %get3A_3243 = arith.constant 48 : index
    %get3A_3244 = tpu.vector_load %arg6[%get3A_3241, %get3A_3242, %get3A_3243] {strides = array<i32>} : memref<32x8x128xf32, #tpu.memory_space<vmem>>, vector<1x1x16xf32>,
    %get3A_3245 = vector.shape_cast %get3A_3244 : vector<1x1x16xf32> to vector<16xf32>
    %swap3A_3246 = arith.constant 23 : i32
    %swap3A_3247 = arith.index_cast %swap3A_3246 : i32 to index
    %swap3A_3248 = arith.constant 48 : index
    %swap3A_3249 = tpu.vector_load %arg7[%swap3A_3247, %swap3A_3248] {strides = array<i32>} : memref<32x128xf32, #tpu.memory_space<vmem>>, vector<1x16xf32>,
    %swap3A_3250 = vector.shape_cast %swap3A_3249 : vector<1x16xf32> to vector<16xf32>
    %swap3A_3251 = vector.shape_cast %get3A_3245 : vector<16xf32> to vector<1x16xf32>
    tpu.vector_store %arg7[%swap3A_3247, %swap3A_3248], %swap3A_3251 {strides = array<i32>} : memref<32x128xf32, #tpu.memory_space<vmem>>, vector<1x16xf32>,
    %get3A_3252 = arith.constant 23 : i32
    %get3A_3253 = arith.index_cast %get3A_3252 : i32 to index
    %get3A_3254 = arith.index_cast %and3A_474 : i32 to index
    %get3A_3255 = arith.constant 64 : index
    %get3A_3256 = tpu.vector_load %arg6[%get3A_3253, %get3A_3254, %get3A_3255] {strides = array<i32>} : memref<32x8x128xf32, #tpu.memory_space<vmem>>, vector<1x1x16xf32>,
    %get3A_3257 = vector.shape_cast %get3A_3256 : vector<1x1x16xf32> to vector<16xf32>
    %swap3A_3258 = arith.constant 23 : i32
    %swap3A_3259 = arith.index_cast %swap3A_3258 : i32 to index
    %swap3A_3260 = arith.constant 64 : index
    %swap3A_3261 = tpu.vector_load %arg7[%swap3A_3259, %swap3A_3260] {strides = array<i32>} : memref<32x128xf32, #tpu.memory_space<vmem>>, vector<1x16xf32>,
    %swap3A_3262 = vector.shape_cast %swap3A_3261 : vector<1x16xf32> to vector<16xf32>
    %swap3A_3263 = vector.shape_cast %get3A_3257 : vector<16xf32> to vector<1x16xf32>
    tpu.vector_store %arg7[%swap3A_3259, %swap3A_3260], %swap3A_3263 {strides = array<i32>} : memref<32x128xf32, #tpu.memory_space<vmem>>, vector<1x16xf32>,
    %get3A_3264 = arith.constant 23 : i32
    %get3A_3265 = arith.index_cast %get3A_3264 : i32 to index
    %get3A_3266 = arith.index_cast %and3A_474 : i32 to index
    %get3A_3267 = arith.constant 80 : index
    %get3A_3268 = tpu.vector_load %arg6[%get3A_3265, %get3A_3266, %get3A_3267] {strides = array<i32>} : memref<32x8x128xf32, #tpu.memory_space<vmem>>, vector<1x1x16xf32>,
    %get3A_3269 = vector.shape_cast %get3A_3268 : vector<1x1x16xf32> to vector<16xf32>
    %swap3A_3270 = arith.constant 23 : i32
    %swap3A_3271 = arith.index_cast %swap3A_3270 : i32 to index
    %swap3A_3272 = arith.constant 80 : index
    %swap3A_3273 = tpu.vector_load %arg7[%swap3A_3271, %swap3A_3272] {strides = array<i32>} : memref<32x128xf32, #tpu.memory_space<vmem>>, vector<1x16xf32>,
    %swap3A_3274 = vector.shape_cast %swap3A_3273 : vector<1x16xf32> to vector<16xf32>
    %swap3A_3275 = vector.shape_cast %get3A_3269 : vector<16xf32> to vector<1x16xf32>
    tpu.vector_store %arg7[%swap3A_3271, %swap3A_3272], %swap3A_3275 {strides = array<i32>} : memref<32x128xf32, #tpu.memory_space<vmem>>, vector<1x16xf32>,
    %get3A_3276 = arith.constant 23 : i32
    %get3A_3277 = arith.index_cast %get3A_3276 : i32 to index
    %get3A_3278 = arith.index_cast %and3A_474 : i32 to index
    %get3A_3279 = arith.constant 96 : index
    %get3A_3280 = tpu.vector_load %arg6[%get3A_3277, %get3A_3278, %get3A_3279] {strides = array<i32>} : memref<32x8x128xf32, #tpu.memory_space<vmem>>, vector<1x1x16xf32>,
    %get3A_3281 = vector.shape_cast %get3A_3280 : vector<1x1x16xf32> to vector<16xf32>
    %swap3A_3282 = arith.constant 23 : i32
    %swap3A_3283 = arith.index_cast %swap3A_3282 : i32 to index
    %swap3A_3284 = arith.constant 96 : index
    %swap3A_3285 = tpu.vector_load %arg7[%swap3A_3283, %swap3A_3284] {strides = array<i32>} : memref<32x128xf32, #tpu.memory_space<vmem>>, vector<1x16xf32>,
    %swap3A_3286 = vector.shape_cast %swap3A_3285 : vector<1x16xf32> to vector<16xf32>
    %swap3A_3287 = vector.shape_cast %get3A_3281 : vector<16xf32> to vector<1x16xf32>
    tpu.vector_store %arg7[%swap3A_3283, %swap3A_3284], %swap3A_3287 {strides = array<i32>} : memref<32x128xf32, #tpu.memory_space<vmem>>, vector<1x16xf32>,
    %get3A_3288 = arith.constant 23 : i32
    %get3A_3289 = arith.index_cast %get3A_3288 : i32 to index
    %get3A_3290 = arith.index_cast %and3A_474 : i32 to index
    %get3A_3291 = arith.constant 112 : index
    %get3A_3292 = tpu.vector_load %arg6[%get3A_3289, %get3A_3290, %get3A_3291] {strides = array<i32>} : memref<32x8x128xf32, #tpu.memory_space<vmem>>, vector<1x1x16xf32>,
    %get3A_3293 = vector.shape_cast %get3A_3292 : vector<1x1x16xf32> to vector<16xf32>
    %swap3A_3294 = arith.constant 23 : i32
    %swap3A_3295 = arith.index_cast %swap3A_3294 : i32 to index
    %swap3A_3296 = arith.constant 112 : index
    %swap3A_3297 = tpu.vector_load %arg7[%swap3A_3295, %swap3A_3296] {strides = array<i32>} : memref<32x128xf32, #tpu.memory_space<vmem>>, vector<1x16xf32>,
    %swap3A_3298 = vector.shape_cast %swap3A_3297 : vector<1x16xf32> to vector<16xf32>
    %swap3A_3299 = vector.shape_cast %get3A_3293 : vector<16xf32> to vector<1x16xf32>
    tpu.vector_store %arg7[%swap3A_3295, %swap3A_3296], %swap3A_3299 {strides = array<i32>} : memref<32x128xf32, #tpu.memory_space<vmem>>, vector<1x16xf32>,
    %get3A_3300 = arith.constant 24 : i32
    %get3A_3301 = arith.index_cast %get3A_3300 : i32 to index
    %get3A_3302 = arith.index_cast %and3A_494 : i32 to index
    %get3A_3303 = arith.constant 0 : index
    %get3A_3304 = tpu.vector_load %arg6[%get3A_3301, %get3A_3302, %get3A_3303] {strides = array<i32>} : memref<32x8x128xf32, #tpu.memory_space<vmem>>, vector<1x1x16xf32>,
    %get3A_3305 = vector.shape_cast %get3A_3304 : vector<1x1x16xf32> to vector<16xf32>
    %swap3A_3306 = arith.constant 24 : i32
    %swap3A_3307 = arith.index_cast %swap3A_3306 : i32 to index
    %swap3A_3308 = arith.constant 0 : index
    %swap3A_3309 = tpu.vector_load %arg7[%swap3A_3307, %swap3A_3308] {strides = array<i32>} : memref<32x128xf32, #tpu.memory_space<vmem>>, vector<1x16xf32>,
    %swap3A_3310 = vector.shape_cast %swap3A_3309 : vector<1x16xf32> to vector<16xf32>
    %swap3A_3311 = vector.shape_cast %get3A_3305 : vector<16xf32> to vector<1x16xf32>
    tpu.vector_store %arg7[%swap3A_3307, %swap3A_3308], %swap3A_3311 {strides = array<i32>} : memref<32x128xf32, #tpu.memory_space<vmem>>, vector<1x16xf32>,
    %get3A_3312 = arith.constant 24 : i32
    %get3A_3313 = arith.index_cast %get3A_3312 : i32 to index
    %get3A_3314 = arith.index_cast %and3A_494 : i32 to index
    %get3A_3315 = arith.constant 16 : index
    %get3A_3316 = tpu.vector_load %arg6[%get3A_3313, %get3A_3314, %get3A_3315] {strides = array<i32>} : memref<32x8x128xf32, #tpu.memory_space<vmem>>, vector<1x1x16xf32>,
    %get3A_3317 = vector.shape_cast %get3A_3316 : vector<1x1x16xf32> to vector<16xf32>
    %swap3A_3318 = arith.constant 24 : i32
    %swap3A_3319 = arith.index_cast %swap3A_3318 : i32 to index
    %swap3A_3320 = arith.constant 16 : index
    %swap3A_3321 = tpu.vector_load %arg7[%swap3A_3319, %swap3A_3320] {strides = array<i32>} : memref<32x128xf32, #tpu.memory_space<vmem>>, vector<1x16xf32>,
    %swap3A_3322 = vector.shape_cast %swap3A_3321 : vector<1x16xf32> to vector<16xf32>
    %swap3A_3323 = vector.shape_cast %get3A_3317 : vector<16xf32> to vector<1x16xf32>
    tpu.vector_store %arg7[%swap3A_3319, %swap3A_3320], %swap3A_3323 {strides = array<i32>} : memref<32x128xf32, #tpu.memory_space<vmem>>, vector<1x16xf32>,
    %get3A_3324 = arith.constant 24 : i32
    %get3A_3325 = arith.index_cast %get3A_3324 : i32 to index
    %get3A_3326 = arith.index_cast %and3A_494 : i32 to index
    %get3A_3327 = arith.constant 32 : index
    %get3A_3328 = tpu.vector_load %arg6[%get3A_3325, %get3A_3326, %get3A_3327] {strides = array<i32>} : memref<32x8x128xf32, #tpu.memory_space<vmem>>, vector<1x1x16xf32>,
    %get3A_3329 = vector.shape_cast %get3A_3328 : vector<1x1x16xf32> to vector<16xf32>
    %swap3A_3330 = arith.constant 24 : i32
    %swap3A_3331 = arith.index_cast %swap3A_3330 : i32 to index
    %swap3A_3332 = arith.constant 32 : index
    %swap3A_3333 = tpu.vector_load %arg7[%swap3A_3331, %swap3A_3332] {strides = array<i32>} : memref<32x128xf32, #tpu.memory_space<vmem>>, vector<1x16xf32>,
    %swap3A_3334 = vector.shape_cast %swap3A_3333 : vector<1x16xf32> to vector<16xf32>
    %swap3A_3335 = vector.shape_cast %get3A_3329 : vector<16xf32> to vector<1x16xf32>
    tpu.vector_store %arg7[%swap3A_3331, %swap3A_3332], %swap3A_3335 {strides = array<i32>} : memref<32x128xf32, #tpu.memory_space<vmem>>, vector<1x16xf32>,
    %get3A_3336 = arith.constant 24 : i32
    %get3A_3337 = arith.index_cast %get3A_3336 : i32 to index
    %get3A_3338 = arith.index_cast %and3A_494 : i32 to index
    %get3A_3339 = arith.constant 48 : index
    %get3A_3340 = tpu.vector_load %arg6[%get3A_3337, %get3A_3338, %get3A_3339] {strides = array<i32>} : memref<32x8x128xf32, #tpu.memory_space<vmem>>, vector<1x1x16xf32>,
    %get3A_3341 = vector.shape_cast %get3A_3340 : vector<1x1x16xf32> to vector<16xf32>
    %swap3A_3342 = arith.constant 24 : i32
    %swap3A_3343 = arith.index_cast %swap3A_3342 : i32 to index
    %swap3A_3344 = arith.constant 48 : index
    %swap3A_3345 = tpu.vector_load %arg7[%swap3A_3343, %swap3A_3344] {strides = array<i32>} : memref<32x128xf32, #tpu.memory_space<vmem>>, vector<1x16xf32>,
    %swap3A_3346 = vector.shape_cast %swap3A_3345 : vector<1x16xf32> to vector<16xf32>
    %swap3A_3347 = vector.shape_cast %get3A_3341 : vector<16xf32> to vector<1x16xf32>
    tpu.vector_store %arg7[%swap3A_3343, %swap3A_3344], %swap3A_3347 {strides = array<i32>} : memref<32x128xf32, #tpu.memory_space<vmem>>, vector<1x16xf32>,
    %get3A_3348 = arith.constant 24 : i32
    %get3A_3349 = arith.index_cast %get3A_3348 : i32 to index
    %get3A_3350 = arith.index_cast %and3A_494 : i32 to index
    %get3A_3351 = arith.constant 64 : index
    %get3A_3352 = tpu.vector_load %arg6[%get3A_3349, %get3A_3350, %get3A_3351] {strides = array<i32>} : memref<32x8x128xf32, #tpu.memory_space<vmem>>, vector<1x1x16xf32>,
    %get3A_3353 = vector.shape_cast %get3A_3352 : vector<1x1x16xf32> to vector<16xf32>
    %swap3A_3354 = arith.constant 24 : i32
    %swap3A_3355 = arith.index_cast %swap3A_3354 : i32 to index
    %swap3A_3356 = arith.constant 64 : index
    %swap3A_3357 = tpu.vector_load %arg7[%swap3A_3355, %swap3A_3356] {strides = array<i32>} : memref<32x128xf32, #tpu.memory_space<vmem>>, vector<1x16xf32>,
    %swap3A_3358 = vector.shape_cast %swap3A_3357 : vector<1x16xf32> to vector<16xf32>
    %swap3A_3359 = vector.shape_cast %get3A_3353 : vector<16xf32> to vector<1x16xf32>
    tpu.vector_store %arg7[%swap3A_3355, %swap3A_3356], %swap3A_3359 {strides = array<i32>} : memref<32x128xf32, #tpu.memory_space<vmem>>, vector<1x16xf32>,
    %get3A_3360 = arith.constant 24 : i32
    %get3A_3361 = arith.index_cast %get3A_3360 : i32 to index
    %get3A_3362 = arith.index_cast %and3A_494 : i32 to index
    %get3A_3363 = arith.constant 80 : index
    %get3A_3364 = tpu.vector_load %arg6[%get3A_3361, %get3A_3362, %get3A_3363] {strides = array<i32>} : memref<32x8x128xf32, #tpu.memory_space<vmem>>, vector<1x1x16xf32>,
    %get3A_3365 = vector.shape_cast %get3A_3364 : vector<1x1x16xf32> to vector<16xf32>
    %swap3A_3366 = arith.constant 24 : i32
    %swap3A_3367 = arith.index_cast %swap3A_3366 : i32 to index
    %swap3A_3368 = arith.constant 80 : index
    %swap3A_3369 = tpu.vector_load %arg7[%swap3A_3367, %swap3A_3368] {strides = array<i32>} : memref<32x128xf32, #tpu.memory_space<vmem>>, vector<1x16xf32>,
    %swap3A_3370 = vector.shape_cast %swap3A_3369 : vector<1x16xf32> to vector<16xf32>
    %swap3A_3371 = vector.shape_cast %get3A_3365 : vector<16xf32> to vector<1x16xf32>
    tpu.vector_store %arg7[%swap3A_3367, %swap3A_3368], %swap3A_3371 {strides = array<i32>} : memref<32x128xf32, #tpu.memory_space<vmem>>, vector<1x16xf32>,
    %get3A_3372 = arith.constant 24 : i32
    %get3A_3373 = arith.index_cast %get3A_3372 : i32 to index
    %get3A_3374 = arith.index_cast %and3A_494 : i32 to index
    %get3A_3375 = arith.constant 96 : index
    %get3A_3376 = tpu.vector_load %arg6[%get3A_3373, %get3A_3374, %get3A_3375] {strides = array<i32>} : memref<32x8x128xf32, #tpu.memory_space<vmem>>, vector<1x1x16xf32>,
    %get3A_3377 = vector.shape_cast %get3A_3376 : vector<1x1x16xf32> to vector<16xf32>
    %swap3A_3378 = arith.constant 24 : i32
    %swap3A_3379 = arith.index_cast %swap3A_3378 : i32 to index
    %swap3A_3380 = arith.constant 96 : index
    %swap3A_3381 = tpu.vector_load %arg7[%swap3A_3379, %swap3A_3380] {strides = array<i32>} : memref<32x128xf32, #tpu.memory_space<vmem>>, vector<1x16xf32>,
    %swap3A_3382 = vector.shape_cast %swap3A_3381 : vector<1x16xf32> to vector<16xf32>
    %swap3A_3383 = vector.shape_cast %get3A_3377 : vector<16xf32> to vector<1x16xf32>
    tpu.vector_store %arg7[%swap3A_3379, %swap3A_3380], %swap3A_3383 {strides = array<i32>} : memref<32x128xf32, #tpu.memory_space<vmem>>, vector<1x16xf32>,
    %get3A_3384 = arith.constant 24 : i32
    %get3A_3385 = arith.index_cast %get3A_3384 : i32 to index
    %get3A_3386 = arith.index_cast %and3A_494 : i32 to index
    %get3A_3387 = arith.constant 112 : index
    %get3A_3388 = tpu.vector_load %arg6[%get3A_3385, %get3A_3386, %get3A_3387] {strides = array<i32>} : memref<32x8x128xf32, #tpu.memory_space<vmem>>, vector<1x1x16xf32>,
    %get3A_3389 = vector.shape_cast %get3A_3388 : vector<1x1x16xf32> to vector<16xf32>
    %swap3A_3390 = arith.constant 24 : i32
    %swap3A_3391 = arith.index_cast %swap3A_3390 : i32 to index
    %swap3A_3392 = arith.constant 112 : index
    %swap3A_3393 = tpu.vector_load %arg7[%swap3A_3391, %swap3A_3392] {strides = array<i32>} : memref<32x128xf32, #tpu.memory_space<vmem>>, vector<1x16xf32>,
    %swap3A_3394 = vector.shape_cast %swap3A_3393 : vector<1x16xf32> to vector<16xf32>
    %swap3A_3395 = vector.shape_cast %get3A_3389 : vector<16xf32> to vector<1x16xf32>
    tpu.vector_store %arg7[%swap3A_3391, %swap3A_3392], %swap3A_3395 {strides = array<i32>} : memref<32x128xf32, #tpu.memory_space<vmem>>, vector<1x16xf32>,
    %get3A_3396 = arith.constant 25 : i32
    %get3A_3397 = arith.index_cast %get3A_3396 : i32 to index
    %get3A_3398 = arith.index_cast %and3A_514 : i32 to index
    %get3A_3399 = arith.constant 0 : index
    %get3A_3400 = tpu.vector_load %arg6[%get3A_3397, %get3A_3398, %get3A_3399] {strides = array<i32>} : memref<32x8x128xf32, #tpu.memory_space<vmem>>, vector<1x1x16xf32>,
    %get3A_3401 = vector.shape_cast %get3A_3400 : vector<1x1x16xf32> to vector<16xf32>
    %swap3A_3402 = arith.constant 25 : i32
    %swap3A_3403 = arith.index_cast %swap3A_3402 : i32 to index
    %swap3A_3404 = arith.constant 0 : index
    %swap3A_3405 = tpu.vector_load %arg7[%swap3A_3403, %swap3A_3404] {strides = array<i32>} : memref<32x128xf32, #tpu.memory_space<vmem>>, vector<1x16xf32>,
    %swap3A_3406 = vector.shape_cast %swap3A_3405 : vector<1x16xf32> to vector<16xf32>
    %swap3A_3407 = vector.shape_cast %get3A_3401 : vector<16xf32> to vector<1x16xf32>
    tpu.vector_store %arg7[%swap3A_3403, %swap3A_3404], %swap3A_3407 {strides = array<i32>} : memref<32x128xf32, #tpu.memory_space<vmem>>, vector<1x16xf32>,
    %get3A_3408 = arith.constant 25 : i32
    %get3A_3409 = arith.index_cast %get3A_3408 : i32 to index
    %get3A_3410 = arith.index_cast %and3A_514 : i32 to index
    %get3A_3411 = arith.constant 16 : index
    %get3A_3412 = tpu.vector_load %arg6[%get3A_3409, %get3A_3410, %get3A_3411] {strides = array<i32>} : memref<32x8x128xf32, #tpu.memory_space<vmem>>, vector<1x1x16xf32>,
    %get3A_3413 = vector.shape_cast %get3A_3412 : vector<1x1x16xf32> to vector<16xf32>
    %swap3A_3414 = arith.constant 25 : i32
    %swap3A_3415 = arith.index_cast %swap3A_3414 : i32 to index
    %swap3A_3416 = arith.constant 16 : index
    %swap3A_3417 = tpu.vector_load %arg7[%swap3A_3415, %swap3A_3416] {strides = array<i32>} : memref<32x128xf32, #tpu.memory_space<vmem>>, vector<1x16xf32>,
    %swap3A_3418 = vector.shape_cast %swap3A_3417 : vector<1x16xf32> to vector<16xf32>
    %swap3A_3419 = vector.shape_cast %get3A_3413 : vector<16xf32> to vector<1x16xf32>
    tpu.vector_store %arg7[%swap3A_3415, %swap3A_3416], %swap3A_3419 {strides = array<i32>} : memref<32x128xf32, #tpu.memory_space<vmem>>, vector<1x16xf32>,
    %get3A_3420 = arith.constant 25 : i32
    %get3A_3421 = arith.index_cast %get3A_3420 : i32 to index
    %get3A_3422 = arith.index_cast %and3A_514 : i32 to index
    %get3A_3423 = arith.constant 32 : index
    %get3A_3424 = tpu.vector_load %arg6[%get3A_3421, %get3A_3422, %get3A_3423] {strides = array<i32>} : memref<32x8x128xf32, #tpu.memory_space<vmem>>, vector<1x1x16xf32>,
    %get3A_3425 = vector.shape_cast %get3A_3424 : vector<1x1x16xf32> to vector<16xf32>
    %swap3A_3426 = arith.constant 25 : i32
    %swap3A_3427 = arith.index_cast %swap3A_3426 : i32 to index
    %swap3A_3428 = arith.constant 32 : index
    %swap3A_3429 = tpu.vector_load %arg7[%swap3A_3427, %swap3A_3428] {strides = array<i32>} : memref<32x128xf32, #tpu.memory_space<vmem>>, vector<1x16xf32>,
    %swap3A_3430 = vector.shape_cast %swap3A_3429 : vector<1x16xf32> to vector<16xf32>
    %swap3A_3431 = vector.shape_cast %get3A_3425 : vector<16xf32> to vector<1x16xf32>
    tpu.vector_store %arg7[%swap3A_3427, %swap3A_3428], %swap3A_3431 {strides = array<i32>} : memref<32x128xf32, #tpu.memory_space<vmem>>, vector<1x16xf32>,
    %get3A_3432 = arith.constant 25 : i32
    %get3A_3433 = arith.index_cast %get3A_3432 : i32 to index
    %get3A_3434 = arith.index_cast %and3A_514 : i32 to index
    %get3A_3435 = arith.constant 48 : index
    %get3A_3436 = tpu.vector_load %arg6[%get3A_3433, %get3A_3434, %get3A_3435] {strides = array<i32>} : memref<32x8x128xf32, #tpu.memory_space<vmem>>, vector<1x1x16xf32>,
    %get3A_3437 = vector.shape_cast %get3A_3436 : vector<1x1x16xf32> to vector<16xf32>
    %swap3A_3438 = arith.constant 25 : i32
    %swap3A_3439 = arith.index_cast %swap3A_3438 : i32 to index
    %swap3A_3440 = arith.constant 48 : index
    %swap3A_3441 = tpu.vector_load %arg7[%swap3A_3439, %swap3A_3440] {strides = array<i32>} : memref<32x128xf32, #tpu.memory_space<vmem>>, vector<1x16xf32>,
    %swap3A_3442 = vector.shape_cast %swap3A_3441 : vector<1x16xf32> to vector<16xf32>
    %swap3A_3443 = vector.shape_cast %get3A_3437 : vector<16xf32> to vector<1x16xf32>
    tpu.vector_store %arg7[%swap3A_3439, %swap3A_3440], %swap3A_3443 {strides = array<i32>} : memref<32x128xf32, #tpu.memory_space<vmem>>, vector<1x16xf32>,
    %get3A_3444 = arith.constant 25 : i32
    %get3A_3445 = arith.index_cast %get3A_3444 : i32 to index
    %get3A_3446 = arith.index_cast %and3A_514 : i32 to index
    %get3A_3447 = arith.constant 64 : index
    %get3A_3448 = tpu.vector_load %arg6[%get3A_3445, %get3A_3446, %get3A_3447] {strides = array<i32>} : memref<32x8x128xf32, #tpu.memory_space<vmem>>, vector<1x1x16xf32>,
    %get3A_3449 = vector.shape_cast %get3A_3448 : vector<1x1x16xf32> to vector<16xf32>
    %swap3A_3450 = arith.constant 25 : i32
    %swap3A_3451 = arith.index_cast %swap3A_3450 : i32 to index
    %swap3A_3452 = arith.constant 64 : index
    %swap3A_3453 = tpu.vector_load %arg7[%swap3A_3451, %swap3A_3452] {strides = array<i32>} : memref<32x128xf32, #tpu.memory_space<vmem>>, vector<1x16xf32>,
    %swap3A_3454 = vector.shape_cast %swap3A_3453 : vector<1x16xf32> to vector<16xf32>
    %swap3A_3455 = vector.shape_cast %get3A_3449 : vector<16xf32> to vector<1x16xf32>
    tpu.vector_store %arg7[%swap3A_3451, %swap3A_3452], %swap3A_3455 {strides = array<i32>} : memref<32x128xf32, #tpu.memory_space<vmem>>, vector<1x16xf32>,
    %get3A_3456 = arith.constant 25 : i32
    %get3A_3457 = arith.index_cast %get3A_3456 : i32 to index
    %get3A_3458 = arith.index_cast %and3A_514 : i32 to index
    %get3A_3459 = arith.constant 80 : index
    %get3A_3460 = tpu.vector_load %arg6[%get3A_3457, %get3A_3458, %get3A_3459] {strides = array<i32>} : memref<32x8x128xf32, #tpu.memory_space<vmem>>, vector<1x1x16xf32>,
    %get3A_3461 = vector.shape_cast %get3A_3460 : vector<1x1x16xf32> to vector<16xf32>
    %swap3A_3462 = arith.constant 25 : i32
    %swap3A_3463 = arith.index_cast %swap3A_3462 : i32 to index
    %swap3A_3464 = arith.constant 80 : index
    %swap3A_3465 = tpu.vector_load %arg7[%swap3A_3463, %swap3A_3464] {strides = array<i32>} : memref<32x128xf32, #tpu.memory_space<vmem>>, vector<1x16xf32>,
    %swap3A_3466 = vector.shape_cast %swap3A_3465 : vector<1x16xf32> to vector<16xf32>
    %swap3A_3467 = vector.shape_cast %get3A_3461 : vector<16xf32> to vector<1x16xf32>
    tpu.vector_store %arg7[%swap3A_3463, %swap3A_3464], %swap3A_3467 {strides = array<i32>} : memref<32x128xf32, #tpu.memory_space<vmem>>, vector<1x16xf32>,
    %get3A_3468 = arith.constant 25 : i32
    %get3A_3469 = arith.index_cast %get3A_3468 : i32 to index
    %get3A_3470 = arith.index_cast %and3A_514 : i32 to index
    %get3A_3471 = arith.constant 96 : index
    %get3A_3472 = tpu.vector_load %arg6[%get3A_3469, %get3A_3470, %get3A_3471] {strides = array<i32>} : memref<32x8x128xf32, #tpu.memory_space<vmem>>, vector<1x1x16xf32>,
    %get3A_3473 = vector.shape_cast %get3A_3472 : vector<1x1x16xf32> to vector<16xf32>
    %swap3A_3474 = arith.constant 25 : i32
    %swap3A_3475 = arith.index_cast %swap3A_3474 : i32 to index
    %swap3A_3476 = arith.constant 96 : index
    %swap3A_3477 = tpu.vector_load %arg7[%swap3A_3475, %swap3A_3476] {strides = array<i32>} : memref<32x128xf32, #tpu.memory_space<vmem>>, vector<1x16xf32>,
    %swap3A_3478 = vector.shape_cast %swap3A_3477 : vector<1x16xf32> to vector<16xf32>
    %swap3A_3479 = vector.shape_cast %get3A_3473 : vector<16xf32> to vector<1x16xf32>
    tpu.vector_store %arg7[%swap3A_3475, %swap3A_3476], %swap3A_3479 {strides = array<i32>} : memref<32x128xf32, #tpu.memory_space<vmem>>, vector<1x16xf32>,
    %get3A_3480 = arith.constant 25 : i32
    %get3A_3481 = arith.index_cast %get3A_3480 : i32 to index
    %get3A_3482 = arith.index_cast %and3A_514 : i32 to index
    %get3A_3483 = arith.constant 112 : index
    %get3A_3484 = tpu.vector_load %arg6[%get3A_3481, %get3A_3482, %get3A_3483] {strides = array<i32>} : memref<32x8x128xf32, #tpu.memory_space<vmem>>, vector<1x1x16xf32>,
    %get3A_3485 = vector.shape_cast %get3A_3484 : vector<1x1x16xf32> to vector<16xf32>
    %swap3A_3486 = arith.constant 25 : i32
    %swap3A_3487 = arith.index_cast %swap3A_3486 : i32 to index
    %swap3A_3488 = arith.constant 112 : index
    %swap3A_3489 = tpu.vector_load %arg7[%swap3A_3487, %swap3A_3488] {strides = array<i32>} : memref<32x128xf32, #tpu.memory_space<vmem>>, vector<1x16xf32>,
    %swap3A_3490 = vector.shape_cast %swap3A_3489 : vector<1x16xf32> to vector<16xf32>
    %swap3A_3491 = vector.shape_cast %get3A_3485 : vector<16xf32> to vector<1x16xf32>
    tpu.vector_store %arg7[%swap3A_3487, %swap3A_3488], %swap3A_3491 {strides = array<i32>} : memref<32x128xf32, #tpu.memory_space<vmem>>, vector<1x16xf32>,
    %get3A_3492 = arith.constant 26 : i32
    %get3A_3493 = arith.index_cast %get3A_3492 : i32 to index
    %get3A_3494 = arith.index_cast %and3A_534 : i32 to index
    %get3A_3495 = arith.constant 0 : index
    %get3A_3496 = tpu.vector_load %arg6[%get3A_3493, %get3A_3494, %get3A_3495] {strides = array<i32>} : memref<32x8x128xf32, #tpu.memory_space<vmem>>, vector<1x1x16xf32>,
    %get3A_3497 = vector.shape_cast %get3A_3496 : vector<1x1x16xf32> to vector<16xf32>
    %swap3A_3498 = arith.constant 26 : i32
    %swap3A_3499 = arith.index_cast %swap3A_3498 : i32 to index
    %swap3A_3500 = arith.constant 0 : index
    %swap3A_3501 = tpu.vector_load %arg7[%swap3A_3499, %swap3A_3500] {strides = array<i32>} : memref<32x128xf32, #tpu.memory_space<vmem>>, vector<1x16xf32>,
    %swap3A_3502 = vector.shape_cast %swap3A_3501 : vector<1x16xf32> to vector<16xf32>
    %swap3A_3503 = vector.shape_cast %get3A_3497 : vector<16xf32> to vector<1x16xf32>
    tpu.vector_store %arg7[%swap3A_3499, %swap3A_3500], %swap3A_3503 {strides = array<i32>} : memref<32x128xf32, #tpu.memory_space<vmem>>, vector<1x16xf32>,
    %get3A_3504 = arith.constant 26 : i32
    %get3A_3505 = arith.index_cast %get3A_3504 : i32 to index
    %get3A_3506 = arith.index_cast %and3A_534 : i32 to index
    %get3A_3507 = arith.constant 16 : index
    %get3A_3508 = tpu.vector_load %arg6[%get3A_3505, %get3A_3506, %get3A_3507] {strides = array<i32>} : memref<32x8x128xf32, #tpu.memory_space<vmem>>, vector<1x1x16xf32>,
    %get3A_3509 = vector.shape_cast %get3A_3508 : vector<1x1x16xf32> to vector<16xf32>
    %swap3A_3510 = arith.constant 26 : i32
    %swap3A_3511 = arith.index_cast %swap3A_3510 : i32 to index
    %swap3A_3512 = arith.constant 16 : index
    %swap3A_3513 = tpu.vector_load %arg7[%swap3A_3511, %swap3A_3512] {strides = array<i32>} : memref<32x128xf32, #tpu.memory_space<vmem>>, vector<1x16xf32>,
    %swap3A_3514 = vector.shape_cast %swap3A_3513 : vector<1x16xf32> to vector<16xf32>
    %swap3A_3515 = vector.shape_cast %get3A_3509 : vector<16xf32> to vector<1x16xf32>
    tpu.vector_store %arg7[%swap3A_3511, %swap3A_3512], %swap3A_3515 {strides = array<i32>} : memref<32x128xf32, #tpu.memory_space<vmem>>, vector<1x16xf32>,
    %get3A_3516 = arith.constant 26 : i32
    %get3A_3517 = arith.index_cast %get3A_3516 : i32 to index
    %get3A_3518 = arith.index_cast %and3A_534 : i32 to index
    %get3A_3519 = arith.constant 32 : index
    %get3A_3520 = tpu.vector_load %arg6[%get3A_3517, %get3A_3518, %get3A_3519] {strides = array<i32>} : memref<32x8x128xf32, #tpu.memory_space<vmem>>, vector<1x1x16xf32>,
    %get3A_3521 = vector.shape_cast %get3A_3520 : vector<1x1x16xf32> to vector<16xf32>
    %swap3A_3522 = arith.constant 26 : i32
    %swap3A_3523 = arith.index_cast %swap3A_3522 : i32 to index
    %swap3A_3524 = arith.constant 32 : index
    %swap3A_3525 = tpu.vector_load %arg7[%swap3A_3523, %swap3A_3524] {strides = array<i32>} : memref<32x128xf32, #tpu.memory_space<vmem>>, vector<1x16xf32>,
    %swap3A_3526 = vector.shape_cast %swap3A_3525 : vector<1x16xf32> to vector<16xf32>
    %swap3A_3527 = vector.shape_cast %get3A_3521 : vector<16xf32> to vector<1x16xf32>
    tpu.vector_store %arg7[%swap3A_3523, %swap3A_3524], %swap3A_3527 {strides = array<i32>} : memref<32x128xf32, #tpu.memory_space<vmem>>, vector<1x16xf32>,
    %get3A_3528 = arith.constant 26 : i32
    %get3A_3529 = arith.index_cast %get3A_3528 : i32 to index
    %get3A_3530 = arith.index_cast %and3A_534 : i32 to index
    %get3A_3531 = arith.constant 48 : index
    %get3A_3532 = tpu.vector_load %arg6[%get3A_3529, %get3A_3530, %get3A_3531] {strides = array<i32>} : memref<32x8x128xf32, #tpu.memory_space<vmem>>, vector<1x1x16xf32>,
    %get3A_3533 = vector.shape_cast %get3A_3532 : vector<1x1x16xf32> to vector<16xf32>
    %swap3A_3534 = arith.constant 26 : i32
    %swap3A_3535 = arith.index_cast %swap3A_3534 : i32 to index
    %swap3A_3536 = arith.constant 48 : index
    %swap3A_3537 = tpu.vector_load %arg7[%swap3A_3535, %swap3A_3536] {strides = array<i32>} : memref<32x128xf32, #tpu.memory_space<vmem>>, vector<1x16xf32>,
    %swap3A_3538 = vector.shape_cast %swap3A_3537 : vector<1x16xf32> to vector<16xf32>
    %swap3A_3539 = vector.shape_cast %get3A_3533 : vector<16xf32> to vector<1x16xf32>
    tpu.vector_store %arg7[%swap3A_3535, %swap3A_3536], %swap3A_3539 {strides = array<i32>} : memref<32x128xf32, #tpu.memory_space<vmem>>, vector<1x16xf32>,
    %get3A_3540 = arith.constant 26 : i32
    %get3A_3541 = arith.index_cast %get3A_3540 : i32 to index
    %get3A_3542 = arith.index_cast %and3A_534 : i32 to index
    %get3A_3543 = arith.constant 64 : index
    %get3A_3544 = tpu.vector_load %arg6[%get3A_3541, %get3A_3542, %get3A_3543] {strides = array<i32>} : memref<32x8x128xf32, #tpu.memory_space<vmem>>, vector<1x1x16xf32>,
    %get3A_3545 = vector.shape_cast %get3A_3544 : vector<1x1x16xf32> to vector<16xf32>
    %swap3A_3546 = arith.constant 26 : i32
    %swap3A_3547 = arith.index_cast %swap3A_3546 : i32 to index
    %swap3A_3548 = arith.constant 64 : index
    %swap3A_3549 = tpu.vector_load %arg7[%swap3A_3547, %swap3A_3548] {strides = array<i32>} : memref<32x128xf32, #tpu.memory_space<vmem>>, vector<1x16xf32>,
    %swap3A_3550 = vector.shape_cast %swap3A_3549 : vector<1x16xf32> to vector<16xf32>
    %swap3A_3551 = vector.shape_cast %get3A_3545 : vector<16xf32> to vector<1x16xf32>
    tpu.vector_store %arg7[%swap3A_3547, %swap3A_3548], %swap3A_3551 {strides = array<i32>} : memref<32x128xf32, #tpu.memory_space<vmem>>, vector<1x16xf32>,
    %get3A_3552 = arith.constant 26 : i32
    %get3A_3553 = arith.index_cast %get3A_3552 : i32 to index
    %get3A_3554 = arith.index_cast %and3A_534 : i32 to index
    %get3A_3555 = arith.constant 80 : index
    %get3A_3556 = tpu.vector_load %arg6[%get3A_3553, %get3A_3554, %get3A_3555] {strides = array<i32>} : memref<32x8x128xf32, #tpu.memory_space<vmem>>, vector<1x1x16xf32>,
    %get3A_3557 = vector.shape_cast %get3A_3556 : vector<1x1x16xf32> to vector<16xf32>
    %swap3A_3558 = arith.constant 26 : i32
    %swap3A_3559 = arith.index_cast %swap3A_3558 : i32 to index
    %swap3A_3560 = arith.constant 80 : index
    %swap3A_3561 = tpu.vector_load %arg7[%swap3A_3559, %swap3A_3560] {strides = array<i32>} : memref<32x128xf32, #tpu.memory_space<vmem>>, vector<1x16xf32>,
    %swap3A_3562 = vector.shape_cast %swap3A_3561 : vector<1x16xf32> to vector<16xf32>
    %swap3A_3563 = vector.shape_cast %get3A_3557 : vector<16xf32> to vector<1x16xf32>
    tpu.vector_store %arg7[%swap3A_3559, %swap3A_3560], %swap3A_3563 {strides = array<i32>} : memref<32x128xf32, #tpu.memory_space<vmem>>, vector<1x16xf32>,
    %get3A_3564 = arith.constant 26 : i32
    %get3A_3565 = arith.index_cast %get3A_3564 : i32 to index
    %get3A_3566 = arith.index_cast %and3A_534 : i32 to index
    %get3A_3567 = arith.constant 96 : index
    %get3A_3568 = tpu.vector_load %arg6[%get3A_3565, %get3A_3566, %get3A_3567] {strides = array<i32>} : memref<32x8x128xf32, #tpu.memory_space<vmem>>, vector<1x1x16xf32>,
    %get3A_3569 = vector.shape_cast %get3A_3568 : vector<1x1x16xf32> to vector<16xf32>
    %swap3A_3570 = arith.constant 26 : i32
    %swap3A_3571 = arith.index_cast %swap3A_3570 : i32 to index
    %swap3A_3572 = arith.constant 96 : index
    %swap3A_3573 = tpu.vector_load %arg7[%swap3A_3571, %swap3A_3572] {strides = array<i32>} : memref<32x128xf32, #tpu.memory_space<vmem>>, vector<1x16xf32>,
    %swap3A_3574 = vector.shape_cast %swap3A_3573 : vector<1x16xf32> to vector<16xf32>
    %swap3A_3575 = vector.shape_cast %get3A_3569 : vector<16xf32> to vector<1x16xf32>
    tpu.vector_store %arg7[%swap3A_3571, %swap3A_3572], %swap3A_3575 {strides = array<i32>} : memref<32x128xf32, #tpu.memory_space<vmem>>, vector<1x16xf32>,
    %get3A_3576 = arith.constant 26 : i32
    %get3A_3577 = arith.index_cast %get3A_3576 : i32 to index
    %get3A_3578 = arith.index_cast %and3A_534 : i32 to index
    %get3A_3579 = arith.constant 112 : index
    %get3A_3580 = tpu.vector_load %arg6[%get3A_3577, %get3A_3578, %get3A_3579] {strides = array<i32>} : memref<32x8x128xf32, #tpu.memory_space<vmem>>, vector<1x1x16xf32>,
    %get3A_3581 = vector.shape_cast %get3A_3580 : vector<1x1x16xf32> to vector<16xf32>
    %swap3A_3582 = arith.constant 26 : i32
    %swap3A_3583 = arith.index_cast %swap3A_3582 : i32 to index
    %swap3A_3584 = arith.constant 112 : index
    %swap3A_3585 = tpu.vector_load %arg7[%swap3A_3583, %swap3A_3584] {strides = array<i32>} : memref<32x128xf32, #tpu.memory_space<vmem>>, vector<1x16xf32>,
    %swap3A_3586 = vector.shape_cast %swap3A_3585 : vector<1x16xf32> to vector<16xf32>
    %swap3A_3587 = vector.shape_cast %get3A_3581 : vector<16xf32> to vector<1x16xf32>
    tpu.vector_store %arg7[%swap3A_3583, %swap3A_3584], %swap3A_3587 {strides = array<i32>} : memref<32x128xf32, #tpu.memory_space<vmem>>, vector<1x16xf32>,
    %get3A_3588 = arith.constant 27 : i32
    %get3A_3589 = arith.index_cast %get3A_3588 : i32 to index
    %get3A_3590 = arith.index_cast %and3A_554 : i32 to index
    %get3A_3591 = arith.constant 0 : index
    %get3A_3592 = tpu.vector_load %arg6[%get3A_3589, %get3A_3590, %get3A_3591] {strides = array<i32>} : memref<32x8x128xf32, #tpu.memory_space<vmem>>, vector<1x1x16xf32>,
    %get3A_3593 = vector.shape_cast %get3A_3592 : vector<1x1x16xf32> to vector<16xf32>
    %swap3A_3594 = arith.constant 27 : i32
    %swap3A_3595 = arith.index_cast %swap3A_3594 : i32 to index
    %swap3A_3596 = arith.constant 0 : index
    %swap3A_3597 = tpu.vector_load %arg7[%swap3A_3595, %swap3A_3596] {strides = array<i32>} : memref<32x128xf32, #tpu.memory_space<vmem>>, vector<1x16xf32>,
    %swap3A_3598 = vector.shape_cast %swap3A_3597 : vector<1x16xf32> to vector<16xf32>
    %swap3A_3599 = vector.shape_cast %get3A_3593 : vector<16xf32> to vector<1x16xf32>
    tpu.vector_store %arg7[%swap3A_3595, %swap3A_3596], %swap3A_3599 {strides = array<i32>} : memref<32x128xf32, #tpu.memory_space<vmem>>, vector<1x16xf32>,
    %get3A_3600 = arith.constant 27 : i32
    %get3A_3601 = arith.index_cast %get3A_3600 : i32 to index
    %get3A_3602 = arith.index_cast %and3A_554 : i32 to index
    %get3A_3603 = arith.constant 16 : index
    %get3A_3604 = tpu.vector_load %arg6[%get3A_3601, %get3A_3602, %get3A_3603] {strides = array<i32>} : memref<32x8x128xf32, #tpu.memory_space<vmem>>, vector<1x1x16xf32>,
    %get3A_3605 = vector.shape_cast %get3A_3604 : vector<1x1x16xf32> to vector<16xf32>
    %swap3A_3606 = arith.constant 27 : i32
    %swap3A_3607 = arith.index_cast %swap3A_3606 : i32 to index
    %swap3A_3608 = arith.constant 16 : index
    %swap3A_3609 = tpu.vector_load %arg7[%swap3A_3607, %swap3A_3608] {strides = array<i32>} : memref<32x128xf32, #tpu.memory_space<vmem>>, vector<1x16xf32>,
    %swap3A_3610 = vector.shape_cast %swap3A_3609 : vector<1x16xf32> to vector<16xf32>
    %swap3A_3611 = vector.shape_cast %get3A_3605 : vector<16xf32> to vector<1x16xf32>
    tpu.vector_store %arg7[%swap3A_3607, %swap3A_3608], %swap3A_3611 {strides = array<i32>} : memref<32x128xf32, #tpu.memory_space<vmem>>, vector<1x16xf32>,
    %get3A_3612 = arith.constant 27 : i32
    %get3A_3613 = arith.index_cast %get3A_3612 : i32 to index
    %get3A_3614 = arith.index_cast %and3A_554 : i32 to index
    %get3A_3615 = arith.constant 32 : index
    %get3A_3616 = tpu.vector_load %arg6[%get3A_3613, %get3A_3614, %get3A_3615] {strides = array<i32>} : memref<32x8x128xf32, #tpu.memory_space<vmem>>, vector<1x1x16xf32>,
    %get3A_3617 = vector.shape_cast %get3A_3616 : vector<1x1x16xf32> to vector<16xf32>
    %swap3A_3618 = arith.constant 27 : i32
    %swap3A_3619 = arith.index_cast %swap3A_3618 : i32 to index
    %swap3A_3620 = arith.constant 32 : index
    %swap3A_3621 = tpu.vector_load %arg7[%swap3A_3619, %swap3A_3620] {strides = array<i32>} : memref<32x128xf32, #tpu.memory_space<vmem>>, vector<1x16xf32>,
    %swap3A_3622 = vector.shape_cast %swap3A_3621 : vector<1x16xf32> to vector<16xf32>
    %swap3A_3623 = vector.shape_cast %get3A_3617 : vector<16xf32> to vector<1x16xf32>
    tpu.vector_store %arg7[%swap3A_3619, %swap3A_3620], %swap3A_3623 {strides = array<i32>} : memref<32x128xf32, #tpu.memory_space<vmem>>, vector<1x16xf32>,
    %get3A_3624 = arith.constant 27 : i32
    %get3A_3625 = arith.index_cast %get3A_3624 : i32 to index
    %get3A_3626 = arith.index_cast %and3A_554 : i32 to index
    %get3A_3627 = arith.constant 48 : index
    %get3A_3628 = tpu.vector_load %arg6[%get3A_3625, %get3A_3626, %get3A_3627] {strides = array<i32>} : memref<32x8x128xf32, #tpu.memory_space<vmem>>, vector<1x1x16xf32>,
    %get3A_3629 = vector.shape_cast %get3A_3628 : vector<1x1x16xf32> to vector<16xf32>
    %swap3A_3630 = arith.constant 27 : i32
    %swap3A_3631 = arith.index_cast %swap3A_3630 : i32 to index
    %swap3A_3632 = arith.constant 48 : index
    %swap3A_3633 = tpu.vector_load %arg7[%swap3A_3631, %swap3A_3632] {strides = array<i32>} : memref<32x128xf32, #tpu.memory_space<vmem>>, vector<1x16xf32>,
    %swap3A_3634 = vector.shape_cast %swap3A_3633 : vector<1x16xf32> to vector<16xf32>
    %swap3A_3635 = vector.shape_cast %get3A_3629 : vector<16xf32> to vector<1x16xf32>
    tpu.vector_store %arg7[%swap3A_3631, %swap3A_3632], %swap3A_3635 {strides = array<i32>} : memref<32x128xf32, #tpu.memory_space<vmem>>, vector<1x16xf32>,
    %get3A_3636 = arith.constant 27 : i32
    %get3A_3637 = arith.index_cast %get3A_3636 : i32 to index
    %get3A_3638 = arith.index_cast %and3A_554 : i32 to index
    %get3A_3639 = arith.constant 64 : index
    %get3A_3640 = tpu.vector_load %arg6[%get3A_3637, %get3A_3638, %get3A_3639] {strides = array<i32>} : memref<32x8x128xf32, #tpu.memory_space<vmem>>, vector<1x1x16xf32>,
    %get3A_3641 = vector.shape_cast %get3A_3640 : vector<1x1x16xf32> to vector<16xf32>
    %swap3A_3642 = arith.constant 27 : i32
    %swap3A_3643 = arith.index_cast %swap3A_3642 : i32 to index
    %swap3A_3644 = arith.constant 64 : index
    %swap3A_3645 = tpu.vector_load %arg7[%swap3A_3643, %swap3A_3644] {strides = array<i32>} : memref<32x128xf32, #tpu.memory_space<vmem>>, vector<1x16xf32>,
    %swap3A_3646 = vector.shape_cast %swap3A_3645 : vector<1x16xf32> to vector<16xf32>
    %swap3A_3647 = vector.shape_cast %get3A_3641 : vector<16xf32> to vector<1x16xf32>
    tpu.vector_store %arg7[%swap3A_3643, %swap3A_3644], %swap3A_3647 {strides = array<i32>} : memref<32x128xf32, #tpu.memory_space<vmem>>, vector<1x16xf32>,
    %get3A_3648 = arith.constant 27 : i32
    %get3A_3649 = arith.index_cast %get3A_3648 : i32 to index
    %get3A_3650 = arith.index_cast %and3A_554 : i32 to index
    %get3A_3651 = arith.constant 80 : index
    %get3A_3652 = tpu.vector_load %arg6[%get3A_3649, %get3A_3650, %get3A_3651] {strides = array<i32>} : memref<32x8x128xf32, #tpu.memory_space<vmem>>, vector<1x1x16xf32>,
    %get3A_3653 = vector.shape_cast %get3A_3652 : vector<1x1x16xf32> to vector<16xf32>
    %swap3A_3654 = arith.constant 27 : i32
    %swap3A_3655 = arith.index_cast %swap3A_3654 : i32 to index
    %swap3A_3656 = arith.constant 80 : index
    %swap3A_3657 = tpu.vector_load %arg7[%swap3A_3655, %swap3A_3656] {strides = array<i32>} : memref<32x128xf32, #tpu.memory_space<vmem>>, vector<1x16xf32>,
    %swap3A_3658 = vector.shape_cast %swap3A_3657 : vector<1x16xf32> to vector<16xf32>
    %swap3A_3659 = vector.shape_cast %get3A_3653 : vector<16xf32> to vector<1x16xf32>
    tpu.vector_store %arg7[%swap3A_3655, %swap3A_3656], %swap3A_3659 {strides = array<i32>} : memref<32x128xf32, #tpu.memory_space<vmem>>, vector<1x16xf32>,
    %get3A_3660 = arith.constant 27 : i32
    %get3A_3661 = arith.index_cast %get3A_3660 : i32 to index
    %get3A_3662 = arith.index_cast %and3A_554 : i32 to index
    %get3A_3663 = arith.constant 96 : index
    %get3A_3664 = tpu.vector_load %arg6[%get3A_3661, %get3A_3662, %get3A_3663] {strides = array<i32>} : memref<32x8x128xf32, #tpu.memory_space<vmem>>, vector<1x1x16xf32>,
    %get3A_3665 = vector.shape_cast %get3A_3664 : vector<1x1x16xf32> to vector<16xf32>
    %swap3A_3666 = arith.constant 27 : i32
    %swap3A_3667 = arith.index_cast %swap3A_3666 : i32 to index
    %swap3A_3668 = arith.constant 96 : index
    %swap3A_3669 = tpu.vector_load %arg7[%swap3A_3667, %swap3A_3668] {strides = array<i32>} : memref<32x128xf32, #tpu.memory_space<vmem>>, vector<1x16xf32>,
    %swap3A_3670 = vector.shape_cast %swap3A_3669 : vector<1x16xf32> to vector<16xf32>
    %swap3A_3671 = vector.shape_cast %get3A_3665 : vector<16xf32> to vector<1x16xf32>
    tpu.vector_store %arg7[%swap3A_3667, %swap3A_3668], %swap3A_3671 {strides = array<i32>} : memref<32x128xf32, #tpu.memory_space<vmem>>, vector<1x16xf32>,
    %get3A_3672 = arith.constant 27 : i32
    %get3A_3673 = arith.index_cast %get3A_3672 : i32 to index
    %get3A_3674 = arith.index_cast %and3A_554 : i32 to index
    %get3A_3675 = arith.constant 112 : index
    %get3A_3676 = tpu.vector_load %arg6[%get3A_3673, %get3A_3674, %get3A_3675] {strides = array<i32>} : memref<32x8x128xf32, #tpu.memory_space<vmem>>, vector<1x1x16xf32>,
    %get3A_3677 = vector.shape_cast %get3A_3676 : vector<1x1x16xf32> to vector<16xf32>
    %swap3A_3678 = arith.constant 27 : i32
    %swap3A_3679 = arith.index_cast %swap3A_3678 : i32 to index
    %swap3A_3680 = arith.constant 112 : index
    %swap3A_3681 = tpu.vector_load %arg7[%swap3A_3679, %swap3A_3680] {strides = array<i32>} : memref<32x128xf32, #tpu.memory_space<vmem>>, vector<1x16xf32>,
    %swap3A_3682 = vector.shape_cast %swap3A_3681 : vector<1x16xf32> to vector<16xf32>
    %swap3A_3683 = vector.shape_cast %get3A_3677 : vector<16xf32> to vector<1x16xf32>
    tpu.vector_store %arg7[%swap3A_3679, %swap3A_3680], %swap3A_3683 {strides = array<i32>} : memref<32x128xf32, #tpu.memory_space<vmem>>, vector<1x16xf32>,
    %get3A_3684 = arith.constant 28 : i32
    %get3A_3685 = arith.index_cast %get3A_3684 : i32 to index
    %get3A_3686 = arith.index_cast %and3A_574 : i32 to index
    %get3A_3687 = arith.constant 0 : index
    %get3A_3688 = tpu.vector_load %arg6[%get3A_3685, %get3A_3686, %get3A_3687] {strides = array<i32>} : memref<32x8x128xf32, #tpu.memory_space<vmem>>, vector<1x1x16xf32>,
    %get3A_3689 = vector.shape_cast %get3A_3688 : vector<1x1x16xf32> to vector<16xf32>
    %swap3A_3690 = arith.constant 28 : i32
    %swap3A_3691 = arith.index_cast %swap3A_3690 : i32 to index
    %swap3A_3692 = arith.constant 0 : index
    %swap3A_3693 = tpu.vector_load %arg7[%swap3A_3691, %swap3A_3692] {strides = array<i32>} : memref<32x128xf32, #tpu.memory_space<vmem>>, vector<1x16xf32>,
    %swap3A_3694 = vector.shape_cast %swap3A_3693 : vector<1x16xf32> to vector<16xf32>
    %swap3A_3695 = vector.shape_cast %get3A_3689 : vector<16xf32> to vector<1x16xf32>
    tpu.vector_store %arg7[%swap3A_3691, %swap3A_3692], %swap3A_3695 {strides = array<i32>} : memref<32x128xf32, #tpu.memory_space<vmem>>, vector<1x16xf32>,
    %get3A_3696 = arith.constant 28 : i32
    %get3A_3697 = arith.index_cast %get3A_3696 : i32 to index
    %get3A_3698 = arith.index_cast %and3A_574 : i32 to index
    %get3A_3699 = arith.constant 16 : index
    %get3A_3700 = tpu.vector_load %arg6[%get3A_3697, %get3A_3698, %get3A_3699] {strides = array<i32>} : memref<32x8x128xf32, #tpu.memory_space<vmem>>, vector<1x1x16xf32>,
    %get3A_3701 = vector.shape_cast %get3A_3700 : vector<1x1x16xf32> to vector<16xf32>
    %swap3A_3702 = arith.constant 28 : i32
    %swap3A_3703 = arith.index_cast %swap3A_3702 : i32 to index
    %swap3A_3704 = arith.constant 16 : index
    %swap3A_3705 = tpu.vector_load %arg7[%swap3A_3703, %swap3A_3704] {strides = array<i32>} : memref<32x128xf32, #tpu.memory_space<vmem>>, vector<1x16xf32>,
    %swap3A_3706 = vector.shape_cast %swap3A_3705 : vector<1x16xf32> to vector<16xf32>
    %swap3A_3707 = vector.shape_cast %get3A_3701 : vector<16xf32> to vector<1x16xf32>
    tpu.vector_store %arg7[%swap3A_3703, %swap3A_3704], %swap3A_3707 {strides = array<i32>} : memref<32x128xf32, #tpu.memory_space<vmem>>, vector<1x16xf32>,
    %get3A_3708 = arith.constant 28 : i32
    %get3A_3709 = arith.index_cast %get3A_3708 : i32 to index
    %get3A_3710 = arith.index_cast %and3A_574 : i32 to index
    %get3A_3711 = arith.constant 32 : index
    %get3A_3712 = tpu.vector_load %arg6[%get3A_3709, %get3A_3710, %get3A_3711] {strides = array<i32>} : memref<32x8x128xf32, #tpu.memory_space<vmem>>, vector<1x1x16xf32>,
    %get3A_3713 = vector.shape_cast %get3A_3712 : vector<1x1x16xf32> to vector<16xf32>
    %swap3A_3714 = arith.constant 28 : i32
    %swap3A_3715 = arith.index_cast %swap3A_3714 : i32 to index
    %swap3A_3716 = arith.constant 32 : index
    %swap3A_3717 = tpu.vector_load %arg7[%swap3A_3715, %swap3A_3716] {strides = array<i32>} : memref<32x128xf32, #tpu.memory_space<vmem>>, vector<1x16xf32>,
    %swap3A_3718 = vector.shape_cast %swap3A_3717 : vector<1x16xf32> to vector<16xf32>
    %swap3A_3719 = vector.shape_cast %get3A_3713 : vector<16xf32> to vector<1x16xf32>
    tpu.vector_store %arg7[%swap3A_3715, %swap3A_3716], %swap3A_3719 {strides = array<i32>} : memref<32x128xf32, #tpu.memory_space<vmem>>, vector<1x16xf32>,
    %get3A_3720 = arith.constant 28 : i32
    %get3A_3721 = arith.index_cast %get3A_3720 : i32 to index
    %get3A_3722 = arith.index_cast %and3A_574 : i32 to index
    %get3A_3723 = arith.constant 48 : index
    %get3A_3724 = tpu.vector_load %arg6[%get3A_3721, %get3A_3722, %get3A_3723] {strides = array<i32>} : memref<32x8x128xf32, #tpu.memory_space<vmem>>, vector<1x1x16xf32>,
    %get3A_3725 = vector.shape_cast %get3A_3724 : vector<1x1x16xf32> to vector<16xf32>
    %swap3A_3726 = arith.constant 28 : i32
    %swap3A_3727 = arith.index_cast %swap3A_3726 : i32 to index
    %swap3A_3728 = arith.constant 48 : index
    %swap3A_3729 = tpu.vector_load %arg7[%swap3A_3727, %swap3A_3728] {strides = array<i32>} : memref<32x128xf32, #tpu.memory_space<vmem>>, vector<1x16xf32>,
    %swap3A_3730 = vector.shape_cast %swap3A_3729 : vector<1x16xf32> to vector<16xf32>
    %swap3A_3731 = vector.shape_cast %get3A_3725 : vector<16xf32> to vector<1x16xf32>
    tpu.vector_store %arg7[%swap3A_3727, %swap3A_3728], %swap3A_3731 {strides = array<i32>} : memref<32x128xf32, #tpu.memory_space<vmem>>, vector<1x16xf32>,
    %get3A_3732 = arith.constant 28 : i32
    %get3A_3733 = arith.index_cast %get3A_3732 : i32 to index
    %get3A_3734 = arith.index_cast %and3A_574 : i32 to index
    %get3A_3735 = arith.constant 64 : index
    %get3A_3736 = tpu.vector_load %arg6[%get3A_3733, %get3A_3734, %get3A_3735] {strides = array<i32>} : memref<32x8x128xf32, #tpu.memory_space<vmem>>, vector<1x1x16xf32>,
    %get3A_3737 = vector.shape_cast %get3A_3736 : vector<1x1x16xf32> to vector<16xf32>
    %swap3A_3738 = arith.constant 28 : i32
    %swap3A_3739 = arith.index_cast %swap3A_3738 : i32 to index
    %swap3A_3740 = arith.constant 64 : index
    %swap3A_3741 = tpu.vector_load %arg7[%swap3A_3739, %swap3A_3740] {strides = array<i32>} : memref<32x128xf32, #tpu.memory_space<vmem>>, vector<1x16xf32>,
    %swap3A_3742 = vector.shape_cast %swap3A_3741 : vector<1x16xf32> to vector<16xf32>
    %swap3A_3743 = vector.shape_cast %get3A_3737 : vector<16xf32> to vector<1x16xf32>
    tpu.vector_store %arg7[%swap3A_3739, %swap3A_3740], %swap3A_3743 {strides = array<i32>} : memref<32x128xf32, #tpu.memory_space<vmem>>, vector<1x16xf32>,
    %get3A_3744 = arith.constant 28 : i32
    %get3A_3745 = arith.index_cast %get3A_3744 : i32 to index
    %get3A_3746 = arith.index_cast %and3A_574 : i32 to index
    %get3A_3747 = arith.constant 80 : index
    %get3A_3748 = tpu.vector_load %arg6[%get3A_3745, %get3A_3746, %get3A_3747] {strides = array<i32>} : memref<32x8x128xf32, #tpu.memory_space<vmem>>, vector<1x1x16xf32>,
    %get3A_3749 = vector.shape_cast %get3A_3748 : vector<1x1x16xf32> to vector<16xf32>
    %swap3A_3750 = arith.constant 28 : i32
    %swap3A_3751 = arith.index_cast %swap3A_3750 : i32 to index
    %swap3A_3752 = arith.constant 80 : index
    %swap3A_3753 = tpu.vector_load %arg7[%swap3A_3751, %swap3A_3752] {strides = array<i32>} : memref<32x128xf32, #tpu.memory_space<vmem>>, vector<1x16xf32>,
    %swap3A_3754 = vector.shape_cast %swap3A_3753 : vector<1x16xf32> to vector<16xf32>
    %swap3A_3755 = vector.shape_cast %get3A_3749 : vector<16xf32> to vector<1x16xf32>
    tpu.vector_store %arg7[%swap3A_3751, %swap3A_3752], %swap3A_3755 {strides = array<i32>} : memref<32x128xf32, #tpu.memory_space<vmem>>, vector<1x16xf32>,
    %get3A_3756 = arith.constant 28 : i32
    %get3A_3757 = arith.index_cast %get3A_3756 : i32 to index
    %get3A_3758 = arith.index_cast %and3A_574 : i32 to index
    %get3A_3759 = arith.constant 96 : index
    %get3A_3760 = tpu.vector_load %arg6[%get3A_3757, %get3A_3758, %get3A_3759] {strides = array<i32>} : memref<32x8x128xf32, #tpu.memory_space<vmem>>, vector<1x1x16xf32>,
    %get3A_3761 = vector.shape_cast %get3A_3760 : vector<1x1x16xf32> to vector<16xf32>
    %swap3A_3762 = arith.constant 28 : i32
    %swap3A_3763 = arith.index_cast %swap3A_3762 : i32 to index
    %swap3A_3764 = arith.constant 96 : index
    %swap3A_3765 = tpu.vector_load %arg7[%swap3A_3763, %swap3A_3764] {strides = array<i32>} : memref<32x128xf32, #tpu.memory_space<vmem>>, vector<1x16xf32>,
    %swap3A_3766 = vector.shape_cast %swap3A_3765 : vector<1x16xf32> to vector<16xf32>
    %swap3A_3767 = vector.shape_cast %get3A_3761 : vector<16xf32> to vector<1x16xf32>
    tpu.vector_store %arg7[%swap3A_3763, %swap3A_3764], %swap3A_3767 {strides = array<i32>} : memref<32x128xf32, #tpu.memory_space<vmem>>, vector<1x16xf32>,
    %get3A_3768 = arith.constant 28 : i32
    %get3A_3769 = arith.index_cast %get3A_3768 : i32 to index
    %get3A_3770 = arith.index_cast %and3A_574 : i32 to index
    %get3A_3771 = arith.constant 112 : index
    %get3A_3772 = tpu.vector_load %arg6[%get3A_3769, %get3A_3770, %get3A_3771] {strides = array<i32>} : memref<32x8x128xf32, #tpu.memory_space<vmem>>, vector<1x1x16xf32>,
    %get3A_3773 = vector.shape_cast %get3A_3772 : vector<1x1x16xf32> to vector<16xf32>
    %swap3A_3774 = arith.constant 28 : i32
    %swap3A_3775 = arith.index_cast %swap3A_3774 : i32 to index
    %swap3A_3776 = arith.constant 112 : index
    %swap3A_3777 = tpu.vector_load %arg7[%swap3A_3775, %swap3A_3776] {strides = array<i32>} : memref<32x128xf32, #tpu.memory_space<vmem>>, vector<1x16xf32>,
    %swap3A_3778 = vector.shape_cast %swap3A_3777 : vector<1x16xf32> to vector<16xf32>
    %swap3A_3779 = vector.shape_cast %get3A_3773 : vector<16xf32> to vector<1x16xf32>
    tpu.vector_store %arg7[%swap3A_3775, %swap3A_3776], %swap3A_3779 {strides = array<i32>} : memref<32x128xf32, #tpu.memory_space<vmem>>, vector<1x16xf32>,
    %get3A_3780 = arith.constant 29 : i32
    %get3A_3781 = arith.index_cast %get3A_3780 : i32 to index
    %get3A_3782 = arith.index_cast %and3A_594 : i32 to index
    %get3A_3783 = arith.constant 0 : index
    %get3A_3784 = tpu.vector_load %arg6[%get3A_3781, %get3A_3782, %get3A_3783] {strides = array<i32>} : memref<32x8x128xf32, #tpu.memory_space<vmem>>, vector<1x1x16xf32>,
    %get3A_3785 = vector.shape_cast %get3A_3784 : vector<1x1x16xf32> to vector<16xf32>
    %swap3A_3786 = arith.constant 29 : i32
    %swap3A_3787 = arith.index_cast %swap3A_3786 : i32 to index
    %swap3A_3788 = arith.constant 0 : index
    %swap3A_3789 = tpu.vector_load %arg7[%swap3A_3787, %swap3A_3788] {strides = array<i32>} : memref<32x128xf32, #tpu.memory_space<vmem>>, vector<1x16xf32>,
    %swap3A_3790 = vector.shape_cast %swap3A_3789 : vector<1x16xf32> to vector<16xf32>
    %swap3A_3791 = vector.shape_cast %get3A_3785 : vector<16xf32> to vector<1x16xf32>
    tpu.vector_store %arg7[%swap3A_3787, %swap3A_3788], %swap3A_3791 {strides = array<i32>} : memref<32x128xf32, #tpu.memory_space<vmem>>, vector<1x16xf32>,
    %get3A_3792 = arith.constant 29 : i32
    %get3A_3793 = arith.index_cast %get3A_3792 : i32 to index
    %get3A_3794 = arith.index_cast %and3A_594 : i32 to index
    %get3A_3795 = arith.constant 16 : index
    %get3A_3796 = tpu.vector_load %arg6[%get3A_3793, %get3A_3794, %get3A_3795] {strides = array<i32>} : memref<32x8x128xf32, #tpu.memory_space<vmem>>, vector<1x1x16xf32>,
    %get3A_3797 = vector.shape_cast %get3A_3796 : vector<1x1x16xf32> to vector<16xf32>
    %swap3A_3798 = arith.constant 29 : i32
    %swap3A_3799 = arith.index_cast %swap3A_3798 : i32 to index
    %swap3A_3800 = arith.constant 16 : index
    %swap3A_3801 = tpu.vector_load %arg7[%swap3A_3799, %swap3A_3800] {strides = array<i32>} : memref<32x128xf32, #tpu.memory_space<vmem>>, vector<1x16xf32>,
    %swap3A_3802 = vector.shape_cast %swap3A_3801 : vector<1x16xf32> to vector<16xf32>
    %swap3A_3803 = vector.shape_cast %get3A_3797 : vector<16xf32> to vector<1x16xf32>
    tpu.vector_store %arg7[%swap3A_3799, %swap3A_3800], %swap3A_3803 {strides = array<i32>} : memref<32x128xf32, #tpu.memory_space<vmem>>, vector<1x16xf32>,
    %get3A_3804 = arith.constant 29 : i32
    %get3A_3805 = arith.index_cast %get3A_3804 : i32 to index
    %get3A_3806 = arith.index_cast %and3A_594 : i32 to index
    %get3A_3807 = arith.constant 32 : index
    %get3A_3808 = tpu.vector_load %arg6[%get3A_3805, %get3A_3806, %get3A_3807] {strides = array<i32>} : memref<32x8x128xf32, #tpu.memory_space<vmem>>, vector<1x1x16xf32>,
    %get3A_3809 = vector.shape_cast %get3A_3808 : vector<1x1x16xf32> to vector<16xf32>
    %swap3A_3810 = arith.constant 29 : i32
    %swap3A_3811 = arith.index_cast %swap3A_3810 : i32 to index
    %swap3A_3812 = arith.constant 32 : index
    %swap3A_3813 = tpu.vector_load %arg7[%swap3A_3811, %swap3A_3812] {strides = array<i32>} : memref<32x128xf32, #tpu.memory_space<vmem>>, vector<1x16xf32>,
    %swap3A_3814 = vector.shape_cast %swap3A_3813 : vector<1x16xf32> to vector<16xf32>
    %swap3A_3815 = vector.shape_cast %get3A_3809 : vector<16xf32> to vector<1x16xf32>
    tpu.vector_store %arg7[%swap3A_3811, %swap3A_3812], %swap3A_3815 {strides = array<i32>} : memref<32x128xf32, #tpu.memory_space<vmem>>, vector<1x16xf32>,
    %get3A_3816 = arith.constant 29 : i32
    %get3A_3817 = arith.index_cast %get3A_3816 : i32 to index
    %get3A_3818 = arith.index_cast %and3A_594 : i32 to index
    %get3A_3819 = arith.constant 48 : index
    %get3A_3820 = tpu.vector_load %arg6[%get3A_3817, %get3A_3818, %get3A_3819] {strides = array<i32>} : memref<32x8x128xf32, #tpu.memory_space<vmem>>, vector<1x1x16xf32>,
    %get3A_3821 = vector.shape_cast %get3A_3820 : vector<1x1x16xf32> to vector<16xf32>
    %swap3A_3822 = arith.constant 29 : i32
    %swap3A_3823 = arith.index_cast %swap3A_3822 : i32 to index
    %swap3A_3824 = arith.constant 48 : index
    %swap3A_3825 = tpu.vector_load %arg7[%swap3A_3823, %swap3A_3824] {strides = array<i32>} : memref<32x128xf32, #tpu.memory_space<vmem>>, vector<1x16xf32>,
    %swap3A_3826 = vector.shape_cast %swap3A_3825 : vector<1x16xf32> to vector<16xf32>
    %swap3A_3827 = vector.shape_cast %get3A_3821 : vector<16xf32> to vector<1x16xf32>
    tpu.vector_store %arg7[%swap3A_3823, %swap3A_3824], %swap3A_3827 {strides = array<i32>} : memref<32x128xf32, #tpu.memory_space<vmem>>, vector<1x16xf32>,
    %get3A_3828 = arith.constant 29 : i32
    %get3A_3829 = arith.index_cast %get3A_3828 : i32 to index
    %get3A_3830 = arith.index_cast %and3A_594 : i32 to index
    %get3A_3831 = arith.constant 64 : index
    %get3A_3832 = tpu.vector_load %arg6[%get3A_3829, %get3A_3830, %get3A_3831] {strides = array<i32>} : memref<32x8x128xf32, #tpu.memory_space<vmem>>, vector<1x1x16xf32>,
    %get3A_3833 = vector.shape_cast %get3A_3832 : vector<1x1x16xf32> to vector<16xf32>
    %swap3A_3834 = arith.constant 29 : i32
    %swap3A_3835 = arith.index_cast %swap3A_3834 : i32 to index
    %swap3A_3836 = arith.constant 64 : index
    %swap3A_3837 = tpu.vector_load %arg7[%swap3A_3835, %swap3A_3836] {strides = array<i32>} : memref<32x128xf32, #tpu.memory_space<vmem>>, vector<1x16xf32>,
    %swap3A_3838 = vector.shape_cast %swap3A_3837 : vector<1x16xf32> to vector<16xf32>
    %swap3A_3839 = vector.shape_cast %get3A_3833 : vector<16xf32> to vector<1x16xf32>
    tpu.vector_store %arg7[%swap3A_3835, %swap3A_3836], %swap3A_3839 {strides = array<i32>} : memref<32x128xf32, #tpu.memory_space<vmem>>, vector<1x16xf32>,
    %get3A_3840 = arith.constant 29 : i32
    %get3A_3841 = arith.index_cast %get3A_3840 : i32 to index
    %get3A_3842 = arith.index_cast %and3A_594 : i32 to index
    %get3A_3843 = arith.constant 80 : index
    %get3A_3844 = tpu.vector_load %arg6[%get3A_3841, %get3A_3842, %get3A_3843] {strides = array<i32>} : memref<32x8x128xf32, #tpu.memory_space<vmem>>, vector<1x1x16xf32>,
    %get3A_3845 = vector.shape_cast %get3A_3844 : vector<1x1x16xf32> to vector<16xf32>
    %swap3A_3846 = arith.constant 29 : i32
    %swap3A_3847 = arith.index_cast %swap3A_3846 : i32 to index
    %swap3A_3848 = arith.constant 80 : index
    %swap3A_3849 = tpu.vector_load %arg7[%swap3A_3847, %swap3A_3848] {strides = array<i32>} : memref<32x128xf32, #tpu.memory_space<vmem>>, vector<1x16xf32>,
    %swap3A_3850 = vector.shape_cast %swap3A_3849 : vector<1x16xf32> to vector<16xf32>
    %swap3A_3851 = vector.shape_cast %get3A_3845 : vector<16xf32> to vector<1x16xf32>
    tpu.vector_store %arg7[%swap3A_3847, %swap3A_3848], %swap3A_3851 {strides = array<i32>} : memref<32x128xf32, #tpu.memory_space<vmem>>, vector<1x16xf32>,
    %get3A_3852 = arith.constant 29 : i32
    %get3A_3853 = arith.index_cast %get3A_3852 : i32 to index
    %get3A_3854 = arith.index_cast %and3A_594 : i32 to index
    %get3A_3855 = arith.constant 96 : index
    %get3A_3856 = tpu.vector_load %arg6[%get3A_3853, %get3A_3854, %get3A_3855] {strides = array<i32>} : memref<32x8x128xf32, #tpu.memory_space<vmem>>, vector<1x1x16xf32>,
    %get3A_3857 = vector.shape_cast %get3A_3856 : vector<1x1x16xf32> to vector<16xf32>
    %swap3A_3858 = arith.constant 29 : i32
    %swap3A_3859 = arith.index_cast %swap3A_3858 : i32 to index
    %swap3A_3860 = arith.constant 96 : index
    %swap3A_3861 = tpu.vector_load %arg7[%swap3A_3859, %swap3A_3860] {strides = array<i32>} : memref<32x128xf32, #tpu.memory_space<vmem>>, vector<1x16xf32>,
    %swap3A_3862 = vector.shape_cast %swap3A_3861 : vector<1x16xf32> to vector<16xf32>
    %swap3A_3863 = vector.shape_cast %get3A_3857 : vector<16xf32> to vector<1x16xf32>
    tpu.vector_store %arg7[%swap3A_3859, %swap3A_3860], %swap3A_3863 {strides = array<i32>} : memref<32x128xf32, #tpu.memory_space<vmem>>, vector<1x16xf32>,
    %get3A_3864 = arith.constant 29 : i32
    %get3A_3865 = arith.index_cast %get3A_3864 : i32 to index
    %get3A_3866 = arith.index_cast %and3A_594 : i32 to index
    %get3A_3867 = arith.constant 112 : index
    %get3A_3868 = tpu.vector_load %arg6[%get3A_3865, %get3A_3866, %get3A_3867] {strides = array<i32>} : memref<32x8x128xf32, #tpu.memory_space<vmem>>, vector<1x1x16xf32>,
    %get3A_3869 = vector.shape_cast %get3A_3868 : vector<1x1x16xf32> to vector<16xf32>
    %swap3A_3870 = arith.constant 29 : i32
    %swap3A_3871 = arith.index_cast %swap3A_3870 : i32 to index
    %swap3A_3872 = arith.constant 112 : index
    %swap3A_3873 = tpu.vector_load %arg7[%swap3A_3871, %swap3A_3872] {strides = array<i32>} : memref<32x128xf32, #tpu.memory_space<vmem>>, vector<1x16xf32>,
    %swap3A_3874 = vector.shape_cast %swap3A_3873 : vector<1x16xf32> to vector<16xf32>
    %swap3A_3875 = vector.shape_cast %get3A_3869 : vector<16xf32> to vector<1x16xf32>
    tpu.vector_store %arg7[%swap3A_3871, %swap3A_3872], %swap3A_3875 {strides = array<i32>} : memref<32x128xf32, #tpu.memory_space<vmem>>, vector<1x16xf32>,
    %get3A_3876 = arith.constant 30 : i32
    %get3A_3877 = arith.index_cast %get3A_3876 : i32 to index
    %get3A_3878 = arith.index_cast %and3A_614 : i32 to index
    %get3A_3879 = arith.constant 0 : index
    %get3A_3880 = tpu.vector_load %arg6[%get3A_3877, %get3A_3878, %get3A_3879] {strides = array<i32>} : memref<32x8x128xf32, #tpu.memory_space<vmem>>, vector<1x1x16xf32>,
    %get3A_3881 = vector.shape_cast %get3A_3880 : vector<1x1x16xf32> to vector<16xf32>
    %swap3A_3882 = arith.constant 30 : i32
    %swap3A_3883 = arith.index_cast %swap3A_3882 : i32 to index
    %swap3A_3884 = arith.constant 0 : index
    %swap3A_3885 = tpu.vector_load %arg7[%swap3A_3883, %swap3A_3884] {strides = array<i32>} : memref<32x128xf32, #tpu.memory_space<vmem>>, vector<1x16xf32>,
    %swap3A_3886 = vector.shape_cast %swap3A_3885 : vector<1x16xf32> to vector<16xf32>
    %swap3A_3887 = vector.shape_cast %get3A_3881 : vector<16xf32> to vector<1x16xf32>
    tpu.vector_store %arg7[%swap3A_3883, %swap3A_3884], %swap3A_3887 {strides = array<i32>} : memref<32x128xf32, #tpu.memory_space<vmem>>, vector<1x16xf32>,
    %get3A_3888 = arith.constant 30 : i32
    %get3A_3889 = arith.index_cast %get3A_3888 : i32 to index
    %get3A_3890 = arith.index_cast %and3A_614 : i32 to index
    %get3A_3891 = arith.constant 16 : index
    %get3A_3892 = tpu.vector_load %arg6[%get3A_3889, %get3A_3890, %get3A_3891] {strides = array<i32>} : memref<32x8x128xf32, #tpu.memory_space<vmem>>, vector<1x1x16xf32>,
    %get3A_3893 = vector.shape_cast %get3A_3892 : vector<1x1x16xf32> to vector<16xf32>
    %swap3A_3894 = arith.constant 30 : i32
    %swap3A_3895 = arith.index_cast %swap3A_3894 : i32 to index
    %swap3A_3896 = arith.constant 16 : index
    %swap3A_3897 = tpu.vector_load %arg7[%swap3A_3895, %swap3A_3896] {strides = array<i32>} : memref<32x128xf32, #tpu.memory_space<vmem>>, vector<1x16xf32>,
    %swap3A_3898 = vector.shape_cast %swap3A_3897 : vector<1x16xf32> to vector<16xf32>
    %swap3A_3899 = vector.shape_cast %get3A_3893 : vector<16xf32> to vector<1x16xf32>
    tpu.vector_store %arg7[%swap3A_3895, %swap3A_3896], %swap3A_3899 {strides = array<i32>} : memref<32x128xf32, #tpu.memory_space<vmem>>, vector<1x16xf32>,
    %get3A_3900 = arith.constant 30 : i32
    %get3A_3901 = arith.index_cast %get3A_3900 : i32 to index
    %get3A_3902 = arith.index_cast %and3A_614 : i32 to index
    %get3A_3903 = arith.constant 32 : index
    %get3A_3904 = tpu.vector_load %arg6[%get3A_3901, %get3A_3902, %get3A_3903] {strides = array<i32>} : memref<32x8x128xf32, #tpu.memory_space<vmem>>, vector<1x1x16xf32>,
    %get3A_3905 = vector.shape_cast %get3A_3904 : vector<1x1x16xf32> to vector<16xf32>
    %swap3A_3906 = arith.constant 30 : i32
    %swap3A_3907 = arith.index_cast %swap3A_3906 : i32 to index
    %swap3A_3908 = arith.constant 32 : index
    %swap3A_3909 = tpu.vector_load %arg7[%swap3A_3907, %swap3A_3908] {strides = array<i32>} : memref<32x128xf32, #tpu.memory_space<vmem>>, vector<1x16xf32>,
    %swap3A_3910 = vector.shape_cast %swap3A_3909 : vector<1x16xf32> to vector<16xf32>
    %swap3A_3911 = vector.shape_cast %get3A_3905 : vector<16xf32> to vector<1x16xf32>
    tpu.vector_store %arg7[%swap3A_3907, %swap3A_3908], %swap3A_3911 {strides = array<i32>} : memref<32x128xf32, #tpu.memory_space<vmem>>, vector<1x16xf32>,
    %get3A_3912 = arith.constant 30 : i32
    %get3A_3913 = arith.index_cast %get3A_3912 : i32 to index
    %get3A_3914 = arith.index_cast %and3A_614 : i32 to index
    %get3A_3915 = arith.constant 48 : index
    %get3A_3916 = tpu.vector_load %arg6[%get3A_3913, %get3A_3914, %get3A_3915] {strides = array<i32>} : memref<32x8x128xf32, #tpu.memory_space<vmem>>, vector<1x1x16xf32>,
    %get3A_3917 = vector.shape_cast %get3A_3916 : vector<1x1x16xf32> to vector<16xf32>
    %swap3A_3918 = arith.constant 30 : i32
    %swap3A_3919 = arith.index_cast %swap3A_3918 : i32 to index
    %swap3A_3920 = arith.constant 48 : index
    %swap3A_3921 = tpu.vector_load %arg7[%swap3A_3919, %swap3A_3920] {strides = array<i32>} : memref<32x128xf32, #tpu.memory_space<vmem>>, vector<1x16xf32>,
    %swap3A_3922 = vector.shape_cast %swap3A_3921 : vector<1x16xf32> to vector<16xf32>
    %swap3A_3923 = vector.shape_cast %get3A_3917 : vector<16xf32> to vector<1x16xf32>
    tpu.vector_store %arg7[%swap3A_3919, %swap3A_3920], %swap3A_3923 {strides = array<i32>} : memref<32x128xf32, #tpu.memory_space<vmem>>, vector<1x16xf32>,
    %get3A_3924 = arith.constant 30 : i32
    %get3A_3925 = arith.index_cast %get3A_3924 : i32 to index
    %get3A_3926 = arith.index_cast %and3A_614 : i32 to index
    %get3A_3927 = arith.constant 64 : index
    %get3A_3928 = tpu.vector_load %arg6[%get3A_3925, %get3A_3926, %get3A_3927] {strides = array<i32>} : memref<32x8x128xf32, #tpu.memory_space<vmem>>, vector<1x1x16xf32>,
    %get3A_3929 = vector.shape_cast %get3A_3928 : vector<1x1x16xf32> to vector<16xf32>
    %swap3A_3930 = arith.constant 30 : i32
    %swap3A_3931 = arith.index_cast %swap3A_3930 : i32 to index
    %swap3A_3932 = arith.constant 64 : index
    %swap3A_3933 = tpu.vector_load %arg7[%swap3A_3931, %swap3A_3932] {strides = array<i32>} : memref<32x128xf32, #tpu.memory_space<vmem>>, vector<1x16xf32>,
    %swap3A_3934 = vector.shape_cast %swap3A_3933 : vector<1x16xf32> to vector<16xf32>
    %swap3A_3935 = vector.shape_cast %get3A_3929 : vector<16xf32> to vector<1x16xf32>
    tpu.vector_store %arg7[%swap3A_3931, %swap3A_3932], %swap3A_3935 {strides = array<i32>} : memref<32x128xf32, #tpu.memory_space<vmem>>, vector<1x16xf32>,
    %get3A_3936 = arith.constant 30 : i32
    %get3A_3937 = arith.index_cast %get3A_3936 : i32 to index
    %get3A_3938 = arith.index_cast %and3A_614 : i32 to index
    %get3A_3939 = arith.constant 80 : index
    %get3A_3940 = tpu.vector_load %arg6[%get3A_3937, %get3A_3938, %get3A_3939] {strides = array<i32>} : memref<32x8x128xf32, #tpu.memory_space<vmem>>, vector<1x1x16xf32>,
    %get3A_3941 = vector.shape_cast %get3A_3940 : vector<1x1x16xf32> to vector<16xf32>
    %swap3A_3942 = arith.constant 30 : i32
    %swap3A_3943 = arith.index_cast %swap3A_3942 : i32 to index
    %swap3A_3944 = arith.constant 80 : index
    %swap3A_3945 = tpu.vector_load %arg7[%swap3A_3943, %swap3A_3944] {strides = array<i32>} : memref<32x128xf32, #tpu.memory_space<vmem>>, vector<1x16xf32>,
    %swap3A_3946 = vector.shape_cast %swap3A_3945 : vector<1x16xf32> to vector<16xf32>
    %swap3A_3947 = vector.shape_cast %get3A_3941 : vector<16xf32> to vector<1x16xf32>
    tpu.vector_store %arg7[%swap3A_3943, %swap3A_3944], %swap3A_3947 {strides = array<i32>} : memref<32x128xf32, #tpu.memory_space<vmem>>, vector<1x16xf32>,
    %get3A_3948 = arith.constant 30 : i32
    %get3A_3949 = arith.index_cast %get3A_3948 : i32 to index
    %get3A_3950 = arith.index_cast %and3A_614 : i32 to index
    %get3A_3951 = arith.constant 96 : index
    %get3A_3952 = tpu.vector_load %arg6[%get3A_3949, %get3A_3950, %get3A_3951] {strides = array<i32>} : memref<32x8x128xf32, #tpu.memory_space<vmem>>, vector<1x1x16xf32>,
    %get3A_3953 = vector.shape_cast %get3A_3952 : vector<1x1x16xf32> to vector<16xf32>
    %swap3A_3954 = arith.constant 30 : i32
    %swap3A_3955 = arith.index_cast %swap3A_3954 : i32 to index
    %swap3A_3956 = arith.constant 96 : index
    %swap3A_3957 = tpu.vector_load %arg7[%swap3A_3955, %swap3A_3956] {strides = array<i32>} : memref<32x128xf32, #tpu.memory_space<vmem>>, vector<1x16xf32>,
    %swap3A_3958 = vector.shape_cast %swap3A_3957 : vector<1x16xf32> to vector<16xf32>
    %swap3A_3959 = vector.shape_cast %get3A_3953 : vector<16xf32> to vector<1x16xf32>
    tpu.vector_store %arg7[%swap3A_3955, %swap3A_3956], %swap3A_3959 {strides = array<i32>} : memref<32x128xf32, #tpu.memory_space<vmem>>, vector<1x16xf32>,
    %get3A_3960 = arith.constant 30 : i32
    %get3A_3961 = arith.index_cast %get3A_3960 : i32 to index
    %get3A_3962 = arith.index_cast %and3A_614 : i32 to index
    %get3A_3963 = arith.constant 112 : index
    %get3A_3964 = tpu.vector_load %arg6[%get3A_3961, %get3A_3962, %get3A_3963] {strides = array<i32>} : memref<32x8x128xf32, #tpu.memory_space<vmem>>, vector<1x1x16xf32>,
    %get3A_3965 = vector.shape_cast %get3A_3964 : vector<1x1x16xf32> to vector<16xf32>
    %swap3A_3966 = arith.constant 30 : i32
    %swap3A_3967 = arith.index_cast %swap3A_3966 : i32 to index
    %swap3A_3968 = arith.constant 112 : index
    %swap3A_3969 = tpu.vector_load %arg7[%swap3A_3967, %swap3A_3968] {strides = array<i32>} : memref<32x128xf32, #tpu.memory_space<vmem>>, vector<1x16xf32>,
    %swap3A_3970 = vector.shape_cast %swap3A_3969 : vector<1x16xf32> to vector<16xf32>
    %swap3A_3971 = vector.shape_cast %get3A_3965 : vector<16xf32> to vector<1x16xf32>
    tpu.vector_store %arg7[%swap3A_3967, %swap3A_3968], %swap3A_3971 {strides = array<i32>} : memref<32x128xf32, #tpu.memory_space<vmem>>, vector<1x16xf32>,
    %get3A_3972 = arith.constant 31 : i32
    %get3A_3973 = arith.index_cast %get3A_3972 : i32 to index
    %get3A_3974 = arith.index_cast %and3A_634 : i32 to index
    %get3A_3975 = arith.constant 0 : index
    %get3A_3976 = tpu.vector_load %arg6[%get3A_3973, %get3A_3974, %get3A_3975] {strides = array<i32>} : memref<32x8x128xf32, #tpu.memory_space<vmem>>, vector<1x1x16xf32>,
    %get3A_3977 = vector.shape_cast %get3A_3976 : vector<1x1x16xf32> to vector<16xf32>
    %swap3A_3978 = arith.constant 31 : i32
    %swap3A_3979 = arith.index_cast %swap3A_3978 : i32 to index
    %swap3A_3980 = arith.constant 0 : index
    %swap3A_3981 = tpu.vector_load %arg7[%swap3A_3979, %swap3A_3980] {strides = array<i32>} : memref<32x128xf32, #tpu.memory_space<vmem>>, vector<1x16xf32>,
    %swap3A_3982 = vector.shape_cast %swap3A_3981 : vector<1x16xf32> to vector<16xf32>
    %swap3A_3983 = vector.shape_cast %get3A_3977 : vector<16xf32> to vector<1x16xf32>
    tpu.vector_store %arg7[%swap3A_3979, %swap3A_3980], %swap3A_3983 {strides = array<i32>} : memref<32x128xf32, #tpu.memory_space<vmem>>, vector<1x16xf32>,
    %get3A_3984 = arith.constant 31 : i32
    %get3A_3985 = arith.index_cast %get3A_3984 : i32 to index
    %get3A_3986 = arith.index_cast %and3A_634 : i32 to index
    %get3A_3987 = arith.constant 16 : index
    %get3A_3988 = tpu.vector_load %arg6[%get3A_3985, %get3A_3986, %get3A_3987] {strides = array<i32>} : memref<32x8x128xf32, #tpu.memory_space<vmem>>, vector<1x1x16xf32>,
    %get3A_3989 = vector.shape_cast %get3A_3988 : vector<1x1x16xf32> to vector<16xf32>
    %swap3A_3990 = arith.constant 31 : i32
    %swap3A_3991 = arith.index_cast %swap3A_3990 : i32 to index
    %swap3A_3992 = arith.constant 16 : index
    %swap3A_3993 = tpu.vector_load %arg7[%swap3A_3991, %swap3A_3992] {strides = array<i32>} : memref<32x128xf32, #tpu.memory_space<vmem>>, vector<1x16xf32>,
    %swap3A_3994 = vector.shape_cast %swap3A_3993 : vector<1x16xf32> to vector<16xf32>
    %swap3A_3995 = vector.shape_cast %get3A_3989 : vector<16xf32> to vector<1x16xf32>
    tpu.vector_store %arg7[%swap3A_3991, %swap3A_3992], %swap3A_3995 {strides = array<i32>} : memref<32x128xf32, #tpu.memory_space<vmem>>, vector<1x16xf32>,
    %get3A_3996 = arith.constant 31 : i32
    %get3A_3997 = arith.index_cast %get3A_3996 : i32 to index
    %get3A_3998 = arith.index_cast %and3A_634 : i32 to index
    %get3A_3999 = arith.constant 32 : index
    %get3A_4000 = tpu.vector_load %arg6[%get3A_3997, %get3A_3998, %get3A_3999] {strides = array<i32>} : memref<32x8x128xf32, #tpu.memory_space<vmem>>, vector<1x1x16xf32>,
    %get3A_4001 = vector.shape_cast %get3A_4000 : vector<1x1x16xf32> to vector<16xf32>
    %swap3A_4002 = arith.constant 31 : i32
    %swap3A_4003 = arith.index_cast %swap3A_4002 : i32 to index
    %swap3A_4004 = arith.constant 32 : index
    %swap3A_4005 = tpu.vector_load %arg7[%swap3A_4003, %swap3A_4004] {strides = array<i32>} : memref<32x128xf32, #tpu.memory_space<vmem>>, vector<1x16xf32>,
    %swap3A_4006 = vector.shape_cast %swap3A_4005 : vector<1x16xf32> to vector<16xf32>
    %swap3A_4007 = vector.shape_cast %get3A_4001 : vector<16xf32> to vector<1x16xf32>
    tpu.vector_store %arg7[%swap3A_4003, %swap3A_4004], %swap3A_4007 {strides = array<i32>} : memref<32x128xf32, #tpu.memory_space<vmem>>, vector<1x16xf32>,
    %get3A_4008 = arith.constant 31 : i32
    %get3A_4009 = arith.index_cast %get3A_4008 : i32 to index
    %get3A_4010 = arith.index_cast %and3A_634 : i32 to index
    %get3A_4011 = arith.constant 48 : index
    %get3A_4012 = tpu.vector_load %arg6[%get3A_4009, %get3A_4010, %get3A_4011] {strides = array<i32>} : memref<32x8x128xf32, #tpu.memory_space<vmem>>, vector<1x1x16xf32>,
    %get3A_4013 = vector.shape_cast %get3A_4012 : vector<1x1x16xf32> to vector<16xf32>
    %swap3A_4014 = arith.constant 31 : i32
    %swap3A_4015 = arith.index_cast %swap3A_4014 : i32 to index
    %swap3A_4016 = arith.constant 48 : index
    %swap3A_4017 = tpu.vector_load %arg7[%swap3A_4015, %swap3A_4016] {strides = array<i32>} : memref<32x128xf32, #tpu.memory_space<vmem>>, vector<1x16xf32>,
    %swap3A_4018 = vector.shape_cast %swap3A_4017 : vector<1x16xf32> to vector<16xf32>
    %swap3A_4019 = vector.shape_cast %get3A_4013 : vector<16xf32> to vector<1x16xf32>
    tpu.vector_store %arg7[%swap3A_4015, %swap3A_4016], %swap3A_4019 {strides = array<i32>} : memref<32x128xf32, #tpu.memory_space<vmem>>, vector<1x16xf32>,
    %get3A_4020 = arith.constant 31 : i32
    %get3A_4021 = arith.index_cast %get3A_4020 : i32 to index
    %get3A_4022 = arith.index_cast %and3A_634 : i32 to index
    %get3A_4023 = arith.constant 64 : index
    %get3A_4024 = tpu.vector_load %arg6[%get3A_4021, %get3A_4022, %get3A_4023] {strides = array<i32>} : memref<32x8x128xf32, #tpu.memory_space<vmem>>, vector<1x1x16xf32>,
    %get3A_4025 = vector.shape_cast %get3A_4024 : vector<1x1x16xf32> to vector<16xf32>
    %swap3A_4026 = arith.constant 31 : i32
    %swap3A_4027 = arith.index_cast %swap3A_4026 : i32 to index
    %swap3A_4028 = arith.constant 64 : index
    %swap3A_4029 = tpu.vector_load %arg7[%swap3A_4027, %swap3A_4028] {strides = array<i32>} : memref<32x128xf32, #tpu.memory_space<vmem>>, vector<1x16xf32>,
    %swap3A_4030 = vector.shape_cast %swap3A_4029 : vector<1x16xf32> to vector<16xf32>
    %swap3A_4031 = vector.shape_cast %get3A_4025 : vector<16xf32> to vector<1x16xf32>
    tpu.vector_store %arg7[%swap3A_4027, %swap3A_4028], %swap3A_4031 {strides = array<i32>} : memref<32x128xf32, #tpu.memory_space<vmem>>, vector<1x16xf32>,
    %get3A_4032 = arith.constant 31 : i32
    %get3A_4033 = arith.index_cast %get3A_4032 : i32 to index
    %get3A_4034 = arith.index_cast %and3A_634 : i32 to index
    %get3A_4035 = arith.constant 80 : index
    %get3A_4036 = tpu.vector_load %arg6[%get3A_4033, %get3A_4034, %get3A_4035] {strides = array<i32>} : memref<32x8x128xf32, #tpu.memory_space<vmem>>, vector<1x1x16xf32>,
    %get3A_4037 = vector.shape_cast %get3A_4036 : vector<1x1x16xf32> to vector<16xf32>
    %swap3A_4038 = arith.constant 31 : i32
    %swap3A_4039 = arith.index_cast %swap3A_4038 : i32 to index
    %swap3A_4040 = arith.constant 80 : index
    %swap3A_4041 = tpu.vector_load %arg7[%swap3A_4039, %swap3A_4040] {strides = array<i32>} : memref<32x128xf32, #tpu.memory_space<vmem>>, vector<1x16xf32>,
    %swap3A_4042 = vector.shape_cast %swap3A_4041 : vector<1x16xf32> to vector<16xf32>
    %swap3A_4043 = vector.shape_cast %get3A_4037 : vector<16xf32> to vector<1x16xf32>
    tpu.vector_store %arg7[%swap3A_4039, %swap3A_4040], %swap3A_4043 {strides = array<i32>} : memref<32x128xf32, #tpu.memory_space<vmem>>, vector<1x16xf32>,
    %get3A_4044 = arith.constant 31 : i32
    %get3A_4045 = arith.index_cast %get3A_4044 : i32 to index
    %get3A_4046 = arith.index_cast %and3A_634 : i32 to index
    %get3A_4047 = arith.constant 96 : index
    %get3A_4048 = tpu.vector_load %arg6[%get3A_4045, %get3A_4046, %get3A_4047] {strides = array<i32>} : memref<32x8x128xf32, #tpu.memory_space<vmem>>, vector<1x1x16xf32>,
    %get3A_4049 = vector.shape_cast %get3A_4048 : vector<1x1x16xf32> to vector<16xf32>
    %swap3A_4050 = arith.constant 31 : i32
    %swap3A_4051 = arith.index_cast %swap3A_4050 : i32 to index
    %swap3A_4052 = arith.constant 96 : index
    %swap3A_4053 = tpu.vector_load %arg7[%swap3A_4051, %swap3A_4052] {strides = array<i32>} : memref<32x128xf32, #tpu.memory_space<vmem>>, vector<1x16xf32>,
    %swap3A_4054 = vector.shape_cast %swap3A_4053 : vector<1x16xf32> to vector<16xf32>
    %swap3A_4055 = vector.shape_cast %get3A_4049 : vector<16xf32> to vector<1x16xf32>
    tpu.vector_store %arg7[%swap3A_4051, %swap3A_4052], %swap3A_4055 {strides = array<i32>} : memref<32x128xf32, #tpu.memory_space<vmem>>, vector<1x16xf32>,
    %get3A_4056 = arith.constant 31 : i32
    %get3A_4057 = arith.index_cast %get3A_4056 : i32 to index
    %get3A_4058 = arith.index_cast %and3A_634 : i32 to index
    %get3A_4059 = arith.constant 112 : index
    %get3A_4060 = tpu.vector_load %arg6[%get3A_4057, %get3A_4058, %get3A_4059] {strides = array<i32>} : memref<32x8x128xf32, #tpu.memory_space<vmem>>, vector<1x1x16xf32>,
    %get3A_4061 = vector.shape_cast %get3A_4060 : vector<1x1x16xf32> to vector<16xf32>
    %swap3A_4062 = arith.constant 31 : i32
    %swap3A_4063 = arith.index_cast %swap3A_4062 : i32 to index
    %swap3A_4064 = arith.constant 112 : index
    %swap3A_4065 = tpu.vector_load %arg7[%swap3A_4063, %swap3A_4064] {strides = array<i32>} : memref<32x128xf32, #tpu.memory_space<vmem>>, vector<1x16xf32>,
    %swap3A_4066 = vector.shape_cast %swap3A_4065 : vector<1x16xf32> to vector<16xf32>
    %swap3A_4067 = vector.shape_cast %get3A_4061 : vector<16xf32> to vector<1x16xf32>
    tpu.vector_store %arg7[%swap3A_4063, %swap3A_4064], %swap3A_4067 {strides = array<i32>} : memref<32x128xf32, #tpu.memory_space<vmem>>, vector<1x16xf32>,
    "tpu.region"() ({
      %run_scoped3A = tpu.sem_alloc : memref<!tpu.dma_semaphore, #tpu.memory_space<semaphore_mem>>
      %dma_start3A_4068 = arith.constant 0 : i32
      %dma_start3A_4069 = tpu.memref_slice %arg4[%mul3A_2, %dma_start3A_4068] : memref<1024x128xf32, #tpu.memory_space<hbm>> -> memref<32x128xf32, #tpu.memory_space<hbm>>
      %dma_start3A_4070 = arith.constant 0 : i32
      %dma_start3A_4071 = tpu.memref_slice %arg4[%mul3A_2, %dma_start3A_4070] : memref<1024x128xf32, #tpu.memory_space<hbm>> -> memref<32x128xf32, #tpu.memory_space<hbm>>
      tpu.enqueue_dma source(%arg7 : memref<32x128xf32, #tpu.memory_space<vmem>>) target(%dma_start3A_4071 : memref<32x128xf32, #tpu.memory_space<hbm>>) target_semaphore(%run_scoped3A : memref<!tpu.dma_semaphore, #tpu.memory_space<semaphore_mem>>)
      %dma_wait3A_4072 = arith.constant 0 : i32
      %dma_wait3A_4073 = tpu.memref_slice %arg4[%mul3A_2, %dma_wait3A_4072] : memref<1024x128xf32, #tpu.memory_space<hbm>> -> memref<32x128xf32, #tpu.memory_space<hbm>>
      %dma_wait3A_4074 = arith.constant 0 : i32
      %dma_wait3A_4075 = tpu.memref_slice %arg4[%mul3A_2, %dma_wait3A_4074] : memref<1024x128xf32, #tpu.memory_space<hbm>> -> memref<32x128xf32, #tpu.memory_space<hbm>>
      tpu.wait_dma2 semaphore(%run_scoped3A : memref<!tpu.dma_semaphore, #tpu.memory_space<semaphore_mem>>) src(%arg7 : memref<32x128xf32, #tpu.memory_space<vmem>>) dst(%dma_wait3A_4075 : memref<32x128xf32, #tpu.memory_space<hbm>>)
      tpu.yield
    }) : () -> ()
    return
  }
}

module attributes {stable_mosaic.version = 14 : i64} {
  func.func @_combine_body(%arg0: memref<1x1xf32, #tpu.memory_space<smem>>, %arg1: memref<1024x128xf32, #tpu.memory_space<vmem>>, %arg2: memref<1x1xf32, #tpu.memory_space<smem>>) attributes {dimension_semantics = [], scalar_prefetch = 0 : i64, scratch_operands = 0 : i64, tpu.core_type = #tpu.core_type<tc>} {
    %iota3A = tpu.iota {dimensions = array<i32: 0>} : vector<1024x128xi32>
    %iota3A_0 = tpu.iota {dimensions = array<i32: 1>} : vector<1024x128xi32>
    %and3A = arith.constant 127 : i32
    %and3A_1 = vector.broadcast %and3A : i32 to vector<1024x128xi32>
    %and3A_2 = arith.andi %iota3A, %and3A_1 : vector<1024x128xi32>
    %eq3A = arith.cmpi eq, %iota3A_0, %and3A_2 : vector<1024x128xi32>
    %get3A = arith.constant 0 : index
    %get3A_3 = arith.constant 0 : index
    %get3A_4 = vector.load %arg1[%get3A, %get3A_3] : memref<1024x128xf32, #tpu.memory_space<vmem>>, vector<1024x128xf32>
    %log3A = math.log %get3A_4 : vector<1024x128xf32>
    %jit3A = arith.constant 0.000000e+00 : f32
    %broadcast_in_dim3A = vector.broadcast %jit3A : f32 to vector<1024x128xf32>
    %select_n3A = arith.select %eq3A, %log3A, %broadcast_in_dim3A : vector<1024x128xi1>, vector<1024x128xf32>
    %reduce_sum3A = vector.shape_cast %select_n3A : vector<1024x128xf32> to vector<1x1024x128xf32>
    %reduce_sum3A_5 = arith.constant dense<0.000000e+00> : vector<1xf32>
    %reduce_sum3A_6 = vector.multi_reduction <add>, %reduce_sum3A, %reduce_sum3A_5 [1, 2] : vector<1x1024x128xf32> to vector<1xf32>
    %reduce_sum3A_7 = vector.shape_cast %reduce_sum3A_6 : vector<1xf32> to vector<1x1x1xf32>
    %reduce_sum3A_8 = vector.extract %reduce_sum3A_7[0, 0, 0] : f32 from vector<1x1x1xf32>
    %get3A_9 = arith.constant 0 : index
    %get3A_10 = arith.constant 0 : index
    %get3A_11 = memref.load %arg0[%get3A_9, %get3A_10] : memref<1x1xf32, #tpu.memory_space<smem>>
    %mul3A = arith.constant 1.000010e-06 : f32
    %mul3A_12 = arith.mulf %mul3A, %get3A_11 : f32
    %mul3A_13 = arith.constant 8.999990e-01 : f32
    %mul3A_14 = arith.mulf %mul3A_13, %reduce_sum3A_8 : f32
    %add3A = arith.addf %mul3A_12, %mul3A_14 : f32
    %neg3A = arith.constant 0.000000e+00 : f32
    %neg3A_15 = arith.subf %neg3A, %add3A : f32
    %div3A = arith.constant 1.024000e+03 : f32
    %div3A_16 = arith.divf %neg3A_15, %div3A : f32
    %swap3A = arith.constant 0 : index
    %swap3A_17 = arith.constant 0 : index
    %swap3A_18 = memref.load %arg2[%swap3A, %swap3A_17] : memref<1x1xf32, #tpu.memory_space<smem>>
    memref.store %div3A_16, %arg2[%swap3A, %swap3A_17] : memref<1x1xf32, #tpu.memory_space<smem>>
    return
  }
}

module attributes {stable_mosaic.version = 14 : i64} {
  func.func @_tc_sum_body(%arg0: i32, %arg1: memref<2000x1024xf32, #tpu.memory_space<vmem>>, %arg2: memref<1x1xf32, #tpu.memory_space<smem>>) attributes {dimension_semantics = [#tpu.dimension_semantics<arbitrary>], iteration_bounds = array<i64: 50>, scalar_prefetch = 0 : i64, scratch_operands = 0 : i64, tpu.core_type = #tpu.core_type<tc>, window_params = [{transform_indices = @transform_0, window_bounds = array<i64: 2000, 1024>}, {transform_indices = @transform_1, window_bounds = array<i64: 1, 1>}]} {
    %eq3A = arith.constant 0 : i32
    %eq3A_0 = arith.cmpi eq, %arg0, %eq3A : i32
    %convert_element_type3A = arith.extui %eq3A_0 : i1 to i32
    %cond3A = arith.constant 0 : i32
    %cond3A_1 = arith.cmpi ne, %convert_element_type3A, %cond3A : i32
    scf.if %cond3A_1 {
      %swap3A_24 = arith.constant 0.000000e+00 : f32
      %swap3A_25 = arith.constant 0 : index
      %swap3A_26 = arith.constant 0 : index
      %swap3A_27 = memref.load %arg2[%swap3A_25, %swap3A_26] : memref<1x1xf32, #tpu.memory_space<smem>>
      memref.store %swap3A_24, %arg2[%swap3A_25, %swap3A_26] : memref<1x1xf32, #tpu.memory_space<smem>>
    } else {
    }
    %get3A = arith.constant 0 : index
    %get3A_2 = arith.constant 0 : index
    %get3A_3 = vector.load %arg1[%get3A, %get3A_2] : memref<2000x1024xf32, #tpu.memory_space<vmem>>, vector<2000x256xf32>
    %get3A_4 = arith.constant 0 : index
    %get3A_5 = arith.constant 256 : index
    %get3A_6 = vector.load %arg1[%get3A_4, %get3A_5] : memref<2000x1024xf32, #tpu.memory_space<vmem>>, vector<2000x256xf32>
    %mul3A = arith.mulf %get3A_3, %get3A_6 : vector<2000x256xf32>
    %get3A_7 = arith.constant 0 : index
    %get3A_8 = arith.constant 512 : index
    %get3A_9 = vector.load %arg1[%get3A_7, %get3A_8] : memref<2000x1024xf32, #tpu.memory_space<vmem>>, vector<2000x256xf32>
    %mul3A_10 = arith.mulf %mul3A, %get3A_9 : vector<2000x256xf32>
    %get3A_11 = arith.constant 0 : index
    %get3A_12 = arith.constant 768 : index
    %get3A_13 = vector.load %arg1[%get3A_11, %get3A_12] : memref<2000x1024xf32, #tpu.memory_space<vmem>>, vector<2000x256xf32>
    %mul3A_14 = arith.mulf %mul3A_10, %get3A_13 : vector<2000x256xf32>
    %get3A_15 = arith.constant 0 : index
    %get3A_16 = arith.constant 0 : index
    %get3A_17 = memref.load %arg2[%get3A_15, %get3A_16] : memref<1x1xf32, #tpu.memory_space<smem>>
    %log3A = math.log %mul3A_14 : vector<2000x256xf32>
    %reduce_sum3A = vector.shape_cast %log3A : vector<2000x256xf32> to vector<1x2000x256xf32>
    %reduce_sum3A_18 = arith.constant dense<0.000000e+00> : vector<1xf32>
    %reduce_sum3A_19 = vector.multi_reduction <add>, %reduce_sum3A, %reduce_sum3A_18 [1, 2] : vector<1x2000x256xf32> to vector<1xf32>
    %reduce_sum3A_20 = vector.shape_cast %reduce_sum3A_19 : vector<1xf32> to vector<1x1x1xf32>
    %reduce_sum3A_21 = vector.extract %reduce_sum3A_20[0, 0, 0] : f32 from vector<1x1x1xf32>
    %add3A = arith.addf %get3A_17, %reduce_sum3A_21 : f32
    %swap3A = arith.constant 0 : index
    %swap3A_22 = arith.constant 0 : index
    %swap3A_23 = memref.load %arg2[%swap3A, %swap3A_22] : memref<1x1xf32, #tpu.memory_space<smem>>
    memref.store %add3A, %arg2[%swap3A, %swap3A_22] : memref<1x1xf32, #tpu.memory_space<smem>>
    return
  }
  func.func @transform_0(%arg0: i32) -> (i32, i32) {
    %c0_i32 = arith.constant 0 : i32
    %c0_i32_0 = arith.constant 0 : i32
    return %arg0, %c0_i32 : i32, i32
  }
  func.func @transform_1(%arg0: i32) -> (i32, i32) {
    %c0_i32 = arith.constant 0 : i32
    %c0_i32_0 = arith.constant 0 : i32
    %c0_i32_1 = arith.constant 0 : i32
    return %c0_i32, %c0_i32_0 : i32, i32
  }
}

</mosaic_0001>

<sc_bundles>
// kernel: kernel.5.cloned.1.call-start
scs
__scs_entry_jumppad:
0x0: {  	(pc) =	sbr.rel $0x88, $3  }
0x1: {  	(tag) =	ssettag $0x0;
	lr =	simm.s32 $0x1  }
0x2: {  	[smem:$0x3F9F] =	sst lr;
	_ =	strace $0xD0000000  }
0x3: {  	_ = 	snop  }
0x4: {  	_ = 	snop  }
0x5: {  	_ = 	snop  }
0x6: {  	_ = 	snop  }
0x7: {  	_ = 	snop  }
__scs_overlays_trampoline_lowered:
0x8: {  	[smem:$0x3FAE] =	sst s0  }
0x9: {  	[smem:$0x3FAF] =	sst s1  }
0xa: {  	[smem:$0x3FB0] =	sst s2  }
0xb: {  	[smem:$0x3FB1] =	sst s3  }
0xc: {  	[smem:$0x3FB2] =	sst s4  }
0xd: {  	[smem:$0x3FB3] =	sst s5  }
0xe: {  	[smem:$0x3FB4] =	sst s6  }
0xf: {  	[smem:$0x3FB5] =	sst s7  }
0x10: {  	[smem:$0x3FB6] =	sst s8  }
0x11: {  	[smem:$0x3FB7] =	sst s9;
	s0 =	simm.s32 @!p0 $0x0  }
0x12: {  	s1 =	sld [smem:$0x3F9D];
	s0 =	simm.s32 @p0 $0x1  }
0x13: {  	[smem:$0x3FB8] =	sst s0;
	s0 =	simm.s32 @!p1 $0x0  }
0x14: {  	s2 =	sld [smem:$0x3F9C];
	s0 =	simm.s32 @p1 $0x1  }
0x15: {  	[smem:$0x3FB9] =	sst s0;
	s0 =	simm.s32 @!p2 $0x0  }
0x16: {  	s3 =	sld [smem:$0x3FDB];
	s0 =	simm.s32 @p2 $0x1  }
0x17: {  	s4 =	simm.s32 $0x1BF5;
	[smem:$0x3FBB] =	sst s0  }
0x18: {  	s0 =	sld [smem:$0x3F9E];
	_ =	swait.ge [sflag:s4], $0x0  }
0x19: {  	s7 =	sld [smem:$0x3F9F]  }
0x1a: {  	s8 =	sadd.s32 $0xFFFFE003, lr  }
0x1b: {  	s9 =	sadd.s32 $0xFFFFFEF7, lr;
	s5 =	simm.s32 $0xFFFFFFFF;
	p2 =	slt.u32 s8, $0xFFFFF086  }
0x1c: {  	p1 =	slt.u32 s9, $0xF7A;
	s5 =	simm.s32 @!p2 $0x0  }
0x1d: {  	s5 =	simm.s32 @p1 $0x1;
	p0 =	seq.s32 s7, s2  }
0x1e: {  	s7 =	smul.u32 @!p0 $0xF7A, s2;
	p2 =	seq.s32 @!p0 s5, $0x0  }
0x1f: {  	s9 =	smul.u32 $0xF7A, s1;
	s8 =	simm.s32 @!p0 $0x1BF5;
	p2 =	por !p2, p0  }
0x20: {  	[sflag:s8] =	ssyncset.s32 @!p0 $0xFFFFF086;
	s6 =	sadd.s32 @!p0 s3, s7;
	s7 =	simm.s32 @!p0 $0x108  }
0x21: {  	s3 =	sadd.s32 s3, s9;
	s6 =	sadd.s32 @!p0 $0x88, s6;
	s7 =	simm.s32 @p2 $0x1082  }
0x22: {  	[simem:s7], [sflag:s8] =	dma.local @!p0 [hbm:s6], $0xF7A  }
0x23: {  	s9 =	sor.u32 $0xD0000000, s2;
	s6 =	simm.s32 $0x108;
	_ =	swait.ge @!p0 [sflag:s8], $0x0  }
0x24: {  	s3 =	sadd.s32 $0x88, s3;
	s6 =	simm.s32 @!p1 $0x1082;
	[sflag:s4] =	ssyncset.s32 $0xFFFFF086  }
0x25: {  	[simem:s6], [sflag:s4] =	dma.local [hbm:s3], $0xF7A  }
0x26: {  	[smem:$0x3F9F] =	sst s1;
	(tag) =	ssettag s2;
	_ =	strace s9  }
0x27: {  	s1 =	sld [smem:$0x3FAF]  }
0x28: {  	s2 =	sld [smem:$0x3FB0]  }
0x29: {  	s4 =	sld [smem:$0x3FB2]  }
0x2a: {  	p0 =	seq.s32 s5, $0x0;
	s5 =	sld [smem:$0x3FB3]  }
0x2b: {  	s6 =	sld [smem:$0x3FB4]  }
0x2c: {  	s7 =	sld [smem:$0x3FB5]  }
0x2d: {  	s3 =	simm.s32 $0x108;
	s8 =	sld [smem:$0x3FB6]  }
0x2e: {  	s3 =	simm.s32 @!p0 $0x1082;
	s9 =	sld [smem:$0x3FB7]  }
0x2f: {  	lr =	sadd.s32 s0, s3;
	s0 =	sld [smem:$0x3FAE]  }
0x30: {  	s3 =	sld [smem:$0x3FB1]  }
0x31: {  	[smem:$0x3FBA] =	sst s10  }
0x32: {  	s10 =	sld [smem:$0x3FB8];
	_ =	sdelay $0x3  }
0x33: {  	p0 =	seq.s32 s10, $0x1;
	s10 =	sld [smem:$0x3FBA];
	_ =	sdelay $0x3  }
0x34: {  	[smem:$0x3FBA] =	sst s10  }
0x35: {  	s10 =	sld [smem:$0x3FB9];
	_ =	sdelay $0x3  }
0x36: {  	p1 =	seq.s32 s10, $0x1;
	s10 =	sld [smem:$0x3FBA];
	_ =	sdelay $0x3  }
0x37: {  	[smem:$0x3FBA] =	sst s10  }
0x38: {  	s10 =	sld [smem:$0x3FBB]  }
0x39: {  	_ = 	snop;
	(pc) =	sbr.ind lr, $3  }
0x3a: {  	_ = 	snop  }
0x3b: {  	_ = 	snop  }
0x3c: {  	p2 =	seq.s32 s10, $0x1;
	s10 =	sld [smem:$0x3FBA]  }
0x3d: {  	_ =	shalt  }
0x3e: {  	_ =	shalt  }
0x3f: {  	_ =	shalt  }
0x40: {  	_ =	shalt  }
0x41: {  	_ =	shalt  }
0x42: {  	_ =	shalt  }
0x43: {  	_ =	shalt  }
0x44: {  	_ =	shalt  }
0x45: {  	_ =	shalt  }
0x46: {  	_ =	shalt  }
0x47: {  	_ =	shalt  }
0x48: {  	_ =	shalt  }
0x49: {  	_ =	shalt  }
0x4a: {  	_ =	shalt  }
0x4b: {  	_ =	shalt  }
0x4c: {  	_ =	shalt  }
0x4d: {  	_ =	shalt  }
0x4e: {  	_ =	shalt  }
0x4f: {  	_ =	shalt  }
0x50: {  	_ =	shalt  }
0x51: {  	_ =	shalt  }
0x52: {  	_ =	shalt  }
0x53: {  	_ =	shalt  }
0x54: {  	_ =	shalt  }
0x55: {  	_ =	shalt  }
0x56: {  	_ =	shalt  }
0x57: {  	_ =	shalt  }
0x58: {  	_ =	shalt  }
0x59: {  	_ =	shalt  }
0x5a: {  	_ =	shalt  }
0x5b: {  	_ =	shalt  }
0x5c: {  	_ =	shalt  }
0x5d: {  	_ =	shalt  }
0x5e: {  	_ =	shalt  }
0x5f: {  	_ =	shalt  }
0x60: {  	_ =	shalt  }
0x61: {  	_ =	shalt  }
0x62: {  	_ =	shalt  }
0x63: {  	_ =	shalt  }
0x64: {  	_ =	shalt  }
0x65: {  	_ =	shalt  }
0x66: {  	_ =	shalt  }
0x67: {  	_ =	shalt  }
0x68: {  	_ =	shalt  }
0x69: {  	_ =	shalt  }
0x6a: {  	_ =	shalt  }
0x6b: {  	_ =	shalt  }
0x6c: {  	_ =	shalt  }
0x6d: {  	_ =	shalt  }
0x6e: {  	_ =	shalt  }
0x6f: {  	_ =	shalt  }
0x70: {  	_ =	shalt  }
0x71: {  	_ =	shalt  }
0x72: {  	_ =	shalt  }
0x73: {  	_ =	shalt  }
0x74: {  	_ =	shalt  }
0x75: {  	_ =	shalt  }
0x76: {  	_ =	shalt  }
0x77: {  	_ =	shalt  }
0x78: {  	_ =	shalt  }
0x79: {  	_ =	shalt  }
0x7a: {  	_ =	shalt  }
0x7b: {  	_ =	shalt  }
0x7c: {  	_ =	shalt  }
0x7d: {  	_ =	shalt  }
0x7e: {  	_ =	shalt  }
0x7f: {  	_ =	shalt  }
0x80: {  	_ =	shalt  }
0x81: {  	_ =	shalt  }
0x82: {  	_ =	shalt  }
0x83: {  	_ =	shalt  }
0x84: {  	_ =	shalt  }
0x85: {  	_ =	shalt  }
0x86: {  	_ =	shalt  }
0x87: {  	_ =	shalt  }
.Lfunc_end0:
.L_simem_size_0:
called_computation_lowered:
.L_overlay_start_0:
0x88: {  	s2 =	sld [smem:$0x3FD9]  }
0x89: {  	s3 =	sld [smem:$0x3FFE];
	_ =	sdelay $0x1  }
0x8a: {  	s1 =	srdreg.scid  }
0x8b: {  	s0 =	sand.u32 $0x1, s1  }
0x8c: {  	s17 =	sshll.u32 s0, $0xA;
	s2 =	sadd.s32 s3, s2  }
0x8d: {  	s2 =	sadd.s32 s2, s17  }
0x8e: {  	[smem:$0x3FC6] =	sst s2  }
0x8f: {  	_ = 	snop  }
0x90: {  	s2 =	sld [smem:$0x3FC9]  }
0x91: {  	s18 =	sld [smem:$0x3FC8];
	(tm) =	ssettm $0x1  }
0x92: {  	s4 =	sld [smem:$0x3FFB];
	_ =	sdelay $0x3  }
0x93: {  	_ =	strace s4  }
0x94: {  	s4 =	sld [smem:$0x3FFC];
	_ =	sdelay $0x3  }
0x95: {  	_ =	strace s4  }
0x96: {  	s4 =	sld [smem:$0x3FFD];
	_ =	sdelay $0x3  }
0x97: {  	_ =	strace s4  }
0x98: {  	_ =	strace $0x8FFFFFFF  }
0x99: {  	s19 =	sld [smem:$0x3FDB];
	_ =	sdelay $0x1  }
0x9a: {  	s5 =	simm.s32 $_scs_section_size  }
0x9b: {  	s6 =	simm.s32 $_size__tile_overlayer_lowered;
	s7 =	simm.s32 $_tile_overlayer_lowered  }
0x9c: {  	s22 =	simm.s32 $0x1BFF;
	s21 =	sshll.u32 s7, $0x1;
	s4 =	sadd.s32 s5, s19  }
0x9d: {  	s8 =	simm.s32 $0x0;
	s20 =	sshll.u32 s6, $0x1;
	s6 =	sadd.s32 s21, s4  }
0x9e: {  	[timem:s8], [sflag:s22] =	dma.local [hbm:s6], s20  }
0x9f: {  	_ =	swait.ge [sflag:s22], s20  }
0xa0: {  	s5 =	ssub.s32 $0x0, s20;
	[sflag:s22] =	ssyncset.done $0x0  }
0xa1: {  	[sflag:s22] =	ssyncadd.s32 s5;
	_ =	sdelay $0x1  }
0xa2: {  	s23 =	simm.s32 $0x1B8B  }
0xa3: {  	_ =	swait.ge [sflag:s23], $0x1  }
0xa4: {  	[sflag:s23] =	ssyncset.done $0x0  }
0xa5: {  	s25 =	simm.s32 $0x1B8E;
	s24 =	sld [smem:$0x3FFE];
	[sflag:s23] =	ssyncadd.s32 $0xFFFFFFFF  }
0xa6: {  	s26 =	simm.s32 $execute0_lowered;
	[smem:$0x3FD2] =	sst s25  }
0xa7: {  	s6 =	sshll.u32 s26, $0x1;
	_ =	strace $0x80000046;
	[dreg:$0x1] =	wrdreg $0xFFFFFFFF  }
0xa8: {  	s28 =	simm.s32 $_size_execute0_lowered;
	s4 =	sadd.s32 s4, s6;
	[dreg:$0x0] =	wrdreg $0x0  }
0xa9: {  	s6 =	sshll.u32 s28, $0x1;
	[dreg:$0x2] =	wrdreg s4  }
0xaa: {  	[dreg:$0x3] =	wrdreg s6  }
0xab: {  	[dreg:$0x4] =	wrdreg $0xC0  }
0xac: {  	_ =	task [dreg:s8], $0x5FFFF  }
0xad: {  	[dreg:$0x1] =	wrdreg $0xFFFFFFFF  }
0xae: {  	[dreg:$0x0] =	wrdreg $0x60  }
0xaf: {  	[dreg:$0x2] =	wrdreg s18  }
0xb0: {  	[dreg:$0x3] =	wrdreg s2  }
0xb1: {  	[dreg:$0x4] =	wrdreg s24  }
0xb2: {  	[dreg:$0x5] =	wrdreg $0x9  }
0xb3: {  	_ =	task.clear_ibuf [dreg:s8], $0x6FFFF;
	_ =	strace $0x90000046  }
0xb4: {  	s29 =	simm.s32 $0x9;
	_ =	strace $0x80000048  }
0xb5: {  	_ =	swait.ge [sflag:s29], $0x1  }
0xb6: {  	[sflag:s29] =	ssyncadd.s32 $0xFFFFFFFF  }
0xb7: {  	_ =	strace $0x90000048  }
0xb8: {  	_ =	sfence  }
0xb9: {  	s30 =	sld [smem:$0x0];
	_ =	sdelay $0x2  }
0xba: {  	s31 =	sshll.u32 s1, $0xD;
	s1 =	sshrl.u32 s1, $0x2  }
0xbb: {  	s3 =	sand.u32 $0x4000, s31;
	s1 =	sadd.s32 s1, s30  }
0xbc: {  	s0 =	sor.u32 s3, s0;
	s1 =	sshll.u32 s1, $0x11  }
0xbd: {  	s0 =	sor.u32 s1, s0  }
0xbe: {  	s0 =	sadd.s32 $0x8F2B, s0  }
0xbf: {  	[sflag:s0] =	ssyncadd.remote.s32 $0x1  }
0xc0: {  	_ =	sfence.sel $0xFFFF  }
0xc1: {  	[dreg:$0x0] =	wrdreg $0xFFFFFFFF;
	(pc) =	sbr.abs _section_cstart, $3  }
0xc2: {  	[dreg:$0x1] =	wrdreg $0xFFFFFFFF  }
0xc3: {  	_ =	task.clear_ibuf [dreg:s8], $0x2FFFF;
	_ =	strace $0x9FFFFFFF  }
0xc4: {  	(tm) =	ssettm $0x7FFFFFFF  }
0xc5: {  	_ =	shalt  }
tec
execute0_lowered:
.L_overlay_start_1:
0x0: {  	(tag) =	ssettag $0x1  }
0x1: {  	s1 =	rddreg [dreg:$0x0]  }
0x2: {  	s2 =	rddreg [dreg:$0x1]  }
0x3: {  	s4 =	rddreg [dreg:$0x2];
	s3 =	simm.s32 $0x0  }
0x4: {  	s22 =	simm.s32 $0x80;
	[smem:$0x7FF] =	sst s3  }
0x5: {  	s23 =	simm.s32 $0x480;
	_ =	strace $0x80000047;
	[dreg:$0x6] =	wrdreg s22  }
0x6: {  	s24 =	simm.s32 $0x880;
	[dreg:$0x7] =	wrdreg s23  }
0x7: {  	s25 =	simm.s32 $0xC80;
	[dreg:$0x8] =	wrdreg s24  }
0x8: {  	s26 =	simm.s32 $0x1080;
	[dreg:$0x9] =	wrdreg s25  }
0x9: {  	s28 =	simm.s32 $0x1480;
	[dreg:$0xa] =	wrdreg s26  }
0xa: {  	s29 =	simm.s32 $0x1880;
	[dreg:$0xb] =	wrdreg s28  }
0xb: {  	s30 =	simm.s32 $0x1C80;
	[dreg:$0xc] =	wrdreg s29  }
0xc: {  	s31 =	simm.s32 $0x2080;
	[dreg:$0xd] =	wrdreg s30  }
0xd: {  	s8 =	simm.s32 $0x3080;
	[dreg:$0xe] =	wrdreg s31  }
0xe: {  	s9 =	simm.s32 $0x3480;
	[dreg:$0x12] =	wrdreg s8  }
0xf: {  	s10 =	simm.s32 $0x3880;
	[dreg:$0x13] =	wrdreg s9  }
0x10: {  	s11 =	simm.s32 $0x3C80;
	[dreg:$0x14] =	wrdreg s10  }
0x11: {  	s12 =	simm.s32 $0x4080;
	[dreg:$0x15] =	wrdreg s11  }
0x12: {  	s13 =	simm.s32 $0x4480;
	[dreg:$0x16] =	wrdreg s12  }
0x13: {  	s14 =	simm.s32 $0x4880;
	[dreg:$0x17] =	wrdreg s13  }
0x14: {  	s15 =	simm.s32 $0x4C80;
	[dreg:$0x18] =	wrdreg s14  }
0x15: {  	s16 =	simm.s32 $0x5080;
	[dreg:$0x19] =	wrdreg s15  }
0x16: {  	s17 =	simm.s32 $0x5480;
	[dreg:$0x1a] =	wrdreg s16  }
0x17: {  	s18 =	simm.s32 $0x5880;
	[dreg:$0x1b] =	wrdreg s17  }
0x18: {  	s19 =	simm.s32 $0x5C80;
	[dreg:$0x1c] =	wrdreg s18  }
0x19: {  	s0 =	srdreg.scid;
	s20 =	simm.s32 $0x6080;
	[dreg:$0x1d] =	wrdreg s19  }
0x1a: {  	s7 =	stileid.u32;
	[dreg:$0x1e] =	wrdreg s20;
	s22 =	simm.s32 $0x6880  }
0x1b: {  	s0 =	sand.u32 $0x1, s0;
	s23 =	simm.s32 $0x6C80;
	[smem:$0x7F7] =	sst s22  }
0x1c: {  	s5 =	sshll.u32 s7, $0x6;
	s25 =	simm.s32 $0x7080;
	[smem:$0x7F8] =	sst s23  }
0x1d: {  	s6 =	sshll.u32 s0, $0x5;
	s26 =	simm.s32 $0x7480;
	[smem:$0x7F9] =	sst s25  }
0x1e: {  	s29 =	simm.s32 $0x7880;
	s30 =	simm.s32 $0x7C80;
	[smem:$0x7FA] =	sst s26  }
0x1f: {  	s31 =	simm.s32 $0x8080;
	s5 =	sor.u32 s6, s5;
	[smem:$0x7FB] =	sst s29  }
0x20: {  	[smem:$0x7FC] =	sst s30;
	s6 =	sshll.u32 s5, $0x4;
	s5 =	sshrl.u32 s5, $0x3  }
0x21: {  	s0 =	ssub.s32 $0x2, s0;
	[smem:$0x7FD] =	sst s31;
	s1 =	sadd.s32 s1, s5  }
0x22: {  	s28 =	sshll.u32 s7, $0x9;
	s5 =	simm.s32 $0x2880;
	[dreg:$0x4] =	wrdreg s1  }
0x23: {  	s4 =	sadd.s32 s6, s4;
	s6 =	simm.s32 $0x2C80;
	[dreg:$0x10] =	wrdreg s5  }
0x24: {  	s7 =	simm.s32 $0x1;
	s21 =	sadd.s32 $0x600, s4;
	[dreg:$0x11] =	wrdreg s6  }
0x25: {  	s24 =	sshrl.u32 s0, $0x1;
	s4 =	simm.s32 $0x2480;
	[dreg:$0x5] =	wrdreg s21  }
0x26: {  	s0 =	ssub.s32 s0, s24;
	[dreg:$0xf] =	wrdreg s4;
	s21 =	simm.s32 $0x6480  }
0x27: {  	s17 =	smax.u32 s0, $0x1;
	s4 =	sand.u32 $0x1C00, s28;
	[dreg:$0x1f] =	wrdreg s21  }
.LBB2_1:
0x28: {  	s0 =	rddreg [dreg:$0x4];
	s10 =	simm.s32 $0x2  }
0x29: {  	[tilespmem:s3], [sflag:$0x2] =	stream.linear.gather [hbm4b:s0+s3], $0x20, $0x38;
	[tilespmem:$0x9080] =	vst v63  }
0x2a: {  	_ =	swait.ge [sflag:s10], $0x20  }
0x2b: {  	[sflag:s10] =	ssyncset.done $0x0  }
0x2c: {  	[sflag:s10] =	ssyncadd.s32 $0xFFFFFFE0  }
0x2d: {  	v0 =	vld [tilespmem:$0x0];
	_ =	sdelay $0x4  }
0x2e: {  	(v2sf) =	vpush v0, $0x0;
	_ =	sdelay $0x3  }
0x2f: {  	(v2sf) =	vpush v0, $0x1;
	_ =	sdelay $0x7  }
0x30: {  	(v2sf) =	vpush v0, $0x2;
	_ =	sdelay $0x2  }
0x31: {  	s12 =	spop (v2sf)  }
0x32: {  	s11 =	sshll.u32 s12, $0xA  }
0x33: {  	s0 =	sand.u32 $0x7FFFE000, s11  }
0x34: {  	s0 =	sor.u32 s4, s0  }
0x35: {  	(v2sf) =	vpush v0, $0x3;
	s5 =	spop (v2sf);
	s0 =	sshrl.u32 s0, $0x3  }
0x36: {  	s1 =	rddreg [dreg:$0x6];
	s13 =	sshll.u32 s5, $0xA;
	s0 =	sadd.s32 s2, s0  }
0x37: {  	[tilespmem:s1], [sflag:$0x1] =	stream.linear.gather [hbm4b:s0+s3], $0x400, $0x38;
	[tilespmem:$0x9080] =	vst v63  }
0x38: {  	s0 =	sand.u32 $0x7FFFE000, s13  }
0x39: {  	s0 =	sor.u32 s4, s0  }
0x3a: {  	s0 =	sshrl.u32 s0, $0x3  }
0x3b: {  	s14 =	rddreg [dreg:$0x7];
	s0 =	sadd.s32 s2, s0  }
0x3c: {  	(v2sf) =	vpush v0, $0x4;
	[tilespmem:s14], [sflag:$0x1] =	stream.linear.gather [hbm4b:s0+s3], $0x400, $0x38;
	[tilespmem:$0x9080] =	vst v63  }
0x3d: {  	s0 =	spop (v2sf)  }
0x3e: {  	s15 =	sshll.u32 s0, $0xA  }
0x3f: {  	s1 =	sand.u32 $0x7FFFE000, s15  }
0x40: {  	s1 =	sor.u32 s4, s1  }
0x41: {  	s1 =	sshrl.u32 s1, $0x3  }
0x42: {  	s6 =	rddreg [dreg:$0x8];
	s1 =	sadd.s32 s2, s1  }
0x43: {  	(v2sf) =	vpush v0, $0x5;
	[tilespmem:s6], [sflag:$0x1] =	stream.linear.gather [hbm4b:s1+s3], $0x400, $0x38;
	[tilespmem:$0x9080] =	vst v63  }
0x44: {  	s1 =	spop (v2sf)  }
0x45: {  	s16 =	sshll.u32 s1, $0xA  }
0x46: {  	s6 =	sand.u32 $0x7FFFE000, s16  }
0x47: {  	s6 =	sor.u32 s4, s6  }
0x48: {  	s6 =	sshrl.u32 s6, $0x3  }
0x49: {  	s8 =	rddreg [dreg:$0x9];
	s6 =	sadd.s32 s2, s6  }
0x4a: {  	(v2sf) =	vpush v0, $0x6;
	[tilespmem:s8], [sflag:$0x1] =	stream.linear.gather [hbm4b:s6+s3], $0x400, $0x38;
	[tilespmem:$0x9080] =	vst v63  }
0x4b: {  	s6 =	spop (v2sf)  }
0x4c: {  	s18 =	sshll.u32 s6, $0xA  }
0x4d: {  	s8 =	sand.u32 $0x7FFFE000, s18  }
0x4e: {  	s8 =	sor.u32 s4, s8  }
0x4f: {  	s8 =	sshrl.u32 s8, $0x3  }
0x50: {  	s9 =	rddreg [dreg:$0xa];
	s8 =	sadd.s32 s2, s8  }
0x51: {  	(v2sf) =	vpush v0, $0x7;
	[tilespmem:s9], [sflag:$0x1] =	stream.linear.gather [hbm4b:s8+s3], $0x400, $0x38;
	[tilespmem:$0x9080] =	vst v63  }
0x52: {  	s8 =	spop (v2sf)  }
0x53: {  	s19 =	sshll.u32 s8, $0xA  }
0x54: {  	s9 =	sand.u32 $0x7FFFE000, s19  }
0x55: {  	s9 =	sor.u32 s4, s9  }
0x56: {  	s9 =	sshrl.u32 s9, $0x3  }
0x57: {  	s10 =	rddreg [dreg:$0xb];
	s9 =	sadd.s32 s2, s9  }
0x58: {  	(v2sf) =	vpush v0, $0x8;
	[tilespmem:s10], [sflag:$0x1] =	stream.linear.gather [hbm4b:s9+s3], $0x400, $0x38;
	[tilespmem:$0x9080] =	vst v63  }
0x59: {  	s9 =	spop (v2sf)  }
0x5a: {  	s20 =	sshll.u32 s9, $0xA  }
0x5b: {  	s10 =	sand.u32 $0x7FFFE000, s20  }
0x5c: {  	(v2sf) =	vpush v0, $0x9;
	s10 =	sor.u32 s4, s10  }
0x5d: {  	s10 =	sshrl.u32 s10, $0x3  }
0x5e: {  	s11 =	rddreg [dreg:$0xc];
	s10 =	sadd.s32 s2, s10  }
0x5f: {  	[tilespmem:s11], [sflag:$0x1] =	stream.linear.gather [hbm4b:s10+s3], $0x400, $0x38;
	[tilespmem:$0x9080] =	vst v63  }
0x60: {  	s10 =	spop (v2sf)  }
0x61: {  	s21 =	sshll.u32 s10, $0xA  }
0x62: {  	(v2sf) =	vpush v0, $0xA;
	s11 =	sand.u32 $0x7FFFE000, s21  }
0x63: {  	s11 =	sor.u32 s4, s11  }
0x64: {  	s11 =	sshrl.u32 s11, $0x3  }
0x65: {  	s14 =	rddreg [dreg:$0xd];
	s11 =	sadd.s32 s2, s11  }
0x66: {  	[tilespmem:s14], [sflag:$0x1] =	stream.linear.gather [hbm4b:s11+s3], $0x400, $0x38;
	[tilespmem:$0x9080] =	vst v63  }
0x67: {  	s11 =	spop (v2sf)  }
0x68: {  	s22 =	sshll.u32 s11, $0xA  }
0x69: {  	s14 =	sand.u32 $0x7FFFE000, s22  }
0x6a: {  	(v2sf) =	vpush v0, $0xB;
	s14 =	sor.u32 s4, s14  }
0x6b: {  	s31 =	spop (v2sf);
	s14 =	sshrl.u32 s14, $0x3  }
0x6c: {  	s15 =	rddreg [dreg:$0xe];
	s23 =	sshll.u32 s31, $0xA;
	s14 =	sadd.s32 s2, s14  }
0x6d: {  	[tilespmem:s15], [sflag:$0x1] =	stream.linear.gather [hbm4b:s14+s3], $0x400, $0x38;
	[tilespmem:$0x9080] =	vst v63  }
0x6e: {  	(v2sf) =	vpush v0, $0xC;
	s14 =	sand.u32 $0x7FFFE000, s23  }
0x6f: {  	s14 =	sor.u32 s4, s14  }
0x70: {  	s14 =	sshrl.u32 s14, $0x3  }
0x71: {  	s24 =	rddreg [dreg:$0xf];
	s14 =	sadd.s32 s2, s14;
	s30 =	spop (v2sf)  }
0x72: {  	[tilespmem:s24], [sflag:$0x1] =	stream.linear.gather [hbm4b:s14+s3], $0x400, $0x38;
	[tilespmem:$0x9080] =	vst v63  }
0x73: {  	s25 =	sshll.u32 s30, $0xA  }
0x74: {  	(v2sf) =	vpush v0, $0xD;
	s14 =	sand.u32 $0x7FFFE000, s25  }
0x75: {  	s14 =	sor.u32 s4, s14  }
0x76: {  	s14 =	sshrl.u32 s14, $0x3  }
0x77: {  	s26 =	rddreg [dreg:$0x10];
	s14 =	sadd.s32 s2, s14  }
0x78: {  	[tilespmem:s26], [sflag:$0x1] =	stream.linear.gather [hbm4b:s14+s3], $0x400, $0x38;
	[tilespmem:$0x9080] =	vst v63  }
0x79: {  	s29 =	spop (v2sf)  }
0x7a: {  	s28 =	sshll.u32 s29, $0xA  }
0x7b: {  	s14 =	sand.u32 $0x7FFFE000, s28  }
0x7c: {  	(v2sf) =	vpush v0, $0xE;
	s14 =	sor.u32 s4, s14  }
0x7d: {  	s28 =	spop (v2sf);
	s14 =	sshrl.u32 s14, $0x3  }
0x7e: {  	s13 =	rddreg [dreg:$0x11];
	s16 =	sshll.u32 s28, $0xA;
	s14 =	sadd.s32 s2, s14  }
0x7f: {  	[tilespmem:s13], [sflag:$0x1] =	stream.linear.gather [hbm4b:s14+s3], $0x400, $0x38;
	[tilespmem:$0x9080] =	vst v63  }
0x80: {  	(v2sf) =	vpush v0, $0xF;
	s14 =	sand.u32 $0x7FFFE000, s16  }
0x81: {  	s14 =	sor.u32 s4, s14  }
0x82: {  	s14 =	sshrl.u32 s14, $0x3  }
0x83: {  	s18 =	rddreg [dreg:$0x12];
	s14 =	sadd.s32 s2, s14;
	s26 =	spop (v2sf)  }
0x84: {  	[tilespmem:s18], [sflag:$0x1] =	stream.linear.gather [hbm4b:s14+s3], $0x400, $0x38;
	[tilespmem:$0x9080] =	vst v63  }
0x85: {  	s19 =	sshll.u32 s26, $0xA  }
0x86: {  	s14 =	sand.u32 $0x7FFFE000, s19  }
0x87: {  	s14 =	sor.u32 s4, s14  }
0x88: {  	s14 =	sshrl.u32 s14, $0x3  }
0x89: {  	s20 =	rddreg [dreg:$0x13];
	s14 =	sadd.s32 s2, s14  }
0x8a: {  	[tilespmem:s20], [sflag:$0x1] =	stream.linear.gather [hbm4b:s14+s3], $0x400, $0x38;
	[tilespmem:$0x9080] =	vst v63  }
0x8b: {  	s25 =	spop (v2sf)  }
0x8c: {  	s21 =	sshll.u32 s25, $0xA  }
0x8d: {  	s14 =	sand.u32 $0x7FFFE000, s21  }
0x8e: {  	s14 =	sor.u32 s4, s14  }
0x8f: {  	s24 =	spop (v2sf);
	s14 =	sshrl.u32 s14, $0x3  }
0x90: {  	s22 =	rddreg [dreg:$0x14];
	s23 =	sshll.u32 s24, $0xA;
	s14 =	sadd.s32 s2, s14  }
0x91: {  	[tilespmem:s22], [sflag:$0x1] =	stream.linear.gather [hbm4b:s14+s3], $0x400, $0x38;
	[tilespmem:$0x9080] =	vst v63  }
0x92: {  	s14 =	sand.u32 $0x7FFFE000, s23  }
0x93: {  	s14 =	sor.u32 s4, s14  }
0x94: {  	s14 =	sshrl.u32 s14, $0x3  }
0x95: {  	s13 =	rddreg [dreg:$0x15];
	s14 =	sadd.s32 s2, s14  }
0x96: {  	[tilespmem:s13], [sflag:$0x1] =	stream.linear.gather [hbm4b:s14+s3], $0x400, $0x38;
	[tilespmem:$0x9080] =	vst v63  }
0x97: {  	v62 =	vld [tilespmem:$0x10];
	_ =	sdelay $0x4  }
0x98: {  	(v2sf) =	vpush v62, $0x0;
	_ =	sdelay $0x3  }
0x99: {  	(v2sf) =	vpush v62, $0x1;
	_ =	sdelay $0x4  }
0x9a: {  	(v2sf) =	vpush v62, $0x2;
	_ =	sdelay $0x5  }
0x9b: {  	s23 =	spop (v2sf)  }
0x9c: {  	s15 =	sshll.u32 s23, $0xA  }
0x9d: {  	(v2sf) =	vpush v62, $0x3;
	s14 =	sand.u32 $0x7FFFE000, s15  }
0x9e: {  	s14 =	sor.u32 s4, s14  }
0x9f: {  	s22 =	spop (v2sf);
	s14 =	sshrl.u32 s14, $0x3  }
0xa0: {  	s16 =	rddreg [dreg:$0x16];
	s18 =	sshll.u32 s22, $0xA;
	s14 =	sadd.s32 s2, s14  }
0xa1: {  	(v2sf) =	vpush v62, $0x4;
	[tilespmem:s16], [sflag:$0x1] =	stream.linear.gather [hbm4b:s14+s3], $0x400, $0x38;
	[tilespmem:$0x9080] =	vst v63  }
0xa2: {  	s14 =	sand.u32 $0x7FFFE000, s18  }
0xa3: {  	s14 =	sor.u32 s4, s14  }
0xa4: {  	s21 =	spop (v2sf);
	s14 =	sshrl.u32 s14, $0x3  }
0xa5: {  	s19 =	rddreg [dreg:$0x17];
	s20 =	sshll.u32 s21, $0xA;
	s14 =	sadd.s32 s2, s14  }
0xa6: {  	(v2sf) =	vpush v62, $0x5;
	[tilespmem:s19], [sflag:$0x1] =	stream.linear.gather [hbm4b:s14+s3], $0x400, $0x38;
	[tilespmem:$0x9080] =	vst v63  }
0xa7: {  	s14 =	sand.u32 $0x7FFFE000, s20  }
0xa8: {  	s14 =	sor.u32 s4, s14  }
0xa9: {  	s14 =	sshrl.u32 s14, $0x3  }
0xaa: {  	s13 =	rddreg [dreg:$0x18];
	s14 =	sadd.s32 s2, s14  }
0xab: {  	[tilespmem:s13], [sflag:$0x1] =	stream.linear.gather [hbm4b:s14+s3], $0x400, $0x38;
	[tilespmem:$0x9080] =	vst v63  }
0xac: {  	s20 =	spop (v2sf)  }
0xad: {  	s15 =	sshll.u32 s20, $0xA  }
0xae: {  	(v2sf) =	vpush v62, $0x6;
	s14 =	sand.u32 $0x7FFFE000, s15  }
0xaf: {  	s14 =	sor.u32 s4, s14  }
0xb0: {  	s19 =	spop (v2sf);
	s14 =	sshrl.u32 s14, $0x3  }
0xb1: {  	s16 =	rddreg [dreg:$0x19];
	s18 =	sshll.u32 s19, $0xA;
	s14 =	sadd.s32 s2, s14  }
0xb2: {  	[tilespmem:s16], [sflag:$0x1] =	stream.linear.gather [hbm4b:s14+s3], $0x400, $0x38;
	[tilespmem:$0x9080] =	vst v63  }
0xb3: {  	s14 =	sand.u32 $0x7FFFE000, s18  }
0xb4: {  	s14 =	sor.u32 s4, s14  }
0xb5: {  	(v2sf) =	vpush v62, $0x7;
	s18 =	spop (v2sf);
	s14 =	sshrl.u32 s14, $0x3  }
0xb6: {  	s13 =	rddreg [dreg:$0x1a];
	s16 =	sshll.u32 s18, $0xA;
	s14 =	sadd.s32 s2, s14  }
0xb7: {  	[tilespmem:s13], [sflag:$0x1] =	stream.linear.gather [hbm4b:s14+s3], $0x400, $0x38;
	[tilespmem:$0x9080] =	vst v63  }
0xb8: {  	s14 =	sand.u32 $0x7FFFE000, s16  }
0xb9: {  	(v2sf) =	vpush v62, $0x8;
	s14 =	sor.u32 s4, s14  }
0xba: {  	s14 =	sshrl.u32 s14, $0x3  }
0xbb: {  	s13 =	rddreg [dreg:$0x1b];
	s14 =	sadd.s32 s2, s14  }
0xbc: {  	[tilespmem:s13], [sflag:$0x1] =	stream.linear.gather [hbm4b:s14+s3], $0x400, $0x38;
	[tilespmem:$0x9080] =	vst v63  }
0xbd: {  	s13 =	spop (v2sf)  }
0xbe: {  	s16 =	sshll.u32 s13, $0xA  }
0xbf: {  	s14 =	sand.u32 $0x7FFFE000, s16  }
0xc0: {  	s14 =	sor.u32 s4, s14  }
0xc1: {  	(v2sf) =	vpush v62, $0x9;
	[smem:$0x7EF] =	sst s13;
	s14 =	sshrl.u32 s14, $0x3  }
0xc2: {  	s13 =	rddreg [dreg:$0x1c];
	s14 =	sadd.s32 s2, s14  }
0xc3: {  	[tilespmem:s13], [sflag:$0x1] =	stream.linear.gather [hbm4b:s14+s3], $0x400, $0x38;
	[tilespmem:$0x9080] =	vst v63  }
0xc4: {  	s14 =	spop (v2sf)  }
0xc5: {  	s15 =	sshll.u32 s14, $0xA  }
0xc6: {  	[smem:$0x7F0] =	sst s14;
	s14 =	sand.u32 $0x7FFFE000, s15  }
0xc7: {  	s14 =	sor.u32 s4, s14  }
0xc8: {  	(v2sf) =	vpush v62, $0xA;
	s15 =	spop (v2sf);
	s14 =	sshrl.u32 s14, $0x3  }
0xc9: {  	s16 =	rddreg [dreg:$0x1d];
	s13 =	sshll.u32 s15, $0xA;
	s14 =	sadd.s32 s2, s14  }
0xca: {  	[tilespmem:s16], [sflag:$0x1] =	stream.linear.gather [hbm4b:s14+s3], $0x400, $0x38;
	[tilespmem:$0x9080] =	vst v63  }
0xcb: {  	s14 =	sand.u32 $0x7FFFE000, s13  }
0xcc: {  	s14 =	sor.u32 s4, s14  }
0xcd: {  	s14 =	sshrl.u32 s14, $0x3  }
0xce: {  	s16 =	rddreg [dreg:$0x1e];
	s14 =	sadd.s32 s2, s14  }
0xcf: {  	(v2sf) =	vpush v62, $0xB;
	[tilespmem:s16], [sflag:$0x1] =	stream.linear.gather [hbm4b:s14+s3], $0x400, $0x38;
	[tilespmem:$0x9080] =	vst v63  }
0xd0: {  	s14 =	spop (v2sf)  }
0xd1: {  	s16 =	sshll.u32 s14, $0xA  }
0xd2: {  	s13 =	sand.u32 $0x7FFFE000, s16  }
0xd3: {  	s13 =	sor.u32 s4, s13  }
0xd4: {  	s13 =	sshrl.u32 s13, $0x3  }
0xd5: {  	s16 =	rddreg [dreg:$0x1f];
	s13 =	sadd.s32 s2, s13  }
0xd6: {  	(v2sf) =	vpush v62, $0xC;
	[tilespmem:s16], [sflag:$0x1] =	stream.linear.gather [hbm4b:s13+s3], $0x400, $0x38;
	[tilespmem:$0x9080] =	vst v63  }
0xd7: {  	s16 =	spop (v2sf)  }
0xd8: {  	s13 =	sshll.u32 s16, $0xA  }
0xd9: {  	[smem:$0x7F1] =	sst s16;
	s13 =	sand.u32 $0x7FFFE000, s13  }
0xda: {  	s16 =	sld [smem:$0x7F7];
	s13 =	sor.u32 s4, s13  }
0xdb: {  	s13 =	sshrl.u32 s13, $0x3  }
0xdc: {  	s13 =	sadd.s32 s2, s13  }
0xdd: {  	(v2sf) =	vpush v62, $0xD;
	[tilespmem:s16], [sflag:$0x1] =	stream.linear.gather [hbm4b:s13+s3], $0x400, $0x38;
	[tilespmem:$0x9080] =	vst v63  }
0xde: {  	s16 =	spop (v2sf)  }
0xdf: {  	s13 =	sshll.u32 s16, $0xA  }
0xe0: {  	[smem:$0x7F2] =	sst s16;
	s13 =	sand.u32 $0x7FFFE000, s13  }
0xe1: {  	s16 =	sld [smem:$0x7F8];
	s13 =	sor.u32 s4, s13  }
0xe2: {  	s13 =	sshrl.u32 s13, $0x3  }
0xe3: {  	s13 =	sadd.s32 s2, s13  }
0xe4: {  	(v2sf) =	vpush v62, $0xE;
	[tilespmem:s16], [sflag:$0x1] =	stream.linear.gather [hbm4b:s13+s3], $0x400, $0x38;
	[tilespmem:$0x9080] =	vst v63  }
0xe5: {  	s16 =	spop (v2sf)  }
0xe6: {  	s13 =	sshll.u32 s16, $0xA  }
0xe7: {  	[smem:$0x7F3] =	sst s16;
	s13 =	sand.u32 $0x7FFFE000, s13  }
0xe8: {  	s16 =	sld [smem:$0x7F9];
	s13 =	sor.u32 s4, s13  }
0xe9: {  	s13 =	sshrl.u32 s13, $0x3  }
0xea: {  	s13 =	sadd.s32 s2, s13  }
0xeb: {  	(v2sf) =	vpush v62, $0xF;
	[tilespmem:s16], [sflag:$0x1] =	stream.linear.gather [hbm4b:s13+s3], $0x400, $0x38;
	[tilespmem:$0x9080] =	vst v63  }
0xec: {  	s16 =	spop (v2sf)  }
0xed: {  	s13 =	sshll.u32 s16, $0xA  }
0xee: {  	[smem:$0x7F4] =	sst s16;
	s13 =	sand.u32 $0x7FFFE000, s13  }
0xef: {  	s16 =	sld [smem:$0x7FA];
	s13 =	sor.u32 s4, s13  }
0xf0: {  	s13 =	sshrl.u32 s13, $0x3  }
0xf1: {  	s13 =	sadd.s32 s2, s13  }
0xf2: {  	[tilespmem:s16], [sflag:$0x1] =	stream.linear.gather [hbm4b:s13+s3], $0x400, $0x38;
	[tilespmem:$0x9080] =	vst v63  }
0xf3: {  	s16 =	spop (v2sf)  }
0xf4: {  	s13 =	sshll.u32 s16, $0xA  }
0xf5: {  	[smem:$0x7F5] =	sst s16;
	s13 =	sand.u32 $0x7FFFE000, s13  }
0xf6: {  	s16 =	sld [smem:$0x7FB];
	s13 =	sor.u32 s4, s13  }
0xf7: {  	s13 =	sshrl.u32 s13, $0x3  }
0xf8: {  	s13 =	sadd.s32 s2, s13  }
0xf9: {  	[tilespmem:s16], [sflag:$0x1] =	stream.linear.gather [hbm4b:s13+s3], $0x400, $0x38;
	[tilespmem:$0x9080] =	vst v63  }
0xfa: {  	s16 =	spop (v2sf)  }
0xfb: {  	s13 =	sshll.u32 s16, $0xA  }
0xfc: {  	[smem:$0x7F6] =	sst s16;
	s13 =	sand.u32 $0x7FFFE000, s13  }
0xfd: {  	s16 =	sld [smem:$0x7FC];
	s13 =	sor.u32 s4, s13  }
0xfe: {  	s13 =	sshrl.u32 s13, $0x3  }
0xff: {  	s13 =	sadd.s32 s2, s13  }
0x100: {  	[tilespmem:s16], [sflag:$0x1] =	stream.linear.gather [hbm4b:s13+s3], $0x400, $0x38;
	[tilespmem:$0x9080] =	vst v63  }
0x101: {  	_ =	swait.ge [sflag:s7], $0x400  }
0x102: {  	[sflag:s7] =	ssyncset.done $0x0  }
0x103: {  	[sflag:s7] =	ssyncadd.s32 $0xFFFFFC00  }
0x104: {  	_ =	swait.ge [sflag:s7], $0x400  }
0x105: {  	[sflag:s7] =	ssyncset.done $0x0  }
0x106: {  	[sflag:s7] =	ssyncadd.s32 $0xFFFFFC00  }
0x107: {  	_ =	swait.ge [sflag:s7], $0x400  }
0x108: {  	[sflag:s7] =	ssyncset.done $0x0  }
0x109: {  	[sflag:s7] =	ssyncadd.s32 $0xFFFFFC00  }
0x10a: {  	_ =	swait.ge [sflag:s7], $0x400  }
0x10b: {  	[sflag:s7] =	ssyncset.done $0x0  }
0x10c: {  	[sflag:s7] =	ssyncadd.s32 $0xFFFFFC00  }
0x10d: {  	_ =	swait.ge [sflag:s7], $0x400  }
0x10e: {  	[sflag:s7] =	ssyncset.done $0x0  }
0x10f: {  	[sflag:s7] =	ssyncadd.s32 $0xFFFFFC00  }
0x110: {  	_ =	swait.ge [sflag:s7], $0x400  }
0x111: {  	[sflag:s7] =	ssyncset.done $0x0  }
0x112: {  	[sflag:s7] =	ssyncadd.s32 $0xFFFFFC00  }
0x113: {  	_ =	swait.ge [sflag:s7], $0x400  }
0x114: {  	[sflag:s7] =	ssyncset.done $0x0  }
0x115: {  	[sflag:s7] =	ssyncadd.s32 $0xFFFFFC00  }
0x116: {  	_ =	swait.ge [sflag:s7], $0x400  }
0x117: {  	[sflag:s7] =	ssyncset.done $0x0  }
0x118: {  	[sflag:s7] =	ssyncadd.s32 $0xFFFFFC00  }
0x119: {  	_ =	swait.ge [sflag:s7], $0x400  }
0x11a: {  	[sflag:s7] =	ssyncset.done $0x0  }
0x11b: {  	[sflag:s7] =	ssyncadd.s32 $0xFFFFFC00  }
0x11c: {  	_ =	swait.ge [sflag:s7], $0x400  }
0x11d: {  	[sflag:s7] =	ssyncset.done $0x0  }
0x11e: {  	[sflag:s7] =	ssyncadd.s32 $0xFFFFFC00  }
0x11f: {  	_ =	swait.ge [sflag:s7], $0x400  }
0x120: {  	[sflag:s7] =	ssyncset.done $0x0  }
0x121: {  	[sflag:s7] =	ssyncadd.s32 $0xFFFFFC00  }
0x122: {  	_ =	swait.ge [sflag:s7], $0x400  }
0x123: {  	[sflag:s7] =	ssyncset.done $0x0  }
0x124: {  	[sflag:s7] =	ssyncadd.s32 $0xFFFFFC00  }
0x125: {  	_ =	swait.ge [sflag:s7], $0x400  }
0x126: {  	[sflag:s7] =	ssyncset.done $0x0  }
0x127: {  	[sflag:s7] =	ssyncadd.s32 $0xFFFFFC00  }
0x128: {  	_ =	swait.ge [sflag:s7], $0x400  }
0x129: {  	[sflag:s7] =	ssyncset.done $0x0  }
0x12a: {  	[sflag:s7] =	ssyncadd.s32 $0xFFFFFC00  }
0x12b: {  	_ =	swait.ge [sflag:s7], $0x400  }
0x12c: {  	[sflag:s7] =	ssyncset.done $0x0  }
0x12d: {  	[sflag:s7] =	ssyncadd.s32 $0xFFFFFC00  }
0x12e: {  	_ =	swait.ge [sflag:s7], $0x400  }
0x12f: {  	[sflag:s7] =	ssyncset.done $0x0  }
0x130: {  	[sflag:s7] =	ssyncadd.s32 $0xFFFFFC00  }
0x131: {  	_ =	swait.ge [sflag:s7], $0x400  }
0x132: {  	[sflag:s7] =	ssyncset.done $0x0  }
0x133: {  	[sflag:s7] =	ssyncadd.s32 $0xFFFFFC00  }
0x134: {  	_ =	swait.ge [sflag:s7], $0x400  }
0x135: {  	[sflag:s7] =	ssyncset.done $0x0  }
0x136: {  	[sflag:s7] =	ssyncadd.s32 $0xFFFFFC00  }
0x137: {  	_ =	swait.ge [sflag:s7], $0x400  }
0x138: {  	[sflag:s7] =	ssyncset.done $0x0  }
0x139: {  	[sflag:s7] =	ssyncadd.s32 $0xFFFFFC00  }
0x13a: {  	_ =	swait.ge [sflag:s7], $0x400  }
0x13b: {  	[sflag:s7] =	ssyncset.done $0x0  }
0x13c: {  	[sflag:s7] =	ssyncadd.s32 $0xFFFFFC00  }
0x13d: {  	_ =	swait.ge [sflag:s7], $0x400  }
0x13e: {  	[sflag:s7] =	ssyncset.done $0x0  }
0x13f: {  	[sflag:s7] =	ssyncadd.s32 $0xFFFFFC00  }
0x140: {  	_ =	swait.ge [sflag:s7], $0x400  }
0x141: {  	[sflag:s7] =	ssyncset.done $0x0  }
0x142: {  	[sflag:s7] =	ssyncadd.s32 $0xFFFFFC00  }
0x143: {  	_ =	swait.ge [sflag:s7], $0x400  }
0x144: {  	[sflag:s7] =	ssyncset.done $0x0  }
0x145: {  	[sflag:s7] =	ssyncadd.s32 $0xFFFFFC00  }
0x146: {  	_ =	swait.ge [sflag:s7], $0x400  }
0x147: {  	[sflag:s7] =	ssyncset.done $0x0  }
0x148: {  	[sflag:s7] =	ssyncadd.s32 $0xFFFFFC00  }
0x149: {  	_ =	swait.ge [sflag:s7], $0x400  }
0x14a: {  	[sflag:s7] =	ssyncset.done $0x0  }
0x14b: {  	[sflag:s7] =	ssyncadd.s32 $0xFFFFFC00  }
0x14c: {  	_ =	swait.ge [sflag:s7], $0x400  }
0x14d: {  	[sflag:s7] =	ssyncset.done $0x0  }
0x14e: {  	[sflag:s7] =	ssyncadd.s32 $0xFFFFFC00  }
0x14f: {  	_ =	swait.ge [sflag:s7], $0x400  }
0x150: {  	[sflag:s7] =	ssyncset.done $0x0  }
0x151: {  	[sflag:s7] =	ssyncadd.s32 $0xFFFFFC00  }
0x152: {  	_ =	swait.ge [sflag:s7], $0x400  }
0x153: {  	[sflag:s7] =	ssyncset.done $0x0  }
0x154: {  	[sflag:s7] =	ssyncadd.s32 $0xFFFFFC00  }
0x155: {  	_ =	swait.ge [sflag:s7], $0x400  }
0x156: {  	[sflag:s7] =	ssyncset.done $0x0  }
0x157: {  	[sflag:s7] =	ssyncadd.s32 $0xFFFFFC00  }
0x158: {  	_ =	swait.ge [sflag:s7], $0x400  }
0x159: {  	[sflag:s7] =	ssyncset.done $0x0  }
0x15a: {  	[sflag:s7] =	ssyncadd.s32 $0xFFFFFC00  }
0x15b: {  	_ =	swait.ge [sflag:s7], $0x400  }
0x15c: {  	[sflag:s7] =	ssyncset.done $0x0  }
0x15d: {  	[sflag:s7] =	ssyncadd.s32 $0xFFFFFC00  }
0x15e: {  	_ =	swait.ge [sflag:s7], $0x400  }
0x15f: {  	s12 =	sshll.u32 s12, $0x7;
	[sflag:s7] =	ssyncset.done $0x0  }
0x160: {  	s12 =	sand.u32 $0x380, s12;
	[sflag:s7] =	ssyncadd.s32 $0xFFFFFC00  }
0x161: {  	v63 =	vld [tilespmem:s12+$0x80];
	_ =	sdelay $0x4  }
0x162: {  	[tilespmem:$0x8080] =	vst v63  }
0x163: {  	v0 =	vld [tilespmem:s12+$0x90];
	_ =	sdelay $0x4  }
0x164: {  	[tilespmem:$0x8090] =	vst v0  }
0x165: {  	v0 =	vld [tilespmem:s12+$0xA0];
	_ =	sdelay $0x4  }
0x166: {  	[tilespmem:$0x80A0] =	vst v0  }
0x167: {  	v0 =	vld [tilespmem:s12+$0xB0];
	_ =	sdelay $0x4  }
0x168: {  	[tilespmem:$0x80B0] =	vst v0  }
0x169: {  	v0 =	vld [tilespmem:s12+$0xC0];
	_ =	sdelay $0x4  }
0x16a: {  	[tilespmem:$0x80C0] =	vst v0  }
0x16b: {  	v0 =	vld [tilespmem:s12+$0xD0];
	_ =	sdelay $0x4  }
0x16c: {  	[tilespmem:$0x80D0] =	vst v0  }
0x16d: {  	v0 =	vld [tilespmem:s12+$0xE0];
	_ =	sdelay $0x4  }
0x16e: {  	[tilespmem:$0x80E0] =	vst v0  }
0x16f: {  	v0 =	vld [tilespmem:s12+$0xF0];
	_ =	sdelay $0x3  }
0x170: {  	s5 =	sshll.u32 s5, $0x7  }
0x171: {  	s5 =	sand.u32 $0x380, s5;
	[tilespmem:$0x80F0] =	vst v0  }
0x172: {  	v0 =	vld [tilespmem:s5+$0x480];
	_ =	sdelay $0x4  }
0x173: {  	[tilespmem:$0x8100] =	vst v0  }
0x174: {  	v0 =	vld [tilespmem:s5+$0x490];
	_ =	sdelay $0x4  }
0x175: {  	[tilespmem:$0x8110] =	vst v0  }
0x176: {  	v0 =	vld [tilespmem:s5+$0x4A0];
	_ =	sdelay $0x4  }
0x177: {  	[tilespmem:$0x8120] =	vst v0  }
0x178: {  	v0 =	vld [tilespmem:s5+$0x4B0];
	_ =	sdelay $0x4  }
0x179: {  	[tilespmem:$0x8130] =	vst v0  }
0x17a: {  	v0 =	vld [tilespmem:s5+$0x4C0];
	_ =	sdelay $0x4  }
0x17b: {  	[tilespmem:$0x8140] =	vst v0  }
0x17c: {  	v0 =	vld [tilespmem:s5+$0x4D0];
	_ =	sdelay $0x4  }
0x17d: {  	[tilespmem:$0x8150] =	vst v0  }
0x17e: {  	v0 =	vld [tilespmem:s5+$0x4E0];
	_ =	sdelay $0x4  }
0x17f: {  	[tilespmem:$0x8160] =	vst v0  }
0x180: {  	v0 =	vld [tilespmem:s5+$0x4F0];
	_ =	sdelay $0x3  }
0x181: {  	s0 =	sshll.u32 s0, $0x7  }
0x182: {  	s0 =	sand.u32 $0x380, s0;
	[tilespmem:$0x8170] =	vst v0  }
0x183: {  	v0 =	vld [tilespmem:s0+$0x880];
	_ =	sdelay $0x4  }
0x184: {  	[tilespmem:$0x8180] =	vst v0  }
0x185: {  	v0 =	vld [tilespmem:s0+$0x890];
	_ =	sdelay $0x4  }
0x186: {  	[tilespmem:$0x8190] =	vst v0  }
0x187: {  	v0 =	vld [tilespmem:s0+$0x8A0];
	_ =	sdelay $0x4  }
0x188: {  	[tilespmem:$0x81A0] =	vst v0  }
0x189: {  	v0 =	vld [tilespmem:s0+$0x8B0];
	_ =	sdelay $0x4  }
0x18a: {  	[tilespmem:$0x81B0] =	vst v0  }
0x18b: {  	v0 =	vld [tilespmem:s0+$0x8C0];
	_ =	sdelay $0x4  }
0x18c: {  	[tilespmem:$0x81C0] =	vst v0  }
0x18d: {  	v0 =	vld [tilespmem:s0+$0x8D0];
	_ =	sdelay $0x4  }
0x18e: {  	[tilespmem:$0x81D0] =	vst v0  }
0x18f: {  	v0 =	vld [tilespmem:s0+$0x8E0];
	_ =	sdelay $0x4  }
0x190: {  	[tilespmem:$0x81E0] =	vst v0  }
0x191: {  	v0 =	vld [tilespmem:s0+$0x8F0];
	_ =	sdelay $0x3  }
0x192: {  	s5 =	sshll.u32 s1, $0x7  }
0x193: {  	s0 =	sand.u32 $0x380, s5;
	[tilespmem:$0x81F0] =	vst v0  }
0x194: {  	v0 =	vld [tilespmem:s0+$0xC80];
	_ =	sdelay $0x4  }
0x195: {  	[tilespmem:$0x8200] =	vst v0  }
0x196: {  	v0 =	vld [tilespmem:s0+$0xC90];
	_ =	sdelay $0x4  }
0x197: {  	[tilespmem:$0x8210] =	vst v0  }
0x198: {  	v0 =	vld [tilespmem:s0+$0xCA0];
	_ =	sdelay $0x4  }
0x199: {  	[tilespmem:$0x8220] =	vst v0  }
0x19a: {  	v0 =	vld [tilespmem:s0+$0xCB0];
	_ =	sdelay $0x4  }
0x19b: {  	[tilespmem:$0x8230] =	vst v0  }
0x19c: {  	v0 =	vld [tilespmem:s0+$0xCC0];
	_ =	sdelay $0x4  }
0x19d: {  	[tilespmem:$0x8240] =	vst v0  }
0x19e: {  	v0 =	vld [tilespmem:s0+$0xCD0];
	_ =	sdelay $0x4  }
0x19f: {  	[tilespmem:$0x8250] =	vst v0  }
0x1a0: {  	v0 =	vld [tilespmem:s0+$0xCE0];
	_ =	sdelay $0x4  }
0x1a1: {  	[tilespmem:$0x8260] =	vst v0  }
0x1a2: {  	v0 =	vld [tilespmem:s0+$0xCF0];
	_ =	sdelay $0x3  }
0x1a3: {  	s6 =	sshll.u32 s6, $0x7  }
0x1a4: {  	s0 =	sand.u32 $0x380, s6;
	[tilespmem:$0x8270] =	vst v0  }
0x1a5: {  	v0 =	vld [tilespmem:s0+$0x1080];
	_ =	sdelay $0x4  }
0x1a6: {  	[tilespmem:$0x8280] =	vst v0  }
0x1a7: {  	v0 =	vld [tilespmem:s0+$0x1090];
	_ =	sdelay $0x4  }
0x1a8: {  	[tilespmem:$0x8290] =	vst v0  }
0x1a9: {  	v0 =	vld [tilespmem:s0+$0x10A0];
	_ =	sdelay $0x4  }
0x1aa: {  	[tilespmem:$0x82A0] =	vst v0  }
0x1ab: {  	v0 =	vld [tilespmem:s0+$0x10B0];
	_ =	sdelay $0x4  }
0x1ac: {  	[tilespmem:$0x82B0] =	vst v0  }
0x1ad: {  	v0 =	vld [tilespmem:s0+$0x10C0];
	_ =	sdelay $0x4  }
0x1ae: {  	[tilespmem:$0x82C0] =	vst v0  }
0x1af: {  	v0 =	vld [tilespmem:s0+$0x10D0];
	_ =	sdelay $0x4  }
0x1b0: {  	[tilespmem:$0x82D0] =	vst v0  }
0x1b1: {  	v0 =	vld [tilespmem:s0+$0x10E0];
	_ =	sdelay $0x4  }
0x1b2: {  	[tilespmem:$0x82E0] =	vst v0  }
0x1b3: {  	v0 =	vld [tilespmem:s0+$0x10F0];
	_ =	sdelay $0x3  }
0x1b4: {  	s8 =	sshll.u32 s8, $0x7  }
0x1b5: {  	s0 =	sand.u32 $0x380, s8;
	[tilespmem:$0x82F0] =	vst v0  }
0x1b6: {  	v0 =	vld [tilespmem:s0+$0x1480];
	_ =	sdelay $0x4  }
0x1b7: {  	[tilespmem:$0x8300] =	vst v0  }
0x1b8: {  	v0 =	vld [tilespmem:s0+$0x1490];
	_ =	sdelay $0x4  }
0x1b9: {  	[tilespmem:$0x8310] =	vst v0  }
0x1ba: {  	v0 =	vld [tilespmem:s0+$0x14A0];
	_ =	sdelay $0x4  }
0x1bb: {  	[tilespmem:$0x8320] =	vst v0  }
0x1bc: {  	v0 =	vld [tilespmem:s0+$0x14B0];
	_ =	sdelay $0x4  }
0x1bd: {  	[tilespmem:$0x8330] =	vst v0  }
0x1be: {  	v0 =	vld [tilespmem:s0+$0x14C0];
	_ =	sdelay $0x4  }
0x1bf: {  	[tilespmem:$0x8340] =	vst v0  }
0x1c0: {  	v0 =	vld [tilespmem:s0+$0x14D0];
	_ =	sdelay $0x4  }
0x1c1: {  	[tilespmem:$0x8350] =	vst v0  }
0x1c2: {  	v0 =	vld [tilespmem:s0+$0x14E0];
	_ =	sdelay $0x4  }
0x1c3: {  	[tilespmem:$0x8360] =	vst v0  }
0x1c4: {  	v0 =	vld [tilespmem:s0+$0x14F0];
	_ =	sdelay $0x3  }
0x1c5: {  	s9 =	sshll.u32 s9, $0x7  }
0x1c6: {  	s0 =	sand.u32 $0x380, s9;
	[tilespmem:$0x8370] =	vst v0  }
0x1c7: {  	v0 =	vld [tilespmem:s0+$0x1880];
	_ =	sdelay $0x4  }
0x1c8: {  	[tilespmem:$0x8380] =	vst v0  }
0x1c9: {  	v0 =	vld [tilespmem:s0+$0x1890];
	_ =	sdelay $0x4  }
0x1ca: {  	[tilespmem:$0x8390] =	vst v0  }
0x1cb: {  	v0 =	vld [tilespmem:s0+$0x18A0];
	_ =	sdelay $0x4  }
0x1cc: {  	[tilespmem:$0x83A0] =	vst v0  }
0x1cd: {  	v0 =	vld [tilespmem:s0+$0x18B0];
	_ =	sdelay $0x4  }
0x1ce: {  	[tilespmem:$0x83B0] =	vst v0  }
0x1cf: {  	v0 =	vld [tilespmem:s0+$0x18C0];
	_ =	sdelay $0x4  }
0x1d0: {  	[tilespmem:$0x83C0] =	vst v0  }
0x1d1: {  	v0 =	vld [tilespmem:s0+$0x18D0];
	_ =	sdelay $0x4  }
0x1d2: {  	[tilespmem:$0x83D0] =	vst v0  }
0x1d3: {  	v0 =	vld [tilespmem:s0+$0x18E0];
	_ =	sdelay $0x4  }
0x1d4: {  	[tilespmem:$0x83E0] =	vst v0  }
0x1d5: {  	v0 =	vld [tilespmem:s0+$0x18F0];
	_ =	sdelay $0x3  }
0x1d6: {  	s10 =	sshll.u32 s10, $0x7  }
0x1d7: {  	s0 =	sand.u32 $0x380, s10;
	[tilespmem:$0x83F0] =	vst v0  }
0x1d8: {  	v0 =	vld [tilespmem:s0+$0x1C80];
	_ =	sdelay $0x4  }
0x1d9: {  	[tilespmem:$0x8400] =	vst v0  }
0x1da: {  	v0 =	vld [tilespmem:s0+$0x1C90];
	_ =	sdelay $0x4  }
0x1db: {  	[tilespmem:$0x8410] =	vst v0  }
0x1dc: {  	v0 =	vld [tilespmem:s0+$0x1CA0];
	_ =	sdelay $0x4  }
0x1dd: {  	[tilespmem:$0x8420] =	vst v0  }
0x1de: {  	v0 =	vld [tilespmem:s0+$0x1CB0];
	_ =	sdelay $0x4  }
0x1df: {  	[tilespmem:$0x8430] =	vst v0  }
0x1e0: {  	v0 =	vld [tilespmem:s0+$0x1CC0];
	_ =	sdelay $0x4  }
0x1e1: {  	[tilespmem:$0x8440] =	vst v0  }
0x1e2: {  	v0 =	vld [tilespmem:s0+$0x1CD0];
	_ =	sdelay $0x4  }
0x1e3: {  	[tilespmem:$0x8450] =	vst v0  }
0x1e4: {  	v0 =	vld [tilespmem:s0+$0x1CE0];
	_ =	sdelay $0x4  }
0x1e5: {  	[tilespmem:$0x8460] =	vst v0  }
0x1e6: {  	v0 =	vld [tilespmem:s0+$0x1CF0];
	_ =	sdelay $0x3  }
0x1e7: {  	s12 =	sshll.u32 s11, $0x7  }
0x1e8: {  	s0 =	sand.u32 $0x380, s12;
	[tilespmem:$0x8470] =	vst v0  }
0x1e9: {  	v0 =	vld [tilespmem:s0+$0x2080];
	_ =	sdelay $0x4  }
0x1ea: {  	[tilespmem:$0x8480] =	vst v0  }
0x1eb: {  	v0 =	vld [tilespmem:s0+$0x2090];
	_ =	sdelay $0x4  }
0x1ec: {  	[tilespmem:$0x8490] =	vst v0  }
0x1ed: {  	v0 =	vld [tilespmem:s0+$0x20A0];
	_ =	sdelay $0x4  }
0x1ee: {  	[tilespmem:$0x84A0] =	vst v0  }
0x1ef: {  	v0 =	vld [tilespmem:s0+$0x20B0];
	_ =	sdelay $0x4  }
0x1f0: {  	[tilespmem:$0x84B0] =	vst v0  }
0x1f1: {  	v0 =	vld [tilespmem:s0+$0x20C0];
	_ =	sdelay $0x4  }
0x1f2: {  	[tilespmem:$0x84C0] =	vst v0  }
0x1f3: {  	v0 =	vld [tilespmem:s0+$0x20D0];
	_ =	sdelay $0x4  }
0x1f4: {  	[tilespmem:$0x84D0] =	vst v0  }
0x1f5: {  	v0 =	vld [tilespmem:s0+$0x20E0];
	_ =	sdelay $0x4  }
0x1f6: {  	[tilespmem:$0x84E0] =	vst v0  }
0x1f7: {  	v0 =	vld [tilespmem:s0+$0x20F0];
	_ =	sdelay $0x3  }
0x1f8: {  	s13 =	sshll.u32 s31, $0x7  }
0x1f9: {  	s0 =	sand.u32 $0x380, s13;
	[tilespmem:$0x84F0] =	vst v0  }
0x1fa: {  	v0 =	vld [tilespmem:s0+$0x2480];
	_ =	sdelay $0x4  }
0x1fb: {  	[tilespmem:$0x8500] =	vst v0  }
0x1fc: {  	v0 =	vld [tilespmem:s0+$0x2490];
	_ =	sdelay $0x4  }
0x1fd: {  	[tilespmem:$0x8510] =	vst v0  }
0x1fe: {  	v0 =	vld [tilespmem:s0+$0x24A0];
	_ =	sdelay $0x4  }
0x1ff: {  	[tilespmem:$0x8520] =	vst v0  }
0x200: {  	v0 =	vld [tilespmem:s0+$0x24B0];
	_ =	sdelay $0x4  }
0x201: {  	[tilespmem:$0x8530] =	vst v0  }
0x202: {  	v0 =	vld [tilespmem:s0+$0x24C0];
	_ =	sdelay $0x4  }
0x203: {  	[tilespmem:$0x8540] =	vst v0  }
0x204: {  	v0 =	vld [tilespmem:s0+$0x24D0];
	_ =	sdelay $0x4  }
0x205: {  	[tilespmem:$0x8550] =	vst v0  }
0x206: {  	v0 =	vld [tilespmem:s0+$0x24E0];
	_ =	sdelay $0x4  }
0x207: {  	[tilespmem:$0x8560] =	vst v0  }
0x208: {  	v0 =	vld [tilespmem:s0+$0x24F0];
	_ =	sdelay $0x3  }
0x209: {  	s16 =	sshll.u32 s30, $0x7  }
0x20a: {  	s0 =	sand.u32 $0x380, s16;
	[tilespmem:$0x8570] =	vst v0  }
0x20b: {  	v0 =	vld [tilespmem:s0+$0x2880];
	_ =	sdelay $0x4  }
0x20c: {  	[tilespmem:$0x8580] =	vst v0  }
0x20d: {  	v0 =	vld [tilespmem:s0+$0x2890];
	_ =	sdelay $0x4  }
0x20e: {  	[tilespmem:$0x8590] =	vst v0  }
0x20f: {  	v0 =	vld [tilespmem:s0+$0x28A0];
	_ =	sdelay $0x4  }
0x210: {  	[tilespmem:$0x85A0] =	vst v0  }
0x211: {  	v0 =	vld [tilespmem:s0+$0x28B0];
	_ =	sdelay $0x4  }
0x212: {  	[tilespmem:$0x85B0] =	vst v0  }
0x213: {  	v0 =	vld [tilespmem:s0+$0x28C0];
	_ =	sdelay $0x4  }
0x214: {  	[tilespmem:$0x85C0] =	vst v0  }
0x215: {  	v0 =	vld [tilespmem:s0+$0x28D0];
	_ =	sdelay $0x4  }
0x216: {  	[tilespmem:$0x85D0] =	vst v0  }
0x217: {  	v0 =	vld [tilespmem:s0+$0x28E0];
	_ =	sdelay $0x4  }
0x218: {  	[tilespmem:$0x85E0] =	vst v0  }
0x219: {  	v0 =	vld [tilespmem:s0+$0x28F0];
	_ =	sdelay $0x3  }
0x21a: {  	s30 =	sshll.u32 s29, $0x7  }
0x21b: {  	s0 =	sand.u32 $0x380, s30;
	[tilespmem:$0x85F0] =	vst v0  }
0x21c: {  	v0 =	vld [tilespmem:s0+$0x2C80];
	_ =	sdelay $0x4  }
0x21d: {  	[tilespmem:$0x8600] =	vst v0  }
0x21e: {  	v0 =	vld [tilespmem:s0+$0x2C90];
	_ =	sdelay $0x4  }
0x21f: {  	[tilespmem:$0x8610] =	vst v0  }
0x220: {  	v0 =	vld [tilespmem:s0+$0x2CA0];
	_ =	sdelay $0x4  }
0x221: {  	[tilespmem:$0x8620] =	vst v0  }
0x222: {  	v0 =	vld [tilespmem:s0+$0x2CB0];
	_ =	sdelay $0x4  }
0x223: {  	[tilespmem:$0x8630] =	vst v0  }
0x224: {  	v0 =	vld [tilespmem:s0+$0x2CC0];
	_ =	sdelay $0x4  }
0x225: {  	[tilespmem:$0x8640] =	vst v0  }
0x226: {  	v0 =	vld [tilespmem:s0+$0x2CD0];
	_ =	sdelay $0x4  }
0x227: {  	[tilespmem:$0x8650] =	vst v0  }
0x228: {  	v0 =	vld [tilespmem:s0+$0x2CE0];
	_ =	sdelay $0x4  }
0x229: {  	[tilespmem:$0x8660] =	vst v0  }
0x22a: {  	v0 =	vld [tilespmem:s0+$0x2CF0];
	_ =	sdelay $0x3  }
0x22b: {  	s31 =	sshll.u32 s28, $0x7  }
0x22c: {  	s0 =	sand.u32 $0x380, s31;
	[tilespmem:$0x8670] =	vst v0  }
0x22d: {  	v0 =	vld [tilespmem:s0+$0x3080];
	_ =	sdelay $0x4  }
0x22e: {  	[tilespmem:$0x8680] =	vst v0  }
0x22f: {  	v0 =	vld [tilespmem:s0+$0x3090];
	_ =	sdelay $0x4  }
0x230: {  	[tilespmem:$0x8690] =	vst v0  }
0x231: {  	v0 =	vld [tilespmem:s0+$0x30A0];
	_ =	sdelay $0x4  }
0x232: {  	[tilespmem:$0x86A0] =	vst v0  }
0x233: {  	v0 =	vld [tilespmem:s0+$0x30B0];
	_ =	sdelay $0x4  }
0x234: {  	[tilespmem:$0x86B0] =	vst v0  }
0x235: {  	v0 =	vld [tilespmem:s0+$0x30C0];
	_ =	sdelay $0x4  }
0x236: {  	[tilespmem:$0x86C0] =	vst v0  }
0x237: {  	v0 =	vld [tilespmem:s0+$0x30D0];
	_ =	sdelay $0x4  }
0x238: {  	[tilespmem:$0x86D0] =	vst v0  }
0x239: {  	v0 =	vld [tilespmem:s0+$0x30E0];
	_ =	sdelay $0x4  }
0x23a: {  	[tilespmem:$0x86E0] =	vst v0  }
0x23b: {  	v0 =	vld [tilespmem:s0+$0x30F0];
	_ =	sdelay $0x3  }
0x23c: {  	s1 =	sshll.u32 s26, $0x7  }
0x23d: {  	s0 =	sand.u32 $0x380, s1;
	[tilespmem:$0x86F0] =	vst v0  }
0x23e: {  	v0 =	vld [tilespmem:s0+$0x3480];
	_ =	sdelay $0x4  }
0x23f: {  	[tilespmem:$0x8700] =	vst v0  }
0x240: {  	v0 =	vld [tilespmem:s0+$0x3490];
	_ =	sdelay $0x4  }
0x241: {  	[tilespmem:$0x8710] =	vst v0  }
0x242: {  	v0 =	vld [tilespmem:s0+$0x34A0];
	_ =	sdelay $0x4  }
0x243: {  	[tilespmem:$0x8720] =	vst v0  }
0x244: {  	v0 =	vld [tilespmem:s0+$0x34B0];
	_ =	sdelay $0x4  }
0x245: {  	[tilespmem:$0x8730] =	vst v0  }
0x246: {  	v0 =	vld [tilespmem:s0+$0x34C0];
	_ =	sdelay $0x4  }
0x247: {  	[tilespmem:$0x8740] =	vst v0  }
0x248: {  	v0 =	vld [tilespmem:s0+$0x34D0];
	_ =	sdelay $0x4  }
0x249: {  	[tilespmem:$0x8750] =	vst v0  }
0x24a: {  	v0 =	vld [tilespmem:s0+$0x34E0];
	_ =	sdelay $0x4  }
0x24b: {  	[tilespmem:$0x8760] =	vst v0  }
0x24c: {  	v0 =	vld [tilespmem:s0+$0x34F0];
	_ =	sdelay $0x3  }
0x24d: {  	s5 =	sshll.u32 s25, $0x7  }
0x24e: {  	s0 =	sand.u32 $0x380, s5;
	[tilespmem:$0x8770] =	vst v0  }
0x24f: {  	v0 =	vld [tilespmem:s0+$0x3880];
	_ =	sdelay $0x4  }
0x250: {  	[tilespmem:$0x8780] =	vst v0  }
0x251: {  	v0 =	vld [tilespmem:s0+$0x3890];
	_ =	sdelay $0x4  }
0x252: {  	[tilespmem:$0x8790] =	vst v0  }
0x253: {  	v0 =	vld [tilespmem:s0+$0x38A0];
	_ =	sdelay $0x4  }
0x254: {  	[tilespmem:$0x87A0] =	vst v0  }
0x255: {  	v0 =	vld [tilespmem:s0+$0x38B0];
	_ =	sdelay $0x4  }
0x256: {  	[tilespmem:$0x87B0] =	vst v0  }
0x257: {  	v0 =	vld [tilespmem:s0+$0x38C0];
	_ =	sdelay $0x4  }
0x258: {  	[tilespmem:$0x87C0] =	vst v0  }
0x259: {  	v0 =	vld [tilespmem:s0+$0x38D0];
	_ =	sdelay $0x4  }
0x25a: {  	[tilespmem:$0x87D0] =	vst v0  }
0x25b: {  	v0 =	vld [tilespmem:s0+$0x38E0];
	_ =	sdelay $0x4  }
0x25c: {  	[tilespmem:$0x87E0] =	vst v0  }
0x25d: {  	v0 =	vld [tilespmem:s0+$0x38F0];
	_ =	sdelay $0x3  }
0x25e: {  	s6 =	sshll.u32 s24, $0x7  }
0x25f: {  	s0 =	sand.u32 $0x380, s6;
	[tilespmem:$0x87F0] =	vst v0  }
0x260: {  	v0 =	vld [tilespmem:s0+$0x3C80];
	_ =	sdelay $0x4  }
0x261: {  	[tilespmem:$0x8800] =	vst v0  }
0x262: {  	v0 =	vld [tilespmem:s0+$0x3C90];
	_ =	sdelay $0x4  }
0x263: {  	[tilespmem:$0x8810] =	vst v0  }
0x264: {  	v0 =	vld [tilespmem:s0+$0x3CA0];
	_ =	sdelay $0x4  }
0x265: {  	[tilespmem:$0x8820] =	vst v0  }
0x266: {  	v0 =	vld [tilespmem:s0+$0x3CB0];
	_ =	sdelay $0x4  }
0x267: {  	[tilespmem:$0x8830] =	vst v0  }
0x268: {  	v0 =	vld [tilespmem:s0+$0x3CC0];
	_ =	sdelay $0x4  }
0x269: {  	[tilespmem:$0x8840] =	vst v0  }
0x26a: {  	v0 =	vld [tilespmem:s0+$0x3CD0];
	_ =	sdelay $0x4  }
0x26b: {  	[tilespmem:$0x8850] =	vst v0  }
0x26c: {  	v0 =	vld [tilespmem:s0+$0x3CE0];
	_ =	sdelay $0x4  }
0x26d: {  	[tilespmem:$0x8860] =	vst v0  }
0x26e: {  	v0 =	vld [tilespmem:s0+$0x3CF0];
	_ =	sdelay $0x3  }
0x26f: {  	s8 =	sshll.u32 s23, $0x7  }
0x270: {  	s0 =	sand.u32 $0x380, s8;
	[tilespmem:$0x8870] =	vst v0  }
0x271: {  	v0 =	vld [tilespmem:s0+$0x4080];
	_ =	sdelay $0x4  }
0x272: {  	[tilespmem:$0x8880] =	vst v0  }
0x273: {  	v0 =	vld [tilespmem:s0+$0x4090];
	_ =	sdelay $0x4  }
0x274: {  	[tilespmem:$0x8890] =	vst v0  }
0x275: {  	v0 =	vld [tilespmem:s0+$0x40A0];
	_ =	sdelay $0x4  }
0x276: {  	[tilespmem:$0x88A0] =	vst v0  }
0x277: {  	v0 =	vld [tilespmem:s0+$0x40B0];
	_ =	sdelay $0x4  }
0x278: {  	[tilespmem:$0x88B0] =	vst v0  }
0x279: {  	v0 =	vld [tilespmem:s0+$0x40C0];
	_ =	sdelay $0x4  }
0x27a: {  	[tilespmem:$0x88C0] =	vst v0  }
0x27b: {  	v0 =	vld [tilespmem:s0+$0x40D0];
	_ =	sdelay $0x4  }
0x27c: {  	[tilespmem:$0x88D0] =	vst v0  }
0x27d: {  	v0 =	vld [tilespmem:s0+$0x40E0];
	_ =	sdelay $0x4  }
0x27e: {  	[tilespmem:$0x88E0] =	vst v0  }
0x27f: {  	v0 =	vld [tilespmem:s0+$0x40F0];
	_ =	sdelay $0x3  }
0x280: {  	s9 =	sshll.u32 s22, $0x7  }
0x281: {  	s0 =	sand.u32 $0x380, s9;
	[tilespmem:$0x88F0] =	vst v0  }
0x282: {  	v0 =	vld [tilespmem:s0+$0x4480];
	_ =	sdelay $0x4  }
0x283: {  	[tilespmem:$0x8900] =	vst v0  }
0x284: {  	v0 =	vld [tilespmem:s0+$0x4490];
	_ =	sdelay $0x4  }
0x285: {  	[tilespmem:$0x8910] =	vst v0  }
0x286: {  	v0 =	vld [tilespmem:s0+$0x44A0];
	_ =	sdelay $0x4  }
0x287: {  	[tilespmem:$0x8920] =	vst v0  }
0x288: {  	v0 =	vld [tilespmem:s0+$0x44B0];
	_ =	sdelay $0x4  }
0x289: {  	[tilespmem:$0x8930] =	vst v0  }
0x28a: {  	v0 =	vld [tilespmem:s0+$0x44C0];
	_ =	sdelay $0x4  }
0x28b: {  	[tilespmem:$0x8940] =	vst v0  }
0x28c: {  	v0 =	vld [tilespmem:s0+$0x44D0];
	_ =	sdelay $0x4  }
0x28d: {  	[tilespmem:$0x8950] =	vst v0  }
0x28e: {  	v0 =	vld [tilespmem:s0+$0x44E0];
	_ =	sdelay $0x4  }
0x28f: {  	[tilespmem:$0x8960] =	vst v0  }
0x290: {  	v0 =	vld [tilespmem:s0+$0x44F0];
	_ =	sdelay $0x3  }
0x291: {  	s10 =	sshll.u32 s21, $0x7  }
0x292: {  	s0 =	sand.u32 $0x380, s10;
	[tilespmem:$0x8970] =	vst v0  }
0x293: {  	v0 =	vld [tilespmem:s0+$0x4880];
	_ =	sdelay $0x4  }
0x294: {  	[tilespmem:$0x8980] =	vst v0  }
0x295: {  	v0 =	vld [tilespmem:s0+$0x4890];
	_ =	sdelay $0x4  }
0x296: {  	[tilespmem:$0x8990] =	vst v0  }
0x297: {  	v0 =	vld [tilespmem:s0+$0x48A0];
	_ =	sdelay $0x4  }
0x298: {  	[tilespmem:$0x89A0] =	vst v0  }
0x299: {  	v0 =	vld [tilespmem:s0+$0x48B0];
	_ =	sdelay $0x4  }
0x29a: {  	[tilespmem:$0x89B0] =	vst v0  }
0x29b: {  	v0 =	vld [tilespmem:s0+$0x48C0];
	_ =	sdelay $0x4  }
0x29c: {  	[tilespmem:$0x89C0] =	vst v0  }
0x29d: {  	v0 =	vld [tilespmem:s0+$0x48D0];
	_ =	sdelay $0x4  }
0x29e: {  	[tilespmem:$0x89D0] =	vst v0  }
0x29f: {  	v0 =	vld [tilespmem:s0+$0x48E0];
	_ =	sdelay $0x4  }
0x2a0: {  	[tilespmem:$0x89E0] =	vst v0  }
0x2a1: {  	v0 =	vld [tilespmem:s0+$0x48F0];
	_ =	sdelay $0x3  }
0x2a2: {  	s11 =	sshll.u32 s20, $0x7  }
0x2a3: {  	s0 =	sand.u32 $0x380, s11;
	[tilespmem:$0x89F0] =	vst v0  }
0x2a4: {  	v0 =	vld [tilespmem:s0+$0x4C80];
	_ =	sdelay $0x4  }
0x2a5: {  	[tilespmem:$0x8A00] =	vst v0  }
0x2a6: {  	v0 =	vld [tilespmem:s0+$0x4C90];
	_ =	sdelay $0x4  }
0x2a7: {  	[tilespmem:$0x8A10] =	vst v0  }
0x2a8: {  	v0 =	vld [tilespmem:s0+$0x4CA0];
	_ =	sdelay $0x4  }
0x2a9: {  	[tilespmem:$0x8A20] =	vst v0  }
0x2aa: {  	v0 =	vld [tilespmem:s0+$0x4CB0];
	_ =	sdelay $0x4  }
0x2ab: {  	[tilespmem:$0x8A30] =	vst v0  }
0x2ac: {  	v0 =	vld [tilespmem:s0+$0x4CC0];
	_ =	sdelay $0x4  }
0x2ad: {  	[tilespmem:$0x8A40] =	vst v0  }
0x2ae: {  	v0 =	vld [tilespmem:s0+$0x4CD0];
	_ =	sdelay $0x4  }
0x2af: {  	[tilespmem:$0x8A50] =	vst v0  }
0x2b0: {  	v0 =	vld [tilespmem:s0+$0x4CE0];
	_ =	sdelay $0x4  }
0x2b1: {  	[tilespmem:$0x8A60] =	vst v0  }
0x2b2: {  	v0 =	vld [tilespmem:s0+$0x4CF0];
	_ =	sdelay $0x3  }
0x2b3: {  	s12 =	sshll.u32 s19, $0x7  }
0x2b4: {  	s0 =	sand.u32 $0x380, s12;
	[tilespmem:$0x8A70] =	vst v0  }
0x2b5: {  	v0 =	vld [tilespmem:s0+$0x5080];
	_ =	sdelay $0x4  }
0x2b6: {  	[tilespmem:$0x8A80] =	vst v0  }
0x2b7: {  	v0 =	vld [tilespmem:s0+$0x5090];
	_ =	sdelay $0x4  }
0x2b8: {  	[tilespmem:$0x8A90] =	vst v0  }
0x2b9: {  	v0 =	vld [tilespmem:s0+$0x50A0];
	_ =	sdelay $0x4  }
0x2ba: {  	[tilespmem:$0x8AA0] =	vst v0  }
0x2bb: {  	v0 =	vld [tilespmem:s0+$0x50B0];
	_ =	sdelay $0x4  }
0x2bc: {  	[tilespmem:$0x8AB0] =	vst v0  }
0x2bd: {  	v0 =	vld [tilespmem:s0+$0x50C0];
	_ =	sdelay $0x4  }
0x2be: {  	[tilespmem:$0x8AC0] =	vst v0  }
0x2bf: {  	v0 =	vld [tilespmem:s0+$0x50D0];
	_ =	sdelay $0x4  }
0x2c0: {  	[tilespmem:$0x8AD0] =	vst v0  }
0x2c1: {  	v0 =	vld [tilespmem:s0+$0x50E0];
	_ =	sdelay $0x4  }
0x2c2: {  	[tilespmem:$0x8AE0] =	vst v0  }
0x2c3: {  	v0 =	vld [tilespmem:s0+$0x50F0];
	_ =	sdelay $0x3  }
0x2c4: {  	s13 =	sshll.u32 s18, $0x7  }
0x2c5: {  	s0 =	sand.u32 $0x380, s13;
	[tilespmem:$0x8AF0] =	vst v0  }
0x2c6: {  	v0 =	vld [tilespmem:s0+$0x5480];
	_ =	sdelay $0x4  }
0x2c7: {  	[tilespmem:$0x8B00] =	vst v0  }
0x2c8: {  	v0 =	vld [tilespmem:s0+$0x5490];
	_ =	sdelay $0x4  }
0x2c9: {  	[tilespmem:$0x8B10] =	vst v0  }
0x2ca: {  	v0 =	vld [tilespmem:s0+$0x54A0];
	_ =	sdelay $0x4  }
0x2cb: {  	[tilespmem:$0x8B20] =	vst v0  }
0x2cc: {  	v0 =	vld [tilespmem:s0+$0x54B0];
	_ =	sdelay $0x4  }
0x2cd: {  	[tilespmem:$0x8B30] =	vst v0  }
0x2ce: {  	v0 =	vld [tilespmem:s0+$0x54C0];
	_ =	sdelay $0x4  }
0x2cf: {  	[tilespmem:$0x8B40] =	vst v0  }
0x2d0: {  	v0 =	vld [tilespmem:s0+$0x54D0];
	_ =	sdelay $0x4  }
0x2d1: {  	[tilespmem:$0x8B50] =	vst v0  }
0x2d2: {  	v0 =	vld [tilespmem:s0+$0x54E0];
	_ =	sdelay $0x4  }
0x2d3: {  	[tilespmem:$0x8B60] =	vst v0  }
0x2d4: {  	v0 =	vld [tilespmem:s0+$0x54F0]  }
0x2d5: {  	s16 =	sld [smem:$0x7EF];
	_ =	sdelay $0x2  }
0x2d6: {  	s0 =	sshll.u32 s16, $0x7  }
0x2d7: {  	s0 =	sand.u32 $0x380, s0;
	[tilespmem:$0x8B70] =	vst v0  }
0x2d8: {  	v0 =	vld [tilespmem:s0+$0x5880];
	_ =	sdelay $0x4  }
0x2d9: {  	[tilespmem:$0x8B80] =	vst v0  }
0x2da: {  	v0 =	vld [tilespmem:s0+$0x5890];
	_ =	sdelay $0x4  }
0x2db: {  	[tilespmem:$0x8B90] =	vst v0  }
0x2dc: {  	v0 =	vld [tilespmem:s0+$0x58A0];
	_ =	sdelay $0x4  }
0x2dd: {  	[tilespmem:$0x8BA0] =	vst v0  }
0x2de: {  	v0 =	vld [tilespmem:s0+$0x58B0];
	_ =	sdelay $0x4  }
0x2df: {  	[tilespmem:$0x8BB0] =	vst v0  }
0x2e0: {  	v0 =	vld [tilespmem:s0+$0x58C0];
	_ =	sdelay $0x4  }
0x2e1: {  	[tilespmem:$0x8BC0] =	vst v0  }
0x2e2: {  	v0 =	vld [tilespmem:s0+$0x58D0];
	_ =	sdelay $0x4  }
0x2e3: {  	[tilespmem:$0x8BD0] =	vst v0  }
0x2e4: {  	v0 =	vld [tilespmem:s0+$0x58E0];
	_ =	sdelay $0x4  }
0x2e5: {  	[tilespmem:$0x8BE0] =	vst v0  }
0x2e6: {  	v0 =	vld [tilespmem:s0+$0x58F0]  }
0x2e7: {  	s18 =	sld [smem:$0x7F0];
	_ =	sdelay $0x2  }
0x2e8: {  	s0 =	sshll.u32 s18, $0x7  }
0x2e9: {  	s0 =	sand.u32 $0x380, s0;
	[tilespmem:$0x8BF0] =	vst v0  }
0x2ea: {  	v0 =	vld [tilespmem:s0+$0x5C80];
	_ =	sdelay $0x4  }
0x2eb: {  	[tilespmem:$0x8C00] =	vst v0  }
0x2ec: {  	v0 =	vld [tilespmem:s0+$0x5C90];
	_ =	sdelay $0x4  }
0x2ed: {  	[tilespmem:$0x8C10] =	vst v0  }
0x2ee: {  	v0 =	vld [tilespmem:s0+$0x5CA0];
	_ =	sdelay $0x4  }
0x2ef: {  	[tilespmem:$0x8C20] =	vst v0  }
0x2f0: {  	v0 =	vld [tilespmem:s0+$0x5CB0];
	_ =	sdelay $0x4  }
0x2f1: {  	[tilespmem:$0x8C30] =	vst v0  }
0x2f2: {  	v0 =	vld [tilespmem:s0+$0x5CC0];
	_ =	sdelay $0x4  }
0x2f3: {  	[tilespmem:$0x8C40] =	vst v0  }
0x2f4: {  	v0 =	vld [tilespmem:s0+$0x5CD0];
	_ =	sdelay $0x4  }
0x2f5: {  	[tilespmem:$0x8C50] =	vst v0  }
0x2f6: {  	v0 =	vld [tilespmem:s0+$0x5CE0];
	_ =	sdelay $0x4  }
0x2f7: {  	[tilespmem:$0x8C60] =	vst v0  }
0x2f8: {  	v0 =	vld [tilespmem:s0+$0x5CF0];
	_ =	sdelay $0x3  }
0x2f9: {  	s19 =	sshll.u32 s15, $0x7  }
0x2fa: {  	s0 =	sand.u32 $0x380, s19;
	[tilespmem:$0x8C70] =	vst v0  }
0x2fb: {  	v0 =	vld [tilespmem:s0+$0x6080];
	_ =	sdelay $0x4  }
0x2fc: {  	[tilespmem:$0x8C80] =	vst v0  }
0x2fd: {  	v0 =	vld [tilespmem:s0+$0x6090];
	_ =	sdelay $0x4  }
0x2fe: {  	[tilespmem:$0x8C90] =	vst v0  }
0x2ff: {  	v0 =	vld [tilespmem:s0+$0x60A0];
	_ =	sdelay $0x4  }
0x300: {  	[tilespmem:$0x8CA0] =	vst v0  }
0x301: {  	v0 =	vld [tilespmem:s0+$0x60B0];
	_ =	sdelay $0x4  }
0x302: {  	[tilespmem:$0x8CB0] =	vst v0  }
0x303: {  	v0 =	vld [tilespmem:s0+$0x60C0];
	_ =	sdelay $0x4  }
0x304: {  	[tilespmem:$0x8CC0] =	vst v0  }
0x305: {  	v0 =	vld [tilespmem:s0+$0x60D0];
	_ =	sdelay $0x4  }
0x306: {  	[tilespmem:$0x8CD0] =	vst v0  }
0x307: {  	v0 =	vld [tilespmem:s0+$0x60E0];
	_ =	sdelay $0x4  }
0x308: {  	[tilespmem:$0x8CE0] =	vst v0  }
0x309: {  	v0 =	vld [tilespmem:s0+$0x60F0];
	_ =	sdelay $0x3  }
0x30a: {  	s20 =	sshll.u32 s14, $0x7  }
0x30b: {  	s0 =	sand.u32 $0x380, s20;
	[tilespmem:$0x8CF0] =	vst v0  }
0x30c: {  	v0 =	vld [tilespmem:s0+$0x6480];
	_ =	sdelay $0x4  }
0x30d: {  	[tilespmem:$0x8D00] =	vst v0  }
0x30e: {  	v0 =	vld [tilespmem:s0+$0x6490];
	_ =	sdelay $0x4  }
0x30f: {  	[tilespmem:$0x8D10] =	vst v0  }
0x310: {  	v0 =	vld [tilespmem:s0+$0x64A0];
	_ =	sdelay $0x4  }
0x311: {  	[tilespmem:$0x8D20] =	vst v0  }
0x312: {  	v0 =	vld [tilespmem:s0+$0x64B0];
	_ =	sdelay $0x4  }
0x313: {  	[tilespmem:$0x8D30] =	vst v0  }
0x314: {  	v0 =	vld [tilespmem:s0+$0x64C0];
	_ =	sdelay $0x4  }
0x315: {  	[tilespmem:$0x8D40] =	vst v0  }
0x316: {  	v0 =	vld [tilespmem:s0+$0x64D0];
	_ =	sdelay $0x4  }
0x317: {  	[tilespmem:$0x8D50] =	vst v0  }
0x318: {  	v0 =	vld [tilespmem:s0+$0x64E0];
	_ =	sdelay $0x4  }
0x319: {  	[tilespmem:$0x8D60] =	vst v0  }
0x31a: {  	v0 =	vld [tilespmem:s0+$0x64F0]  }
0x31b: {  	s21 =	sld [smem:$0x7F1];
	_ =	sdelay $0x2  }
0x31c: {  	s0 =	sshll.u32 s21, $0x7  }
0x31d: {  	s0 =	sand.u32 $0x380, s0;
	[tilespmem:$0x8D70] =	vst v0  }
0x31e: {  	v0 =	vld [tilespmem:s0+$0x6880];
	_ =	sdelay $0x4  }
0x31f: {  	[tilespmem:$0x8D80] =	vst v0  }
0x320: {  	v0 =	vld [tilespmem:s0+$0x6890];
	_ =	sdelay $0x4  }
0x321: {  	[tilespmem:$0x8D90] =	vst v0  }
0x322: {  	v0 =	vld [tilespmem:s0+$0x68A0];
	_ =	sdelay $0x4  }
0x323: {  	[tilespmem:$0x8DA0] =	vst v0  }
0x324: {  	v0 =	vld [tilespmem:s0+$0x68B0];
	_ =	sdelay $0x4  }
0x325: {  	[tilespmem:$0x8DB0] =	vst v0  }
0x326: {  	v0 =	vld [tilespmem:s0+$0x68C0];
	_ =	sdelay $0x4  }
0x327: {  	[tilespmem:$0x8DC0] =	vst v0  }
0x328: {  	v0 =	vld [tilespmem:s0+$0x68D0];
	_ =	sdelay $0x4  }
0x329: {  	[tilespmem:$0x8DD0] =	vst v0  }
0x32a: {  	v0 =	vld [tilespmem:s0+$0x68E0];
	_ =	sdelay $0x4  }
0x32b: {  	[tilespmem:$0x8DE0] =	vst v0  }
0x32c: {  	v0 =	vld [tilespmem:s0+$0x68F0]  }
0x32d: {  	s22 =	sld [smem:$0x7F2];
	_ =	sdelay $0x2  }
0x32e: {  	s0 =	sshll.u32 s22, $0x7  }
0x32f: {  	s0 =	sand.u32 $0x380, s0;
	[tilespmem:$0x8DF0] =	vst v0  }
0x330: {  	v0 =	vld [tilespmem:s0+$0x6C80];
	_ =	sdelay $0x4  }
0x331: {  	[tilespmem:$0x8E00] =	vst v0  }
0x332: {  	v0 =	vld [tilespmem:s0+$0x6C90];
	_ =	sdelay $0x4  }
0x333: {  	[tilespmem:$0x8E10] =	vst v0  }
0x334: {  	v0 =	vld [tilespmem:s0+$0x6CA0];
	_ =	sdelay $0x4  }
0x335: {  	[tilespmem:$0x8E20] =	vst v0  }
0x336: {  	v0 =	vld [tilespmem:s0+$0x6CB0];
	_ =	sdelay $0x4  }
0x337: {  	[tilespmem:$0x8E30] =	vst v0  }
0x338: {  	v0 =	vld [tilespmem:s0+$0x6CC0];
	_ =	sdelay $0x4  }
0x339: {  	[tilespmem:$0x8E40] =	vst v0  }
0x33a: {  	v0 =	vld [tilespmem:s0+$0x6CD0];
	_ =	sdelay $0x4  }
0x33b: {  	[tilespmem:$0x8E50] =	vst v0  }
0x33c: {  	v0 =	vld [tilespmem:s0+$0x6CE0];
	_ =	sdelay $0x4  }
0x33d: {  	[tilespmem:$0x8E60] =	vst v0  }
0x33e: {  	v0 =	vld [tilespmem:s0+$0x6CF0]  }
0x33f: {  	s23 =	sld [smem:$0x7F3];
	_ =	sdelay $0x2  }
0x340: {  	s0 =	sshll.u32 s23, $0x7  }
0x341: {  	s0 =	sand.u32 $0x380, s0;
	[tilespmem:$0x8E70] =	vst v0  }
0x342: {  	v0 =	vld [tilespmem:s0+$0x7080];
	_ =	sdelay $0x4  }
0x343: {  	[tilespmem:$0x8E80] =	vst v0  }
0x344: {  	v0 =	vld [tilespmem:s0+$0x7090];
	_ =	sdelay $0x4  }
0x345: {  	[tilespmem:$0x8E90] =	vst v0  }
0x346: {  	v0 =	vld [tilespmem:s0+$0x70A0];
	_ =	sdelay $0x4  }
0x347: {  	[tilespmem:$0x8EA0] =	vst v0  }
0x348: {  	v0 =	vld [tilespmem:s0+$0x70B0];
	_ =	sdelay $0x4  }
0x349: {  	[tilespmem:$0x8EB0] =	vst v0  }
0x34a: {  	v0 =	vld [tilespmem:s0+$0x70C0];
	_ =	sdelay $0x4  }
0x34b: {  	[tilespmem:$0x8EC0] =	vst v0  }
0x34c: {  	v0 =	vld [tilespmem:s0+$0x70D0];
	_ =	sdelay $0x4  }
0x34d: {  	[tilespmem:$0x8ED0] =	vst v0  }
0x34e: {  	v0 =	vld [tilespmem:s0+$0x70E0];
	_ =	sdelay $0x4  }
0x34f: {  	[tilespmem:$0x8EE0] =	vst v0  }
0x350: {  	v0 =	vld [tilespmem:s0+$0x70F0]  }
0x351: {  	s24 =	sld [smem:$0x7F4];
	_ =	sdelay $0x2  }
0x352: {  	s0 =	sshll.u32 s24, $0x7  }
0x353: {  	s0 =	sand.u32 $0x380, s0;
	[tilespmem:$0x8EF0] =	vst v0  }
0x354: {  	v0 =	vld [tilespmem:s0+$0x7480];
	_ =	sdelay $0x4  }
0x355: {  	[tilespmem:$0x8F00] =	vst v0  }
0x356: {  	v0 =	vld [tilespmem:s0+$0x7490];
	_ =	sdelay $0x4  }
0x357: {  	[tilespmem:$0x8F10] =	vst v0  }
0x358: {  	v0 =	vld [tilespmem:s0+$0x74A0];
	_ =	sdelay $0x4  }
0x359: {  	[tilespmem:$0x8F20] =	vst v0  }
0x35a: {  	v0 =	vld [tilespmem:s0+$0x74B0];
	_ =	sdelay $0x4  }
0x35b: {  	[tilespmem:$0x8F30] =	vst v0  }
0x35c: {  	v0 =	vld [tilespmem:s0+$0x74C0];
	_ =	sdelay $0x4  }
0x35d: {  	[tilespmem:$0x8F40] =	vst v0  }
0x35e: {  	v0 =	vld [tilespmem:s0+$0x74D0];
	_ =	sdelay $0x4  }
0x35f: {  	[tilespmem:$0x8F50] =	vst v0  }
0x360: {  	v0 =	vld [tilespmem:s0+$0x74E0];
	_ =	sdelay $0x4  }
0x361: {  	[tilespmem:$0x8F60] =	vst v0  }
0x362: {  	v0 =	vld [tilespmem:s0+$0x74F0]  }
0x363: {  	s25 =	sld [smem:$0x7F5];
	_ =	sdelay $0x2  }
0x364: {  	s0 =	sshll.u32 s25, $0x7  }
0x365: {  	s0 =	sand.u32 $0x380, s0;
	[tilespmem:$0x8F70] =	vst v0  }
0x366: {  	v0 =	vld [tilespmem:s0+$0x7880];
	_ =	sdelay $0x4  }
0x367: {  	[tilespmem:$0x8F80] =	vst v0  }
0x368: {  	v0 =	vld [tilespmem:s0+$0x7890];
	_ =	sdelay $0x4  }
0x369: {  	[tilespmem:$0x8F90] =	vst v0  }
0x36a: {  	v0 =	vld [tilespmem:s0+$0x78A0];
	_ =	sdelay $0x4  }
0x36b: {  	[tilespmem:$0x8FA0] =	vst v0  }
0x36c: {  	v0 =	vld [tilespmem:s0+$0x78B0];
	_ =	sdelay $0x4  }
0x36d: {  	[tilespmem:$0x8FB0] =	vst v0  }
0x36e: {  	v0 =	vld [tilespmem:s0+$0x78C0];
	_ =	sdelay $0x4  }
0x36f: {  	[tilespmem:$0x8FC0] =	vst v0  }
0x370: {  	v0 =	vld [tilespmem:s0+$0x78D0];
	_ =	sdelay $0x4  }
0x371: {  	[tilespmem:$0x8FD0] =	vst v0  }
0x372: {  	v0 =	vld [tilespmem:s0+$0x78E0];
	_ =	sdelay $0x4  }
0x373: {  	[tilespmem:$0x8FE0] =	vst v0  }
0x374: {  	v0 =	vld [tilespmem:s0+$0x78F0]  }
0x375: {  	s26 =	sld [smem:$0x7F6];
	_ =	sdelay $0x2  }
0x376: {  	s0 =	sshll.u32 s26, $0x7  }
0x377: {  	s0 =	sand.u32 $0x380, s0;
	[tilespmem:$0x8FF0] =	vst v0  }
0x378: {  	v0 =	vld [tilespmem:s0+$0x7C80];
	_ =	sdelay $0x4  }
0x379: {  	[tilespmem:$0x9000] =	vst v0  }
0x37a: {  	v0 =	vld [tilespmem:s0+$0x7C90];
	_ =	sdelay $0x4  }
0x37b: {  	[tilespmem:$0x9010] =	vst v0  }
0x37c: {  	v0 =	vld [tilespmem:s0+$0x7CA0];
	_ =	sdelay $0x4  }
0x37d: {  	[tilespmem:$0x9020] =	vst v0  }
0x37e: {  	v0 =	vld [tilespmem:s0+$0x7CB0];
	_ =	sdelay $0x4  }
0x37f: {  	[tilespmem:$0x9030] =	vst v0  }
0x380: {  	v0 =	vld [tilespmem:s0+$0x7CC0];
	_ =	sdelay $0x4  }
0x381: {  	[tilespmem:$0x9040] =	vst v0  }
0x382: {  	v0 =	vld [tilespmem:s0+$0x7CD0];
	_ =	sdelay $0x4  }
0x383: {  	[tilespmem:$0x9050] =	vst v0  }
0x384: {  	v0 =	vld [tilespmem:s0+$0x7CE0];
	_ =	sdelay $0x4  }
0x385: {  	[tilespmem:$0x9060] =	vst v0  }
0x386: {  	v0 =	vld [tilespmem:s0+$0x7CF0];
	_ =	sdelay $0x2  }
0x387: {  	s29 =	sld [smem:$0x7FD]  }
0x388: {  	p0 =	sne.s32 s17, $0x1  }
.Ltmp0:
0x389: {  	s28 =	rddreg [dreg:$0x5];
	s30 =	simm.s32 $0x2;
	[tilespmem:$0x9070] =	vst v0;
	(pc) =	sbr.rel @p0 .LBB2_1-.Ltmp0, $4  }
0x38a: {  	[hbm4b:s28+s3] =	stream.linear.scatter [tilespmem:s29], [sflag:$0x2], $0x1000, $0x38;
	[tilespmem:$0x9080] =	vst v63  }
0x38b: {  	_ =	swait.ge [sflag:s30], $0x1000  }
0x38c: {  	s31 =	simm.s32 $0x2;
	[sflag:s30] =	ssyncset.done $0x0  }
0x38d: {  	s17 =	sadd.s32 $0xFFFFFFFF, s17;
	[sflag:s31] =	ssyncadd.s32 $0xFFFFF000  }
0x38e: {  	_ =	sfence.sel $0x180000  }
0x38f: {  	[bflag:$0x0] =	sbarrier.arrive $0xFFFF  }
0x390: {  	_ =	strace $0x90000047  }
0x391: {  	s0 =	stileid.u32;
	[bflag:$0x2] =	sbarrier.arrive $0xFFFF  }
0x392: {  	p0 =	sne.s32 s0, $0x0;
	s0 =	rddreg [dreg:$0x3]  }
0x393: {  	s0 =	sadd.s32 @!p0 $0x100000, s0  }
0x394: {  	[sflag:s0] =	ssyncadd.tile.s32 @!p0 $0x1;
	_ =	shalt  }
.Lfunc_end2:
_tile_overlayer_lowered:
.L_overlay_start_2:
0x395: {  	(tag) =	ssettag $0x2  }
0x396: {  	s0 =	rddreg [dreg:$0x0];
	s2 =	stileid.u32  }
0x397: {  	s1 =	rddreg [dreg:$0x1];
	p0 =	sne.s32 s2, $0x0  }
0x398: {  	s3 =	rddreg [dreg:$0x2];
	[bflag:$0x3] =	sbarrier.arrive $0xFFFF;
	s2 =	simm.s32 @!p0 $0x1C02  }
0x399: {  	[timem:s3], [sflag:s2] =	dma.local @!p0 [hbm:s0], s1  }
0x39a: {  	s0 =	simm.s32 @!p0 $0x2  }
0x39b: {  	_ =	swait.ge @!p0 [sflag:s0], s1  }
0x39c: {  	s1 =	ssub.s32 @!p0 $0x0, s1;
	[sflag:s0] =	ssyncset.done @!p0 $0x0  }
0x39d: {  	[sflag:s0] =	ssyncadd.s32 @!p0 s1  }
0x39e: {  	[bflag:$0x3] =	sbarrier.arrive $0xFFFF  }
0x39f: {  	_ =	shalt  }

</sc_bundles>
